<compile_context>
chip_gen: v7x
topology: tpu7x:2x2x1
jax: 0.10.2.dev20260603
libtpu: 0.0.44.dev20260713+nightly
codegen_flags: <defaults>
</compile_context>

<pallas_src>
import jax
import jax.numpy as jnp
from jax import lax
from jax.experimental import pallas as pl
from jax.experimental.pallas import tpu as pltpu
from jax.experimental.pallas import tpu_sc as plsc

D = 32
K = 8
ND = D * K
W = 2 * ND + K
N = 16384

NC = 2
NS = 16
NW = NC * NS
CPW = N // NW

BN = 4096


def _sc_pi(xt_hbm, pi_hbm, lbuf, obuf, sem_in, sem_out):
    wid = lax.axis_index("s") * NC + lax.axis_index("c")
    c0 = wid * CPW
    h = pltpu.make_async_copy(
        xt_hbm.at[pl.ds(2 * ND, K), pl.ds(c0, CPW)], lbuf, sem_in)
    h.start()
    h.wait()

    for g in range(CPW // 16):
        sl = pl.ds(g * 16, 16)
        vs = [lbuf[r, sl] for r in range(K)]
        m = vs[0]
        for r in range(1, K):
            m = jnp.maximum(m, vs[r])
        es = [jnp.exp(v - m) for v in vs]
        s = es[0]
        for r in range(1, K):
            s = s + es[r]
        inv = 1.0 / s
        for r in range(K):
            obuf[r, sl] = es[r] * inv

    h = pltpu.make_async_copy(
        obuf, pi_hbm.at[:, pl.ds(c0, CPW)], sem_out)
    h.start()
    h.wait()


def _tc_body(xm_ref, xs_ref, mean_ref, std_ref):
    mean_ref[...] = xm_ref[...]
    std_ref[...] = jax.nn.sigmoid(xs_ref[...])


def kernel(x):
    xt = jnp.transpose(x)

    pi_t = pl.kernel(
        _sc_pi,
        mesh=plsc.VectorSubcoreMesh(core_axis_name="c", subcore_axis_name="s"),
        out_type=jax.ShapeDtypeStruct((K, N), jnp.float32),
        scratch_types=[
            pltpu.VMEM((K, CPW), jnp.float32),
            pltpu.VMEM((K, CPW), jnp.float32),
            pltpu.SemaphoreType.DMA,
            pltpu.SemaphoreType.DMA,
        ],
        compiler_params=pltpu.CompilerParams(needs_layout_passes=False),
    )(xt)

    mean_t, std_t = pl.pallas_call(
        _tc_body,
        grid=(N // BN,),
        in_specs=[
            pl.BlockSpec((ND, BN), lambda j: (0, j)),
            pl.BlockSpec((ND, BN), lambda j: (1, j)),
        ],
        out_specs=[
            pl.BlockSpec((ND, BN), lambda j: (0, j)),
            pl.BlockSpec((ND, BN), lambda j: (0, j)),
        ],
        out_shape=[
            jax.ShapeDtypeStruct((ND, N), jnp.float32),
            jax.ShapeDtypeStruct((ND, N), jnp.float32),
        ],
    )(xt, xt)

    mean = jnp.transpose(mean_t).reshape(N, D, K)
    std = jnp.transpose(std_t).reshape(N, D, K)
    pi = jnp.transpose(pi_t)
    return (mean, std, pi)

# --- scband reference (transcript-rebuilt; emitter-appended) ---
"""Pipeline reference for scband-mixture-density-8993661518361 (READ-ONLY COPY).

The authoritative reference and input builder live on the scoring server;
editing this copy changes nothing except your own understanding.
"""

import jax, jax.numpy as jnp
import numpy as np

D = 32
K = 8

def setup_inputs(seed: int = 0) -> dict:
    key = jax.random.key(seed)
    x = jax.random.normal(key, (16384, 2 * D * K + K), dtype=jnp.float32)
    return {"x": x}

def reference(x):
    nD = D * K
    # torch.range(0, 2*nD + K - 1) is inclusive -> arange(2*nD + K)
    idx = jnp.arange(2 * nD + K, dtype=jnp.int32)
    mean = jnp.take(x, idx[:nD], axis=-1).reshape(-1, D, K)
    std = jax.nn.sigmoid(jnp.take(x, idx[nD:2 * nD], axis=-1).reshape(-1, D, K))
    logit_pi = jnp.take(x, idx[2 * nD:], axis=-1)
    pi = jax.nn.softmax(logit_pi, axis=-1)
    return (mean, std, pi)

if __name__ == "__main__":
    import jax
    _d = setup_inputs()
    print(jax.jit(kernel)(*tuple(_d.values())))

</pallas_src>

<mosaic_0001>
#map = affine_map<(d0, d1) -> (0, 0)>
module attributes {stable_mosaic.version = 14 : i64} {
  func.func @_sc_pi(%arg0: i32, %arg1: i32, %arg2: memref<520x16384xf32, #tpu.memory_space<hbm>>, %arg3: memref<8x16384xf32, #tpu.memory_space<hbm>>, %arg4: memref<8x512xf32, #tpu.memory_space<vmem>>, %arg5: memref<8x512xf32, #tpu.memory_space<vmem>>, %arg6: memref<!tpu.dma_semaphore, #tpu.memory_space<semaphore_mem>>, %arg7: memref<!tpu.dma_semaphore, #tpu.memory_space<semaphore_mem>>) attributes {dimension_semantics = [#tpu.dimension_semantics<core_parallel>, #tpu.dimension_semantics<subcore_parallel>], iteration_bounds = array<i64: 2, 16>, scalar_prefetch = 0 : i64, scratch_operands = 4 : i64, tpu.core_type = #tpu.core_type<sc_vector_subcore>, window_params = [{transform_indices = #map}, {transform_indices = #map}]} {
    %mul3A = arith.constant 2 : i32
    %mul3A_0 = arith.muli %arg1, %mul3A : i32
    %add3A = arith.addi %mul3A_0, %arg0 : i32
    %mul3A_1 = arith.constant 512 : i32
    %mul3A_2 = arith.muli %add3A, %mul3A_1 : i32
    %dma_start3A = arith.constant 512 : i32
    %dma_start3A_3 = tpu.memref_slice %arg2[%dma_start3A, %mul3A_2] : memref<520x16384xf32, #tpu.memory_space<hbm>> -> memref<8x512xf32, #tpu.memory_space<hbm>>
    %dma_start3A_4 = arith.constant 512 : i32
    %dma_start3A_5 = tpu.memref_slice %arg2[%dma_start3A_4, %mul3A_2] : memref<520x16384xf32, #tpu.memory_space<hbm>> -> memref<8x512xf32, #tpu.memory_space<hbm>>
    tpu.enqueue_dma source(%dma_start3A_5 : memref<8x512xf32, #tpu.memory_space<hbm>>) target(%arg4 : memref<8x512xf32, #tpu.memory_space<vmem>>) target_semaphore(%arg6 : memref<!tpu.dma_semaphore, #tpu.memory_space<semaphore_mem>>)
    %dma_wait3A = arith.constant 512 : i32
    %dma_wait3A_6 = tpu.memref_slice %arg2[%dma_wait3A, %mul3A_2] : memref<520x16384xf32, #tpu.memory_space<hbm>> -> memref<8x512xf32, #tpu.memory_space<hbm>>
    %dma_wait3A_7 = arith.constant 512 : i32
    %dma_wait3A_8 = tpu.memref_slice %arg2[%dma_wait3A_7, %mul3A_2] : memref<520x16384xf32, #tpu.memory_space<hbm>> -> memref<8x512xf32, #tpu.memory_space<hbm>>
    tpu.wait_dma2 semaphore(%arg6 : memref<!tpu.dma_semaphore, #tpu.memory_space<semaphore_mem>>) src(%dma_wait3A_8 : memref<8x512xf32, #tpu.memory_space<hbm>>) dst(%arg4 : memref<8x512xf32, #tpu.memory_space<vmem>>)
    %get3A = arith.constant 0 : i32
    %get3A_9 = arith.index_cast %get3A : i32 to index
    %get3A_10 = arith.constant 0 : index
    %get3A_11 = tpu.vector_load %arg4[%get3A_9, %get3A_10] {strides = array<i32>} : memref<8x512xf32, #tpu.memory_space<vmem>>, vector<16xf32>,
    %get3A_12 = arith.constant 1 : i32
    %get3A_13 = arith.index_cast %get3A_12 : i32 to index
    %get3A_14 = arith.constant 0 : index
    %get3A_15 = tpu.vector_load %arg4[%get3A_13, %get3A_14] {strides = array<i32>} : memref<8x512xf32, #tpu.memory_space<vmem>>, vector<16xf32>,
    %get3A_16 = arith.constant 2 : i32
    %get3A_17 = arith.index_cast %get3A_16 : i32 to index
    %get3A_18 = arith.constant 0 : index
    %get3A_19 = tpu.vector_load %arg4[%get3A_17, %get3A_18] {strides = array<i32>} : memref<8x512xf32, #tpu.memory_space<vmem>>, vector<16xf32>,
    %get3A_20 = arith.constant 3 : i32
    %get3A_21 = arith.index_cast %get3A_20 : i32 to index
    %get3A_22 = arith.constant 0 : index
    %get3A_23 = tpu.vector_load %arg4[%get3A_21, %get3A_22] {strides = array<i32>} : memref<8x512xf32, #tpu.memory_space<vmem>>, vector<16xf32>,
    %get3A_24 = arith.constant 4 : i32
    %get3A_25 = arith.index_cast %get3A_24 : i32 to index
    %get3A_26 = arith.constant 0 : index
    %get3A_27 = tpu.vector_load %arg4[%get3A_25, %get3A_26] {strides = array<i32>} : memref<8x512xf32, #tpu.memory_space<vmem>>, vector<16xf32>,
    %get3A_28 = arith.constant 5 : i32
    %get3A_29 = arith.index_cast %get3A_28 : i32 to index
    %get3A_30 = arith.constant 0 : index
    %get3A_31 = tpu.vector_load %arg4[%get3A_29, %get3A_30] {strides = array<i32>} : memref<8x512xf32, #tpu.memory_space<vmem>>, vector<16xf32>,
    %get3A_32 = arith.constant 6 : i32
    %get3A_33 = arith.index_cast %get3A_32 : i32 to index
    %get3A_34 = arith.constant 0 : index
    %get3A_35 = tpu.vector_load %arg4[%get3A_33, %get3A_34] {strides = array<i32>} : memref<8x512xf32, #tpu.memory_space<vmem>>, vector<16xf32>,
    %get3A_36 = arith.constant 7 : i32
    %get3A_37 = arith.index_cast %get3A_36 : i32 to index
    %get3A_38 = arith.constant 0 : index
    %get3A_39 = tpu.vector_load %arg4[%get3A_37, %get3A_38] {strides = array<i32>} : memref<8x512xf32, #tpu.memory_space<vmem>>, vector<16xf32>,
    %max3A = arith.maximumf %get3A_11, %get3A_15 : vector<16xf32>
    %max3A_40 = arith.maximumf %max3A, %get3A_19 : vector<16xf32>
    %max3A_41 = arith.maximumf %max3A_40, %get3A_23 : vector<16xf32>
    %max3A_42 = arith.maximumf %max3A_41, %get3A_27 : vector<16xf32>
    %max3A_43 = arith.maximumf %max3A_42, %get3A_31 : vector<16xf32>
    %max3A_44 = arith.maximumf %max3A_43, %get3A_35 : vector<16xf32>
    %max3A_45 = arith.maximumf %max3A_44, %get3A_39 : vector<16xf32>
    %sub3A = arith.subf %get3A_11, %max3A_45 : vector<16xf32>
    %exp3A = math.exp %sub3A : vector<16xf32>
    %sub3A_46 = arith.subf %get3A_15, %max3A_45 : vector<16xf32>
    %exp3A_47 = math.exp %sub3A_46 : vector<16xf32>
    %sub3A_48 = arith.subf %get3A_19, %max3A_45 : vector<16xf32>
    %exp3A_49 = math.exp %sub3A_48 : vector<16xf32>
    %sub3A_50 = arith.subf %get3A_23, %max3A_45 : vector<16xf32>
    %exp3A_51 = math.exp %sub3A_50 : vector<16xf32>
    %sub3A_52 = arith.subf %get3A_27, %max3A_45 : vector<16xf32>
    %exp3A_53 = math.exp %sub3A_52 : vector<16xf32>
    %sub3A_54 = arith.subf %get3A_31, %max3A_45 : vector<16xf32>
    %exp3A_55 = math.exp %sub3A_54 : vector<16xf32>
    %sub3A_56 = arith.subf %get3A_35, %max3A_45 : vector<16xf32>
    %exp3A_57 = math.exp %sub3A_56 : vector<16xf32>
    %sub3A_58 = arith.subf %get3A_39, %max3A_45 : vector<16xf32>
    %exp3A_59 = math.exp %sub3A_58 : vector<16xf32>
    %add3A_60 = arith.addf %exp3A, %exp3A_47 : vector<16xf32>
    %add3A_61 = arith.addf %add3A_60, %exp3A_49 : vector<16xf32>
    %add3A_62 = arith.addf %add3A_61, %exp3A_51 : vector<16xf32>
    %add3A_63 = arith.addf %add3A_62, %exp3A_53 : vector<16xf32>
    %add3A_64 = arith.addf %add3A_63, %exp3A_55 : vector<16xf32>
    %add3A_65 = arith.addf %add3A_64, %exp3A_57 : vector<16xf32>
    %add3A_66 = arith.addf %add3A_65, %exp3A_59 : vector<16xf32>
    %div3A = arith.constant 1.000000e+00 : f32
    %div3A_67 = vector.broadcast %div3A : f32 to vector<16xf32>
    %div3A_68 = arith.divf %div3A_67, %add3A_66 : vector<16xf32>
    %mul3A_69 = arith.mulf %exp3A, %div3A_68 : vector<16xf32>
    %swap3A = arith.constant 0 : i32
    %swap3A_70 = arith.index_cast %swap3A : i32 to index
    %swap3A_71 = arith.constant 0 : index
    %swap3A_72 = tpu.vector_load %arg5[%swap3A_70, %swap3A_71] {strides = array<i32>} : memref<8x512xf32, #tpu.memory_space<vmem>>, vector<16xf32>,
    tpu.vector_store %arg5[%swap3A_70, %swap3A_71], %mul3A_69 {strides = array<i32>} : memref<8x512xf32, #tpu.memory_space<vmem>>, vector<16xf32>,
    %mul3A_73 = arith.mulf %exp3A_47, %div3A_68 : vector<16xf32>
    %swap3A_74 = arith.constant 1 : i32
    %swap3A_75 = arith.index_cast %swap3A_74 : i32 to index
    %swap3A_76 = arith.constant 0 : index
    %swap3A_77 = tpu.vector_load %arg5[%swap3A_75, %swap3A_76] {strides = array<i32>} : memref<8x512xf32, #tpu.memory_space<vmem>>, vector<16xf32>,
    tpu.vector_store %arg5[%swap3A_75, %swap3A_76], %mul3A_73 {strides = array<i32>} : memref<8x512xf32, #tpu.memory_space<vmem>>, vector<16xf32>,
    %mul3A_78 = arith.mulf %exp3A_49, %div3A_68 : vector<16xf32>
    %swap3A_79 = arith.constant 2 : i32
    %swap3A_80 = arith.index_cast %swap3A_79 : i32 to index
    %swap3A_81 = arith.constant 0 : index
    %swap3A_82 = tpu.vector_load %arg5[%swap3A_80, %swap3A_81] {strides = array<i32>} : memref<8x512xf32, #tpu.memory_space<vmem>>, vector<16xf32>,
    tpu.vector_store %arg5[%swap3A_80, %swap3A_81], %mul3A_78 {strides = array<i32>} : memref<8x512xf32, #tpu.memory_space<vmem>>, vector<16xf32>,
    %mul3A_83 = arith.mulf %exp3A_51, %div3A_68 : vector<16xf32>
    %swap3A_84 = arith.constant 3 : i32
    %swap3A_85 = arith.index_cast %swap3A_84 : i32 to index
    %swap3A_86 = arith.constant 0 : index
    %swap3A_87 = tpu.vector_load %arg5[%swap3A_85, %swap3A_86] {strides = array<i32>} : memref<8x512xf32, #tpu.memory_space<vmem>>, vector<16xf32>,
    tpu.vector_store %arg5[%swap3A_85, %swap3A_86], %mul3A_83 {strides = array<i32>} : memref<8x512xf32, #tpu.memory_space<vmem>>, vector<16xf32>,
    %mul3A_88 = arith.mulf %exp3A_53, %div3A_68 : vector<16xf32>
    %swap3A_89 = arith.constant 4 : i32
    %swap3A_90 = arith.index_cast %swap3A_89 : i32 to index
    %swap3A_91 = arith.constant 0 : index
    %swap3A_92 = tpu.vector_load %arg5[%swap3A_90, %swap3A_91] {strides = array<i32>} : memref<8x512xf32, #tpu.memory_space<vmem>>, vector<16xf32>,
    tpu.vector_store %arg5[%swap3A_90, %swap3A_91], %mul3A_88 {strides = array<i32>} : memref<8x512xf32, #tpu.memory_space<vmem>>, vector<16xf32>,
    %mul3A_93 = arith.mulf %exp3A_55, %div3A_68 : vector<16xf32>
    %swap3A_94 = arith.constant 5 : i32
    %swap3A_95 = arith.index_cast %swap3A_94 : i32 to index
    %swap3A_96 = arith.constant 0 : index
    %swap3A_97 = tpu.vector_load %arg5[%swap3A_95, %swap3A_96] {strides = array<i32>} : memref<8x512xf32, #tpu.memory_space<vmem>>, vector<16xf32>,
    tpu.vector_store %arg5[%swap3A_95, %swap3A_96], %mul3A_93 {strides = array<i32>} : memref<8x512xf32, #tpu.memory_space<vmem>>, vector<16xf32>,
    %mul3A_98 = arith.mulf %exp3A_57, %div3A_68 : vector<16xf32>
    %swap3A_99 = arith.constant 6 : i32
    %swap3A_100 = arith.index_cast %swap3A_99 : i32 to index
    %swap3A_101 = arith.constant 0 : index
    %swap3A_102 = tpu.vector_load %arg5[%swap3A_100, %swap3A_101] {strides = array<i32>} : memref<8x512xf32, #tpu.memory_space<vmem>>, vector<16xf32>,
    tpu.vector_store %arg5[%swap3A_100, %swap3A_101], %mul3A_98 {strides = array<i32>} : memref<8x512xf32, #tpu.memory_space<vmem>>, vector<16xf32>,
    %mul3A_103 = arith.mulf %exp3A_59, %div3A_68 : vector<16xf32>
    %swap3A_104 = arith.constant 7 : i32
    %swap3A_105 = arith.index_cast %swap3A_104 : i32 to index
    %swap3A_106 = arith.constant 0 : index
    %swap3A_107 = tpu.vector_load %arg5[%swap3A_105, %swap3A_106] {strides = array<i32>} : memref<8x512xf32, #tpu.memory_space<vmem>>, vector<16xf32>,
    tpu.vector_store %arg5[%swap3A_105, %swap3A_106], %mul3A_103 {strides = array<i32>} : memref<8x512xf32, #tpu.memory_space<vmem>>, vector<16xf32>,
    %get3A_108 = arith.constant 0 : i32
    %get3A_109 = arith.index_cast %get3A_108 : i32 to index
    %get3A_110 = arith.constant 16 : index
    %get3A_111 = tpu.vector_load %arg4[%get3A_109, %get3A_110] {strides = array<i32>} : memref<8x512xf32, #tpu.memory_space<vmem>>, vector<16xf32>,
    %get3A_112 = arith.constant 1 : i32
    %get3A_113 = arith.index_cast %get3A_112 : i32 to index
    %get3A_114 = arith.constant 16 : index
    %get3A_115 = tpu.vector_load %arg4[%get3A_113, %get3A_114] {strides = array<i32>} : memref<8x512xf32, #tpu.memory_space<vmem>>, vector<16xf32>,
    %get3A_116 = arith.constant 2 : i32
    %get3A_117 = arith.index_cast %get3A_116 : i32 to index
    %get3A_118 = arith.constant 16 : index
    %get3A_119 = tpu.vector_load %arg4[%get3A_117, %get3A_118] {strides = array<i32>} : memref<8x512xf32, #tpu.memory_space<vmem>>, vector<16xf32>,
    %get3A_120 = arith.constant 3 : i32
    %get3A_121 = arith.index_cast %get3A_120 : i32 to index
    %get3A_122 = arith.constant 16 : index
    %get3A_123 = tpu.vector_load %arg4[%get3A_121, %get3A_122] {strides = array<i32>} : memref<8x512xf32, #tpu.memory_space<vmem>>, vector<16xf32>,
    %get3A_124 = arith.constant 4 : i32
    %get3A_125 = arith.index_cast %get3A_124 : i32 to index
    %get3A_126 = arith.constant 16 : index
    %get3A_127 = tpu.vector_load %arg4[%get3A_125, %get3A_126] {strides = array<i32>} : memref<8x512xf32, #tpu.memory_space<vmem>>, vector<16xf32>,
    %get3A_128 = arith.constant 5 : i32
    %get3A_129 = arith.index_cast %get3A_128 : i32 to index
    %get3A_130 = arith.constant 16 : index
    %get3A_131 = tpu.vector_load %arg4[%get3A_129, %get3A_130] {strides = array<i32>} : memref<8x512xf32, #tpu.memory_space<vmem>>, vector<16xf32>,
    %get3A_132 = arith.constant 6 : i32
    %get3A_133 = arith.index_cast %get3A_132 : i32 to index
    %get3A_134 = arith.constant 16 : index
    %get3A_135 = tpu.vector_load %arg4[%get3A_133, %get3A_134] {strides = array<i32>} : memref<8x512xf32, #tpu.memory_space<vmem>>, vector<16xf32>,
    %get3A_136 = arith.constant 7 : i32
    %get3A_137 = arith.index_cast %get3A_136 : i32 to index
    %get3A_138 = arith.constant 16 : index
    %get3A_139 = tpu.vector_load %arg4[%get3A_137, %get3A_138] {strides = array<i32>} : memref<8x512xf32, #tpu.memory_space<vmem>>, vector<16xf32>,
    %max3A_140 = arith.maximumf %get3A_111, %get3A_115 : vector<16xf32>
    %max3A_141 = arith.maximumf %max3A_140, %get3A_119 : vector<16xf32>
    %max3A_142 = arith.maximumf %max3A_141, %get3A_123 : vector<16xf32>
    %max3A_143 = arith.maximumf %max3A_142, %get3A_127 : vector<16xf32>
    %max3A_144 = arith.maximumf %max3A_143, %get3A_131 : vector<16xf32>
    %max3A_145 = arith.maximumf %max3A_144, %get3A_135 : vector<16xf32>
    %max3A_146 = arith.maximumf %max3A_145, %get3A_139 : vector<16xf32>
    %sub3A_147 = arith.subf %get3A_111, %max3A_146 : vector<16xf32>
    %exp3A_148 = math.exp %sub3A_147 : vector<16xf32>
    %sub3A_149 = arith.subf %get3A_115, %max3A_146 : vector<16xf32>
    %exp3A_150 = math.exp %sub3A_149 : vector<16xf32>
    %sub3A_151 = arith.subf %get3A_119, %max3A_146 : vector<16xf32>
    %exp3A_152 = math.exp %sub3A_151 : vector<16xf32>
    %sub3A_153 = arith.subf %get3A_123, %max3A_146 : vector<16xf32>
    %exp3A_154 = math.exp %sub3A_153 : vector<16xf32>
    %sub3A_155 = arith.subf %get3A_127, %max3A_146 : vector<16xf32>
    %exp3A_156 = math.exp %sub3A_155 : vector<16xf32>
    %sub3A_157 = arith.subf %get3A_131, %max3A_146 : vector<16xf32>
    %exp3A_158 = math.exp %sub3A_157 : vector<16xf32>
    %sub3A_159 = arith.subf %get3A_135, %max3A_146 : vector<16xf32>
    %exp3A_160 = math.exp %sub3A_159 : vector<16xf32>
    %sub3A_161 = arith.subf %get3A_139, %max3A_146 : vector<16xf32>
    %exp3A_162 = math.exp %sub3A_161 : vector<16xf32>
    %add3A_163 = arith.addf %exp3A_148, %exp3A_150 : vector<16xf32>
    %add3A_164 = arith.addf %add3A_163, %exp3A_152 : vector<16xf32>
    %add3A_165 = arith.addf %add3A_164, %exp3A_154 : vector<16xf32>
    %add3A_166 = arith.addf %add3A_165, %exp3A_156 : vector<16xf32>
    %add3A_167 = arith.addf %add3A_166, %exp3A_158 : vector<16xf32>
    %add3A_168 = arith.addf %add3A_167, %exp3A_160 : vector<16xf32>
    %add3A_169 = arith.addf %add3A_168, %exp3A_162 : vector<16xf32>
    %div3A_170 = arith.constant 1.000000e+00 : f32
    %div3A_171 = vector.broadcast %div3A_170 : f32 to vector<16xf32>
    %div3A_172 = arith.divf %div3A_171, %add3A_169 : vector<16xf32>
    %mul3A_173 = arith.mulf %exp3A_148, %div3A_172 : vector<16xf32>
    %swap3A_174 = arith.constant 0 : i32
    %swap3A_175 = arith.index_cast %swap3A_174 : i32 to index
    %swap3A_176 = arith.constant 16 : index
    %swap3A_177 = tpu.vector_load %arg5[%swap3A_175, %swap3A_176] {strides = array<i32>} : memref<8x512xf32, #tpu.memory_space<vmem>>, vector<16xf32>,
    tpu.vector_store %arg5[%swap3A_175, %swap3A_176], %mul3A_173 {strides = array<i32>} : memref<8x512xf32, #tpu.memory_space<vmem>>, vector<16xf32>,
    %mul3A_178 = arith.mulf %exp3A_150, %div3A_172 : vector<16xf32>
    %swap3A_179 = arith.constant 1 : i32
    %swap3A_180 = arith.index_cast %swap3A_179 : i32 to index
    %swap3A_181 = arith.constant 16 : index
    %swap3A_182 = tpu.vector_load %arg5[%swap3A_180, %swap3A_181] {strides = array<i32>} : memref<8x512xf32, #tpu.memory_space<vmem>>, vector<16xf32>,
    tpu.vector_store %arg5[%swap3A_180, %swap3A_181], %mul3A_178 {strides = array<i32>} : memref<8x512xf32, #tpu.memory_space<vmem>>, vector<16xf32>,
    %mul3A_183 = arith.mulf %exp3A_152, %div3A_172 : vector<16xf32>
    %swap3A_184 = arith.constant 2 : i32
    %swap3A_185 = arith.index_cast %swap3A_184 : i32 to index
    %swap3A_186 = arith.constant 16 : index
    %swap3A_187 = tpu.vector_load %arg5[%swap3A_185, %swap3A_186] {strides = array<i32>} : memref<8x512xf32, #tpu.memory_space<vmem>>, vector<16xf32>,
    tpu.vector_store %arg5[%swap3A_185, %swap3A_186], %mul3A_183 {strides = array<i32>} : memref<8x512xf32, #tpu.memory_space<vmem>>, vector<16xf32>,
    %mul3A_188 = arith.mulf %exp3A_154, %div3A_172 : vector<16xf32>
    %swap3A_189 = arith.constant 3 : i32
    %swap3A_190 = arith.index_cast %swap3A_189 : i32 to index
    %swap3A_191 = arith.constant 16 : index
    %swap3A_192 = tpu.vector_load %arg5[%swap3A_190, %swap3A_191] {strides = array<i32>} : memref<8x512xf32, #tpu.memory_space<vmem>>, vector<16xf32>,
    tpu.vector_store %arg5[%swap3A_190, %swap3A_191], %mul3A_188 {strides = array<i32>} : memref<8x512xf32, #tpu.memory_space<vmem>>, vector<16xf32>,
    %mul3A_193 = arith.mulf %exp3A_156, %div3A_172 : vector<16xf32>
    %swap3A_194 = arith.constant 4 : i32
    %swap3A_195 = arith.index_cast %swap3A_194 : i32 to index
    %swap3A_196 = arith.constant 16 : index
    %swap3A_197 = tpu.vector_load %arg5[%swap3A_195, %swap3A_196] {strides = array<i32>} : memref<8x512xf32, #tpu.memory_space<vmem>>, vector<16xf32>,
    tpu.vector_store %arg5[%swap3A_195, %swap3A_196], %mul3A_193 {strides = array<i32>} : memref<8x512xf32, #tpu.memory_space<vmem>>, vector<16xf32>,
    %mul3A_198 = arith.mulf %exp3A_158, %div3A_172 : vector<16xf32>
    %swap3A_199 = arith.constant 5 : i32
    %swap3A_200 = arith.index_cast %swap3A_199 : i32 to index
    %swap3A_201 = arith.constant 16 : index
    %swap3A_202 = tpu.vector_load %arg5[%swap3A_200, %swap3A_201] {strides = array<i32>} : memref<8x512xf32, #tpu.memory_space<vmem>>, vector<16xf32>,
    tpu.vector_store %arg5[%swap3A_200, %swap3A_201], %mul3A_198 {strides = array<i32>} : memref<8x512xf32, #tpu.memory_space<vmem>>, vector<16xf32>,
    %mul3A_203 = arith.mulf %exp3A_160, %div3A_172 : vector<16xf32>
    %swap3A_204 = arith.constant 6 : i32
    %swap3A_205 = arith.index_cast %swap3A_204 : i32 to index
    %swap3A_206 = arith.constant 16 : index
    %swap3A_207 = tpu.vector_load %arg5[%swap3A_205, %swap3A_206] {strides = array<i32>} : memref<8x512xf32, #tpu.memory_space<vmem>>, vector<16xf32>,
    tpu.vector_store %arg5[%swap3A_205, %swap3A_206], %mul3A_203 {strides = array<i32>} : memref<8x512xf32, #tpu.memory_space<vmem>>, vector<16xf32>,
    %mul3A_208 = arith.mulf %exp3A_162, %div3A_172 : vector<16xf32>
    %swap3A_209 = arith.constant 7 : i32
    %swap3A_210 = arith.index_cast %swap3A_209 : i32 to index
    %swap3A_211 = arith.constant 16 : index
    %swap3A_212 = tpu.vector_load %arg5[%swap3A_210, %swap3A_211] {strides = array<i32>} : memref<8x512xf32, #tpu.memory_space<vmem>>, vector<16xf32>,
    tpu.vector_store %arg5[%swap3A_210, %swap3A_211], %mul3A_208 {strides = array<i32>} : memref<8x512xf32, #tpu.memory_space<vmem>>, vector<16xf32>,
    %get3A_213 = arith.constant 0 : i32
    %get3A_214 = arith.index_cast %get3A_213 : i32 to index
    %get3A_215 = arith.constant 32 : index
    %get3A_216 = tpu.vector_load %arg4[%get3A_214, %get3A_215] {strides = array<i32>} : memref<8x512xf32, #tpu.memory_space<vmem>>, vector<16xf32>,
    %get3A_217 = arith.constant 1 : i32
    %get3A_218 = arith.index_cast %get3A_217 : i32 to index
    %get3A_219 = arith.constant 32 : index
    %get3A_220 = tpu.vector_load %arg4[%get3A_218, %get3A_219] {strides = array<i32>} : memref<8x512xf32, #tpu.memory_space<vmem>>, vector<16xf32>,
    %get3A_221 = arith.constant 2 : i32
    %get3A_222 = arith.index_cast %get3A_221 : i32 to index
    %get3A_223 = arith.constant 32 : index
    %get3A_224 = tpu.vector_load %arg4[%get3A_222, %get3A_223] {strides = array<i32>} : memref<8x512xf32, #tpu.memory_space<vmem>>, vector<16xf32>,
    %get3A_225 = arith.constant 3 : i32
    %get3A_226 = arith.index_cast %get3A_225 : i32 to index
    %get3A_227 = arith.constant 32 : index
    %get3A_228 = tpu.vector_load %arg4[%get3A_226, %get3A_227] {strides = array<i32>} : memref<8x512xf32, #tpu.memory_space<vmem>>, vector<16xf32>,
    %get3A_229 = arith.constant 4 : i32
    %get3A_230 = arith.index_cast %get3A_229 : i32 to index
    %get3A_231 = arith.constant 32 : index
    %get3A_232 = tpu.vector_load %arg4[%get3A_230, %get3A_231] {strides = array<i32>} : memref<8x512xf32, #tpu.memory_space<vmem>>, vector<16xf32>,
    %get3A_233 = arith.constant 5 : i32
    %get3A_234 = arith.index_cast %get3A_233 : i32 to index
    %get3A_235 = arith.constant 32 : index
    %get3A_236 = tpu.vector_load %arg4[%get3A_234, %get3A_235] {strides = array<i32>} : memref<8x512xf32, #tpu.memory_space<vmem>>, vector<16xf32>,
    %get3A_237 = arith.constant 6 : i32
    %get3A_238 = arith.index_cast %get3A_237 : i32 to index
    %get3A_239 = arith.constant 32 : index
    %get3A_240 = tpu.vector_load %arg4[%get3A_238, %get3A_239] {strides = array<i32>} : memref<8x512xf32, #tpu.memory_space<vmem>>, vector<16xf32>,
    %get3A_241 = arith.constant 7 : i32
    %get3A_242 = arith.index_cast %get3A_241 : i32 to index
    %get3A_243 = arith.constant 32 : index
    %get3A_244 = tpu.vector_load %arg4[%get3A_242, %get3A_243] {strides = array<i32>} : memref<8x512xf32, #tpu.memory_space<vmem>>, vector<16xf32>,
    %max3A_245 = arith.maximumf %get3A_216, %get3A_220 : vector<16xf32>
    %max3A_246 = arith.maximumf %max3A_245, %get3A_224 : vector<16xf32>
    %max3A_247 = arith.maximumf %max3A_246, %get3A_228 : vector<16xf32>
    %max3A_248 = arith.maximumf %max3A_247, %get3A_232 : vector<16xf32>
    %max3A_249 = arith.maximumf %max3A_248, %get3A_236 : vector<16xf32>
    %max3A_250 = arith.maximumf %max3A_249, %get3A_240 : vector<16xf32>
    %max3A_251 = arith.maximumf %max3A_250, %get3A_244 : vector<16xf32>
    %sub3A_252 = arith.subf %get3A_216, %max3A_251 : vector<16xf32>
    %exp3A_253 = math.exp %sub3A_252 : vector<16xf32>
    %sub3A_254 = arith.subf %get3A_220, %max3A_251 : vector<16xf32>
    %exp3A_255 = math.exp %sub3A_254 : vector<16xf32>
    %sub3A_256 = arith.subf %get3A_224, %max3A_251 : vector<16xf32>
    %exp3A_257 = math.exp %sub3A_256 : vector<16xf32>
    %sub3A_258 = arith.subf %get3A_228, %max3A_251 : vector<16xf32>
    %exp3A_259 = math.exp %sub3A_258 : vector<16xf32>
    %sub3A_260 = arith.subf %get3A_232, %max3A_251 : vector<16xf32>
    %exp3A_261 = math.exp %sub3A_260 : vector<16xf32>
    %sub3A_262 = arith.subf %get3A_236, %max3A_251 : vector<16xf32>
    %exp3A_263 = math.exp %sub3A_262 : vector<16xf32>
    %sub3A_264 = arith.subf %get3A_240, %max3A_251 : vector<16xf32>
    %exp3A_265 = math.exp %sub3A_264 : vector<16xf32>
    %sub3A_266 = arith.subf %get3A_244, %max3A_251 : vector<16xf32>
    %exp3A_267 = math.exp %sub3A_266 : vector<16xf32>
    %add3A_268 = arith.addf %exp3A_253, %exp3A_255 : vector<16xf32>
    %add3A_269 = arith.addf %add3A_268, %exp3A_257 : vector<16xf32>
    %add3A_270 = arith.addf %add3A_269, %exp3A_259 : vector<16xf32>
    %add3A_271 = arith.addf %add3A_270, %exp3A_261 : vector<16xf32>
    %add3A_272 = arith.addf %add3A_271, %exp3A_263 : vector<16xf32>
    %add3A_273 = arith.addf %add3A_272, %exp3A_265 : vector<16xf32>
    %add3A_274 = arith.addf %add3A_273, %exp3A_267 : vector<16xf32>
    %div3A_275 = arith.constant 1.000000e+00 : f32
    %div3A_276 = vector.broadcast %div3A_275 : f32 to vector<16xf32>
    %div3A_277 = arith.divf %div3A_276, %add3A_274 : vector<16xf32>
    %mul3A_278 = arith.mulf %exp3A_253, %div3A_277 : vector<16xf32>
    %swap3A_279 = arith.constant 0 : i32
    %swap3A_280 = arith.index_cast %swap3A_279 : i32 to index
    %swap3A_281 = arith.constant 32 : index
    %swap3A_282 = tpu.vector_load %arg5[%swap3A_280, %swap3A_281] {strides = array<i32>} : memref<8x512xf32, #tpu.memory_space<vmem>>, vector<16xf32>,
    tpu.vector_store %arg5[%swap3A_280, %swap3A_281], %mul3A_278 {strides = array<i32>} : memref<8x512xf32, #tpu.memory_space<vmem>>, vector<16xf32>,
    %mul3A_283 = arith.mulf %exp3A_255, %div3A_277 : vector<16xf32>
    %swap3A_284 = arith.constant 1 : i32
    %swap3A_285 = arith.index_cast %swap3A_284 : i32 to index
    %swap3A_286 = arith.constant 32 : index
    %swap3A_287 = tpu.vector_load %arg5[%swap3A_285, %swap3A_286] {strides = array<i32>} : memref<8x512xf32, #tpu.memory_space<vmem>>, vector<16xf32>,
    tpu.vector_store %arg5[%swap3A_285, %swap3A_286], %mul3A_283 {strides = array<i32>} : memref<8x512xf32, #tpu.memory_space<vmem>>, vector<16xf32>,
    %mul3A_288 = arith.mulf %exp3A_257, %div3A_277 : vector<16xf32>
    %swap3A_289 = arith.constant 2 : i32
    %swap3A_290 = arith.index_cast %swap3A_289 : i32 to index
    %swap3A_291 = arith.constant 32 : index
    %swap3A_292 = tpu.vector_load %arg5[%swap3A_290, %swap3A_291] {strides = array<i32>} : memref<8x512xf32, #tpu.memory_space<vmem>>, vector<16xf32>,
    tpu.vector_store %arg5[%swap3A_290, %swap3A_291], %mul3A_288 {strides = array<i32>} : memref<8x512xf32, #tpu.memory_space<vmem>>, vector<16xf32>,
    %mul3A_293 = arith.mulf %exp3A_259, %div3A_277 : vector<16xf32>
    %swap3A_294 = arith.constant 3 : i32
    %swap3A_295 = arith.index_cast %swap3A_294 : i32 to index
    %swap3A_296 = arith.constant 32 : index
    %swap3A_297 = tpu.vector_load %arg5[%swap3A_295, %swap3A_296] {strides = array<i32>} : memref<8x512xf32, #tpu.memory_space<vmem>>, vector<16xf32>,
    tpu.vector_store %arg5[%swap3A_295, %swap3A_296], %mul3A_293 {strides = array<i32>} : memref<8x512xf32, #tpu.memory_space<vmem>>, vector<16xf32>,
    %mul3A_298 = arith.mulf %exp3A_261, %div3A_277 : vector<16xf32>
    %swap3A_299 = arith.constant 4 : i32
    %swap3A_300 = arith.index_cast %swap3A_299 : i32 to index
    %swap3A_301 = arith.constant 32 : index
    %swap3A_302 = tpu.vector_load %arg5[%swap3A_300, %swap3A_301] {strides = array<i32>} : memref<8x512xf32, #tpu.memory_space<vmem>>, vector<16xf32>,
    tpu.vector_store %arg5[%swap3A_300, %swap3A_301], %mul3A_298 {strides = array<i32>} : memref<8x512xf32, #tpu.memory_space<vmem>>, vector<16xf32>,
    %mul3A_303 = arith.mulf %exp3A_263, %div3A_277 : vector<16xf32>
    %swap3A_304 = arith.constant 5 : i32
    %swap3A_305 = arith.index_cast %swap3A_304 : i32 to index
    %swap3A_306 = arith.constant 32 : index
    %swap3A_307 = tpu.vector_load %arg5[%swap3A_305, %swap3A_306] {strides = array<i32>} : memref<8x512xf32, #tpu.memory_space<vmem>>, vector<16xf32>,
    tpu.vector_store %arg5[%swap3A_305, %swap3A_306], %mul3A_303 {strides = array<i32>} : memref<8x512xf32, #tpu.memory_space<vmem>>, vector<16xf32>,
    %mul3A_308 = arith.mulf %exp3A_265, %div3A_277 : vector<16xf32>
    %swap3A_309 = arith.constant 6 : i32
    %swap3A_310 = arith.index_cast %swap3A_309 : i32 to index
    %swap3A_311 = arith.constant 32 : index
    %swap3A_312 = tpu.vector_load %arg5[%swap3A_310, %swap3A_311] {strides = array<i32>} : memref<8x512xf32, #tpu.memory_space<vmem>>, vector<16xf32>,
    tpu.vector_store %arg5[%swap3A_310, %swap3A_311], %mul3A_308 {strides = array<i32>} : memref<8x512xf32, #tpu.memory_space<vmem>>, vector<16xf32>,
    %mul3A_313 = arith.mulf %exp3A_267, %div3A_277 : vector<16xf32>
    %swap3A_314 = arith.constant 7 : i32
    %swap3A_315 = arith.index_cast %swap3A_314 : i32 to index
    %swap3A_316 = arith.constant 32 : index
    %swap3A_317 = tpu.vector_load %arg5[%swap3A_315, %swap3A_316] {strides = array<i32>} : memref<8x512xf32, #tpu.memory_space<vmem>>, vector<16xf32>,
    tpu.vector_store %arg5[%swap3A_315, %swap3A_316], %mul3A_313 {strides = array<i32>} : memref<8x512xf32, #tpu.memory_space<vmem>>, vector<16xf32>,
    %get3A_318 = arith.constant 0 : i32
    %get3A_319 = arith.index_cast %get3A_318 : i32 to index
    %get3A_320 = arith.constant 48 : index
    %get3A_321 = tpu.vector_load %arg4[%get3A_319, %get3A_320] {strides = array<i32>} : memref<8x512xf32, #tpu.memory_space<vmem>>, vector<16xf32>,
    %get3A_322 = arith.constant 1 : i32
    %get3A_323 = arith.index_cast %get3A_322 : i32 to index
    %get3A_324 = arith.constant 48 : index
    %get3A_325 = tpu.vector_load %arg4[%get3A_323, %get3A_324] {strides = array<i32>} : memref<8x512xf32, #tpu.memory_space<vmem>>, vector<16xf32>,
    %get3A_326 = arith.constant 2 : i32
    %get3A_327 = arith.index_cast %get3A_326 : i32 to index
    %get3A_328 = arith.constant 48 : index
    %get3A_329 = tpu.vector_load %arg4[%get3A_327, %get3A_328] {strides = array<i32>} : memref<8x512xf32, #tpu.memory_space<vmem>>, vector<16xf32>,
    %get3A_330 = arith.constant 3 : i32
    %get3A_331 = arith.index_cast %get3A_330 : i32 to index
    %get3A_332 = arith.constant 48 : index
    %get3A_333 = tpu.vector_load %arg4[%get3A_331, %get3A_332] {strides = array<i32>} : memref<8x512xf32, #tpu.memory_space<vmem>>, vector<16xf32>,
    %get3A_334 = arith.constant 4 : i32
    %get3A_335 = arith.index_cast %get3A_334 : i32 to index
    %get3A_336 = arith.constant 48 : index
    %get3A_337 = tpu.vector_load %arg4[%get3A_335, %get3A_336] {strides = array<i32>} : memref<8x512xf32, #tpu.memory_space<vmem>>, vector<16xf32>,
    %get3A_338 = arith.constant 5 : i32
    %get3A_339 = arith.index_cast %get3A_338 : i32 to index
    %get3A_340 = arith.constant 48 : index
    %get3A_341 = tpu.vector_load %arg4[%get3A_339, %get3A_340] {strides = array<i32>} : memref<8x512xf32, #tpu.memory_space<vmem>>, vector<16xf32>,
    %get3A_342 = arith.constant 6 : i32
    %get3A_343 = arith.index_cast %get3A_342 : i32 to index
    %get3A_344 = arith.constant 48 : index
    %get3A_345 = tpu.vector_load %arg4[%get3A_343, %get3A_344] {strides = array<i32>} : memref<8x512xf32, #tpu.memory_space<vmem>>, vector<16xf32>,
    %get3A_346 = arith.constant 7 : i32
    %get3A_347 = arith.index_cast %get3A_346 : i32 to index
    %get3A_348 = arith.constant 48 : index
    %get3A_349 = tpu.vector_load %arg4[%get3A_347, %get3A_348] {strides = array<i32>} : memref<8x512xf32, #tpu.memory_space<vmem>>, vector<16xf32>,
    %max3A_350 = arith.maximumf %get3A_321, %get3A_325 : vector<16xf32>
    %max3A_351 = arith.maximumf %max3A_350, %get3A_329 : vector<16xf32>
    %max3A_352 = arith.maximumf %max3A_351, %get3A_333 : vector<16xf32>
    %max3A_353 = arith.maximumf %max3A_352, %get3A_337 : vector<16xf32>
    %max3A_354 = arith.maximumf %max3A_353, %get3A_341 : vector<16xf32>
    %max3A_355 = arith.maximumf %max3A_354, %get3A_345 : vector<16xf32>
    %max3A_356 = arith.maximumf %max3A_355, %get3A_349 : vector<16xf32>
    %sub3A_357 = arith.subf %get3A_321, %max3A_356 : vector<16xf32>
    %exp3A_358 = math.exp %sub3A_357 : vector<16xf32>
    %sub3A_359 = arith.subf %get3A_325, %max3A_356 : vector<16xf32>
    %exp3A_360 = math.exp %sub3A_359 : vector<16xf32>
    %sub3A_361 = arith.subf %get3A_329, %max3A_356 : vector<16xf32>
    %exp3A_362 = math.exp %sub3A_361 : vector<16xf32>
    %sub3A_363 = arith.subf %get3A_333, %max3A_356 : vector<16xf32>
    %exp3A_364 = math.exp %sub3A_363 : vector<16xf32>
    %sub3A_365 = arith.subf %get3A_337, %max3A_356 : vector<16xf32>
    %exp3A_366 = math.exp %sub3A_365 : vector<16xf32>
    %sub3A_367 = arith.subf %get3A_341, %max3A_356 : vector<16xf32>
    %exp3A_368 = math.exp %sub3A_367 : vector<16xf32>
    %sub3A_369 = arith.subf %get3A_345, %max3A_356 : vector<16xf32>
    %exp3A_370 = math.exp %sub3A_369 : vector<16xf32>
    %sub3A_371 = arith.subf %get3A_349, %max3A_356 : vector<16xf32>
    %exp3A_372 = math.exp %sub3A_371 : vector<16xf32>
    %add3A_373 = arith.addf %exp3A_358, %exp3A_360 : vector<16xf32>
    %add3A_374 = arith.addf %add3A_373, %exp3A_362 : vector<16xf32>
    %add3A_375 = arith.addf %add3A_374, %exp3A_364 : vector<16xf32>
    %add3A_376 = arith.addf %add3A_375, %exp3A_366 : vector<16xf32>
    %add3A_377 = arith.addf %add3A_376, %exp3A_368 : vector<16xf32>
    %add3A_378 = arith.addf %add3A_377, %exp3A_370 : vector<16xf32>
    %add3A_379 = arith.addf %add3A_378, %exp3A_372 : vector<16xf32>
    %div3A_380 = arith.constant 1.000000e+00 : f32
    %div3A_381 = vector.broadcast %div3A_380 : f32 to vector<16xf32>
    %div3A_382 = arith.divf %div3A_381, %add3A_379 : vector<16xf32>
    %mul3A_383 = arith.mulf %exp3A_358, %div3A_382 : vector<16xf32>
    %swap3A_384 = arith.constant 0 : i32
    %swap3A_385 = arith.index_cast %swap3A_384 : i32 to index
    %swap3A_386 = arith.constant 48 : index
    %swap3A_387 = tpu.vector_load %arg5[%swap3A_385, %swap3A_386] {strides = array<i32>} : memref<8x512xf32, #tpu.memory_space<vmem>>, vector<16xf32>,
    tpu.vector_store %arg5[%swap3A_385, %swap3A_386], %mul3A_383 {strides = array<i32>} : memref<8x512xf32, #tpu.memory_space<vmem>>, vector<16xf32>,
    %mul3A_388 = arith.mulf %exp3A_360, %div3A_382 : vector<16xf32>
    %swap3A_389 = arith.constant 1 : i32
    %swap3A_390 = arith.index_cast %swap3A_389 : i32 to index
    %swap3A_391 = arith.constant 48 : index
    %swap3A_392 = tpu.vector_load %arg5[%swap3A_390, %swap3A_391] {strides = array<i32>} : memref<8x512xf32, #tpu.memory_space<vmem>>, vector<16xf32>,
    tpu.vector_store %arg5[%swap3A_390, %swap3A_391], %mul3A_388 {strides = array<i32>} : memref<8x512xf32, #tpu.memory_space<vmem>>, vector<16xf32>,
    %mul3A_393 = arith.mulf %exp3A_362, %div3A_382 : vector<16xf32>
    %swap3A_394 = arith.constant 2 : i32
    %swap3A_395 = arith.index_cast %swap3A_394 : i32 to index
    %swap3A_396 = arith.constant 48 : index
    %swap3A_397 = tpu.vector_load %arg5[%swap3A_395, %swap3A_396] {strides = array<i32>} : memref<8x512xf32, #tpu.memory_space<vmem>>, vector<16xf32>,
    tpu.vector_store %arg5[%swap3A_395, %swap3A_396], %mul3A_393 {strides = array<i32>} : memref<8x512xf32, #tpu.memory_space<vmem>>, vector<16xf32>,
    %mul3A_398 = arith.mulf %exp3A_364, %div3A_382 : vector<16xf32>
    %swap3A_399 = arith.constant 3 : i32
    %swap3A_400 = arith.index_cast %swap3A_399 : i32 to index
    %swap3A_401 = arith.constant 48 : index
    %swap3A_402 = tpu.vector_load %arg5[%swap3A_400, %swap3A_401] {strides = array<i32>} : memref<8x512xf32, #tpu.memory_space<vmem>>, vector<16xf32>,
    tpu.vector_store %arg5[%swap3A_400, %swap3A_401], %mul3A_398 {strides = array<i32>} : memref<8x512xf32, #tpu.memory_space<vmem>>, vector<16xf32>,
    %mul3A_403 = arith.mulf %exp3A_366, %div3A_382 : vector<16xf32>
    %swap3A_404 = arith.constant 4 : i32
    %swap3A_405 = arith.index_cast %swap3A_404 : i32 to index
    %swap3A_406 = arith.constant 48 : index
    %swap3A_407 = tpu.vector_load %arg5[%swap3A_405, %swap3A_406] {strides = array<i32>} : memref<8x512xf32, #tpu.memory_space<vmem>>, vector<16xf32>,
    tpu.vector_store %arg5[%swap3A_405, %swap3A_406], %mul3A_403 {strides = array<i32>} : memref<8x512xf32, #tpu.memory_space<vmem>>, vector<16xf32>,
    %mul3A_408 = arith.mulf %exp3A_368, %div3A_382 : vector<16xf32>
    %swap3A_409 = arith.constant 5 : i32
    %swap3A_410 = arith.index_cast %swap3A_409 : i32 to index
    %swap3A_411 = arith.constant 48 : index
    %swap3A_412 = tpu.vector_load %arg5[%swap3A_410, %swap3A_411] {strides = array<i32>} : memref<8x512xf32, #tpu.memory_space<vmem>>, vector<16xf32>,
    tpu.vector_store %arg5[%swap3A_410, %swap3A_411], %mul3A_408 {strides = array<i32>} : memref<8x512xf32, #tpu.memory_space<vmem>>, vector<16xf32>,
    %mul3A_413 = arith.mulf %exp3A_370, %div3A_382 : vector<16xf32>
    %swap3A_414 = arith.constant 6 : i32
    %swap3A_415 = arith.index_cast %swap3A_414 : i32 to index
    %swap3A_416 = arith.constant 48 : index
    %swap3A_417 = tpu.vector_load %arg5[%swap3A_415, %swap3A_416] {strides = array<i32>} : memref<8x512xf32, #tpu.memory_space<vmem>>, vector<16xf32>,
    tpu.vector_store %arg5[%swap3A_415, %swap3A_416], %mul3A_413 {strides = array<i32>} : memref<8x512xf32, #tpu.memory_space<vmem>>, vector<16xf32>,
    %mul3A_418 = arith.mulf %exp3A_372, %div3A_382 : vector<16xf32>
    %swap3A_419 = arith.constant 7 : i32
    %swap3A_420 = arith.index_cast %swap3A_419 : i32 to index
    %swap3A_421 = arith.constant 48 : index
    %swap3A_422 = tpu.vector_load %arg5[%swap3A_420, %swap3A_421] {strides = array<i32>} : memref<8x512xf32, #tpu.memory_space<vmem>>, vector<16xf32>,
    tpu.vector_store %arg5[%swap3A_420, %swap3A_421], %mul3A_418 {strides = array<i32>} : memref<8x512xf32, #tpu.memory_space<vmem>>, vector<16xf32>,
    %get3A_423 = arith.constant 0 : i32
    %get3A_424 = arith.index_cast %get3A_423 : i32 to index
    %get3A_425 = arith.constant 64 : index
    %get3A_426 = tpu.vector_load %arg4[%get3A_424, %get3A_425] {strides = array<i32>} : memref<8x512xf32, #tpu.memory_space<vmem>>, vector<16xf32>,
    %get3A_427 = arith.constant 1 : i32
    %get3A_428 = arith.index_cast %get3A_427 : i32 to index
    %get3A_429 = arith.constant 64 : index
    %get3A_430 = tpu.vector_load %arg4[%get3A_428, %get3A_429] {strides = array<i32>} : memref<8x512xf32, #tpu.memory_space<vmem>>, vector<16xf32>,
    %get3A_431 = arith.constant 2 : i32
    %get3A_432 = arith.index_cast %get3A_431 : i32 to index
    %get3A_433 = arith.constant 64 : index
    %get3A_434 = tpu.vector_load %arg4[%get3A_432, %get3A_433] {strides = array<i32>} : memref<8x512xf32, #tpu.memory_space<vmem>>, vector<16xf32>,
    %get3A_435 = arith.constant 3 : i32
    %get3A_436 = arith.index_cast %get3A_435 : i32 to index
    %get3A_437 = arith.constant 64 : index
    %get3A_438 = tpu.vector_load %arg4[%get3A_436, %get3A_437] {strides = array<i32>} : memref<8x512xf32, #tpu.memory_space<vmem>>, vector<16xf32>,
    %get3A_439 = arith.constant 4 : i32
    %get3A_440 = arith.index_cast %get3A_439 : i32 to index
    %get3A_441 = arith.constant 64 : index
    %get3A_442 = tpu.vector_load %arg4[%get3A_440, %get3A_441] {strides = array<i32>} : memref<8x512xf32, #tpu.memory_space<vmem>>, vector<16xf32>,
    %get3A_443 = arith.constant 5 : i32
    %get3A_444 = arith.index_cast %get3A_443 : i32 to index
    %get3A_445 = arith.constant 64 : index
    %get3A_446 = tpu.vector_load %arg4[%get3A_444, %get3A_445] {strides = array<i32>} : memref<8x512xf32, #tpu.memory_space<vmem>>, vector<16xf32>,
    %get3A_447 = arith.constant 6 : i32
    %get3A_448 = arith.index_cast %get3A_447 : i32 to index
    %get3A_449 = arith.constant 64 : index
    %get3A_450 = tpu.vector_load %arg4[%get3A_448, %get3A_449] {strides = array<i32>} : memref<8x512xf32, #tpu.memory_space<vmem>>, vector<16xf32>,
    %get3A_451 = arith.constant 7 : i32
    %get3A_452 = arith.index_cast %get3A_451 : i32 to index
    %get3A_453 = arith.constant 64 : index
    %get3A_454 = tpu.vector_load %arg4[%get3A_452, %get3A_453] {strides = array<i32>} : memref<8x512xf32, #tpu.memory_space<vmem>>, vector<16xf32>,
    %max3A_455 = arith.maximumf %get3A_426, %get3A_430 : vector<16xf32>
    %max3A_456 = arith.maximumf %max3A_455, %get3A_434 : vector<16xf32>
    %max3A_457 = arith.maximumf %max3A_456, %get3A_438 : vector<16xf32>
    %max3A_458 = arith.maximumf %max3A_457, %get3A_442 : vector<16xf32>
    %max3A_459 = arith.maximumf %max3A_458, %get3A_446 : vector<16xf32>
    %max3A_460 = arith.maximumf %max3A_459, %get3A_450 : vector<16xf32>
    %max3A_461 = arith.maximumf %max3A_460, %get3A_454 : vector<16xf32>
    %sub3A_462 = arith.subf %get3A_426, %max3A_461 : vector<16xf32>
    %exp3A_463 = math.exp %sub3A_462 : vector<16xf32>
    %sub3A_464 = arith.subf %get3A_430, %max3A_461 : vector<16xf32>
    %exp3A_465 = math.exp %sub3A_464 : vector<16xf32>
    %sub3A_466 = arith.subf %get3A_434, %max3A_461 : vector<16xf32>
    %exp3A_467 = math.exp %sub3A_466 : vector<16xf32>
    %sub3A_468 = arith.subf %get3A_438, %max3A_461 : vector<16xf32>
    %exp3A_469 = math.exp %sub3A_468 : vector<16xf32>
    %sub3A_470 = arith.subf %get3A_442, %max3A_461 : vector<16xf32>
    %exp3A_471 = math.exp %sub3A_470 : vector<16xf32>
    %sub3A_472 = arith.subf %get3A_446, %max3A_461 : vector<16xf32>
    %exp3A_473 = math.exp %sub3A_472 : vector<16xf32>
    %sub3A_474 = arith.subf %get3A_450, %max3A_461 : vector<16xf32>
    %exp3A_475 = math.exp %sub3A_474 : vector<16xf32>
    %sub3A_476 = arith.subf %get3A_454, %max3A_461 : vector<16xf32>
    %exp3A_477 = math.exp %sub3A_476 : vector<16xf32>
    %add3A_478 = arith.addf %exp3A_463, %exp3A_465 : vector<16xf32>
    %add3A_479 = arith.addf %add3A_478, %exp3A_467 : vector<16xf32>
    %add3A_480 = arith.addf %add3A_479, %exp3A_469 : vector<16xf32>
    %add3A_481 = arith.addf %add3A_480, %exp3A_471 : vector<16xf32>
    %add3A_482 = arith.addf %add3A_481, %exp3A_473 : vector<16xf32>
    %add3A_483 = arith.addf %add3A_482, %exp3A_475 : vector<16xf32>
    %add3A_484 = arith.addf %add3A_483, %exp3A_477 : vector<16xf32>
    %div3A_485 = arith.constant 1.000000e+00 : f32
    %div3A_486 = vector.broadcast %div3A_485 : f32 to vector<16xf32>
    %div3A_487 = arith.divf %div3A_486, %add3A_484 : vector<16xf32>
    %mul3A_488 = arith.mulf %exp3A_463, %div3A_487 : vector<16xf32>
    %swap3A_489 = arith.constant 0 : i32
    %swap3A_490 = arith.index_cast %swap3A_489 : i32 to index
    %swap3A_491 = arith.constant 64 : index
    %swap3A_492 = tpu.vector_load %arg5[%swap3A_490, %swap3A_491] {strides = array<i32>} : memref<8x512xf32, #tpu.memory_space<vmem>>, vector<16xf32>,
    tpu.vector_store %arg5[%swap3A_490, %swap3A_491], %mul3A_488 {strides = array<i32>} : memref<8x512xf32, #tpu.memory_space<vmem>>, vector<16xf32>,
    %mul3A_493 = arith.mulf %exp3A_465, %div3A_487 : vector<16xf32>
    %swap3A_494 = arith.constant 1 : i32
    %swap3A_495 = arith.index_cast %swap3A_494 : i32 to index
    %swap3A_496 = arith.constant 64 : index
    %swap3A_497 = tpu.vector_load %arg5[%swap3A_495, %swap3A_496] {strides = array<i32>} : memref<8x512xf32, #tpu.memory_space<vmem>>, vector<16xf32>,
    tpu.vector_store %arg5[%swap3A_495, %swap3A_496], %mul3A_493 {strides = array<i32>} : memref<8x512xf32, #tpu.memory_space<vmem>>, vector<16xf32>,
    %mul3A_498 = arith.mulf %exp3A_467, %div3A_487 : vector<16xf32>
    %swap3A_499 = arith.constant 2 : i32
    %swap3A_500 = arith.index_cast %swap3A_499 : i32 to index
    %swap3A_501 = arith.constant 64 : index
    %swap3A_502 = tpu.vector_load %arg5[%swap3A_500, %swap3A_501] {strides = array<i32>} : memref<8x512xf32, #tpu.memory_space<vmem>>, vector<16xf32>,
    tpu.vector_store %arg5[%swap3A_500, %swap3A_501], %mul3A_498 {strides = array<i32>} : memref<8x512xf32, #tpu.memory_space<vmem>>, vector<16xf32>,
    %mul3A_503 = arith.mulf %exp3A_469, %div3A_487 : vector<16xf32>
    %swap3A_504 = arith.constant 3 : i32
    %swap3A_505 = arith.index_cast %swap3A_504 : i32 to index
    %swap3A_506 = arith.constant 64 : index
    %swap3A_507 = tpu.vector_load %arg5[%swap3A_505, %swap3A_506] {strides = array<i32>} : memref<8x512xf32, #tpu.memory_space<vmem>>, vector<16xf32>,
    tpu.vector_store %arg5[%swap3A_505, %swap3A_506], %mul3A_503 {strides = array<i32>} : memref<8x512xf32, #tpu.memory_space<vmem>>, vector<16xf32>,
    %mul3A_508 = arith.mulf %exp3A_471, %div3A_487 : vector<16xf32>
    %swap3A_509 = arith.constant 4 : i32
    %swap3A_510 = arith.index_cast %swap3A_509 : i32 to index
    %swap3A_511 = arith.constant 64 : index
    %swap3A_512 = tpu.vector_load %arg5[%swap3A_510, %swap3A_511] {strides = array<i32>} : memref<8x512xf32, #tpu.memory_space<vmem>>, vector<16xf32>,
    tpu.vector_store %arg5[%swap3A_510, %swap3A_511], %mul3A_508 {strides = array<i32>} : memref<8x512xf32, #tpu.memory_space<vmem>>, vector<16xf32>,
    %mul3A_513 = arith.mulf %exp3A_473, %div3A_487 : vector<16xf32>
    %swap3A_514 = arith.constant 5 : i32
    %swap3A_515 = arith.index_cast %swap3A_514 : i32 to index
    %swap3A_516 = arith.constant 64 : index
    %swap3A_517 = tpu.vector_load %arg5[%swap3A_515, %swap3A_516] {strides = array<i32>} : memref<8x512xf32, #tpu.memory_space<vmem>>, vector<16xf32>,
    tpu.vector_store %arg5[%swap3A_515, %swap3A_516], %mul3A_513 {strides = array<i32>} : memref<8x512xf32, #tpu.memory_space<vmem>>, vector<16xf32>,
    %mul3A_518 = arith.mulf %exp3A_475, %div3A_487 : vector<16xf32>
    %swap3A_519 = arith.constant 6 : i32
    %swap3A_520 = arith.index_cast %swap3A_519 : i32 to index
    %swap3A_521 = arith.constant 64 : index
    %swap3A_522 = tpu.vector_load %arg5[%swap3A_520, %swap3A_521] {strides = array<i32>} : memref<8x512xf32, #tpu.memory_space<vmem>>, vector<16xf32>,
    tpu.vector_store %arg5[%swap3A_520, %swap3A_521], %mul3A_518 {strides = array<i32>} : memref<8x512xf32, #tpu.memory_space<vmem>>, vector<16xf32>,
    %mul3A_523 = arith.mulf %exp3A_477, %div3A_487 : vector<16xf32>
    %swap3A_524 = arith.constant 7 : i32
    %swap3A_525 = arith.index_cast %swap3A_524 : i32 to index
    %swap3A_526 = arith.constant 64 : index
    %swap3A_527 = tpu.vector_load %arg5[%swap3A_525, %swap3A_526] {strides = array<i32>} : memref<8x512xf32, #tpu.memory_space<vmem>>, vector<16xf32>,
    tpu.vector_store %arg5[%swap3A_525, %swap3A_526], %mul3A_523 {strides = array<i32>} : memref<8x512xf32, #tpu.memory_space<vmem>>, vector<16xf32>,
    %get3A_528 = arith.constant 0 : i32
    %get3A_529 = arith.index_cast %get3A_528 : i32 to index
    %get3A_530 = arith.constant 80 : index
    %get3A_531 = tpu.vector_load %arg4[%get3A_529, %get3A_530] {strides = array<i32>} : memref<8x512xf32, #tpu.memory_space<vmem>>, vector<16xf32>,
    %get3A_532 = arith.constant 1 : i32
    %get3A_533 = arith.index_cast %get3A_532 : i32 to index
    %get3A_534 = arith.constant 80 : index
    %get3A_535 = tpu.vector_load %arg4[%get3A_533, %get3A_534] {strides = array<i32>} : memref<8x512xf32, #tpu.memory_space<vmem>>, vector<16xf32>,
    %get3A_536 = arith.constant 2 : i32
    %get3A_537 = arith.index_cast %get3A_536 : i32 to index
    %get3A_538 = arith.constant 80 : index
    %get3A_539 = tpu.vector_load %arg4[%get3A_537, %get3A_538] {strides = array<i32>} : memref<8x512xf32, #tpu.memory_space<vmem>>, vector<16xf32>,
    %get3A_540 = arith.constant 3 : i32
    %get3A_541 = arith.index_cast %get3A_540 : i32 to index
    %get3A_542 = arith.constant 80 : index
    %get3A_543 = tpu.vector_load %arg4[%get3A_541, %get3A_542] {strides = array<i32>} : memref<8x512xf32, #tpu.memory_space<vmem>>, vector<16xf32>,
    %get3A_544 = arith.constant 4 : i32
    %get3A_545 = arith.index_cast %get3A_544 : i32 to index
    %get3A_546 = arith.constant 80 : index
    %get3A_547 = tpu.vector_load %arg4[%get3A_545, %get3A_546] {strides = array<i32>} : memref<8x512xf32, #tpu.memory_space<vmem>>, vector<16xf32>,
    %get3A_548 = arith.constant 5 : i32
    %get3A_549 = arith.index_cast %get3A_548 : i32 to index
    %get3A_550 = arith.constant 80 : index
    %get3A_551 = tpu.vector_load %arg4[%get3A_549, %get3A_550] {strides = array<i32>} : memref<8x512xf32, #tpu.memory_space<vmem>>, vector<16xf32>,
    %get3A_552 = arith.constant 6 : i32
    %get3A_553 = arith.index_cast %get3A_552 : i32 to index
    %get3A_554 = arith.constant 80 : index
    %get3A_555 = tpu.vector_load %arg4[%get3A_553, %get3A_554] {strides = array<i32>} : memref<8x512xf32, #tpu.memory_space<vmem>>, vector<16xf32>,
    %get3A_556 = arith.constant 7 : i32
    %get3A_557 = arith.index_cast %get3A_556 : i32 to index
    %get3A_558 = arith.constant 80 : index
    %get3A_559 = tpu.vector_load %arg4[%get3A_557, %get3A_558] {strides = array<i32>} : memref<8x512xf32, #tpu.memory_space<vmem>>, vector<16xf32>,
    %max3A_560 = arith.maximumf %get3A_531, %get3A_535 : vector<16xf32>
    %max3A_561 = arith.maximumf %max3A_560, %get3A_539 : vector<16xf32>
    %max3A_562 = arith.maximumf %max3A_561, %get3A_543 : vector<16xf32>
    %max3A_563 = arith.maximumf %max3A_562, %get3A_547 : vector<16xf32>
    %max3A_564 = arith.maximumf %max3A_563, %get3A_551 : vector<16xf32>
    %max3A_565 = arith.maximumf %max3A_564, %get3A_555 : vector<16xf32>
    %max3A_566 = arith.maximumf %max3A_565, %get3A_559 : vector<16xf32>
    %sub3A_567 = arith.subf %get3A_531, %max3A_566 : vector<16xf32>
    %exp3A_568 = math.exp %sub3A_567 : vector<16xf32>
    %sub3A_569 = arith.subf %get3A_535, %max3A_566 : vector<16xf32>
    %exp3A_570 = math.exp %sub3A_569 : vector<16xf32>
    %sub3A_571 = arith.subf %get3A_539, %max3A_566 : vector<16xf32>
    %exp3A_572 = math.exp %sub3A_571 : vector<16xf32>
    %sub3A_573 = arith.subf %get3A_543, %max3A_566 : vector<16xf32>
    %exp3A_574 = math.exp %sub3A_573 : vector<16xf32>
    %sub3A_575 = arith.subf %get3A_547, %max3A_566 : vector<16xf32>
    %exp3A_576 = math.exp %sub3A_575 : vector<16xf32>
    %sub3A_577 = arith.subf %get3A_551, %max3A_566 : vector<16xf32>
    %exp3A_578 = math.exp %sub3A_577 : vector<16xf32>
    %sub3A_579 = arith.subf %get3A_555, %max3A_566 : vector<16xf32>
    %exp3A_580 = math.exp %sub3A_579 : vector<16xf32>
    %sub3A_581 = arith.subf %get3A_559, %max3A_566 : vector<16xf32>
    %exp3A_582 = math.exp %sub3A_581 : vector<16xf32>
    %add3A_583 = arith.addf %exp3A_568, %exp3A_570 : vector<16xf32>
    %add3A_584 = arith.addf %add3A_583, %exp3A_572 : vector<16xf32>
    %add3A_585 = arith.addf %add3A_584, %exp3A_574 : vector<16xf32>
    %add3A_586 = arith.addf %add3A_585, %exp3A_576 : vector<16xf32>
    %add3A_587 = arith.addf %add3A_586, %exp3A_578 : vector<16xf32>
    %add3A_588 = arith.addf %add3A_587, %exp3A_580 : vector<16xf32>
    %add3A_589 = arith.addf %add3A_588, %exp3A_582 : vector<16xf32>
    %div3A_590 = arith.constant 1.000000e+00 : f32
    %div3A_591 = vector.broadcast %div3A_590 : f32 to vector<16xf32>
    %div3A_592 = arith.divf %div3A_591, %add3A_589 : vector<16xf32>
    %mul3A_593 = arith.mulf %exp3A_568, %div3A_592 : vector<16xf32>
    %swap3A_594 = arith.constant 0 : i32
    %swap3A_595 = arith.index_cast %swap3A_594 : i32 to index
    %swap3A_596 = arith.constant 80 : index
    %swap3A_597 = tpu.vector_load %arg5[%swap3A_595, %swap3A_596] {strides = array<i32>} : memref<8x512xf32, #tpu.memory_space<vmem>>, vector<16xf32>,
    tpu.vector_store %arg5[%swap3A_595, %swap3A_596], %mul3A_593 {strides = array<i32>} : memref<8x512xf32, #tpu.memory_space<vmem>>, vector<16xf32>,
    %mul3A_598 = arith.mulf %exp3A_570, %div3A_592 : vector<16xf32>
    %swap3A_599 = arith.constant 1 : i32
    %swap3A_600 = arith.index_cast %swap3A_599 : i32 to index
    %swap3A_601 = arith.constant 80 : index
    %swap3A_602 = tpu.vector_load %arg5[%swap3A_600, %swap3A_601] {strides = array<i32>} : memref<8x512xf32, #tpu.memory_space<vmem>>, vector<16xf32>,
    tpu.vector_store %arg5[%swap3A_600, %swap3A_601], %mul3A_598 {strides = array<i32>} : memref<8x512xf32, #tpu.memory_space<vmem>>, vector<16xf32>,
    %mul3A_603 = arith.mulf %exp3A_572, %div3A_592 : vector<16xf32>
    %swap3A_604 = arith.constant 2 : i32
    %swap3A_605 = arith.index_cast %swap3A_604 : i32 to index
    %swap3A_606 = arith.constant 80 : index
    %swap3A_607 = tpu.vector_load %arg5[%swap3A_605, %swap3A_606] {strides = array<i32>} : memref<8x512xf32, #tpu.memory_space<vmem>>, vector<16xf32>,
    tpu.vector_store %arg5[%swap3A_605, %swap3A_606], %mul3A_603 {strides = array<i32>} : memref<8x512xf32, #tpu.memory_space<vmem>>, vector<16xf32>,
    %mul3A_608 = arith.mulf %exp3A_574, %div3A_592 : vector<16xf32>
    %swap3A_609 = arith.constant 3 : i32
    %swap3A_610 = arith.index_cast %swap3A_609 : i32 to index
    %swap3A_611 = arith.constant 80 : index
    %swap3A_612 = tpu.vector_load %arg5[%swap3A_610, %swap3A_611] {strides = array<i32>} : memref<8x512xf32, #tpu.memory_space<vmem>>, vector<16xf32>,
    tpu.vector_store %arg5[%swap3A_610, %swap3A_611], %mul3A_608 {strides = array<i32>} : memref<8x512xf32, #tpu.memory_space<vmem>>, vector<16xf32>,
    %mul3A_613 = arith.mulf %exp3A_576, %div3A_592 : vector<16xf32>
    %swap3A_614 = arith.constant 4 : i32
    %swap3A_615 = arith.index_cast %swap3A_614 : i32 to index
    %swap3A_616 = arith.constant 80 : index
    %swap3A_617 = tpu.vector_load %arg5[%swap3A_615, %swap3A_616] {strides = array<i32>} : memref<8x512xf32, #tpu.memory_space<vmem>>, vector<16xf32>,
    tpu.vector_store %arg5[%swap3A_615, %swap3A_616], %mul3A_613 {strides = array<i32>} : memref<8x512xf32, #tpu.memory_space<vmem>>, vector<16xf32>,
    %mul3A_618 = arith.mulf %exp3A_578, %div3A_592 : vector<16xf32>
    %swap3A_619 = arith.constant 5 : i32
    %swap3A_620 = arith.index_cast %swap3A_619 : i32 to index
    %swap3A_621 = arith.constant 80 : index
    %swap3A_622 = tpu.vector_load %arg5[%swap3A_620, %swap3A_621] {strides = array<i32>} : memref<8x512xf32, #tpu.memory_space<vmem>>, vector<16xf32>,
    tpu.vector_store %arg5[%swap3A_620, %swap3A_621], %mul3A_618 {strides = array<i32>} : memref<8x512xf32, #tpu.memory_space<vmem>>, vector<16xf32>,
    %mul3A_623 = arith.mulf %exp3A_580, %div3A_592 : vector<16xf32>
    %swap3A_624 = arith.constant 6 : i32
    %swap3A_625 = arith.index_cast %swap3A_624 : i32 to index
    %swap3A_626 = arith.constant 80 : index
    %swap3A_627 = tpu.vector_load %arg5[%swap3A_625, %swap3A_626] {strides = array<i32>} : memref<8x512xf32, #tpu.memory_space<vmem>>, vector<16xf32>,
    tpu.vector_store %arg5[%swap3A_625, %swap3A_626], %mul3A_623 {strides = array<i32>} : memref<8x512xf32, #tpu.memory_space<vmem>>, vector<16xf32>,
    %mul3A_628 = arith.mulf %exp3A_582, %div3A_592 : vector<16xf32>
    %swap3A_629 = arith.constant 7 : i32
    %swap3A_630 = arith.index_cast %swap3A_629 : i32 to index
    %swap3A_631 = arith.constant 80 : index
    %swap3A_632 = tpu.vector_load %arg5[%swap3A_630, %swap3A_631] {strides = array<i32>} : memref<8x512xf32, #tpu.memory_space<vmem>>, vector<16xf32>,
    tpu.vector_store %arg5[%swap3A_630, %swap3A_631], %mul3A_628 {strides = array<i32>} : memref<8x512xf32, #tpu.memory_space<vmem>>, vector<16xf32>,
    %get3A_633 = arith.constant 0 : i32
    %get3A_634 = arith.index_cast %get3A_633 : i32 to index
    %get3A_635 = arith.constant 96 : index
    %get3A_636 = tpu.vector_load %arg4[%get3A_634, %get3A_635] {strides = array<i32>} : memref<8x512xf32, #tpu.memory_space<vmem>>, vector<16xf32>,
    %get3A_637 = arith.constant 1 : i32
    %get3A_638 = arith.index_cast %get3A_637 : i32 to index
    %get3A_639 = arith.constant 96 : index
    %get3A_640 = tpu.vector_load %arg4[%get3A_638, %get3A_639] {strides = array<i32>} : memref<8x512xf32, #tpu.memory_space<vmem>>, vector<16xf32>,
    %get3A_641 = arith.constant 2 : i32
    %get3A_642 = arith.index_cast %get3A_641 : i32 to index
    %get3A_643 = arith.constant 96 : index
    %get3A_644 = tpu.vector_load %arg4[%get3A_642, %get3A_643] {strides = array<i32>} : memref<8x512xf32, #tpu.memory_space<vmem>>, vector<16xf32>,
    %get3A_645 = arith.constant 3 : i32
    %get3A_646 = arith.index_cast %get3A_645 : i32 to index
    %get3A_647 = arith.constant 96 : index
    %get3A_648 = tpu.vector_load %arg4[%get3A_646, %get3A_647] {strides = array<i32>} : memref<8x512xf32, #tpu.memory_space<vmem>>, vector<16xf32>,
    %get3A_649 = arith.constant 4 : i32
    %get3A_650 = arith.index_cast %get3A_649 : i32 to index
    %get3A_651 = arith.constant 96 : index
    %get3A_652 = tpu.vector_load %arg4[%get3A_650, %get3A_651] {strides = array<i32>} : memref<8x512xf32, #tpu.memory_space<vmem>>, vector<16xf32>,
    %get3A_653 = arith.constant 5 : i32
    %get3A_654 = arith.index_cast %get3A_653 : i32 to index
    %get3A_655 = arith.constant 96 : index
    %get3A_656 = tpu.vector_load %arg4[%get3A_654, %get3A_655] {strides = array<i32>} : memref<8x512xf32, #tpu.memory_space<vmem>>, vector<16xf32>,
    %get3A_657 = arith.constant 6 : i32
    %get3A_658 = arith.index_cast %get3A_657 : i32 to index
    %get3A_659 = arith.constant 96 : index
    %get3A_660 = tpu.vector_load %arg4[%get3A_658, %get3A_659] {strides = array<i32>} : memref<8x512xf32, #tpu.memory_space<vmem>>, vector<16xf32>,
    %get3A_661 = arith.constant 7 : i32
    %get3A_662 = arith.index_cast %get3A_661 : i32 to index
    %get3A_663 = arith.constant 96 : index
    %get3A_664 = tpu.vector_load %arg4[%get3A_662, %get3A_663] {strides = array<i32>} : memref<8x512xf32, #tpu.memory_space<vmem>>, vector<16xf32>,
    %max3A_665 = arith.maximumf %get3A_636, %get3A_640 : vector<16xf32>
    %max3A_666 = arith.maximumf %max3A_665, %get3A_644 : vector<16xf32>
    %max3A_667 = arith.maximumf %max3A_666, %get3A_648 : vector<16xf32>
    %max3A_668 = arith.maximumf %max3A_667, %get3A_652 : vector<16xf32>
    %max3A_669 = arith.maximumf %max3A_668, %get3A_656 : vector<16xf32>
    %max3A_670 = arith.maximumf %max3A_669, %get3A_660 : vector<16xf32>
    %max3A_671 = arith.maximumf %max3A_670, %get3A_664 : vector<16xf32>
    %sub3A_672 = arith.subf %get3A_636, %max3A_671 : vector<16xf32>
    %exp3A_673 = math.exp %sub3A_672 : vector<16xf32>
    %sub3A_674 = arith.subf %get3A_640, %max3A_671 : vector<16xf32>
    %exp3A_675 = math.exp %sub3A_674 : vector<16xf32>
    %sub3A_676 = arith.subf %get3A_644, %max3A_671 : vector<16xf32>
    %exp3A_677 = math.exp %sub3A_676 : vector<16xf32>
    %sub3A_678 = arith.subf %get3A_648, %max3A_671 : vector<16xf32>
    %exp3A_679 = math.exp %sub3A_678 : vector<16xf32>
    %sub3A_680 = arith.subf %get3A_652, %max3A_671 : vector<16xf32>
    %exp3A_681 = math.exp %sub3A_680 : vector<16xf32>
    %sub3A_682 = arith.subf %get3A_656, %max3A_671 : vector<16xf32>
    %exp3A_683 = math.exp %sub3A_682 : vector<16xf32>
    %sub3A_684 = arith.subf %get3A_660, %max3A_671 : vector<16xf32>
    %exp3A_685 = math.exp %sub3A_684 : vector<16xf32>
    %sub3A_686 = arith.subf %get3A_664, %max3A_671 : vector<16xf32>
    %exp3A_687 = math.exp %sub3A_686 : vector<16xf32>
    %add3A_688 = arith.addf %exp3A_673, %exp3A_675 : vector<16xf32>
    %add3A_689 = arith.addf %add3A_688, %exp3A_677 : vector<16xf32>
    %add3A_690 = arith.addf %add3A_689, %exp3A_679 : vector<16xf32>
    %add3A_691 = arith.addf %add3A_690, %exp3A_681 : vector<16xf32>
    %add3A_692 = arith.addf %add3A_691, %exp3A_683 : vector<16xf32>
    %add3A_693 = arith.addf %add3A_692, %exp3A_685 : vector<16xf32>
    %add3A_694 = arith.addf %add3A_693, %exp3A_687 : vector<16xf32>
    %div3A_695 = arith.constant 1.000000e+00 : f32
    %div3A_696 = vector.broadcast %div3A_695 : f32 to vector<16xf32>
    %div3A_697 = arith.divf %div3A_696, %add3A_694 : vector<16xf32>
    %mul3A_698 = arith.mulf %exp3A_673, %div3A_697 : vector<16xf32>
    %swap3A_699 = arith.constant 0 : i32
    %swap3A_700 = arith.index_cast %swap3A_699 : i32 to index
    %swap3A_701 = arith.constant 96 : index
    %swap3A_702 = tpu.vector_load %arg5[%swap3A_700, %swap3A_701] {strides = array<i32>} : memref<8x512xf32, #tpu.memory_space<vmem>>, vector<16xf32>,
    tpu.vector_store %arg5[%swap3A_700, %swap3A_701], %mul3A_698 {strides = array<i32>} : memref<8x512xf32, #tpu.memory_space<vmem>>, vector<16xf32>,
    %mul3A_703 = arith.mulf %exp3A_675, %div3A_697 : vector<16xf32>
    %swap3A_704 = arith.constant 1 : i32
    %swap3A_705 = arith.index_cast %swap3A_704 : i32 to index
    %swap3A_706 = arith.constant 96 : index
    %swap3A_707 = tpu.vector_load %arg5[%swap3A_705, %swap3A_706] {strides = array<i32>} : memref<8x512xf32, #tpu.memory_space<vmem>>, vector<16xf32>,
    tpu.vector_store %arg5[%swap3A_705, %swap3A_706], %mul3A_703 {strides = array<i32>} : memref<8x512xf32, #tpu.memory_space<vmem>>, vector<16xf32>,
    %mul3A_708 = arith.mulf %exp3A_677, %div3A_697 : vector<16xf32>
    %swap3A_709 = arith.constant 2 : i32
    %swap3A_710 = arith.index_cast %swap3A_709 : i32 to index
    %swap3A_711 = arith.constant 96 : index
    %swap3A_712 = tpu.vector_load %arg5[%swap3A_710, %swap3A_711] {strides = array<i32>} : memref<8x512xf32, #tpu.memory_space<vmem>>, vector<16xf32>,
    tpu.vector_store %arg5[%swap3A_710, %swap3A_711], %mul3A_708 {strides = array<i32>} : memref<8x512xf32, #tpu.memory_space<vmem>>, vector<16xf32>,
    %mul3A_713 = arith.mulf %exp3A_679, %div3A_697 : vector<16xf32>
    %swap3A_714 = arith.constant 3 : i32
    %swap3A_715 = arith.index_cast %swap3A_714 : i32 to index
    %swap3A_716 = arith.constant 96 : index
    %swap3A_717 = tpu.vector_load %arg5[%swap3A_715, %swap3A_716] {strides = array<i32>} : memref<8x512xf32, #tpu.memory_space<vmem>>, vector<16xf32>,
    tpu.vector_store %arg5[%swap3A_715, %swap3A_716], %mul3A_713 {strides = array<i32>} : memref<8x512xf32, #tpu.memory_space<vmem>>, vector<16xf32>,
    %mul3A_718 = arith.mulf %exp3A_681, %div3A_697 : vector<16xf32>
    %swap3A_719 = arith.constant 4 : i32
    %swap3A_720 = arith.index_cast %swap3A_719 : i32 to index
    %swap3A_721 = arith.constant 96 : index
    %swap3A_722 = tpu.vector_load %arg5[%swap3A_720, %swap3A_721] {strides = array<i32>} : memref<8x512xf32, #tpu.memory_space<vmem>>, vector<16xf32>,
    tpu.vector_store %arg5[%swap3A_720, %swap3A_721], %mul3A_718 {strides = array<i32>} : memref<8x512xf32, #tpu.memory_space<vmem>>, vector<16xf32>,
    %mul3A_723 = arith.mulf %exp3A_683, %div3A_697 : vector<16xf32>
    %swap3A_724 = arith.constant 5 : i32
    %swap3A_725 = arith.index_cast %swap3A_724 : i32 to index
    %swap3A_726 = arith.constant 96 : index
    %swap3A_727 = tpu.vector_load %arg5[%swap3A_725, %swap3A_726] {strides = array<i32>} : memref<8x512xf32, #tpu.memory_space<vmem>>, vector<16xf32>,
    tpu.vector_store %arg5[%swap3A_725, %swap3A_726], %mul3A_723 {strides = array<i32>} : memref<8x512xf32, #tpu.memory_space<vmem>>, vector<16xf32>,
    %mul3A_728 = arith.mulf %exp3A_685, %div3A_697 : vector<16xf32>
    %swap3A_729 = arith.constant 6 : i32
    %swap3A_730 = arith.index_cast %swap3A_729 : i32 to index
    %swap3A_731 = arith.constant 96 : index
    %swap3A_732 = tpu.vector_load %arg5[%swap3A_730, %swap3A_731] {strides = array<i32>} : memref<8x512xf32, #tpu.memory_space<vmem>>, vector<16xf32>,
    tpu.vector_store %arg5[%swap3A_730, %swap3A_731], %mul3A_728 {strides = array<i32>} : memref<8x512xf32, #tpu.memory_space<vmem>>, vector<16xf32>,
    %mul3A_733 = arith.mulf %exp3A_687, %div3A_697 : vector<16xf32>
    %swap3A_734 = arith.constant 7 : i32
    %swap3A_735 = arith.index_cast %swap3A_734 : i32 to index
    %swap3A_736 = arith.constant 96 : index
    %swap3A_737 = tpu.vector_load %arg5[%swap3A_735, %swap3A_736] {strides = array<i32>} : memref<8x512xf32, #tpu.memory_space<vmem>>, vector<16xf32>,
    tpu.vector_store %arg5[%swap3A_735, %swap3A_736], %mul3A_733 {strides = array<i32>} : memref<8x512xf32, #tpu.memory_space<vmem>>, vector<16xf32>,
    %get3A_738 = arith.constant 0 : i32
    %get3A_739 = arith.index_cast %get3A_738 : i32 to index
    %get3A_740 = arith.constant 112 : index
    %get3A_741 = tpu.vector_load %arg4[%get3A_739, %get3A_740] {strides = array<i32>} : memref<8x512xf32, #tpu.memory_space<vmem>>, vector<16xf32>,
    %get3A_742 = arith.constant 1 : i32
    %get3A_743 = arith.index_cast %get3A_742 : i32 to index
    %get3A_744 = arith.constant 112 : index
    %get3A_745 = tpu.vector_load %arg4[%get3A_743, %get3A_744] {strides = array<i32>} : memref<8x512xf32, #tpu.memory_space<vmem>>, vector<16xf32>,
    %get3A_746 = arith.constant 2 : i32
    %get3A_747 = arith.index_cast %get3A_746 : i32 to index
    %get3A_748 = arith.constant 112 : index
    %get3A_749 = tpu.vector_load %arg4[%get3A_747, %get3A_748] {strides = array<i32>} : memref<8x512xf32, #tpu.memory_space<vmem>>, vector<16xf32>,
    %get3A_750 = arith.constant 3 : i32
    %get3A_751 = arith.index_cast %get3A_750 : i32 to index
    %get3A_752 = arith.constant 112 : index
    %get3A_753 = tpu.vector_load %arg4[%get3A_751, %get3A_752] {strides = array<i32>} : memref<8x512xf32, #tpu.memory_space<vmem>>, vector<16xf32>,
    %get3A_754 = arith.constant 4 : i32
    %get3A_755 = arith.index_cast %get3A_754 : i32 to index
    %get3A_756 = arith.constant 112 : index
    %get3A_757 = tpu.vector_load %arg4[%get3A_755, %get3A_756] {strides = array<i32>} : memref<8x512xf32, #tpu.memory_space<vmem>>, vector<16xf32>,
    %get3A_758 = arith.constant 5 : i32
    %get3A_759 = arith.index_cast %get3A_758 : i32 to index
    %get3A_760 = arith.constant 112 : index
    %get3A_761 = tpu.vector_load %arg4[%get3A_759, %get3A_760] {strides = array<i32>} : memref<8x512xf32, #tpu.memory_space<vmem>>, vector<16xf32>,
    %get3A_762 = arith.constant 6 : i32
    %get3A_763 = arith.index_cast %get3A_762 : i32 to index
    %get3A_764 = arith.constant 112 : index
    %get3A_765 = tpu.vector_load %arg4[%get3A_763, %get3A_764] {strides = array<i32>} : memref<8x512xf32, #tpu.memory_space<vmem>>, vector<16xf32>,
    %get3A_766 = arith.constant 7 : i32
    %get3A_767 = arith.index_cast %get3A_766 : i32 to index
    %get3A_768 = arith.constant 112 : index
    %get3A_769 = tpu.vector_load %arg4[%get3A_767, %get3A_768] {strides = array<i32>} : memref<8x512xf32, #tpu.memory_space<vmem>>, vector<16xf32>,
    %max3A_770 = arith.maximumf %get3A_741, %get3A_745 : vector<16xf32>
    %max3A_771 = arith.maximumf %max3A_770, %get3A_749 : vector<16xf32>
    %max3A_772 = arith.maximumf %max3A_771, %get3A_753 : vector<16xf32>
    %max3A_773 = arith.maximumf %max3A_772, %get3A_757 : vector<16xf32>
    %max3A_774 = arith.maximumf %max3A_773, %get3A_761 : vector<16xf32>
    %max3A_775 = arith.maximumf %max3A_774, %get3A_765 : vector<16xf32>
    %max3A_776 = arith.maximumf %max3A_775, %get3A_769 : vector<16xf32>
    %sub3A_777 = arith.subf %get3A_741, %max3A_776 : vector<16xf32>
    %exp3A_778 = math.exp %sub3A_777 : vector<16xf32>
    %sub3A_779 = arith.subf %get3A_745, %max3A_776 : vector<16xf32>
    %exp3A_780 = math.exp %sub3A_779 : vector<16xf32>
    %sub3A_781 = arith.subf %get3A_749, %max3A_776 : vector<16xf32>
    %exp3A_782 = math.exp %sub3A_781 : vector<16xf32>
    %sub3A_783 = arith.subf %get3A_753, %max3A_776 : vector<16xf32>
    %exp3A_784 = math.exp %sub3A_783 : vector<16xf32>
    %sub3A_785 = arith.subf %get3A_757, %max3A_776 : vector<16xf32>
    %exp3A_786 = math.exp %sub3A_785 : vector<16xf32>
    %sub3A_787 = arith.subf %get3A_761, %max3A_776 : vector<16xf32>
    %exp3A_788 = math.exp %sub3A_787 : vector<16xf32>
    %sub3A_789 = arith.subf %get3A_765, %max3A_776 : vector<16xf32>
    %exp3A_790 = math.exp %sub3A_789 : vector<16xf32>
    %sub3A_791 = arith.subf %get3A_769, %max3A_776 : vector<16xf32>
    %exp3A_792 = math.exp %sub3A_791 : vector<16xf32>
    %add3A_793 = arith.addf %exp3A_778, %exp3A_780 : vector<16xf32>
    %add3A_794 = arith.addf %add3A_793, %exp3A_782 : vector<16xf32>
    %add3A_795 = arith.addf %add3A_794, %exp3A_784 : vector<16xf32>
    %add3A_796 = arith.addf %add3A_795, %exp3A_786 : vector<16xf32>
    %add3A_797 = arith.addf %add3A_796, %exp3A_788 : vector<16xf32>
    %add3A_798 = arith.addf %add3A_797, %exp3A_790 : vector<16xf32>
    %add3A_799 = arith.addf %add3A_798, %exp3A_792 : vector<16xf32>
    %div3A_800 = arith.constant 1.000000e+00 : f32
    %div3A_801 = vector.broadcast %div3A_800 : f32 to vector<16xf32>
    %div3A_802 = arith.divf %div3A_801, %add3A_799 : vector<16xf32>
    %mul3A_803 = arith.mulf %exp3A_778, %div3A_802 : vector<16xf32>
    %swap3A_804 = arith.constant 0 : i32
    %swap3A_805 = arith.index_cast %swap3A_804 : i32 to index
    %swap3A_806 = arith.constant 112 : index
    %swap3A_807 = tpu.vector_load %arg5[%swap3A_805, %swap3A_806] {strides = array<i32>} : memref<8x512xf32, #tpu.memory_space<vmem>>, vector<16xf32>,
    tpu.vector_store %arg5[%swap3A_805, %swap3A_806], %mul3A_803 {strides = array<i32>} : memref<8x512xf32, #tpu.memory_space<vmem>>, vector<16xf32>,
    %mul3A_808 = arith.mulf %exp3A_780, %div3A_802 : vector<16xf32>
    %swap3A_809 = arith.constant 1 : i32
    %swap3A_810 = arith.index_cast %swap3A_809 : i32 to index
    %swap3A_811 = arith.constant 112 : index
    %swap3A_812 = tpu.vector_load %arg5[%swap3A_810, %swap3A_811] {strides = array<i32>} : memref<8x512xf32, #tpu.memory_space<vmem>>, vector<16xf32>,
    tpu.vector_store %arg5[%swap3A_810, %swap3A_811], %mul3A_808 {strides = array<i32>} : memref<8x512xf32, #tpu.memory_space<vmem>>, vector<16xf32>,
    %mul3A_813 = arith.mulf %exp3A_782, %div3A_802 : vector<16xf32>
    %swap3A_814 = arith.constant 2 : i32
    %swap3A_815 = arith.index_cast %swap3A_814 : i32 to index
    %swap3A_816 = arith.constant 112 : index
    %swap3A_817 = tpu.vector_load %arg5[%swap3A_815, %swap3A_816] {strides = array<i32>} : memref<8x512xf32, #tpu.memory_space<vmem>>, vector<16xf32>,
    tpu.vector_store %arg5[%swap3A_815, %swap3A_816], %mul3A_813 {strides = array<i32>} : memref<8x512xf32, #tpu.memory_space<vmem>>, vector<16xf32>,
    %mul3A_818 = arith.mulf %exp3A_784, %div3A_802 : vector<16xf32>
    %swap3A_819 = arith.constant 3 : i32
    %swap3A_820 = arith.index_cast %swap3A_819 : i32 to index
    %swap3A_821 = arith.constant 112 : index
    %swap3A_822 = tpu.vector_load %arg5[%swap3A_820, %swap3A_821] {strides = array<i32>} : memref<8x512xf32, #tpu.memory_space<vmem>>, vector<16xf32>,
    tpu.vector_store %arg5[%swap3A_820, %swap3A_821], %mul3A_818 {strides = array<i32>} : memref<8x512xf32, #tpu.memory_space<vmem>>, vector<16xf32>,
    %mul3A_823 = arith.mulf %exp3A_786, %div3A_802 : vector<16xf32>
    %swap3A_824 = arith.constant 4 : i32
    %swap3A_825 = arith.index_cast %swap3A_824 : i32 to index
    %swap3A_826 = arith.constant 112 : index
    %swap3A_827 = tpu.vector_load %arg5[%swap3A_825, %swap3A_826] {strides = array<i32>} : memref<8x512xf32, #tpu.memory_space<vmem>>, vector<16xf32>,
    tpu.vector_store %arg5[%swap3A_825, %swap3A_826], %mul3A_823 {strides = array<i32>} : memref<8x512xf32, #tpu.memory_space<vmem>>, vector<16xf32>,
    %mul3A_828 = arith.mulf %exp3A_788, %div3A_802 : vector<16xf32>
    %swap3A_829 = arith.constant 5 : i32
    %swap3A_830 = arith.index_cast %swap3A_829 : i32 to index
    %swap3A_831 = arith.constant 112 : index
    %swap3A_832 = tpu.vector_load %arg5[%swap3A_830, %swap3A_831] {strides = array<i32>} : memref<8x512xf32, #tpu.memory_space<vmem>>, vector<16xf32>,
    tpu.vector_store %arg5[%swap3A_830, %swap3A_831], %mul3A_828 {strides = array<i32>} : memref<8x512xf32, #tpu.memory_space<vmem>>, vector<16xf32>,
    %mul3A_833 = arith.mulf %exp3A_790, %div3A_802 : vector<16xf32>
    %swap3A_834 = arith.constant 6 : i32
    %swap3A_835 = arith.index_cast %swap3A_834 : i32 to index
    %swap3A_836 = arith.constant 112 : index
    %swap3A_837 = tpu.vector_load %arg5[%swap3A_835, %swap3A_836] {strides = array<i32>} : memref<8x512xf32, #tpu.memory_space<vmem>>, vector<16xf32>,
    tpu.vector_store %arg5[%swap3A_835, %swap3A_836], %mul3A_833 {strides = array<i32>} : memref<8x512xf32, #tpu.memory_space<vmem>>, vector<16xf32>,
    %mul3A_838 = arith.mulf %exp3A_792, %div3A_802 : vector<16xf32>
    %swap3A_839 = arith.constant 7 : i32
    %swap3A_840 = arith.index_cast %swap3A_839 : i32 to index
    %swap3A_841 = arith.constant 112 : index
    %swap3A_842 = tpu.vector_load %arg5[%swap3A_840, %swap3A_841] {strides = array<i32>} : memref<8x512xf32, #tpu.memory_space<vmem>>, vector<16xf32>,
    tpu.vector_store %arg5[%swap3A_840, %swap3A_841], %mul3A_838 {strides = array<i32>} : memref<8x512xf32, #tpu.memory_space<vmem>>, vector<16xf32>,
    %get3A_843 = arith.constant 0 : i32
    %get3A_844 = arith.index_cast %get3A_843 : i32 to index
    %get3A_845 = arith.constant 128 : index
    %get3A_846 = tpu.vector_load %arg4[%get3A_844, %get3A_845] {strides = array<i32>} : memref<8x512xf32, #tpu.memory_space<vmem>>, vector<16xf32>,
    %get3A_847 = arith.constant 1 : i32
    %get3A_848 = arith.index_cast %get3A_847 : i32 to index
    %get3A_849 = arith.constant 128 : index
    %get3A_850 = tpu.vector_load %arg4[%get3A_848, %get3A_849] {strides = array<i32>} : memref<8x512xf32, #tpu.memory_space<vmem>>, vector<16xf32>,
    %get3A_851 = arith.constant 2 : i32
    %get3A_852 = arith.index_cast %get3A_851 : i32 to index
    %get3A_853 = arith.constant 128 : index
    %get3A_854 = tpu.vector_load %arg4[%get3A_852, %get3A_853] {strides = array<i32>} : memref<8x512xf32, #tpu.memory_space<vmem>>, vector<16xf32>,
    %get3A_855 = arith.constant 3 : i32
    %get3A_856 = arith.index_cast %get3A_855 : i32 to index
    %get3A_857 = arith.constant 128 : index
    %get3A_858 = tpu.vector_load %arg4[%get3A_856, %get3A_857] {strides = array<i32>} : memref<8x512xf32, #tpu.memory_space<vmem>>, vector<16xf32>,
    %get3A_859 = arith.constant 4 : i32
    %get3A_860 = arith.index_cast %get3A_859 : i32 to index
    %get3A_861 = arith.constant 128 : index
    %get3A_862 = tpu.vector_load %arg4[%get3A_860, %get3A_861] {strides = array<i32>} : memref<8x512xf32, #tpu.memory_space<vmem>>, vector<16xf32>,
    %get3A_863 = arith.constant 5 : i32
    %get3A_864 = arith.index_cast %get3A_863 : i32 to index
    %get3A_865 = arith.constant 128 : index
    %get3A_866 = tpu.vector_load %arg4[%get3A_864, %get3A_865] {strides = array<i32>} : memref<8x512xf32, #tpu.memory_space<vmem>>, vector<16xf32>,
    %get3A_867 = arith.constant 6 : i32
    %get3A_868 = arith.index_cast %get3A_867 : i32 to index
    %get3A_869 = arith.constant 128 : index
    %get3A_870 = tpu.vector_load %arg4[%get3A_868, %get3A_869] {strides = array<i32>} : memref<8x512xf32, #tpu.memory_space<vmem>>, vector<16xf32>,
    %get3A_871 = arith.constant 7 : i32
    %get3A_872 = arith.index_cast %get3A_871 : i32 to index
    %get3A_873 = arith.constant 128 : index
    %get3A_874 = tpu.vector_load %arg4[%get3A_872, %get3A_873] {strides = array<i32>} : memref<8x512xf32, #tpu.memory_space<vmem>>, vector<16xf32>,
    %max3A_875 = arith.maximumf %get3A_846, %get3A_850 : vector<16xf32>
    %max3A_876 = arith.maximumf %max3A_875, %get3A_854 : vector<16xf32>
    %max3A_877 = arith.maximumf %max3A_876, %get3A_858 : vector<16xf32>
    %max3A_878 = arith.maximumf %max3A_877, %get3A_862 : vector<16xf32>
    %max3A_879 = arith.maximumf %max3A_878, %get3A_866 : vector<16xf32>
    %max3A_880 = arith.maximumf %max3A_879, %get3A_870 : vector<16xf32>
    %max3A_881 = arith.maximumf %max3A_880, %get3A_874 : vector<16xf32>
    %sub3A_882 = arith.subf %get3A_846, %max3A_881 : vector<16xf32>
    %exp3A_883 = math.exp %sub3A_882 : vector<16xf32>
    %sub3A_884 = arith.subf %get3A_850, %max3A_881 : vector<16xf32>
    %exp3A_885 = math.exp %sub3A_884 : vector<16xf32>
    %sub3A_886 = arith.subf %get3A_854, %max3A_881 : vector<16xf32>
    %exp3A_887 = math.exp %sub3A_886 : vector<16xf32>
    %sub3A_888 = arith.subf %get3A_858, %max3A_881 : vector<16xf32>
    %exp3A_889 = math.exp %sub3A_888 : vector<16xf32>
    %sub3A_890 = arith.subf %get3A_862, %max3A_881 : vector<16xf32>
    %exp3A_891 = math.exp %sub3A_890 : vector<16xf32>
    %sub3A_892 = arith.subf %get3A_866, %max3A_881 : vector<16xf32>
    %exp3A_893 = math.exp %sub3A_892 : vector<16xf32>
    %sub3A_894 = arith.subf %get3A_870, %max3A_881 : vector<16xf32>
    %exp3A_895 = math.exp %sub3A_894 : vector<16xf32>
    %sub3A_896 = arith.subf %get3A_874, %max3A_881 : vector<16xf32>
    %exp3A_897 = math.exp %sub3A_896 : vector<16xf32>
    %add3A_898 = arith.addf %exp3A_883, %exp3A_885 : vector<16xf32>
    %add3A_899 = arith.addf %add3A_898, %exp3A_887 : vector<16xf32>
    %add3A_900 = arith.addf %add3A_899, %exp3A_889 : vector<16xf32>
    %add3A_901 = arith.addf %add3A_900, %exp3A_891 : vector<16xf32>
    %add3A_902 = arith.addf %add3A_901, %exp3A_893 : vector<16xf32>
    %add3A_903 = arith.addf %add3A_902, %exp3A_895 : vector<16xf32>
    %add3A_904 = arith.addf %add3A_903, %exp3A_897 : vector<16xf32>
    %div3A_905 = arith.constant 1.000000e+00 : f32
    %div3A_906 = vector.broadcast %div3A_905 : f32 to vector<16xf32>
    %div3A_907 = arith.divf %div3A_906, %add3A_904 : vector<16xf32>
    %mul3A_908 = arith.mulf %exp3A_883, %div3A_907 : vector<16xf32>
    %swap3A_909 = arith.constant 0 : i32
    %swap3A_910 = arith.index_cast %swap3A_909 : i32 to index
    %swap3A_911 = arith.constant 128 : index
    %swap3A_912 = tpu.vector_load %arg5[%swap3A_910, %swap3A_911] {strides = array<i32>} : memref<8x512xf32, #tpu.memory_space<vmem>>, vector<16xf32>,
    tpu.vector_store %arg5[%swap3A_910, %swap3A_911], %mul3A_908 {strides = array<i32>} : memref<8x512xf32, #tpu.memory_space<vmem>>, vector<16xf32>,
    %mul3A_913 = arith.mulf %exp3A_885, %div3A_907 : vector<16xf32>
    %swap3A_914 = arith.constant 1 : i32
    %swap3A_915 = arith.index_cast %swap3A_914 : i32 to index
    %swap3A_916 = arith.constant 128 : index
    %swap3A_917 = tpu.vector_load %arg5[%swap3A_915, %swap3A_916] {strides = array<i32>} : memref<8x512xf32, #tpu.memory_space<vmem>>, vector<16xf32>,
    tpu.vector_store %arg5[%swap3A_915, %swap3A_916], %mul3A_913 {strides = array<i32>} : memref<8x512xf32, #tpu.memory_space<vmem>>, vector<16xf32>,
    %mul3A_918 = arith.mulf %exp3A_887, %div3A_907 : vector<16xf32>
    %swap3A_919 = arith.constant 2 : i32
    %swap3A_920 = arith.index_cast %swap3A_919 : i32 to index
    %swap3A_921 = arith.constant 128 : index
    %swap3A_922 = tpu.vector_load %arg5[%swap3A_920, %swap3A_921] {strides = array<i32>} : memref<8x512xf32, #tpu.memory_space<vmem>>, vector<16xf32>,
    tpu.vector_store %arg5[%swap3A_920, %swap3A_921], %mul3A_918 {strides = array<i32>} : memref<8x512xf32, #tpu.memory_space<vmem>>, vector<16xf32>,
    %mul3A_923 = arith.mulf %exp3A_889, %div3A_907 : vector<16xf32>
    %swap3A_924 = arith.constant 3 : i32
    %swap3A_925 = arith.index_cast %swap3A_924 : i32 to index
    %swap3A_926 = arith.constant 128 : index
    %swap3A_927 = tpu.vector_load %arg5[%swap3A_925, %swap3A_926] {strides = array<i32>} : memref<8x512xf32, #tpu.memory_space<vmem>>, vector<16xf32>,
    tpu.vector_store %arg5[%swap3A_925, %swap3A_926], %mul3A_923 {strides = array<i32>} : memref<8x512xf32, #tpu.memory_space<vmem>>, vector<16xf32>,
    %mul3A_928 = arith.mulf %exp3A_891, %div3A_907 : vector<16xf32>
    %swap3A_929 = arith.constant 4 : i32
    %swap3A_930 = arith.index_cast %swap3A_929 : i32 to index
    %swap3A_931 = arith.constant 128 : index
    %swap3A_932 = tpu.vector_load %arg5[%swap3A_930, %swap3A_931] {strides = array<i32>} : memref<8x512xf32, #tpu.memory_space<vmem>>, vector<16xf32>,
    tpu.vector_store %arg5[%swap3A_930, %swap3A_931], %mul3A_928 {strides = array<i32>} : memref<8x512xf32, #tpu.memory_space<vmem>>, vector<16xf32>,
    %mul3A_933 = arith.mulf %exp3A_893, %div3A_907 : vector<16xf32>
    %swap3A_934 = arith.constant 5 : i32
    %swap3A_935 = arith.index_cast %swap3A_934 : i32 to index
    %swap3A_936 = arith.constant 128 : index
    %swap3A_937 = tpu.vector_load %arg5[%swap3A_935, %swap3A_936] {strides = array<i32>} : memref<8x512xf32, #tpu.memory_space<vmem>>, vector<16xf32>,
    tpu.vector_store %arg5[%swap3A_935, %swap3A_936], %mul3A_933 {strides = array<i32>} : memref<8x512xf32, #tpu.memory_space<vmem>>, vector<16xf32>,
    %mul3A_938 = arith.mulf %exp3A_895, %div3A_907 : vector<16xf32>
    %swap3A_939 = arith.constant 6 : i32
    %swap3A_940 = arith.index_cast %swap3A_939 : i32 to index
    %swap3A_941 = arith.constant 128 : index
    %swap3A_942 = tpu.vector_load %arg5[%swap3A_940, %swap3A_941] {strides = array<i32>} : memref<8x512xf32, #tpu.memory_space<vmem>>, vector<16xf32>,
    tpu.vector_store %arg5[%swap3A_940, %swap3A_941], %mul3A_938 {strides = array<i32>} : memref<8x512xf32, #tpu.memory_space<vmem>>, vector<16xf32>,
    %mul3A_943 = arith.mulf %exp3A_897, %div3A_907 : vector<16xf32>
    %swap3A_944 = arith.constant 7 : i32
    %swap3A_945 = arith.index_cast %swap3A_944 : i32 to index
    %swap3A_946 = arith.constant 128 : index
    %swap3A_947 = tpu.vector_load %arg5[%swap3A_945, %swap3A_946] {strides = array<i32>} : memref<8x512xf32, #tpu.memory_space<vmem>>, vector<16xf32>,
    tpu.vector_store %arg5[%swap3A_945, %swap3A_946], %mul3A_943 {strides = array<i32>} : memref<8x512xf32, #tpu.memory_space<vmem>>, vector<16xf32>,
    %get3A_948 = arith.constant 0 : i32
    %get3A_949 = arith.index_cast %get3A_948 : i32 to index
    %get3A_950 = arith.constant 144 : index
    %get3A_951 = tpu.vector_load %arg4[%get3A_949, %get3A_950] {strides = array<i32>} : memref<8x512xf32, #tpu.memory_space<vmem>>, vector<16xf32>,
    %get3A_952 = arith.constant 1 : i32
    %get3A_953 = arith.index_cast %get3A_952 : i32 to index
    %get3A_954 = arith.constant 144 : index
    %get3A_955 = tpu.vector_load %arg4[%get3A_953, %get3A_954] {strides = array<i32>} : memref<8x512xf32, #tpu.memory_space<vmem>>, vector<16xf32>,
    %get3A_956 = arith.constant 2 : i32
    %get3A_957 = arith.index_cast %get3A_956 : i32 to index
    %get3A_958 = arith.constant 144 : index
    %get3A_959 = tpu.vector_load %arg4[%get3A_957, %get3A_958] {strides = array<i32>} : memref<8x512xf32, #tpu.memory_space<vmem>>, vector<16xf32>,
    %get3A_960 = arith.constant 3 : i32
    %get3A_961 = arith.index_cast %get3A_960 : i32 to index
    %get3A_962 = arith.constant 144 : index
    %get3A_963 = tpu.vector_load %arg4[%get3A_961, %get3A_962] {strides = array<i32>} : memref<8x512xf32, #tpu.memory_space<vmem>>, vector<16xf32>,
    %get3A_964 = arith.constant 4 : i32
    %get3A_965 = arith.index_cast %get3A_964 : i32 to index
    %get3A_966 = arith.constant 144 : index
    %get3A_967 = tpu.vector_load %arg4[%get3A_965, %get3A_966] {strides = array<i32>} : memref<8x512xf32, #tpu.memory_space<vmem>>, vector<16xf32>,
    %get3A_968 = arith.constant 5 : i32
    %get3A_969 = arith.index_cast %get3A_968 : i32 to index
    %get3A_970 = arith.constant 144 : index
    %get3A_971 = tpu.vector_load %arg4[%get3A_969, %get3A_970] {strides = array<i32>} : memref<8x512xf32, #tpu.memory_space<vmem>>, vector<16xf32>,
    %get3A_972 = arith.constant 6 : i32
    %get3A_973 = arith.index_cast %get3A_972 : i32 to index
    %get3A_974 = arith.constant 144 : index
    %get3A_975 = tpu.vector_load %arg4[%get3A_973, %get3A_974] {strides = array<i32>} : memref<8x512xf32, #tpu.memory_space<vmem>>, vector<16xf32>,
    %get3A_976 = arith.constant 7 : i32
    %get3A_977 = arith.index_cast %get3A_976 : i32 to index
    %get3A_978 = arith.constant 144 : index
    %get3A_979 = tpu.vector_load %arg4[%get3A_977, %get3A_978] {strides = array<i32>} : memref<8x512xf32, #tpu.memory_space<vmem>>, vector<16xf32>,
    %max3A_980 = arith.maximumf %get3A_951, %get3A_955 : vector<16xf32>
    %max3A_981 = arith.maximumf %max3A_980, %get3A_959 : vector<16xf32>
    %max3A_982 = arith.maximumf %max3A_981, %get3A_963 : vector<16xf32>
    %max3A_983 = arith.maximumf %max3A_982, %get3A_967 : vector<16xf32>
    %max3A_984 = arith.maximumf %max3A_983, %get3A_971 : vector<16xf32>
    %max3A_985 = arith.maximumf %max3A_984, %get3A_975 : vector<16xf32>
    %max3A_986 = arith.maximumf %max3A_985, %get3A_979 : vector<16xf32>
    %sub3A_987 = arith.subf %get3A_951, %max3A_986 : vector<16xf32>
    %exp3A_988 = math.exp %sub3A_987 : vector<16xf32>
    %sub3A_989 = arith.subf %get3A_955, %max3A_986 : vector<16xf32>
    %exp3A_990 = math.exp %sub3A_989 : vector<16xf32>
    %sub3A_991 = arith.subf %get3A_959, %max3A_986 : vector<16xf32>
    %exp3A_992 = math.exp %sub3A_991 : vector<16xf32>
    %sub3A_993 = arith.subf %get3A_963, %max3A_986 : vector<16xf32>
    %exp3A_994 = math.exp %sub3A_993 : vector<16xf32>
    %sub3A_995 = arith.subf %get3A_967, %max3A_986 : vector<16xf32>
    %exp3A_996 = math.exp %sub3A_995 : vector<16xf32>
    %sub3A_997 = arith.subf %get3A_971, %max3A_986 : vector<16xf32>
    %exp3A_998 = math.exp %sub3A_997 : vector<16xf32>
    %sub3A_999 = arith.subf %get3A_975, %max3A_986 : vector<16xf32>
    %exp3A_1000 = math.exp %sub3A_999 : vector<16xf32>
    %sub3A_1001 = arith.subf %get3A_979, %max3A_986 : vector<16xf32>
    %exp3A_1002 = math.exp %sub3A_1001 : vector<16xf32>
    %add3A_1003 = arith.addf %exp3A_988, %exp3A_990 : vector<16xf32>
    %add3A_1004 = arith.addf %add3A_1003, %exp3A_992 : vector<16xf32>
    %add3A_1005 = arith.addf %add3A_1004, %exp3A_994 : vector<16xf32>
    %add3A_1006 = arith.addf %add3A_1005, %exp3A_996 : vector<16xf32>
    %add3A_1007 = arith.addf %add3A_1006, %exp3A_998 : vector<16xf32>
    %add3A_1008 = arith.addf %add3A_1007, %exp3A_1000 : vector<16xf32>
    %add3A_1009 = arith.addf %add3A_1008, %exp3A_1002 : vector<16xf32>
    %div3A_1010 = arith.constant 1.000000e+00 : f32
    %div3A_1011 = vector.broadcast %div3A_1010 : f32 to vector<16xf32>
    %div3A_1012 = arith.divf %div3A_1011, %add3A_1009 : vector<16xf32>
    %mul3A_1013 = arith.mulf %exp3A_988, %div3A_1012 : vector<16xf32>
    %swap3A_1014 = arith.constant 0 : i32
    %swap3A_1015 = arith.index_cast %swap3A_1014 : i32 to index
    %swap3A_1016 = arith.constant 144 : index
    %swap3A_1017 = tpu.vector_load %arg5[%swap3A_1015, %swap3A_1016] {strides = array<i32>} : memref<8x512xf32, #tpu.memory_space<vmem>>, vector<16xf32>,
    tpu.vector_store %arg5[%swap3A_1015, %swap3A_1016], %mul3A_1013 {strides = array<i32>} : memref<8x512xf32, #tpu.memory_space<vmem>>, vector<16xf32>,
    %mul3A_1018 = arith.mulf %exp3A_990, %div3A_1012 : vector<16xf32>
    %swap3A_1019 = arith.constant 1 : i32
    %swap3A_1020 = arith.index_cast %swap3A_1019 : i32 to index
    %swap3A_1021 = arith.constant 144 : index
    %swap3A_1022 = tpu.vector_load %arg5[%swap3A_1020, %swap3A_1021] {strides = array<i32>} : memref<8x512xf32, #tpu.memory_space<vmem>>, vector<16xf32>,
    tpu.vector_store %arg5[%swap3A_1020, %swap3A_1021], %mul3A_1018 {strides = array<i32>} : memref<8x512xf32, #tpu.memory_space<vmem>>, vector<16xf32>,
    %mul3A_1023 = arith.mulf %exp3A_992, %div3A_1012 : vector<16xf32>
    %swap3A_1024 = arith.constant 2 : i32
    %swap3A_1025 = arith.index_cast %swap3A_1024 : i32 to index
    %swap3A_1026 = arith.constant 144 : index
    %swap3A_1027 = tpu.vector_load %arg5[%swap3A_1025, %swap3A_1026] {strides = array<i32>} : memref<8x512xf32, #tpu.memory_space<vmem>>, vector<16xf32>,
    tpu.vector_store %arg5[%swap3A_1025, %swap3A_1026], %mul3A_1023 {strides = array<i32>} : memref<8x512xf32, #tpu.memory_space<vmem>>, vector<16xf32>,
    %mul3A_1028 = arith.mulf %exp3A_994, %div3A_1012 : vector<16xf32>
    %swap3A_1029 = arith.constant 3 : i32
    %swap3A_1030 = arith.index_cast %swap3A_1029 : i32 to index
    %swap3A_1031 = arith.constant 144 : index
    %swap3A_1032 = tpu.vector_load %arg5[%swap3A_1030, %swap3A_1031] {strides = array<i32>} : memref<8x512xf32, #tpu.memory_space<vmem>>, vector<16xf32>,
    tpu.vector_store %arg5[%swap3A_1030, %swap3A_1031], %mul3A_1028 {strides = array<i32>} : memref<8x512xf32, #tpu.memory_space<vmem>>, vector<16xf32>,
    %mul3A_1033 = arith.mulf %exp3A_996, %div3A_1012 : vector<16xf32>
    %swap3A_1034 = arith.constant 4 : i32
    %swap3A_1035 = arith.index_cast %swap3A_1034 : i32 to index
    %swap3A_1036 = arith.constant 144 : index
    %swap3A_1037 = tpu.vector_load %arg5[%swap3A_1035, %swap3A_1036] {strides = array<i32>} : memref<8x512xf32, #tpu.memory_space<vmem>>, vector<16xf32>,
    tpu.vector_store %arg5[%swap3A_1035, %swap3A_1036], %mul3A_1033 {strides = array<i32>} : memref<8x512xf32, #tpu.memory_space<vmem>>, vector<16xf32>,
    %mul3A_1038 = arith.mulf %exp3A_998, %div3A_1012 : vector<16xf32>
    %swap3A_1039 = arith.constant 5 : i32
    %swap3A_1040 = arith.index_cast %swap3A_1039 : i32 to index
    %swap3A_1041 = arith.constant 144 : index
    %swap3A_1042 = tpu.vector_load %arg5[%swap3A_1040, %swap3A_1041] {strides = array<i32>} : memref<8x512xf32, #tpu.memory_space<vmem>>, vector<16xf32>,
    tpu.vector_store %arg5[%swap3A_1040, %swap3A_1041], %mul3A_1038 {strides = array<i32>} : memref<8x512xf32, #tpu.memory_space<vmem>>, vector<16xf32>,
    %mul3A_1043 = arith.mulf %exp3A_1000, %div3A_1012 : vector<16xf32>
    %swap3A_1044 = arith.constant 6 : i32
    %swap3A_1045 = arith.index_cast %swap3A_1044 : i32 to index
    %swap3A_1046 = arith.constant 144 : index
    %swap3A_1047 = tpu.vector_load %arg5[%swap3A_1045, %swap3A_1046] {strides = array<i32>} : memref<8x512xf32, #tpu.memory_space<vmem>>, vector<16xf32>,
    tpu.vector_store %arg5[%swap3A_1045, %swap3A_1046], %mul3A_1043 {strides = array<i32>} : memref<8x512xf32, #tpu.memory_space<vmem>>, vector<16xf32>,
    %mul3A_1048 = arith.mulf %exp3A_1002, %div3A_1012 : vector<16xf32>
    %swap3A_1049 = arith.constant 7 : i32
    %swap3A_1050 = arith.index_cast %swap3A_1049 : i32 to index
    %swap3A_1051 = arith.constant 144 : index
    %swap3A_1052 = tpu.vector_load %arg5[%swap3A_1050, %swap3A_1051] {strides = array<i32>} : memref<8x512xf32, #tpu.memory_space<vmem>>, vector<16xf32>,
    tpu.vector_store %arg5[%swap3A_1050, %swap3A_1051], %mul3A_1048 {strides = array<i32>} : memref<8x512xf32, #tpu.memory_space<vmem>>, vector<16xf32>,
    %get3A_1053 = arith.constant 0 : i32
    %get3A_1054 = arith.index_cast %get3A_1053 : i32 to index
    %get3A_1055 = arith.constant 160 : index
    %get3A_1056 = tpu.vector_load %arg4[%get3A_1054, %get3A_1055] {strides = array<i32>} : memref<8x512xf32, #tpu.memory_space<vmem>>, vector<16xf32>,
    %get3A_1057 = arith.constant 1 : i32
    %get3A_1058 = arith.index_cast %get3A_1057 : i32 to index
    %get3A_1059 = arith.constant 160 : index
    %get3A_1060 = tpu.vector_load %arg4[%get3A_1058, %get3A_1059] {strides = array<i32>} : memref<8x512xf32, #tpu.memory_space<vmem>>, vector<16xf32>,
    %get3A_1061 = arith.constant 2 : i32
    %get3A_1062 = arith.index_cast %get3A_1061 : i32 to index
    %get3A_1063 = arith.constant 160 : index
    %get3A_1064 = tpu.vector_load %arg4[%get3A_1062, %get3A_1063] {strides = array<i32>} : memref<8x512xf32, #tpu.memory_space<vmem>>, vector<16xf32>,
    %get3A_1065 = arith.constant 3 : i32
    %get3A_1066 = arith.index_cast %get3A_1065 : i32 to index
    %get3A_1067 = arith.constant 160 : index
    %get3A_1068 = tpu.vector_load %arg4[%get3A_1066, %get3A_1067] {strides = array<i32>} : memref<8x512xf32, #tpu.memory_space<vmem>>, vector<16xf32>,
    %get3A_1069 = arith.constant 4 : i32
    %get3A_1070 = arith.index_cast %get3A_1069 : i32 to index
    %get3A_1071 = arith.constant 160 : index
    %get3A_1072 = tpu.vector_load %arg4[%get3A_1070, %get3A_1071] {strides = array<i32>} : memref<8x512xf32, #tpu.memory_space<vmem>>, vector<16xf32>,
    %get3A_1073 = arith.constant 5 : i32
    %get3A_1074 = arith.index_cast %get3A_1073 : i32 to index
    %get3A_1075 = arith.constant 160 : index
    %get3A_1076 = tpu.vector_load %arg4[%get3A_1074, %get3A_1075] {strides = array<i32>} : memref<8x512xf32, #tpu.memory_space<vmem>>, vector<16xf32>,
    %get3A_1077 = arith.constant 6 : i32
    %get3A_1078 = arith.index_cast %get3A_1077 : i32 to index
    %get3A_1079 = arith.constant 160 : index
    %get3A_1080 = tpu.vector_load %arg4[%get3A_1078, %get3A_1079] {strides = array<i32>} : memref<8x512xf32, #tpu.memory_space<vmem>>, vector<16xf32>,
    %get3A_1081 = arith.constant 7 : i32
    %get3A_1082 = arith.index_cast %get3A_1081 : i32 to index
    %get3A_1083 = arith.constant 160 : index
    %get3A_1084 = tpu.vector_load %arg4[%get3A_1082, %get3A_1083] {strides = array<i32>} : memref<8x512xf32, #tpu.memory_space<vmem>>, vector<16xf32>,
    %max3A_1085 = arith.maximumf %get3A_1056, %get3A_1060 : vector<16xf32>
    %max3A_1086 = arith.maximumf %max3A_1085, %get3A_1064 : vector<16xf32>
    %max3A_1087 = arith.maximumf %max3A_1086, %get3A_1068 : vector<16xf32>
    %max3A_1088 = arith.maximumf %max3A_1087, %get3A_1072 : vector<16xf32>
    %max3A_1089 = arith.maximumf %max3A_1088, %get3A_1076 : vector<16xf32>
    %max3A_1090 = arith.maximumf %max3A_1089, %get3A_1080 : vector<16xf32>
    %max3A_1091 = arith.maximumf %max3A_1090, %get3A_1084 : vector<16xf32>
    %sub3A_1092 = arith.subf %get3A_1056, %max3A_1091 : vector<16xf32>
    %exp3A_1093 = math.exp %sub3A_1092 : vector<16xf32>
    %sub3A_1094 = arith.subf %get3A_1060, %max3A_1091 : vector<16xf32>
    %exp3A_1095 = math.exp %sub3A_1094 : vector<16xf32>
    %sub3A_1096 = arith.subf %get3A_1064, %max3A_1091 : vector<16xf32>
    %exp3A_1097 = math.exp %sub3A_1096 : vector<16xf32>
    %sub3A_1098 = arith.subf %get3A_1068, %max3A_1091 : vector<16xf32>
    %exp3A_1099 = math.exp %sub3A_1098 : vector<16xf32>
    %sub3A_1100 = arith.subf %get3A_1072, %max3A_1091 : vector<16xf32>
    %exp3A_1101 = math.exp %sub3A_1100 : vector<16xf32>
    %sub3A_1102 = arith.subf %get3A_1076, %max3A_1091 : vector<16xf32>
    %exp3A_1103 = math.exp %sub3A_1102 : vector<16xf32>
    %sub3A_1104 = arith.subf %get3A_1080, %max3A_1091 : vector<16xf32>
    %exp3A_1105 = math.exp %sub3A_1104 : vector<16xf32>
    %sub3A_1106 = arith.subf %get3A_1084, %max3A_1091 : vector<16xf32>
    %exp3A_1107 = math.exp %sub3A_1106 : vector<16xf32>
    %add3A_1108 = arith.addf %exp3A_1093, %exp3A_1095 : vector<16xf32>
    %add3A_1109 = arith.addf %add3A_1108, %exp3A_1097 : vector<16xf32>
    %add3A_1110 = arith.addf %add3A_1109, %exp3A_1099 : vector<16xf32>
    %add3A_1111 = arith.addf %add3A_1110, %exp3A_1101 : vector<16xf32>
    %add3A_1112 = arith.addf %add3A_1111, %exp3A_1103 : vector<16xf32>
    %add3A_1113 = arith.addf %add3A_1112, %exp3A_1105 : vector<16xf32>
    %add3A_1114 = arith.addf %add3A_1113, %exp3A_1107 : vector<16xf32>
    %div3A_1115 = arith.constant 1.000000e+00 : f32
    %div3A_1116 = vector.broadcast %div3A_1115 : f32 to vector<16xf32>
    %div3A_1117 = arith.divf %div3A_1116, %add3A_1114 : vector<16xf32>
    %mul3A_1118 = arith.mulf %exp3A_1093, %div3A_1117 : vector<16xf32>
    %swap3A_1119 = arith.constant 0 : i32
    %swap3A_1120 = arith.index_cast %swap3A_1119 : i32 to index
    %swap3A_1121 = arith.constant 160 : index
    %swap3A_1122 = tpu.vector_load %arg5[%swap3A_1120, %swap3A_1121] {strides = array<i32>} : memref<8x512xf32, #tpu.memory_space<vmem>>, vector<16xf32>,
    tpu.vector_store %arg5[%swap3A_1120, %swap3A_1121], %mul3A_1118 {strides = array<i32>} : memref<8x512xf32, #tpu.memory_space<vmem>>, vector<16xf32>,
    %mul3A_1123 = arith.mulf %exp3A_1095, %div3A_1117 : vector<16xf32>
    %swap3A_1124 = arith.constant 1 : i32
    %swap3A_1125 = arith.index_cast %swap3A_1124 : i32 to index
    %swap3A_1126 = arith.constant 160 : index
    %swap3A_1127 = tpu.vector_load %arg5[%swap3A_1125, %swap3A_1126] {strides = array<i32>} : memref<8x512xf32, #tpu.memory_space<vmem>>, vector<16xf32>,
    tpu.vector_store %arg5[%swap3A_1125, %swap3A_1126], %mul3A_1123 {strides = array<i32>} : memref<8x512xf32, #tpu.memory_space<vmem>>, vector<16xf32>,
    %mul3A_1128 = arith.mulf %exp3A_1097, %div3A_1117 : vector<16xf32>
    %swap3A_1129 = arith.constant 2 : i32
    %swap3A_1130 = arith.index_cast %swap3A_1129 : i32 to index
    %swap3A_1131 = arith.constant 160 : index
    %swap3A_1132 = tpu.vector_load %arg5[%swap3A_1130, %swap3A_1131] {strides = array<i32>} : memref<8x512xf32, #tpu.memory_space<vmem>>, vector<16xf32>,
    tpu.vector_store %arg5[%swap3A_1130, %swap3A_1131], %mul3A_1128 {strides = array<i32>} : memref<8x512xf32, #tpu.memory_space<vmem>>, vector<16xf32>,
    %mul3A_1133 = arith.mulf %exp3A_1099, %div3A_1117 : vector<16xf32>
    %swap3A_1134 = arith.constant 3 : i32
    %swap3A_1135 = arith.index_cast %swap3A_1134 : i32 to index
    %swap3A_1136 = arith.constant 160 : index
    %swap3A_1137 = tpu.vector_load %arg5[%swap3A_1135, %swap3A_1136] {strides = array<i32>} : memref<8x512xf32, #tpu.memory_space<vmem>>, vector<16xf32>,
    tpu.vector_store %arg5[%swap3A_1135, %swap3A_1136], %mul3A_1133 {strides = array<i32>} : memref<8x512xf32, #tpu.memory_space<vmem>>, vector<16xf32>,
    %mul3A_1138 = arith.mulf %exp3A_1101, %div3A_1117 : vector<16xf32>
    %swap3A_1139 = arith.constant 4 : i32
    %swap3A_1140 = arith.index_cast %swap3A_1139 : i32 to index
    %swap3A_1141 = arith.constant 160 : index
    %swap3A_1142 = tpu.vector_load %arg5[%swap3A_1140, %swap3A_1141] {strides = array<i32>} : memref<8x512xf32, #tpu.memory_space<vmem>>, vector<16xf32>,
    tpu.vector_store %arg5[%swap3A_1140, %swap3A_1141], %mul3A_1138 {strides = array<i32>} : memref<8x512xf32, #tpu.memory_space<vmem>>, vector<16xf32>,
    %mul3A_1143 = arith.mulf %exp3A_1103, %div3A_1117 : vector<16xf32>
    %swap3A_1144 = arith.constant 5 : i32
    %swap3A_1145 = arith.index_cast %swap3A_1144 : i32 to index
    %swap3A_1146 = arith.constant 160 : index
    %swap3A_1147 = tpu.vector_load %arg5[%swap3A_1145, %swap3A_1146] {strides = array<i32>} : memref<8x512xf32, #tpu.memory_space<vmem>>, vector<16xf32>,
    tpu.vector_store %arg5[%swap3A_1145, %swap3A_1146], %mul3A_1143 {strides = array<i32>} : memref<8x512xf32, #tpu.memory_space<vmem>>, vector<16xf32>,
    %mul3A_1148 = arith.mulf %exp3A_1105, %div3A_1117 : vector<16xf32>
    %swap3A_1149 = arith.constant 6 : i32
    %swap3A_1150 = arith.index_cast %swap3A_1149 : i32 to index
    %swap3A_1151 = arith.constant 160 : index
    %swap3A_1152 = tpu.vector_load %arg5[%swap3A_1150, %swap3A_1151] {strides = array<i32>} : memref<8x512xf32, #tpu.memory_space<vmem>>, vector<16xf32>,
    tpu.vector_store %arg5[%swap3A_1150, %swap3A_1151], %mul3A_1148 {strides = array<i32>} : memref<8x512xf32, #tpu.memory_space<vmem>>, vector<16xf32>,
    %mul3A_1153 = arith.mulf %exp3A_1107, %div3A_1117 : vector<16xf32>
    %swap3A_1154 = arith.constant 7 : i32
    %swap3A_1155 = arith.index_cast %swap3A_1154 : i32 to index
    %swap3A_1156 = arith.constant 160 : index
    %swap3A_1157 = tpu.vector_load %arg5[%swap3A_1155, %swap3A_1156] {strides = array<i32>} : memref<8x512xf32, #tpu.memory_space<vmem>>, vector<16xf32>,
    tpu.vector_store %arg5[%swap3A_1155, %swap3A_1156], %mul3A_1153 {strides = array<i32>} : memref<8x512xf32, #tpu.memory_space<vmem>>, vector<16xf32>,
    %get3A_1158 = arith.constant 0 : i32
    %get3A_1159 = arith.index_cast %get3A_1158 : i32 to index
    %get3A_1160 = arith.constant 176 : index
    %get3A_1161 = tpu.vector_load %arg4[%get3A_1159, %get3A_1160] {strides = array<i32>} : memref<8x512xf32, #tpu.memory_space<vmem>>, vector<16xf32>,
    %get3A_1162 = arith.constant 1 : i32
    %get3A_1163 = arith.index_cast %get3A_1162 : i32 to index
    %get3A_1164 = arith.constant 176 : index
    %get3A_1165 = tpu.vector_load %arg4[%get3A_1163, %get3A_1164] {strides = array<i32>} : memref<8x512xf32, #tpu.memory_space<vmem>>, vector<16xf32>,
    %get3A_1166 = arith.constant 2 : i32
    %get3A_1167 = arith.index_cast %get3A_1166 : i32 to index
    %get3A_1168 = arith.constant 176 : index
    %get3A_1169 = tpu.vector_load %arg4[%get3A_1167, %get3A_1168] {strides = array<i32>} : memref<8x512xf32, #tpu.memory_space<vmem>>, vector<16xf32>,
    %get3A_1170 = arith.constant 3 : i32
    %get3A_1171 = arith.index_cast %get3A_1170 : i32 to index
    %get3A_1172 = arith.constant 176 : index
    %get3A_1173 = tpu.vector_load %arg4[%get3A_1171, %get3A_1172] {strides = array<i32>} : memref<8x512xf32, #tpu.memory_space<vmem>>, vector<16xf32>,
    %get3A_1174 = arith.constant 4 : i32
    %get3A_1175 = arith.index_cast %get3A_1174 : i32 to index
    %get3A_1176 = arith.constant 176 : index
    %get3A_1177 = tpu.vector_load %arg4[%get3A_1175, %get3A_1176] {strides = array<i32>} : memref<8x512xf32, #tpu.memory_space<vmem>>, vector<16xf32>,
    %get3A_1178 = arith.constant 5 : i32
    %get3A_1179 = arith.index_cast %get3A_1178 : i32 to index
    %get3A_1180 = arith.constant 176 : index
    %get3A_1181 = tpu.vector_load %arg4[%get3A_1179, %get3A_1180] {strides = array<i32>} : memref<8x512xf32, #tpu.memory_space<vmem>>, vector<16xf32>,
    %get3A_1182 = arith.constant 6 : i32
    %get3A_1183 = arith.index_cast %get3A_1182 : i32 to index
    %get3A_1184 = arith.constant 176 : index
    %get3A_1185 = tpu.vector_load %arg4[%get3A_1183, %get3A_1184] {strides = array<i32>} : memref<8x512xf32, #tpu.memory_space<vmem>>, vector<16xf32>,
    %get3A_1186 = arith.constant 7 : i32
    %get3A_1187 = arith.index_cast %get3A_1186 : i32 to index
    %get3A_1188 = arith.constant 176 : index
    %get3A_1189 = tpu.vector_load %arg4[%get3A_1187, %get3A_1188] {strides = array<i32>} : memref<8x512xf32, #tpu.memory_space<vmem>>, vector<16xf32>,
    %max3A_1190 = arith.maximumf %get3A_1161, %get3A_1165 : vector<16xf32>
    %max3A_1191 = arith.maximumf %max3A_1190, %get3A_1169 : vector<16xf32>
    %max3A_1192 = arith.maximumf %max3A_1191, %get3A_1173 : vector<16xf32>
    %max3A_1193 = arith.maximumf %max3A_1192, %get3A_1177 : vector<16xf32>
    %max3A_1194 = arith.maximumf %max3A_1193, %get3A_1181 : vector<16xf32>
    %max3A_1195 = arith.maximumf %max3A_1194, %get3A_1185 : vector<16xf32>
    %max3A_1196 = arith.maximumf %max3A_1195, %get3A_1189 : vector<16xf32>
    %sub3A_1197 = arith.subf %get3A_1161, %max3A_1196 : vector<16xf32>
    %exp3A_1198 = math.exp %sub3A_1197 : vector<16xf32>
    %sub3A_1199 = arith.subf %get3A_1165, %max3A_1196 : vector<16xf32>
    %exp3A_1200 = math.exp %sub3A_1199 : vector<16xf32>
    %sub3A_1201 = arith.subf %get3A_1169, %max3A_1196 : vector<16xf32>
    %exp3A_1202 = math.exp %sub3A_1201 : vector<16xf32>
    %sub3A_1203 = arith.subf %get3A_1173, %max3A_1196 : vector<16xf32>
    %exp3A_1204 = math.exp %sub3A_1203 : vector<16xf32>
    %sub3A_1205 = arith.subf %get3A_1177, %max3A_1196 : vector<16xf32>
    %exp3A_1206 = math.exp %sub3A_1205 : vector<16xf32>
    %sub3A_1207 = arith.subf %get3A_1181, %max3A_1196 : vector<16xf32>
    %exp3A_1208 = math.exp %sub3A_1207 : vector<16xf32>
    %sub3A_1209 = arith.subf %get3A_1185, %max3A_1196 : vector<16xf32>
    %exp3A_1210 = math.exp %sub3A_1209 : vector<16xf32>
    %sub3A_1211 = arith.subf %get3A_1189, %max3A_1196 : vector<16xf32>
    %exp3A_1212 = math.exp %sub3A_1211 : vector<16xf32>
    %add3A_1213 = arith.addf %exp3A_1198, %exp3A_1200 : vector<16xf32>
    %add3A_1214 = arith.addf %add3A_1213, %exp3A_1202 : vector<16xf32>
    %add3A_1215 = arith.addf %add3A_1214, %exp3A_1204 : vector<16xf32>
    %add3A_1216 = arith.addf %add3A_1215, %exp3A_1206 : vector<16xf32>
    %add3A_1217 = arith.addf %add3A_1216, %exp3A_1208 : vector<16xf32>
    %add3A_1218 = arith.addf %add3A_1217, %exp3A_1210 : vector<16xf32>
    %add3A_1219 = arith.addf %add3A_1218, %exp3A_1212 : vector<16xf32>
    %div3A_1220 = arith.constant 1.000000e+00 : f32
    %div3A_1221 = vector.broadcast %div3A_1220 : f32 to vector<16xf32>
    %div3A_1222 = arith.divf %div3A_1221, %add3A_1219 : vector<16xf32>
    %mul3A_1223 = arith.mulf %exp3A_1198, %div3A_1222 : vector<16xf32>
    %swap3A_1224 = arith.constant 0 : i32
    %swap3A_1225 = arith.index_cast %swap3A_1224 : i32 to index
    %swap3A_1226 = arith.constant 176 : index
    %swap3A_1227 = tpu.vector_load %arg5[%swap3A_1225, %swap3A_1226] {strides = array<i32>} : memref<8x512xf32, #tpu.memory_space<vmem>>, vector<16xf32>,
    tpu.vector_store %arg5[%swap3A_1225, %swap3A_1226], %mul3A_1223 {strides = array<i32>} : memref<8x512xf32, #tpu.memory_space<vmem>>, vector<16xf32>,
    %mul3A_1228 = arith.mulf %exp3A_1200, %div3A_1222 : vector<16xf32>
    %swap3A_1229 = arith.constant 1 : i32
    %swap3A_1230 = arith.index_cast %swap3A_1229 : i32 to index
    %swap3A_1231 = arith.constant 176 : index
    %swap3A_1232 = tpu.vector_load %arg5[%swap3A_1230, %swap3A_1231] {strides = array<i32>} : memref<8x512xf32, #tpu.memory_space<vmem>>, vector<16xf32>,
    tpu.vector_store %arg5[%swap3A_1230, %swap3A_1231], %mul3A_1228 {strides = array<i32>} : memref<8x512xf32, #tpu.memory_space<vmem>>, vector<16xf32>,
    %mul3A_1233 = arith.mulf %exp3A_1202, %div3A_1222 : vector<16xf32>
    %swap3A_1234 = arith.constant 2 : i32
    %swap3A_1235 = arith.index_cast %swap3A_1234 : i32 to index
    %swap3A_1236 = arith.constant 176 : index
    %swap3A_1237 = tpu.vector_load %arg5[%swap3A_1235, %swap3A_1236] {strides = array<i32>} : memref<8x512xf32, #tpu.memory_space<vmem>>, vector<16xf32>,
    tpu.vector_store %arg5[%swap3A_1235, %swap3A_1236], %mul3A_1233 {strides = array<i32>} : memref<8x512xf32, #tpu.memory_space<vmem>>, vector<16xf32>,
    %mul3A_1238 = arith.mulf %exp3A_1204, %div3A_1222 : vector<16xf32>
    %swap3A_1239 = arith.constant 3 : i32
    %swap3A_1240 = arith.index_cast %swap3A_1239 : i32 to index
    %swap3A_1241 = arith.constant 176 : index
    %swap3A_1242 = tpu.vector_load %arg5[%swap3A_1240, %swap3A_1241] {strides = array<i32>} : memref<8x512xf32, #tpu.memory_space<vmem>>, vector<16xf32>,
    tpu.vector_store %arg5[%swap3A_1240, %swap3A_1241], %mul3A_1238 {strides = array<i32>} : memref<8x512xf32, #tpu.memory_space<vmem>>, vector<16xf32>,
    %mul3A_1243 = arith.mulf %exp3A_1206, %div3A_1222 : vector<16xf32>
    %swap3A_1244 = arith.constant 4 : i32
    %swap3A_1245 = arith.index_cast %swap3A_1244 : i32 to index
    %swap3A_1246 = arith.constant 176 : index
    %swap3A_1247 = tpu.vector_load %arg5[%swap3A_1245, %swap3A_1246] {strides = array<i32>} : memref<8x512xf32, #tpu.memory_space<vmem>>, vector<16xf32>,
    tpu.vector_store %arg5[%swap3A_1245, %swap3A_1246], %mul3A_1243 {strides = array<i32>} : memref<8x512xf32, #tpu.memory_space<vmem>>, vector<16xf32>,
    %mul3A_1248 = arith.mulf %exp3A_1208, %div3A_1222 : vector<16xf32>
    %swap3A_1249 = arith.constant 5 : i32
    %swap3A_1250 = arith.index_cast %swap3A_1249 : i32 to index
    %swap3A_1251 = arith.constant 176 : index
    %swap3A_1252 = tpu.vector_load %arg5[%swap3A_1250, %swap3A_1251] {strides = array<i32>} : memref<8x512xf32, #tpu.memory_space<vmem>>, vector<16xf32>,
    tpu.vector_store %arg5[%swap3A_1250, %swap3A_1251], %mul3A_1248 {strides = array<i32>} : memref<8x512xf32, #tpu.memory_space<vmem>>, vector<16xf32>,
    %mul3A_1253 = arith.mulf %exp3A_1210, %div3A_1222 : vector<16xf32>
    %swap3A_1254 = arith.constant 6 : i32
    %swap3A_1255 = arith.index_cast %swap3A_1254 : i32 to index
    %swap3A_1256 = arith.constant 176 : index
    %swap3A_1257 = tpu.vector_load %arg5[%swap3A_1255, %swap3A_1256] {strides = array<i32>} : memref<8x512xf32, #tpu.memory_space<vmem>>, vector<16xf32>,
    tpu.vector_store %arg5[%swap3A_1255, %swap3A_1256], %mul3A_1253 {strides = array<i32>} : memref<8x512xf32, #tpu.memory_space<vmem>>, vector<16xf32>,
    %mul3A_1258 = arith.mulf %exp3A_1212, %div3A_1222 : vector<16xf32>
    %swap3A_1259 = arith.constant 7 : i32
    %swap3A_1260 = arith.index_cast %swap3A_1259 : i32 to index
    %swap3A_1261 = arith.constant 176 : index
    %swap3A_1262 = tpu.vector_load %arg5[%swap3A_1260, %swap3A_1261] {strides = array<i32>} : memref<8x512xf32, #tpu.memory_space<vmem>>, vector<16xf32>,
    tpu.vector_store %arg5[%swap3A_1260, %swap3A_1261], %mul3A_1258 {strides = array<i32>} : memref<8x512xf32, #tpu.memory_space<vmem>>, vector<16xf32>,
    %get3A_1263 = arith.constant 0 : i32
    %get3A_1264 = arith.index_cast %get3A_1263 : i32 to index
    %get3A_1265 = arith.constant 192 : index
    %get3A_1266 = tpu.vector_load %arg4[%get3A_1264, %get3A_1265] {strides = array<i32>} : memref<8x512xf32, #tpu.memory_space<vmem>>, vector<16xf32>,
    %get3A_1267 = arith.constant 1 : i32
    %get3A_1268 = arith.index_cast %get3A_1267 : i32 to index
    %get3A_1269 = arith.constant 192 : index
    %get3A_1270 = tpu.vector_load %arg4[%get3A_1268, %get3A_1269] {strides = array<i32>} : memref<8x512xf32, #tpu.memory_space<vmem>>, vector<16xf32>,
    %get3A_1271 = arith.constant 2 : i32
    %get3A_1272 = arith.index_cast %get3A_1271 : i32 to index
    %get3A_1273 = arith.constant 192 : index
    %get3A_1274 = tpu.vector_load %arg4[%get3A_1272, %get3A_1273] {strides = array<i32>} : memref<8x512xf32, #tpu.memory_space<vmem>>, vector<16xf32>,
    %get3A_1275 = arith.constant 3 : i32
    %get3A_1276 = arith.index_cast %get3A_1275 : i32 to index
    %get3A_1277 = arith.constant 192 : index
    %get3A_1278 = tpu.vector_load %arg4[%get3A_1276, %get3A_1277] {strides = array<i32>} : memref<8x512xf32, #tpu.memory_space<vmem>>, vector<16xf32>,
    %get3A_1279 = arith.constant 4 : i32
    %get3A_1280 = arith.index_cast %get3A_1279 : i32 to index
    %get3A_1281 = arith.constant 192 : index
    %get3A_1282 = tpu.vector_load %arg4[%get3A_1280, %get3A_1281] {strides = array<i32>} : memref<8x512xf32, #tpu.memory_space<vmem>>, vector<16xf32>,
    %get3A_1283 = arith.constant 5 : i32
    %get3A_1284 = arith.index_cast %get3A_1283 : i32 to index
    %get3A_1285 = arith.constant 192 : index
    %get3A_1286 = tpu.vector_load %arg4[%get3A_1284, %get3A_1285] {strides = array<i32>} : memref<8x512xf32, #tpu.memory_space<vmem>>, vector<16xf32>,
    %get3A_1287 = arith.constant 6 : i32
    %get3A_1288 = arith.index_cast %get3A_1287 : i32 to index
    %get3A_1289 = arith.constant 192 : index
    %get3A_1290 = tpu.vector_load %arg4[%get3A_1288, %get3A_1289] {strides = array<i32>} : memref<8x512xf32, #tpu.memory_space<vmem>>, vector<16xf32>,
    %get3A_1291 = arith.constant 7 : i32
    %get3A_1292 = arith.index_cast %get3A_1291 : i32 to index
    %get3A_1293 = arith.constant 192 : index
    %get3A_1294 = tpu.vector_load %arg4[%get3A_1292, %get3A_1293] {strides = array<i32>} : memref<8x512xf32, #tpu.memory_space<vmem>>, vector<16xf32>,
    %max3A_1295 = arith.maximumf %get3A_1266, %get3A_1270 : vector<16xf32>
    %max3A_1296 = arith.maximumf %max3A_1295, %get3A_1274 : vector<16xf32>
    %max3A_1297 = arith.maximumf %max3A_1296, %get3A_1278 : vector<16xf32>
    %max3A_1298 = arith.maximumf %max3A_1297, %get3A_1282 : vector<16xf32>
    %max3A_1299 = arith.maximumf %max3A_1298, %get3A_1286 : vector<16xf32>
    %max3A_1300 = arith.maximumf %max3A_1299, %get3A_1290 : vector<16xf32>
    %max3A_1301 = arith.maximumf %max3A_1300, %get3A_1294 : vector<16xf32>
    %sub3A_1302 = arith.subf %get3A_1266, %max3A_1301 : vector<16xf32>
    %exp3A_1303 = math.exp %sub3A_1302 : vector<16xf32>
    %sub3A_1304 = arith.subf %get3A_1270, %max3A_1301 : vector<16xf32>
    %exp3A_1305 = math.exp %sub3A_1304 : vector<16xf32>
    %sub3A_1306 = arith.subf %get3A_1274, %max3A_1301 : vector<16xf32>
    %exp3A_1307 = math.exp %sub3A_1306 : vector<16xf32>
    %sub3A_1308 = arith.subf %get3A_1278, %max3A_1301 : vector<16xf32>
    %exp3A_1309 = math.exp %sub3A_1308 : vector<16xf32>
    %sub3A_1310 = arith.subf %get3A_1282, %max3A_1301 : vector<16xf32>
    %exp3A_1311 = math.exp %sub3A_1310 : vector<16xf32>
    %sub3A_1312 = arith.subf %get3A_1286, %max3A_1301 : vector<16xf32>
    %exp3A_1313 = math.exp %sub3A_1312 : vector<16xf32>
    %sub3A_1314 = arith.subf %get3A_1290, %max3A_1301 : vector<16xf32>
    %exp3A_1315 = math.exp %sub3A_1314 : vector<16xf32>
    %sub3A_1316 = arith.subf %get3A_1294, %max3A_1301 : vector<16xf32>
    %exp3A_1317 = math.exp %sub3A_1316 : vector<16xf32>
    %add3A_1318 = arith.addf %exp3A_1303, %exp3A_1305 : vector<16xf32>
    %add3A_1319 = arith.addf %add3A_1318, %exp3A_1307 : vector<16xf32>
    %add3A_1320 = arith.addf %add3A_1319, %exp3A_1309 : vector<16xf32>
    %add3A_1321 = arith.addf %add3A_1320, %exp3A_1311 : vector<16xf32>
    %add3A_1322 = arith.addf %add3A_1321, %exp3A_1313 : vector<16xf32>
    %add3A_1323 = arith.addf %add3A_1322, %exp3A_1315 : vector<16xf32>
    %add3A_1324 = arith.addf %add3A_1323, %exp3A_1317 : vector<16xf32>
    %div3A_1325 = arith.constant 1.000000e+00 : f32
    %div3A_1326 = vector.broadcast %div3A_1325 : f32 to vector<16xf32>
    %div3A_1327 = arith.divf %div3A_1326, %add3A_1324 : vector<16xf32>
    %mul3A_1328 = arith.mulf %exp3A_1303, %div3A_1327 : vector<16xf32>
    %swap3A_1329 = arith.constant 0 : i32
    %swap3A_1330 = arith.index_cast %swap3A_1329 : i32 to index
    %swap3A_1331 = arith.constant 192 : index
    %swap3A_1332 = tpu.vector_load %arg5[%swap3A_1330, %swap3A_1331] {strides = array<i32>} : memref<8x512xf32, #tpu.memory_space<vmem>>, vector<16xf32>,
    tpu.vector_store %arg5[%swap3A_1330, %swap3A_1331], %mul3A_1328 {strides = array<i32>} : memref<8x512xf32, #tpu.memory_space<vmem>>, vector<16xf32>,
    %mul3A_1333 = arith.mulf %exp3A_1305, %div3A_1327 : vector<16xf32>
    %swap3A_1334 = arith.constant 1 : i32
    %swap3A_1335 = arith.index_cast %swap3A_1334 : i32 to index
    %swap3A_1336 = arith.constant 192 : index
    %swap3A_1337 = tpu.vector_load %arg5[%swap3A_1335, %swap3A_1336] {strides = array<i32>} : memref<8x512xf32, #tpu.memory_space<vmem>>, vector<16xf32>,
    tpu.vector_store %arg5[%swap3A_1335, %swap3A_1336], %mul3A_1333 {strides = array<i32>} : memref<8x512xf32, #tpu.memory_space<vmem>>, vector<16xf32>,
    %mul3A_1338 = arith.mulf %exp3A_1307, %div3A_1327 : vector<16xf32>
    %swap3A_1339 = arith.constant 2 : i32
    %swap3A_1340 = arith.index_cast %swap3A_1339 : i32 to index
    %swap3A_1341 = arith.constant 192 : index
    %swap3A_1342 = tpu.vector_load %arg5[%swap3A_1340, %swap3A_1341] {strides = array<i32>} : memref<8x512xf32, #tpu.memory_space<vmem>>, vector<16xf32>,
    tpu.vector_store %arg5[%swap3A_1340, %swap3A_1341], %mul3A_1338 {strides = array<i32>} : memref<8x512xf32, #tpu.memory_space<vmem>>, vector<16xf32>,
    %mul3A_1343 = arith.mulf %exp3A_1309, %div3A_1327 : vector<16xf32>
    %swap3A_1344 = arith.constant 3 : i32
    %swap3A_1345 = arith.index_cast %swap3A_1344 : i32 to index
    %swap3A_1346 = arith.constant 192 : index
    %swap3A_1347 = tpu.vector_load %arg5[%swap3A_1345, %swap3A_1346] {strides = array<i32>} : memref<8x512xf32, #tpu.memory_space<vmem>>, vector<16xf32>,
    tpu.vector_store %arg5[%swap3A_1345, %swap3A_1346], %mul3A_1343 {strides = array<i32>} : memref<8x512xf32, #tpu.memory_space<vmem>>, vector<16xf32>,
    %mul3A_1348 = arith.mulf %exp3A_1311, %div3A_1327 : vector<16xf32>
    %swap3A_1349 = arith.constant 4 : i32
    %swap3A_1350 = arith.index_cast %swap3A_1349 : i32 to index
    %swap3A_1351 = arith.constant 192 : index
    %swap3A_1352 = tpu.vector_load %arg5[%swap3A_1350, %swap3A_1351] {strides = array<i32>} : memref<8x512xf32, #tpu.memory_space<vmem>>, vector<16xf32>,
    tpu.vector_store %arg5[%swap3A_1350, %swap3A_1351], %mul3A_1348 {strides = array<i32>} : memref<8x512xf32, #tpu.memory_space<vmem>>, vector<16xf32>,
    %mul3A_1353 = arith.mulf %exp3A_1313, %div3A_1327 : vector<16xf32>
    %swap3A_1354 = arith.constant 5 : i32
    %swap3A_1355 = arith.index_cast %swap3A_1354 : i32 to index
    %swap3A_1356 = arith.constant 192 : index
    %swap3A_1357 = tpu.vector_load %arg5[%swap3A_1355, %swap3A_1356] {strides = array<i32>} : memref<8x512xf32, #tpu.memory_space<vmem>>, vector<16xf32>,
    tpu.vector_store %arg5[%swap3A_1355, %swap3A_1356], %mul3A_1353 {strides = array<i32>} : memref<8x512xf32, #tpu.memory_space<vmem>>, vector<16xf32>,
    %mul3A_1358 = arith.mulf %exp3A_1315, %div3A_1327 : vector<16xf32>
    %swap3A_1359 = arith.constant 6 : i32
    %swap3A_1360 = arith.index_cast %swap3A_1359 : i32 to index
    %swap3A_1361 = arith.constant 192 : index
    %swap3A_1362 = tpu.vector_load %arg5[%swap3A_1360, %swap3A_1361] {strides = array<i32>} : memref<8x512xf32, #tpu.memory_space<vmem>>, vector<16xf32>,
    tpu.vector_store %arg5[%swap3A_1360, %swap3A_1361], %mul3A_1358 {strides = array<i32>} : memref<8x512xf32, #tpu.memory_space<vmem>>, vector<16xf32>,
    %mul3A_1363 = arith.mulf %exp3A_1317, %div3A_1327 : vector<16xf32>
    %swap3A_1364 = arith.constant 7 : i32
    %swap3A_1365 = arith.index_cast %swap3A_1364 : i32 to index
    %swap3A_1366 = arith.constant 192 : index
    %swap3A_1367 = tpu.vector_load %arg5[%swap3A_1365, %swap3A_1366] {strides = array<i32>} : memref<8x512xf32, #tpu.memory_space<vmem>>, vector<16xf32>,
    tpu.vector_store %arg5[%swap3A_1365, %swap3A_1366], %mul3A_1363 {strides = array<i32>} : memref<8x512xf32, #tpu.memory_space<vmem>>, vector<16xf32>,
    %get3A_1368 = arith.constant 0 : i32
    %get3A_1369 = arith.index_cast %get3A_1368 : i32 to index
    %get3A_1370 = arith.constant 208 : index
    %get3A_1371 = tpu.vector_load %arg4[%get3A_1369, %get3A_1370] {strides = array<i32>} : memref<8x512xf32, #tpu.memory_space<vmem>>, vector<16xf32>,
    %get3A_1372 = arith.constant 1 : i32
    %get3A_1373 = arith.index_cast %get3A_1372 : i32 to index
    %get3A_1374 = arith.constant 208 : index
    %get3A_1375 = tpu.vector_load %arg4[%get3A_1373, %get3A_1374] {strides = array<i32>} : memref<8x512xf32, #tpu.memory_space<vmem>>, vector<16xf32>,
    %get3A_1376 = arith.constant 2 : i32
    %get3A_1377 = arith.index_cast %get3A_1376 : i32 to index
    %get3A_1378 = arith.constant 208 : index
    %get3A_1379 = tpu.vector_load %arg4[%get3A_1377, %get3A_1378] {strides = array<i32>} : memref<8x512xf32, #tpu.memory_space<vmem>>, vector<16xf32>,
    %get3A_1380 = arith.constant 3 : i32
    %get3A_1381 = arith.index_cast %get3A_1380 : i32 to index
    %get3A_1382 = arith.constant 208 : index
    %get3A_1383 = tpu.vector_load %arg4[%get3A_1381, %get3A_1382] {strides = array<i32>} : memref<8x512xf32, #tpu.memory_space<vmem>>, vector<16xf32>,
    %get3A_1384 = arith.constant 4 : i32
    %get3A_1385 = arith.index_cast %get3A_1384 : i32 to index
    %get3A_1386 = arith.constant 208 : index
    %get3A_1387 = tpu.vector_load %arg4[%get3A_1385, %get3A_1386] {strides = array<i32>} : memref<8x512xf32, #tpu.memory_space<vmem>>, vector<16xf32>,
    %get3A_1388 = arith.constant 5 : i32
    %get3A_1389 = arith.index_cast %get3A_1388 : i32 to index
    %get3A_1390 = arith.constant 208 : index
    %get3A_1391 = tpu.vector_load %arg4[%get3A_1389, %get3A_1390] {strides = array<i32>} : memref<8x512xf32, #tpu.memory_space<vmem>>, vector<16xf32>,
    %get3A_1392 = arith.constant 6 : i32
    %get3A_1393 = arith.index_cast %get3A_1392 : i32 to index
    %get3A_1394 = arith.constant 208 : index
    %get3A_1395 = tpu.vector_load %arg4[%get3A_1393, %get3A_1394] {strides = array<i32>} : memref<8x512xf32, #tpu.memory_space<vmem>>, vector<16xf32>,
    %get3A_1396 = arith.constant 7 : i32
    %get3A_1397 = arith.index_cast %get3A_1396 : i32 to index
    %get3A_1398 = arith.constant 208 : index
    %get3A_1399 = tpu.vector_load %arg4[%get3A_1397, %get3A_1398] {strides = array<i32>} : memref<8x512xf32, #tpu.memory_space<vmem>>, vector<16xf32>,
    %max3A_1400 = arith.maximumf %get3A_1371, %get3A_1375 : vector<16xf32>
    %max3A_1401 = arith.maximumf %max3A_1400, %get3A_1379 : vector<16xf32>
    %max3A_1402 = arith.maximumf %max3A_1401, %get3A_1383 : vector<16xf32>
    %max3A_1403 = arith.maximumf %max3A_1402, %get3A_1387 : vector<16xf32>
    %max3A_1404 = arith.maximumf %max3A_1403, %get3A_1391 : vector<16xf32>
    %max3A_1405 = arith.maximumf %max3A_1404, %get3A_1395 : vector<16xf32>
    %max3A_1406 = arith.maximumf %max3A_1405, %get3A_1399 : vector<16xf32>
    %sub3A_1407 = arith.subf %get3A_1371, %max3A_1406 : vector<16xf32>
    %exp3A_1408 = math.exp %sub3A_1407 : vector<16xf32>
    %sub3A_1409 = arith.subf %get3A_1375, %max3A_1406 : vector<16xf32>
    %exp3A_1410 = math.exp %sub3A_1409 : vector<16xf32>
    %sub3A_1411 = arith.subf %get3A_1379, %max3A_1406 : vector<16xf32>
    %exp3A_1412 = math.exp %sub3A_1411 : vector<16xf32>
    %sub3A_1413 = arith.subf %get3A_1383, %max3A_1406 : vector<16xf32>
    %exp3A_1414 = math.exp %sub3A_1413 : vector<16xf32>
    %sub3A_1415 = arith.subf %get3A_1387, %max3A_1406 : vector<16xf32>
    %exp3A_1416 = math.exp %sub3A_1415 : vector<16xf32>
    %sub3A_1417 = arith.subf %get3A_1391, %max3A_1406 : vector<16xf32>
    %exp3A_1418 = math.exp %sub3A_1417 : vector<16xf32>
    %sub3A_1419 = arith.subf %get3A_1395, %max3A_1406 : vector<16xf32>
    %exp3A_1420 = math.exp %sub3A_1419 : vector<16xf32>
    %sub3A_1421 = arith.subf %get3A_1399, %max3A_1406 : vector<16xf32>
    %exp3A_1422 = math.exp %sub3A_1421 : vector<16xf32>
    %add3A_1423 = arith.addf %exp3A_1408, %exp3A_1410 : vector<16xf32>
    %add3A_1424 = arith.addf %add3A_1423, %exp3A_1412 : vector<16xf32>
    %add3A_1425 = arith.addf %add3A_1424, %exp3A_1414 : vector<16xf32>
    %add3A_1426 = arith.addf %add3A_1425, %exp3A_1416 : vector<16xf32>
    %add3A_1427 = arith.addf %add3A_1426, %exp3A_1418 : vector<16xf32>
    %add3A_1428 = arith.addf %add3A_1427, %exp3A_1420 : vector<16xf32>
    %add3A_1429 = arith.addf %add3A_1428, %exp3A_1422 : vector<16xf32>
    %div3A_1430 = arith.constant 1.000000e+00 : f32
    %div3A_1431 = vector.broadcast %div3A_1430 : f32 to vector<16xf32>
    %div3A_1432 = arith.divf %div3A_1431, %add3A_1429 : vector<16xf32>
    %mul3A_1433 = arith.mulf %exp3A_1408, %div3A_1432 : vector<16xf32>
    %swap3A_1434 = arith.constant 0 : i32
    %swap3A_1435 = arith.index_cast %swap3A_1434 : i32 to index
    %swap3A_1436 = arith.constant 208 : index
    %swap3A_1437 = tpu.vector_load %arg5[%swap3A_1435, %swap3A_1436] {strides = array<i32>} : memref<8x512xf32, #tpu.memory_space<vmem>>, vector<16xf32>,
    tpu.vector_store %arg5[%swap3A_1435, %swap3A_1436], %mul3A_1433 {strides = array<i32>} : memref<8x512xf32, #tpu.memory_space<vmem>>, vector<16xf32>,
    %mul3A_1438 = arith.mulf %exp3A_1410, %div3A_1432 : vector<16xf32>
    %swap3A_1439 = arith.constant 1 : i32
    %swap3A_1440 = arith.index_cast %swap3A_1439 : i32 to index
    %swap3A_1441 = arith.constant 208 : index
    %swap3A_1442 = tpu.vector_load %arg5[%swap3A_1440, %swap3A_1441] {strides = array<i32>} : memref<8x512xf32, #tpu.memory_space<vmem>>, vector<16xf32>,
    tpu.vector_store %arg5[%swap3A_1440, %swap3A_1441], %mul3A_1438 {strides = array<i32>} : memref<8x512xf32, #tpu.memory_space<vmem>>, vector<16xf32>,
    %mul3A_1443 = arith.mulf %exp3A_1412, %div3A_1432 : vector<16xf32>
    %swap3A_1444 = arith.constant 2 : i32
    %swap3A_1445 = arith.index_cast %swap3A_1444 : i32 to index
    %swap3A_1446 = arith.constant 208 : index
    %swap3A_1447 = tpu.vector_load %arg5[%swap3A_1445, %swap3A_1446] {strides = array<i32>} : memref<8x512xf32, #tpu.memory_space<vmem>>, vector<16xf32>,
    tpu.vector_store %arg5[%swap3A_1445, %swap3A_1446], %mul3A_1443 {strides = array<i32>} : memref<8x512xf32, #tpu.memory_space<vmem>>, vector<16xf32>,
    %mul3A_1448 = arith.mulf %exp3A_1414, %div3A_1432 : vector<16xf32>
    %swap3A_1449 = arith.constant 3 : i32
    %swap3A_1450 = arith.index_cast %swap3A_1449 : i32 to index
    %swap3A_1451 = arith.constant 208 : index
    %swap3A_1452 = tpu.vector_load %arg5[%swap3A_1450, %swap3A_1451] {strides = array<i32>} : memref<8x512xf32, #tpu.memory_space<vmem>>, vector<16xf32>,
    tpu.vector_store %arg5[%swap3A_1450, %swap3A_1451], %mul3A_1448 {strides = array<i32>} : memref<8x512xf32, #tpu.memory_space<vmem>>, vector<16xf32>,
    %mul3A_1453 = arith.mulf %exp3A_1416, %div3A_1432 : vector<16xf32>
    %swap3A_1454 = arith.constant 4 : i32
    %swap3A_1455 = arith.index_cast %swap3A_1454 : i32 to index
    %swap3A_1456 = arith.constant 208 : index
    %swap3A_1457 = tpu.vector_load %arg5[%swap3A_1455, %swap3A_1456] {strides = array<i32>} : memref<8x512xf32, #tpu.memory_space<vmem>>, vector<16xf32>,
    tpu.vector_store %arg5[%swap3A_1455, %swap3A_1456], %mul3A_1453 {strides = array<i32>} : memref<8x512xf32, #tpu.memory_space<vmem>>, vector<16xf32>,
    %mul3A_1458 = arith.mulf %exp3A_1418, %div3A_1432 : vector<16xf32>
    %swap3A_1459 = arith.constant 5 : i32
    %swap3A_1460 = arith.index_cast %swap3A_1459 : i32 to index
    %swap3A_1461 = arith.constant 208 : index
    %swap3A_1462 = tpu.vector_load %arg5[%swap3A_1460, %swap3A_1461] {strides = array<i32>} : memref<8x512xf32, #tpu.memory_space<vmem>>, vector<16xf32>,
    tpu.vector_store %arg5[%swap3A_1460, %swap3A_1461], %mul3A_1458 {strides = array<i32>} : memref<8x512xf32, #tpu.memory_space<vmem>>, vector<16xf32>,
    %mul3A_1463 = arith.mulf %exp3A_1420, %div3A_1432 : vector<16xf32>
    %swap3A_1464 = arith.constant 6 : i32
    %swap3A_1465 = arith.index_cast %swap3A_1464 : i32 to index
    %swap3A_1466 = arith.constant 208 : index
    %swap3A_1467 = tpu.vector_load %arg5[%swap3A_1465, %swap3A_1466] {strides = array<i32>} : memref<8x512xf32, #tpu.memory_space<vmem>>, vector<16xf32>,
    tpu.vector_store %arg5[%swap3A_1465, %swap3A_1466], %mul3A_1463 {strides = array<i32>} : memref<8x512xf32, #tpu.memory_space<vmem>>, vector<16xf32>,
    %mul3A_1468 = arith.mulf %exp3A_1422, %div3A_1432 : vector<16xf32>
    %swap3A_1469 = arith.constant 7 : i32
    %swap3A_1470 = arith.index_cast %swap3A_1469 : i32 to index
    %swap3A_1471 = arith.constant 208 : index
    %swap3A_1472 = tpu.vector_load %arg5[%swap3A_1470, %swap3A_1471] {strides = array<i32>} : memref<8x512xf32, #tpu.memory_space<vmem>>, vector<16xf32>,
    tpu.vector_store %arg5[%swap3A_1470, %swap3A_1471], %mul3A_1468 {strides = array<i32>} : memref<8x512xf32, #tpu.memory_space<vmem>>, vector<16xf32>,
    %get3A_1473 = arith.constant 0 : i32
    %get3A_1474 = arith.index_cast %get3A_1473 : i32 to index
    %get3A_1475 = arith.constant 224 : index
    %get3A_1476 = tpu.vector_load %arg4[%get3A_1474, %get3A_1475] {strides = array<i32>} : memref<8x512xf32, #tpu.memory_space<vmem>>, vector<16xf32>,
    %get3A_1477 = arith.constant 1 : i32
    %get3A_1478 = arith.index_cast %get3A_1477 : i32 to index
    %get3A_1479 = arith.constant 224 : index
    %get3A_1480 = tpu.vector_load %arg4[%get3A_1478, %get3A_1479] {strides = array<i32>} : memref<8x512xf32, #tpu.memory_space<vmem>>, vector<16xf32>,
    %get3A_1481 = arith.constant 2 : i32
    %get3A_1482 = arith.index_cast %get3A_1481 : i32 to index
    %get3A_1483 = arith.constant 224 : index
    %get3A_1484 = tpu.vector_load %arg4[%get3A_1482, %get3A_1483] {strides = array<i32>} : memref<8x512xf32, #tpu.memory_space<vmem>>, vector<16xf32>,
    %get3A_1485 = arith.constant 3 : i32
    %get3A_1486 = arith.index_cast %get3A_1485 : i32 to index
    %get3A_1487 = arith.constant 224 : index
    %get3A_1488 = tpu.vector_load %arg4[%get3A_1486, %get3A_1487] {strides = array<i32>} : memref<8x512xf32, #tpu.memory_space<vmem>>, vector<16xf32>,
    %get3A_1489 = arith.constant 4 : i32
    %get3A_1490 = arith.index_cast %get3A_1489 : i32 to index
    %get3A_1491 = arith.constant 224 : index
    %get3A_1492 = tpu.vector_load %arg4[%get3A_1490, %get3A_1491] {strides = array<i32>} : memref<8x512xf32, #tpu.memory_space<vmem>>, vector<16xf32>,
    %get3A_1493 = arith.constant 5 : i32
    %get3A_1494 = arith.index_cast %get3A_1493 : i32 to index
    %get3A_1495 = arith.constant 224 : index
    %get3A_1496 = tpu.vector_load %arg4[%get3A_1494, %get3A_1495] {strides = array<i32>} : memref<8x512xf32, #tpu.memory_space<vmem>>, vector<16xf32>,
    %get3A_1497 = arith.constant 6 : i32
    %get3A_1498 = arith.index_cast %get3A_1497 : i32 to index
    %get3A_1499 = arith.constant 224 : index
    %get3A_1500 = tpu.vector_load %arg4[%get3A_1498, %get3A_1499] {strides = array<i32>} : memref<8x512xf32, #tpu.memory_space<vmem>>, vector<16xf32>,
    %get3A_1501 = arith.constant 7 : i32
    %get3A_1502 = arith.index_cast %get3A_1501 : i32 to index
    %get3A_1503 = arith.constant 224 : index
    %get3A_1504 = tpu.vector_load %arg4[%get3A_1502, %get3A_1503] {strides = array<i32>} : memref<8x512xf32, #tpu.memory_space<vmem>>, vector<16xf32>,
    %max3A_1505 = arith.maximumf %get3A_1476, %get3A_1480 : vector<16xf32>
    %max3A_1506 = arith.maximumf %max3A_1505, %get3A_1484 : vector<16xf32>
    %max3A_1507 = arith.maximumf %max3A_1506, %get3A_1488 : vector<16xf32>
    %max3A_1508 = arith.maximumf %max3A_1507, %get3A_1492 : vector<16xf32>
    %max3A_1509 = arith.maximumf %max3A_1508, %get3A_1496 : vector<16xf32>
    %max3A_1510 = arith.maximumf %max3A_1509, %get3A_1500 : vector<16xf32>
    %max3A_1511 = arith.maximumf %max3A_1510, %get3A_1504 : vector<16xf32>
    %sub3A_1512 = arith.subf %get3A_1476, %max3A_1511 : vector<16xf32>
    %exp3A_1513 = math.exp %sub3A_1512 : vector<16xf32>
    %sub3A_1514 = arith.subf %get3A_1480, %max3A_1511 : vector<16xf32>
    %exp3A_1515 = math.exp %sub3A_1514 : vector<16xf32>
    %sub3A_1516 = arith.subf %get3A_1484, %max3A_1511 : vector<16xf32>
    %exp3A_1517 = math.exp %sub3A_1516 : vector<16xf32>
    %sub3A_1518 = arith.subf %get3A_1488, %max3A_1511 : vector<16xf32>
    %exp3A_1519 = math.exp %sub3A_1518 : vector<16xf32>
    %sub3A_1520 = arith.subf %get3A_1492, %max3A_1511 : vector<16xf32>
    %exp3A_1521 = math.exp %sub3A_1520 : vector<16xf32>
    %sub3A_1522 = arith.subf %get3A_1496, %max3A_1511 : vector<16xf32>
    %exp3A_1523 = math.exp %sub3A_1522 : vector<16xf32>
    %sub3A_1524 = arith.subf %get3A_1500, %max3A_1511 : vector<16xf32>
    %exp3A_1525 = math.exp %sub3A_1524 : vector<16xf32>
    %sub3A_1526 = arith.subf %get3A_1504, %max3A_1511 : vector<16xf32>
    %exp3A_1527 = math.exp %sub3A_1526 : vector<16xf32>
    %add3A_1528 = arith.addf %exp3A_1513, %exp3A_1515 : vector<16xf32>
    %add3A_1529 = arith.addf %add3A_1528, %exp3A_1517 : vector<16xf32>
    %add3A_1530 = arith.addf %add3A_1529, %exp3A_1519 : vector<16xf32>
    %add3A_1531 = arith.addf %add3A_1530, %exp3A_1521 : vector<16xf32>
    %add3A_1532 = arith.addf %add3A_1531, %exp3A_1523 : vector<16xf32>
    %add3A_1533 = arith.addf %add3A_1532, %exp3A_1525 : vector<16xf32>
    %add3A_1534 = arith.addf %add3A_1533, %exp3A_1527 : vector<16xf32>
    %div3A_1535 = arith.constant 1.000000e+00 : f32
    %div3A_1536 = vector.broadcast %div3A_1535 : f32 to vector<16xf32>
    %div3A_1537 = arith.divf %div3A_1536, %add3A_1534 : vector<16xf32>
    %mul3A_1538 = arith.mulf %exp3A_1513, %div3A_1537 : vector<16xf32>
    %swap3A_1539 = arith.constant 0 : i32
    %swap3A_1540 = arith.index_cast %swap3A_1539 : i32 to index
    %swap3A_1541 = arith.constant 224 : index
    %swap3A_1542 = tpu.vector_load %arg5[%swap3A_1540, %swap3A_1541] {strides = array<i32>} : memref<8x512xf32, #tpu.memory_space<vmem>>, vector<16xf32>,
    tpu.vector_store %arg5[%swap3A_1540, %swap3A_1541], %mul3A_1538 {strides = array<i32>} : memref<8x512xf32, #tpu.memory_space<vmem>>, vector<16xf32>,
    %mul3A_1543 = arith.mulf %exp3A_1515, %div3A_1537 : vector<16xf32>
    %swap3A_1544 = arith.constant 1 : i32
    %swap3A_1545 = arith.index_cast %swap3A_1544 : i32 to index
    %swap3A_1546 = arith.constant 224 : index
    %swap3A_1547 = tpu.vector_load %arg5[%swap3A_1545, %swap3A_1546] {strides = array<i32>} : memref<8x512xf32, #tpu.memory_space<vmem>>, vector<16xf32>,
    tpu.vector_store %arg5[%swap3A_1545, %swap3A_1546], %mul3A_1543 {strides = array<i32>} : memref<8x512xf32, #tpu.memory_space<vmem>>, vector<16xf32>,
    %mul3A_1548 = arith.mulf %exp3A_1517, %div3A_1537 : vector<16xf32>
    %swap3A_1549 = arith.constant 2 : i32
    %swap3A_1550 = arith.index_cast %swap3A_1549 : i32 to index
    %swap3A_1551 = arith.constant 224 : index
    %swap3A_1552 = tpu.vector_load %arg5[%swap3A_1550, %swap3A_1551] {strides = array<i32>} : memref<8x512xf32, #tpu.memory_space<vmem>>, vector<16xf32>,
    tpu.vector_store %arg5[%swap3A_1550, %swap3A_1551], %mul3A_1548 {strides = array<i32>} : memref<8x512xf32, #tpu.memory_space<vmem>>, vector<16xf32>,
    %mul3A_1553 = arith.mulf %exp3A_1519, %div3A_1537 : vector<16xf32>
    %swap3A_1554 = arith.constant 3 : i32
    %swap3A_1555 = arith.index_cast %swap3A_1554 : i32 to index
    %swap3A_1556 = arith.constant 224 : index
    %swap3A_1557 = tpu.vector_load %arg5[%swap3A_1555, %swap3A_1556] {strides = array<i32>} : memref<8x512xf32, #tpu.memory_space<vmem>>, vector<16xf32>,
    tpu.vector_store %arg5[%swap3A_1555, %swap3A_1556], %mul3A_1553 {strides = array<i32>} : memref<8x512xf32, #tpu.memory_space<vmem>>, vector<16xf32>,
    %mul3A_1558 = arith.mulf %exp3A_1521, %div3A_1537 : vector<16xf32>
    %swap3A_1559 = arith.constant 4 : i32
    %swap3A_1560 = arith.index_cast %swap3A_1559 : i32 to index
    %swap3A_1561 = arith.constant 224 : index
    %swap3A_1562 = tpu.vector_load %arg5[%swap3A_1560, %swap3A_1561] {strides = array<i32>} : memref<8x512xf32, #tpu.memory_space<vmem>>, vector<16xf32>,
    tpu.vector_store %arg5[%swap3A_1560, %swap3A_1561], %mul3A_1558 {strides = array<i32>} : memref<8x512xf32, #tpu.memory_space<vmem>>, vector<16xf32>,
    %mul3A_1563 = arith.mulf %exp3A_1523, %div3A_1537 : vector<16xf32>
    %swap3A_1564 = arith.constant 5 : i32
    %swap3A_1565 = arith.index_cast %swap3A_1564 : i32 to index
    %swap3A_1566 = arith.constant 224 : index
    %swap3A_1567 = tpu.vector_load %arg5[%swap3A_1565, %swap3A_1566] {strides = array<i32>} : memref<8x512xf32, #tpu.memory_space<vmem>>, vector<16xf32>,
    tpu.vector_store %arg5[%swap3A_1565, %swap3A_1566], %mul3A_1563 {strides = array<i32>} : memref<8x512xf32, #tpu.memory_space<vmem>>, vector<16xf32>,
    %mul3A_1568 = arith.mulf %exp3A_1525, %div3A_1537 : vector<16xf32>
    %swap3A_1569 = arith.constant 6 : i32
    %swap3A_1570 = arith.index_cast %swap3A_1569 : i32 to index
    %swap3A_1571 = arith.constant 224 : index
    %swap3A_1572 = tpu.vector_load %arg5[%swap3A_1570, %swap3A_1571] {strides = array<i32>} : memref<8x512xf32, #tpu.memory_space<vmem>>, vector<16xf32>,
    tpu.vector_store %arg5[%swap3A_1570, %swap3A_1571], %mul3A_1568 {strides = array<i32>} : memref<8x512xf32, #tpu.memory_space<vmem>>, vector<16xf32>,
    %mul3A_1573 = arith.mulf %exp3A_1527, %div3A_1537 : vector<16xf32>
    %swap3A_1574 = arith.constant 7 : i32
    %swap3A_1575 = arith.index_cast %swap3A_1574 : i32 to index
    %swap3A_1576 = arith.constant 224 : index
    %swap3A_1577 = tpu.vector_load %arg5[%swap3A_1575, %swap3A_1576] {strides = array<i32>} : memref<8x512xf32, #tpu.memory_space<vmem>>, vector<16xf32>,
    tpu.vector_store %arg5[%swap3A_1575, %swap3A_1576], %mul3A_1573 {strides = array<i32>} : memref<8x512xf32, #tpu.memory_space<vmem>>, vector<16xf32>,
    %get3A_1578 = arith.constant 0 : i32
    %get3A_1579 = arith.index_cast %get3A_1578 : i32 to index
    %get3A_1580 = arith.constant 240 : index
    %get3A_1581 = tpu.vector_load %arg4[%get3A_1579, %get3A_1580] {strides = array<i32>} : memref<8x512xf32, #tpu.memory_space<vmem>>, vector<16xf32>,
    %get3A_1582 = arith.constant 1 : i32
    %get3A_1583 = arith.index_cast %get3A_1582 : i32 to index
    %get3A_1584 = arith.constant 240 : index
    %get3A_1585 = tpu.vector_load %arg4[%get3A_1583, %get3A_1584] {strides = array<i32>} : memref<8x512xf32, #tpu.memory_space<vmem>>, vector<16xf32>,
    %get3A_1586 = arith.constant 2 : i32
    %get3A_1587 = arith.index_cast %get3A_1586 : i32 to index
    %get3A_1588 = arith.constant 240 : index
    %get3A_1589 = tpu.vector_load %arg4[%get3A_1587, %get3A_1588] {strides = array<i32>} : memref<8x512xf32, #tpu.memory_space<vmem>>, vector<16xf32>,
    %get3A_1590 = arith.constant 3 : i32
    %get3A_1591 = arith.index_cast %get3A_1590 : i32 to index
    %get3A_1592 = arith.constant 240 : index
    %get3A_1593 = tpu.vector_load %arg4[%get3A_1591, %get3A_1592] {strides = array<i32>} : memref<8x512xf32, #tpu.memory_space<vmem>>, vector<16xf32>,
    %get3A_1594 = arith.constant 4 : i32
    %get3A_1595 = arith.index_cast %get3A_1594 : i32 to index
    %get3A_1596 = arith.constant 240 : index
    %get3A_1597 = tpu.vector_load %arg4[%get3A_1595, %get3A_1596] {strides = array<i32>} : memref<8x512xf32, #tpu.memory_space<vmem>>, vector<16xf32>,
    %get3A_1598 = arith.constant 5 : i32
    %get3A_1599 = arith.index_cast %get3A_1598 : i32 to index
    %get3A_1600 = arith.constant 240 : index
    %get3A_1601 = tpu.vector_load %arg4[%get3A_1599, %get3A_1600] {strides = array<i32>} : memref<8x512xf32, #tpu.memory_space<vmem>>, vector<16xf32>,
    %get3A_1602 = arith.constant 6 : i32
    %get3A_1603 = arith.index_cast %get3A_1602 : i32 to index
    %get3A_1604 = arith.constant 240 : index
    %get3A_1605 = tpu.vector_load %arg4[%get3A_1603, %get3A_1604] {strides = array<i32>} : memref<8x512xf32, #tpu.memory_space<vmem>>, vector<16xf32>,
    %get3A_1606 = arith.constant 7 : i32
    %get3A_1607 = arith.index_cast %get3A_1606 : i32 to index
    %get3A_1608 = arith.constant 240 : index
    %get3A_1609 = tpu.vector_load %arg4[%get3A_1607, %get3A_1608] {strides = array<i32>} : memref<8x512xf32, #tpu.memory_space<vmem>>, vector<16xf32>,
    %max3A_1610 = arith.maximumf %get3A_1581, %get3A_1585 : vector<16xf32>
    %max3A_1611 = arith.maximumf %max3A_1610, %get3A_1589 : vector<16xf32>
    %max3A_1612 = arith.maximumf %max3A_1611, %get3A_1593 : vector<16xf32>
    %max3A_1613 = arith.maximumf %max3A_1612, %get3A_1597 : vector<16xf32>
    %max3A_1614 = arith.maximumf %max3A_1613, %get3A_1601 : vector<16xf32>
    %max3A_1615 = arith.maximumf %max3A_1614, %get3A_1605 : vector<16xf32>
    %max3A_1616 = arith.maximumf %max3A_1615, %get3A_1609 : vector<16xf32>
    %sub3A_1617 = arith.subf %get3A_1581, %max3A_1616 : vector<16xf32>
    %exp3A_1618 = math.exp %sub3A_1617 : vector<16xf32>
    %sub3A_1619 = arith.subf %get3A_1585, %max3A_1616 : vector<16xf32>
    %exp3A_1620 = math.exp %sub3A_1619 : vector<16xf32>
    %sub3A_1621 = arith.subf %get3A_1589, %max3A_1616 : vector<16xf32>
    %exp3A_1622 = math.exp %sub3A_1621 : vector<16xf32>
    %sub3A_1623 = arith.subf %get3A_1593, %max3A_1616 : vector<16xf32>
    %exp3A_1624 = math.exp %sub3A_1623 : vector<16xf32>
    %sub3A_1625 = arith.subf %get3A_1597, %max3A_1616 : vector<16xf32>
    %exp3A_1626 = math.exp %sub3A_1625 : vector<16xf32>
    %sub3A_1627 = arith.subf %get3A_1601, %max3A_1616 : vector<16xf32>
    %exp3A_1628 = math.exp %sub3A_1627 : vector<16xf32>
    %sub3A_1629 = arith.subf %get3A_1605, %max3A_1616 : vector<16xf32>
    %exp3A_1630 = math.exp %sub3A_1629 : vector<16xf32>
    %sub3A_1631 = arith.subf %get3A_1609, %max3A_1616 : vector<16xf32>
    %exp3A_1632 = math.exp %sub3A_1631 : vector<16xf32>
    %add3A_1633 = arith.addf %exp3A_1618, %exp3A_1620 : vector<16xf32>
    %add3A_1634 = arith.addf %add3A_1633, %exp3A_1622 : vector<16xf32>
    %add3A_1635 = arith.addf %add3A_1634, %exp3A_1624 : vector<16xf32>
    %add3A_1636 = arith.addf %add3A_1635, %exp3A_1626 : vector<16xf32>
    %add3A_1637 = arith.addf %add3A_1636, %exp3A_1628 : vector<16xf32>
    %add3A_1638 = arith.addf %add3A_1637, %exp3A_1630 : vector<16xf32>
    %add3A_1639 = arith.addf %add3A_1638, %exp3A_1632 : vector<16xf32>
    %div3A_1640 = arith.constant 1.000000e+00 : f32
    %div3A_1641 = vector.broadcast %div3A_1640 : f32 to vector<16xf32>
    %div3A_1642 = arith.divf %div3A_1641, %add3A_1639 : vector<16xf32>
    %mul3A_1643 = arith.mulf %exp3A_1618, %div3A_1642 : vector<16xf32>
    %swap3A_1644 = arith.constant 0 : i32
    %swap3A_1645 = arith.index_cast %swap3A_1644 : i32 to index
    %swap3A_1646 = arith.constant 240 : index
    %swap3A_1647 = tpu.vector_load %arg5[%swap3A_1645, %swap3A_1646] {strides = array<i32>} : memref<8x512xf32, #tpu.memory_space<vmem>>, vector<16xf32>,
    tpu.vector_store %arg5[%swap3A_1645, %swap3A_1646], %mul3A_1643 {strides = array<i32>} : memref<8x512xf32, #tpu.memory_space<vmem>>, vector<16xf32>,
    %mul3A_1648 = arith.mulf %exp3A_1620, %div3A_1642 : vector<16xf32>
    %swap3A_1649 = arith.constant 1 : i32
    %swap3A_1650 = arith.index_cast %swap3A_1649 : i32 to index
    %swap3A_1651 = arith.constant 240 : index
    %swap3A_1652 = tpu.vector_load %arg5[%swap3A_1650, %swap3A_1651] {strides = array<i32>} : memref<8x512xf32, #tpu.memory_space<vmem>>, vector<16xf32>,
    tpu.vector_store %arg5[%swap3A_1650, %swap3A_1651], %mul3A_1648 {strides = array<i32>} : memref<8x512xf32, #tpu.memory_space<vmem>>, vector<16xf32>,
    %mul3A_1653 = arith.mulf %exp3A_1622, %div3A_1642 : vector<16xf32>
    %swap3A_1654 = arith.constant 2 : i32
    %swap3A_1655 = arith.index_cast %swap3A_1654 : i32 to index
    %swap3A_1656 = arith.constant 240 : index
    %swap3A_1657 = tpu.vector_load %arg5[%swap3A_1655, %swap3A_1656] {strides = array<i32>} : memref<8x512xf32, #tpu.memory_space<vmem>>, vector<16xf32>,
    tpu.vector_store %arg5[%swap3A_1655, %swap3A_1656], %mul3A_1653 {strides = array<i32>} : memref<8x512xf32, #tpu.memory_space<vmem>>, vector<16xf32>,
    %mul3A_1658 = arith.mulf %exp3A_1624, %div3A_1642 : vector<16xf32>
    %swap3A_1659 = arith.constant 3 : i32
    %swap3A_1660 = arith.index_cast %swap3A_1659 : i32 to index
    %swap3A_1661 = arith.constant 240 : index
    %swap3A_1662 = tpu.vector_load %arg5[%swap3A_1660, %swap3A_1661] {strides = array<i32>} : memref<8x512xf32, #tpu.memory_space<vmem>>, vector<16xf32>,
    tpu.vector_store %arg5[%swap3A_1660, %swap3A_1661], %mul3A_1658 {strides = array<i32>} : memref<8x512xf32, #tpu.memory_space<vmem>>, vector<16xf32>,
    %mul3A_1663 = arith.mulf %exp3A_1626, %div3A_1642 : vector<16xf32>
    %swap3A_1664 = arith.constant 4 : i32
    %swap3A_1665 = arith.index_cast %swap3A_1664 : i32 to index
    %swap3A_1666 = arith.constant 240 : index
    %swap3A_1667 = tpu.vector_load %arg5[%swap3A_1665, %swap3A_1666] {strides = array<i32>} : memref<8x512xf32, #tpu.memory_space<vmem>>, vector<16xf32>,
    tpu.vector_store %arg5[%swap3A_1665, %swap3A_1666], %mul3A_1663 {strides = array<i32>} : memref<8x512xf32, #tpu.memory_space<vmem>>, vector<16xf32>,
    %mul3A_1668 = arith.mulf %exp3A_1628, %div3A_1642 : vector<16xf32>
    %swap3A_1669 = arith.constant 5 : i32
    %swap3A_1670 = arith.index_cast %swap3A_1669 : i32 to index
    %swap3A_1671 = arith.constant 240 : index
    %swap3A_1672 = tpu.vector_load %arg5[%swap3A_1670, %swap3A_1671] {strides = array<i32>} : memref<8x512xf32, #tpu.memory_space<vmem>>, vector<16xf32>,
    tpu.vector_store %arg5[%swap3A_1670, %swap3A_1671], %mul3A_1668 {strides = array<i32>} : memref<8x512xf32, #tpu.memory_space<vmem>>, vector<16xf32>,
    %mul3A_1673 = arith.mulf %exp3A_1630, %div3A_1642 : vector<16xf32>
    %swap3A_1674 = arith.constant 6 : i32
    %swap3A_1675 = arith.index_cast %swap3A_1674 : i32 to index
    %swap3A_1676 = arith.constant 240 : index
    %swap3A_1677 = tpu.vector_load %arg5[%swap3A_1675, %swap3A_1676] {strides = array<i32>} : memref<8x512xf32, #tpu.memory_space<vmem>>, vector<16xf32>,
    tpu.vector_store %arg5[%swap3A_1675, %swap3A_1676], %mul3A_1673 {strides = array<i32>} : memref<8x512xf32, #tpu.memory_space<vmem>>, vector<16xf32>,
    %mul3A_1678 = arith.mulf %exp3A_1632, %div3A_1642 : vector<16xf32>
    %swap3A_1679 = arith.constant 7 : i32
    %swap3A_1680 = arith.index_cast %swap3A_1679 : i32 to index
    %swap3A_1681 = arith.constant 240 : index
    %swap3A_1682 = tpu.vector_load %arg5[%swap3A_1680, %swap3A_1681] {strides = array<i32>} : memref<8x512xf32, #tpu.memory_space<vmem>>, vector<16xf32>,
    tpu.vector_store %arg5[%swap3A_1680, %swap3A_1681], %mul3A_1678 {strides = array<i32>} : memref<8x512xf32, #tpu.memory_space<vmem>>, vector<16xf32>,
    %get3A_1683 = arith.constant 0 : i32
    %get3A_1684 = arith.index_cast %get3A_1683 : i32 to index
    %get3A_1685 = arith.constant 256 : index
    %get3A_1686 = tpu.vector_load %arg4[%get3A_1684, %get3A_1685] {strides = array<i32>} : memref<8x512xf32, #tpu.memory_space<vmem>>, vector<16xf32>,
    %get3A_1687 = arith.constant 1 : i32
    %get3A_1688 = arith.index_cast %get3A_1687 : i32 to index
    %get3A_1689 = arith.constant 256 : index
    %get3A_1690 = tpu.vector_load %arg4[%get3A_1688, %get3A_1689] {strides = array<i32>} : memref<8x512xf32, #tpu.memory_space<vmem>>, vector<16xf32>,
    %get3A_1691 = arith.constant 2 : i32
    %get3A_1692 = arith.index_cast %get3A_1691 : i32 to index
    %get3A_1693 = arith.constant 256 : index
    %get3A_1694 = tpu.vector_load %arg4[%get3A_1692, %get3A_1693] {strides = array<i32>} : memref<8x512xf32, #tpu.memory_space<vmem>>, vector<16xf32>,
    %get3A_1695 = arith.constant 3 : i32
    %get3A_1696 = arith.index_cast %get3A_1695 : i32 to index
    %get3A_1697 = arith.constant 256 : index
    %get3A_1698 = tpu.vector_load %arg4[%get3A_1696, %get3A_1697] {strides = array<i32>} : memref<8x512xf32, #tpu.memory_space<vmem>>, vector<16xf32>,
    %get3A_1699 = arith.constant 4 : i32
    %get3A_1700 = arith.index_cast %get3A_1699 : i32 to index
    %get3A_1701 = arith.constant 256 : index
    %get3A_1702 = tpu.vector_load %arg4[%get3A_1700, %get3A_1701] {strides = array<i32>} : memref<8x512xf32, #tpu.memory_space<vmem>>, vector<16xf32>,
    %get3A_1703 = arith.constant 5 : i32
    %get3A_1704 = arith.index_cast %get3A_1703 : i32 to index
    %get3A_1705 = arith.constant 256 : index
    %get3A_1706 = tpu.vector_load %arg4[%get3A_1704, %get3A_1705] {strides = array<i32>} : memref<8x512xf32, #tpu.memory_space<vmem>>, vector<16xf32>,
    %get3A_1707 = arith.constant 6 : i32
    %get3A_1708 = arith.index_cast %get3A_1707 : i32 to index
    %get3A_1709 = arith.constant 256 : index
    %get3A_1710 = tpu.vector_load %arg4[%get3A_1708, %get3A_1709] {strides = array<i32>} : memref<8x512xf32, #tpu.memory_space<vmem>>, vector<16xf32>,
    %get3A_1711 = arith.constant 7 : i32
    %get3A_1712 = arith.index_cast %get3A_1711 : i32 to index
    %get3A_1713 = arith.constant 256 : index
    %get3A_1714 = tpu.vector_load %arg4[%get3A_1712, %get3A_1713] {strides = array<i32>} : memref<8x512xf32, #tpu.memory_space<vmem>>, vector<16xf32>,
    %max3A_1715 = arith.maximumf %get3A_1686, %get3A_1690 : vector<16xf32>
    %max3A_1716 = arith.maximumf %max3A_1715, %get3A_1694 : vector<16xf32>
    %max3A_1717 = arith.maximumf %max3A_1716, %get3A_1698 : vector<16xf32>
    %max3A_1718 = arith.maximumf %max3A_1717, %get3A_1702 : vector<16xf32>
    %max3A_1719 = arith.maximumf %max3A_1718, %get3A_1706 : vector<16xf32>
    %max3A_1720 = arith.maximumf %max3A_1719, %get3A_1710 : vector<16xf32>
    %max3A_1721 = arith.maximumf %max3A_1720, %get3A_1714 : vector<16xf32>
    %sub3A_1722 = arith.subf %get3A_1686, %max3A_1721 : vector<16xf32>
    %exp3A_1723 = math.exp %sub3A_1722 : vector<16xf32>
    %sub3A_1724 = arith.subf %get3A_1690, %max3A_1721 : vector<16xf32>
    %exp3A_1725 = math.exp %sub3A_1724 : vector<16xf32>
    %sub3A_1726 = arith.subf %get3A_1694, %max3A_1721 : vector<16xf32>
    %exp3A_1727 = math.exp %sub3A_1726 : vector<16xf32>
    %sub3A_1728 = arith.subf %get3A_1698, %max3A_1721 : vector<16xf32>
    %exp3A_1729 = math.exp %sub3A_1728 : vector<16xf32>
    %sub3A_1730 = arith.subf %get3A_1702, %max3A_1721 : vector<16xf32>
    %exp3A_1731 = math.exp %sub3A_1730 : vector<16xf32>
    %sub3A_1732 = arith.subf %get3A_1706, %max3A_1721 : vector<16xf32>
    %exp3A_1733 = math.exp %sub3A_1732 : vector<16xf32>
    %sub3A_1734 = arith.subf %get3A_1710, %max3A_1721 : vector<16xf32>
    %exp3A_1735 = math.exp %sub3A_1734 : vector<16xf32>
    %sub3A_1736 = arith.subf %get3A_1714, %max3A_1721 : vector<16xf32>
    %exp3A_1737 = math.exp %sub3A_1736 : vector<16xf32>
    %add3A_1738 = arith.addf %exp3A_1723, %exp3A_1725 : vector<16xf32>
    %add3A_1739 = arith.addf %add3A_1738, %exp3A_1727 : vector<16xf32>
    %add3A_1740 = arith.addf %add3A_1739, %exp3A_1729 : vector<16xf32>
    %add3A_1741 = arith.addf %add3A_1740, %exp3A_1731 : vector<16xf32>
    %add3A_1742 = arith.addf %add3A_1741, %exp3A_1733 : vector<16xf32>
    %add3A_1743 = arith.addf %add3A_1742, %exp3A_1735 : vector<16xf32>
    %add3A_1744 = arith.addf %add3A_1743, %exp3A_1737 : vector<16xf32>
    %div3A_1745 = arith.constant 1.000000e+00 : f32
    %div3A_1746 = vector.broadcast %div3A_1745 : f32 to vector<16xf32>
    %div3A_1747 = arith.divf %div3A_1746, %add3A_1744 : vector<16xf32>
    %mul3A_1748 = arith.mulf %exp3A_1723, %div3A_1747 : vector<16xf32>
    %swap3A_1749 = arith.constant 0 : i32
    %swap3A_1750 = arith.index_cast %swap3A_1749 : i32 to index
    %swap3A_1751 = arith.constant 256 : index
    %swap3A_1752 = tpu.vector_load %arg5[%swap3A_1750, %swap3A_1751] {strides = array<i32>} : memref<8x512xf32, #tpu.memory_space<vmem>>, vector<16xf32>,
    tpu.vector_store %arg5[%swap3A_1750, %swap3A_1751], %mul3A_1748 {strides = array<i32>} : memref<8x512xf32, #tpu.memory_space<vmem>>, vector<16xf32>,
    %mul3A_1753 = arith.mulf %exp3A_1725, %div3A_1747 : vector<16xf32>
    %swap3A_1754 = arith.constant 1 : i32
    %swap3A_1755 = arith.index_cast %swap3A_1754 : i32 to index
    %swap3A_1756 = arith.constant 256 : index
    %swap3A_1757 = tpu.vector_load %arg5[%swap3A_1755, %swap3A_1756] {strides = array<i32>} : memref<8x512xf32, #tpu.memory_space<vmem>>, vector<16xf32>,
    tpu.vector_store %arg5[%swap3A_1755, %swap3A_1756], %mul3A_1753 {strides = array<i32>} : memref<8x512xf32, #tpu.memory_space<vmem>>, vector<16xf32>,
    %mul3A_1758 = arith.mulf %exp3A_1727, %div3A_1747 : vector<16xf32>
    %swap3A_1759 = arith.constant 2 : i32
    %swap3A_1760 = arith.index_cast %swap3A_1759 : i32 to index
    %swap3A_1761 = arith.constant 256 : index
    %swap3A_1762 = tpu.vector_load %arg5[%swap3A_1760, %swap3A_1761] {strides = array<i32>} : memref<8x512xf32, #tpu.memory_space<vmem>>, vector<16xf32>,
    tpu.vector_store %arg5[%swap3A_1760, %swap3A_1761], %mul3A_1758 {strides = array<i32>} : memref<8x512xf32, #tpu.memory_space<vmem>>, vector<16xf32>,
    %mul3A_1763 = arith.mulf %exp3A_1729, %div3A_1747 : vector<16xf32>
    %swap3A_1764 = arith.constant 3 : i32
    %swap3A_1765 = arith.index_cast %swap3A_1764 : i32 to index
    %swap3A_1766 = arith.constant 256 : index
    %swap3A_1767 = tpu.vector_load %arg5[%swap3A_1765, %swap3A_1766] {strides = array<i32>} : memref<8x512xf32, #tpu.memory_space<vmem>>, vector<16xf32>,
    tpu.vector_store %arg5[%swap3A_1765, %swap3A_1766], %mul3A_1763 {strides = array<i32>} : memref<8x512xf32, #tpu.memory_space<vmem>>, vector<16xf32>,
    %mul3A_1768 = arith.mulf %exp3A_1731, %div3A_1747 : vector<16xf32>
    %swap3A_1769 = arith.constant 4 : i32
    %swap3A_1770 = arith.index_cast %swap3A_1769 : i32 to index
    %swap3A_1771 = arith.constant 256 : index
    %swap3A_1772 = tpu.vector_load %arg5[%swap3A_1770, %swap3A_1771] {strides = array<i32>} : memref<8x512xf32, #tpu.memory_space<vmem>>, vector<16xf32>,
    tpu.vector_store %arg5[%swap3A_1770, %swap3A_1771], %mul3A_1768 {strides = array<i32>} : memref<8x512xf32, #tpu.memory_space<vmem>>, vector<16xf32>,
    %mul3A_1773 = arith.mulf %exp3A_1733, %div3A_1747 : vector<16xf32>
    %swap3A_1774 = arith.constant 5 : i32
    %swap3A_1775 = arith.index_cast %swap3A_1774 : i32 to index
    %swap3A_1776 = arith.constant 256 : index
    %swap3A_1777 = tpu.vector_load %arg5[%swap3A_1775, %swap3A_1776] {strides = array<i32>} : memref<8x512xf32, #tpu.memory_space<vmem>>, vector<16xf32>,
    tpu.vector_store %arg5[%swap3A_1775, %swap3A_1776], %mul3A_1773 {strides = array<i32>} : memref<8x512xf32, #tpu.memory_space<vmem>>, vector<16xf32>,
    %mul3A_1778 = arith.mulf %exp3A_1735, %div3A_1747 : vector<16xf32>
    %swap3A_1779 = arith.constant 6 : i32
    %swap3A_1780 = arith.index_cast %swap3A_1779 : i32 to index
    %swap3A_1781 = arith.constant 256 : index
    %swap3A_1782 = tpu.vector_load %arg5[%swap3A_1780, %swap3A_1781] {strides = array<i32>} : memref<8x512xf32, #tpu.memory_space<vmem>>, vector<16xf32>,
    tpu.vector_store %arg5[%swap3A_1780, %swap3A_1781], %mul3A_1778 {strides = array<i32>} : memref<8x512xf32, #tpu.memory_space<vmem>>, vector<16xf32>,
    %mul3A_1783 = arith.mulf %exp3A_1737, %div3A_1747 : vector<16xf32>
    %swap3A_1784 = arith.constant 7 : i32
    %swap3A_1785 = arith.index_cast %swap3A_1784 : i32 to index
    %swap3A_1786 = arith.constant 256 : index
    %swap3A_1787 = tpu.vector_load %arg5[%swap3A_1785, %swap3A_1786] {strides = array<i32>} : memref<8x512xf32, #tpu.memory_space<vmem>>, vector<16xf32>,
    tpu.vector_store %arg5[%swap3A_1785, %swap3A_1786], %mul3A_1783 {strides = array<i32>} : memref<8x512xf32, #tpu.memory_space<vmem>>, vector<16xf32>,
    %get3A_1788 = arith.constant 0 : i32
    %get3A_1789 = arith.index_cast %get3A_1788 : i32 to index
    %get3A_1790 = arith.constant 272 : index
    %get3A_1791 = tpu.vector_load %arg4[%get3A_1789, %get3A_1790] {strides = array<i32>} : memref<8x512xf32, #tpu.memory_space<vmem>>, vector<16xf32>,
    %get3A_1792 = arith.constant 1 : i32
    %get3A_1793 = arith.index_cast %get3A_1792 : i32 to index
    %get3A_1794 = arith.constant 272 : index
    %get3A_1795 = tpu.vector_load %arg4[%get3A_1793, %get3A_1794] {strides = array<i32>} : memref<8x512xf32, #tpu.memory_space<vmem>>, vector<16xf32>,
    %get3A_1796 = arith.constant 2 : i32
    %get3A_1797 = arith.index_cast %get3A_1796 : i32 to index
    %get3A_1798 = arith.constant 272 : index
    %get3A_1799 = tpu.vector_load %arg4[%get3A_1797, %get3A_1798] {strides = array<i32>} : memref<8x512xf32, #tpu.memory_space<vmem>>, vector<16xf32>,
    %get3A_1800 = arith.constant 3 : i32
    %get3A_1801 = arith.index_cast %get3A_1800 : i32 to index
    %get3A_1802 = arith.constant 272 : index
    %get3A_1803 = tpu.vector_load %arg4[%get3A_1801, %get3A_1802] {strides = array<i32>} : memref<8x512xf32, #tpu.memory_space<vmem>>, vector<16xf32>,
    %get3A_1804 = arith.constant 4 : i32
    %get3A_1805 = arith.index_cast %get3A_1804 : i32 to index
    %get3A_1806 = arith.constant 272 : index
    %get3A_1807 = tpu.vector_load %arg4[%get3A_1805, %get3A_1806] {strides = array<i32>} : memref<8x512xf32, #tpu.memory_space<vmem>>, vector<16xf32>,
    %get3A_1808 = arith.constant 5 : i32
    %get3A_1809 = arith.index_cast %get3A_1808 : i32 to index
    %get3A_1810 = arith.constant 272 : index
    %get3A_1811 = tpu.vector_load %arg4[%get3A_1809, %get3A_1810] {strides = array<i32>} : memref<8x512xf32, #tpu.memory_space<vmem>>, vector<16xf32>,
    %get3A_1812 = arith.constant 6 : i32
    %get3A_1813 = arith.index_cast %get3A_1812 : i32 to index
    %get3A_1814 = arith.constant 272 : index
    %get3A_1815 = tpu.vector_load %arg4[%get3A_1813, %get3A_1814] {strides = array<i32>} : memref<8x512xf32, #tpu.memory_space<vmem>>, vector<16xf32>,
    %get3A_1816 = arith.constant 7 : i32
    %get3A_1817 = arith.index_cast %get3A_1816 : i32 to index
    %get3A_1818 = arith.constant 272 : index
    %get3A_1819 = tpu.vector_load %arg4[%get3A_1817, %get3A_1818] {strides = array<i32>} : memref<8x512xf32, #tpu.memory_space<vmem>>, vector<16xf32>,
    %max3A_1820 = arith.maximumf %get3A_1791, %get3A_1795 : vector<16xf32>
    %max3A_1821 = arith.maximumf %max3A_1820, %get3A_1799 : vector<16xf32>
    %max3A_1822 = arith.maximumf %max3A_1821, %get3A_1803 : vector<16xf32>
    %max3A_1823 = arith.maximumf %max3A_1822, %get3A_1807 : vector<16xf32>
    %max3A_1824 = arith.maximumf %max3A_1823, %get3A_1811 : vector<16xf32>
    %max3A_1825 = arith.maximumf %max3A_1824, %get3A_1815 : vector<16xf32>
    %max3A_1826 = arith.maximumf %max3A_1825, %get3A_1819 : vector<16xf32>
    %sub3A_1827 = arith.subf %get3A_1791, %max3A_1826 : vector<16xf32>
    %exp3A_1828 = math.exp %sub3A_1827 : vector<16xf32>
    %sub3A_1829 = arith.subf %get3A_1795, %max3A_1826 : vector<16xf32>
    %exp3A_1830 = math.exp %sub3A_1829 : vector<16xf32>
    %sub3A_1831 = arith.subf %get3A_1799, %max3A_1826 : vector<16xf32>
    %exp3A_1832 = math.exp %sub3A_1831 : vector<16xf32>
    %sub3A_1833 = arith.subf %get3A_1803, %max3A_1826 : vector<16xf32>
    %exp3A_1834 = math.exp %sub3A_1833 : vector<16xf32>
    %sub3A_1835 = arith.subf %get3A_1807, %max3A_1826 : vector<16xf32>
    %exp3A_1836 = math.exp %sub3A_1835 : vector<16xf32>
    %sub3A_1837 = arith.subf %get3A_1811, %max3A_1826 : vector<16xf32>
    %exp3A_1838 = math.exp %sub3A_1837 : vector<16xf32>
    %sub3A_1839 = arith.subf %get3A_1815, %max3A_1826 : vector<16xf32>
    %exp3A_1840 = math.exp %sub3A_1839 : vector<16xf32>
    %sub3A_1841 = arith.subf %get3A_1819, %max3A_1826 : vector<16xf32>
    %exp3A_1842 = math.exp %sub3A_1841 : vector<16xf32>
    %add3A_1843 = arith.addf %exp3A_1828, %exp3A_1830 : vector<16xf32>
    %add3A_1844 = arith.addf %add3A_1843, %exp3A_1832 : vector<16xf32>
    %add3A_1845 = arith.addf %add3A_1844, %exp3A_1834 : vector<16xf32>
    %add3A_1846 = arith.addf %add3A_1845, %exp3A_1836 : vector<16xf32>
    %add3A_1847 = arith.addf %add3A_1846, %exp3A_1838 : vector<16xf32>
    %add3A_1848 = arith.addf %add3A_1847, %exp3A_1840 : vector<16xf32>
    %add3A_1849 = arith.addf %add3A_1848, %exp3A_1842 : vector<16xf32>
    %div3A_1850 = arith.constant 1.000000e+00 : f32
    %div3A_1851 = vector.broadcast %div3A_1850 : f32 to vector<16xf32>
    %div3A_1852 = arith.divf %div3A_1851, %add3A_1849 : vector<16xf32>
    %mul3A_1853 = arith.mulf %exp3A_1828, %div3A_1852 : vector<16xf32>
    %swap3A_1854 = arith.constant 0 : i32
    %swap3A_1855 = arith.index_cast %swap3A_1854 : i32 to index
    %swap3A_1856 = arith.constant 272 : index
    %swap3A_1857 = tpu.vector_load %arg5[%swap3A_1855, %swap3A_1856] {strides = array<i32>} : memref<8x512xf32, #tpu.memory_space<vmem>>, vector<16xf32>,
    tpu.vector_store %arg5[%swap3A_1855, %swap3A_1856], %mul3A_1853 {strides = array<i32>} : memref<8x512xf32, #tpu.memory_space<vmem>>, vector<16xf32>,
    %mul3A_1858 = arith.mulf %exp3A_1830, %div3A_1852 : vector<16xf32>
    %swap3A_1859 = arith.constant 1 : i32
    %swap3A_1860 = arith.index_cast %swap3A_1859 : i32 to index
    %swap3A_1861 = arith.constant 272 : index
    %swap3A_1862 = tpu.vector_load %arg5[%swap3A_1860, %swap3A_1861] {strides = array<i32>} : memref<8x512xf32, #tpu.memory_space<vmem>>, vector<16xf32>,
    tpu.vector_store %arg5[%swap3A_1860, %swap3A_1861], %mul3A_1858 {strides = array<i32>} : memref<8x512xf32, #tpu.memory_space<vmem>>, vector<16xf32>,
    %mul3A_1863 = arith.mulf %exp3A_1832, %div3A_1852 : vector<16xf32>
    %swap3A_1864 = arith.constant 2 : i32
    %swap3A_1865 = arith.index_cast %swap3A_1864 : i32 to index
    %swap3A_1866 = arith.constant 272 : index
    %swap3A_1867 = tpu.vector_load %arg5[%swap3A_1865, %swap3A_1866] {strides = array<i32>} : memref<8x512xf32, #tpu.memory_space<vmem>>, vector<16xf32>,
    tpu.vector_store %arg5[%swap3A_1865, %swap3A_1866], %mul3A_1863 {strides = array<i32>} : memref<8x512xf32, #tpu.memory_space<vmem>>, vector<16xf32>,
    %mul3A_1868 = arith.mulf %exp3A_1834, %div3A_1852 : vector<16xf32>
    %swap3A_1869 = arith.constant 3 : i32
    %swap3A_1870 = arith.index_cast %swap3A_1869 : i32 to index
    %swap3A_1871 = arith.constant 272 : index
    %swap3A_1872 = tpu.vector_load %arg5[%swap3A_1870, %swap3A_1871] {strides = array<i32>} : memref<8x512xf32, #tpu.memory_space<vmem>>, vector<16xf32>,
    tpu.vector_store %arg5[%swap3A_1870, %swap3A_1871], %mul3A_1868 {strides = array<i32>} : memref<8x512xf32, #tpu.memory_space<vmem>>, vector<16xf32>,
    %mul3A_1873 = arith.mulf %exp3A_1836, %div3A_1852 : vector<16xf32>
    %swap3A_1874 = arith.constant 4 : i32
    %swap3A_1875 = arith.index_cast %swap3A_1874 : i32 to index
    %swap3A_1876 = arith.constant 272 : index
    %swap3A_1877 = tpu.vector_load %arg5[%swap3A_1875, %swap3A_1876] {strides = array<i32>} : memref<8x512xf32, #tpu.memory_space<vmem>>, vector<16xf32>,
    tpu.vector_store %arg5[%swap3A_1875, %swap3A_1876], %mul3A_1873 {strides = array<i32>} : memref<8x512xf32, #tpu.memory_space<vmem>>, vector<16xf32>,
    %mul3A_1878 = arith.mulf %exp3A_1838, %div3A_1852 : vector<16xf32>
    %swap3A_1879 = arith.constant 5 : i32
    %swap3A_1880 = arith.index_cast %swap3A_1879 : i32 to index
    %swap3A_1881 = arith.constant 272 : index
    %swap3A_1882 = tpu.vector_load %arg5[%swap3A_1880, %swap3A_1881] {strides = array<i32>} : memref<8x512xf32, #tpu.memory_space<vmem>>, vector<16xf32>,
    tpu.vector_store %arg5[%swap3A_1880, %swap3A_1881], %mul3A_1878 {strides = array<i32>} : memref<8x512xf32, #tpu.memory_space<vmem>>, vector<16xf32>,
    %mul3A_1883 = arith.mulf %exp3A_1840, %div3A_1852 : vector<16xf32>
    %swap3A_1884 = arith.constant 6 : i32
    %swap3A_1885 = arith.index_cast %swap3A_1884 : i32 to index
    %swap3A_1886 = arith.constant 272 : index
    %swap3A_1887 = tpu.vector_load %arg5[%swap3A_1885, %swap3A_1886] {strides = array<i32>} : memref<8x512xf32, #tpu.memory_space<vmem>>, vector<16xf32>,
    tpu.vector_store %arg5[%swap3A_1885, %swap3A_1886], %mul3A_1883 {strides = array<i32>} : memref<8x512xf32, #tpu.memory_space<vmem>>, vector<16xf32>,
    %mul3A_1888 = arith.mulf %exp3A_1842, %div3A_1852 : vector<16xf32>
    %swap3A_1889 = arith.constant 7 : i32
    %swap3A_1890 = arith.index_cast %swap3A_1889 : i32 to index
    %swap3A_1891 = arith.constant 272 : index
    %swap3A_1892 = tpu.vector_load %arg5[%swap3A_1890, %swap3A_1891] {strides = array<i32>} : memref<8x512xf32, #tpu.memory_space<vmem>>, vector<16xf32>,
    tpu.vector_store %arg5[%swap3A_1890, %swap3A_1891], %mul3A_1888 {strides = array<i32>} : memref<8x512xf32, #tpu.memory_space<vmem>>, vector<16xf32>,
    %get3A_1893 = arith.constant 0 : i32
    %get3A_1894 = arith.index_cast %get3A_1893 : i32 to index
    %get3A_1895 = arith.constant 288 : index
    %get3A_1896 = tpu.vector_load %arg4[%get3A_1894, %get3A_1895] {strides = array<i32>} : memref<8x512xf32, #tpu.memory_space<vmem>>, vector<16xf32>,
    %get3A_1897 = arith.constant 1 : i32
    %get3A_1898 = arith.index_cast %get3A_1897 : i32 to index
    %get3A_1899 = arith.constant 288 : index
    %get3A_1900 = tpu.vector_load %arg4[%get3A_1898, %get3A_1899] {strides = array<i32>} : memref<8x512xf32, #tpu.memory_space<vmem>>, vector<16xf32>,
    %get3A_1901 = arith.constant 2 : i32
    %get3A_1902 = arith.index_cast %get3A_1901 : i32 to index
    %get3A_1903 = arith.constant 288 : index
    %get3A_1904 = tpu.vector_load %arg4[%get3A_1902, %get3A_1903] {strides = array<i32>} : memref<8x512xf32, #tpu.memory_space<vmem>>, vector<16xf32>,
    %get3A_1905 = arith.constant 3 : i32
    %get3A_1906 = arith.index_cast %get3A_1905 : i32 to index
    %get3A_1907 = arith.constant 288 : index
    %get3A_1908 = tpu.vector_load %arg4[%get3A_1906, %get3A_1907] {strides = array<i32>} : memref<8x512xf32, #tpu.memory_space<vmem>>, vector<16xf32>,
    %get3A_1909 = arith.constant 4 : i32
    %get3A_1910 = arith.index_cast %get3A_1909 : i32 to index
    %get3A_1911 = arith.constant 288 : index
    %get3A_1912 = tpu.vector_load %arg4[%get3A_1910, %get3A_1911] {strides = array<i32>} : memref<8x512xf32, #tpu.memory_space<vmem>>, vector<16xf32>,
    %get3A_1913 = arith.constant 5 : i32
    %get3A_1914 = arith.index_cast %get3A_1913 : i32 to index
    %get3A_1915 = arith.constant 288 : index
    %get3A_1916 = tpu.vector_load %arg4[%get3A_1914, %get3A_1915] {strides = array<i32>} : memref<8x512xf32, #tpu.memory_space<vmem>>, vector<16xf32>,
    %get3A_1917 = arith.constant 6 : i32
    %get3A_1918 = arith.index_cast %get3A_1917 : i32 to index
    %get3A_1919 = arith.constant 288 : index
    %get3A_1920 = tpu.vector_load %arg4[%get3A_1918, %get3A_1919] {strides = array<i32>} : memref<8x512xf32, #tpu.memory_space<vmem>>, vector<16xf32>,
    %get3A_1921 = arith.constant 7 : i32
    %get3A_1922 = arith.index_cast %get3A_1921 : i32 to index
    %get3A_1923 = arith.constant 288 : index
    %get3A_1924 = tpu.vector_load %arg4[%get3A_1922, %get3A_1923] {strides = array<i32>} : memref<8x512xf32, #tpu.memory_space<vmem>>, vector<16xf32>,
    %max3A_1925 = arith.maximumf %get3A_1896, %get3A_1900 : vector<16xf32>
    %max3A_1926 = arith.maximumf %max3A_1925, %get3A_1904 : vector<16xf32>
    %max3A_1927 = arith.maximumf %max3A_1926, %get3A_1908 : vector<16xf32>
    %max3A_1928 = arith.maximumf %max3A_1927, %get3A_1912 : vector<16xf32>
    %max3A_1929 = arith.maximumf %max3A_1928, %get3A_1916 : vector<16xf32>
    %max3A_1930 = arith.maximumf %max3A_1929, %get3A_1920 : vector<16xf32>
    %max3A_1931 = arith.maximumf %max3A_1930, %get3A_1924 : vector<16xf32>
    %sub3A_1932 = arith.subf %get3A_1896, %max3A_1931 : vector<16xf32>
    %exp3A_1933 = math.exp %sub3A_1932 : vector<16xf32>
    %sub3A_1934 = arith.subf %get3A_1900, %max3A_1931 : vector<16xf32>
    %exp3A_1935 = math.exp %sub3A_1934 : vector<16xf32>
    %sub3A_1936 = arith.subf %get3A_1904, %max3A_1931 : vector<16xf32>
    %exp3A_1937 = math.exp %sub3A_1936 : vector<16xf32>
    %sub3A_1938 = arith.subf %get3A_1908, %max3A_1931 : vector<16xf32>
    %exp3A_1939 = math.exp %sub3A_1938 : vector<16xf32>
    %sub3A_1940 = arith.subf %get3A_1912, %max3A_1931 : vector<16xf32>
    %exp3A_1941 = math.exp %sub3A_1940 : vector<16xf32>
    %sub3A_1942 = arith.subf %get3A_1916, %max3A_1931 : vector<16xf32>
    %exp3A_1943 = math.exp %sub3A_1942 : vector<16xf32>
    %sub3A_1944 = arith.subf %get3A_1920, %max3A_1931 : vector<16xf32>
    %exp3A_1945 = math.exp %sub3A_1944 : vector<16xf32>
    %sub3A_1946 = arith.subf %get3A_1924, %max3A_1931 : vector<16xf32>
    %exp3A_1947 = math.exp %sub3A_1946 : vector<16xf32>
    %add3A_1948 = arith.addf %exp3A_1933, %exp3A_1935 : vector<16xf32>
    %add3A_1949 = arith.addf %add3A_1948, %exp3A_1937 : vector<16xf32>
    %add3A_1950 = arith.addf %add3A_1949, %exp3A_1939 : vector<16xf32>
    %add3A_1951 = arith.addf %add3A_1950, %exp3A_1941 : vector<16xf32>
    %add3A_1952 = arith.addf %add3A_1951, %exp3A_1943 : vector<16xf32>
    %add3A_1953 = arith.addf %add3A_1952, %exp3A_1945 : vector<16xf32>
    %add3A_1954 = arith.addf %add3A_1953, %exp3A_1947 : vector<16xf32>
    %div3A_1955 = arith.constant 1.000000e+00 : f32
    %div3A_1956 = vector.broadcast %div3A_1955 : f32 to vector<16xf32>
    %div3A_1957 = arith.divf %div3A_1956, %add3A_1954 : vector<16xf32>
    %mul3A_1958 = arith.mulf %exp3A_1933, %div3A_1957 : vector<16xf32>
    %swap3A_1959 = arith.constant 0 : i32
    %swap3A_1960 = arith.index_cast %swap3A_1959 : i32 to index
    %swap3A_1961 = arith.constant 288 : index
    %swap3A_1962 = tpu.vector_load %arg5[%swap3A_1960, %swap3A_1961] {strides = array<i32>} : memref<8x512xf32, #tpu.memory_space<vmem>>, vector<16xf32>,
    tpu.vector_store %arg5[%swap3A_1960, %swap3A_1961], %mul3A_1958 {strides = array<i32>} : memref<8x512xf32, #tpu.memory_space<vmem>>, vector<16xf32>,
    %mul3A_1963 = arith.mulf %exp3A_1935, %div3A_1957 : vector<16xf32>
    %swap3A_1964 = arith.constant 1 : i32
    %swap3A_1965 = arith.index_cast %swap3A_1964 : i32 to index
    %swap3A_1966 = arith.constant 288 : index
    %swap3A_1967 = tpu.vector_load %arg5[%swap3A_1965, %swap3A_1966] {strides = array<i32>} : memref<8x512xf32, #tpu.memory_space<vmem>>, vector<16xf32>,
    tpu.vector_store %arg5[%swap3A_1965, %swap3A_1966], %mul3A_1963 {strides = array<i32>} : memref<8x512xf32, #tpu.memory_space<vmem>>, vector<16xf32>,
    %mul3A_1968 = arith.mulf %exp3A_1937, %div3A_1957 : vector<16xf32>
    %swap3A_1969 = arith.constant 2 : i32
    %swap3A_1970 = arith.index_cast %swap3A_1969 : i32 to index
    %swap3A_1971 = arith.constant 288 : index
    %swap3A_1972 = tpu.vector_load %arg5[%swap3A_1970, %swap3A_1971] {strides = array<i32>} : memref<8x512xf32, #tpu.memory_space<vmem>>, vector<16xf32>,
    tpu.vector_store %arg5[%swap3A_1970, %swap3A_1971], %mul3A_1968 {strides = array<i32>} : memref<8x512xf32, #tpu.memory_space<vmem>>, vector<16xf32>,
    %mul3A_1973 = arith.mulf %exp3A_1939, %div3A_1957 : vector<16xf32>
    %swap3A_1974 = arith.constant 3 : i32
    %swap3A_1975 = arith.index_cast %swap3A_1974 : i32 to index
    %swap3A_1976 = arith.constant 288 : index
    %swap3A_1977 = tpu.vector_load %arg5[%swap3A_1975, %swap3A_1976] {strides = array<i32>} : memref<8x512xf32, #tpu.memory_space<vmem>>, vector<16xf32>,
    tpu.vector_store %arg5[%swap3A_1975, %swap3A_1976], %mul3A_1973 {strides = array<i32>} : memref<8x512xf32, #tpu.memory_space<vmem>>, vector<16xf32>,
    %mul3A_1978 = arith.mulf %exp3A_1941, %div3A_1957 : vector<16xf32>
    %swap3A_1979 = arith.constant 4 : i32
    %swap3A_1980 = arith.index_cast %swap3A_1979 : i32 to index
    %swap3A_1981 = arith.constant 288 : index
    %swap3A_1982 = tpu.vector_load %arg5[%swap3A_1980, %swap3A_1981] {strides = array<i32>} : memref<8x512xf32, #tpu.memory_space<vmem>>, vector<16xf32>,
    tpu.vector_store %arg5[%swap3A_1980, %swap3A_1981], %mul3A_1978 {strides = array<i32>} : memref<8x512xf32, #tpu.memory_space<vmem>>, vector<16xf32>,
    %mul3A_1983 = arith.mulf %exp3A_1943, %div3A_1957 : vector<16xf32>
    %swap3A_1984 = arith.constant 5 : i32
    %swap3A_1985 = arith.index_cast %swap3A_1984 : i32 to index
    %swap3A_1986 = arith.constant 288 : index
    %swap3A_1987 = tpu.vector_load %arg5[%swap3A_1985, %swap3A_1986] {strides = array<i32>} : memref<8x512xf32, #tpu.memory_space<vmem>>, vector<16xf32>,
    tpu.vector_store %arg5[%swap3A_1985, %swap3A_1986], %mul3A_1983 {strides = array<i32>} : memref<8x512xf32, #tpu.memory_space<vmem>>, vector<16xf32>,
    %mul3A_1988 = arith.mulf %exp3A_1945, %div3A_1957 : vector<16xf32>
    %swap3A_1989 = arith.constant 6 : i32
    %swap3A_1990 = arith.index_cast %swap3A_1989 : i32 to index
    %swap3A_1991 = arith.constant 288 : index
    %swap3A_1992 = tpu.vector_load %arg5[%swap3A_1990, %swap3A_1991] {strides = array<i32>} : memref<8x512xf32, #tpu.memory_space<vmem>>, vector<16xf32>,
    tpu.vector_store %arg5[%swap3A_1990, %swap3A_1991], %mul3A_1988 {strides = array<i32>} : memref<8x512xf32, #tpu.memory_space<vmem>>, vector<16xf32>,
    %mul3A_1993 = arith.mulf %exp3A_1947, %div3A_1957 : vector<16xf32>
    %swap3A_1994 = arith.constant 7 : i32
    %swap3A_1995 = arith.index_cast %swap3A_1994 : i32 to index
    %swap3A_1996 = arith.constant 288 : index
    %swap3A_1997 = tpu.vector_load %arg5[%swap3A_1995, %swap3A_1996] {strides = array<i32>} : memref<8x512xf32, #tpu.memory_space<vmem>>, vector<16xf32>,
    tpu.vector_store %arg5[%swap3A_1995, %swap3A_1996], %mul3A_1993 {strides = array<i32>} : memref<8x512xf32, #tpu.memory_space<vmem>>, vector<16xf32>,
    %get3A_1998 = arith.constant 0 : i32
    %get3A_1999 = arith.index_cast %get3A_1998 : i32 to index
    %get3A_2000 = arith.constant 304 : index
    %get3A_2001 = tpu.vector_load %arg4[%get3A_1999, %get3A_2000] {strides = array<i32>} : memref<8x512xf32, #tpu.memory_space<vmem>>, vector<16xf32>,
    %get3A_2002 = arith.constant 1 : i32
    %get3A_2003 = arith.index_cast %get3A_2002 : i32 to index
    %get3A_2004 = arith.constant 304 : index
    %get3A_2005 = tpu.vector_load %arg4[%get3A_2003, %get3A_2004] {strides = array<i32>} : memref<8x512xf32, #tpu.memory_space<vmem>>, vector<16xf32>,
    %get3A_2006 = arith.constant 2 : i32
    %get3A_2007 = arith.index_cast %get3A_2006 : i32 to index
    %get3A_2008 = arith.constant 304 : index
    %get3A_2009 = tpu.vector_load %arg4[%get3A_2007, %get3A_2008] {strides = array<i32>} : memref<8x512xf32, #tpu.memory_space<vmem>>, vector<16xf32>,
    %get3A_2010 = arith.constant 3 : i32
    %get3A_2011 = arith.index_cast %get3A_2010 : i32 to index
    %get3A_2012 = arith.constant 304 : index
    %get3A_2013 = tpu.vector_load %arg4[%get3A_2011, %get3A_2012] {strides = array<i32>} : memref<8x512xf32, #tpu.memory_space<vmem>>, vector<16xf32>,
    %get3A_2014 = arith.constant 4 : i32
    %get3A_2015 = arith.index_cast %get3A_2014 : i32 to index
    %get3A_2016 = arith.constant 304 : index
    %get3A_2017 = tpu.vector_load %arg4[%get3A_2015, %get3A_2016] {strides = array<i32>} : memref<8x512xf32, #tpu.memory_space<vmem>>, vector<16xf32>,
    %get3A_2018 = arith.constant 5 : i32
    %get3A_2019 = arith.index_cast %get3A_2018 : i32 to index
    %get3A_2020 = arith.constant 304 : index
    %get3A_2021 = tpu.vector_load %arg4[%get3A_2019, %get3A_2020] {strides = array<i32>} : memref<8x512xf32, #tpu.memory_space<vmem>>, vector<16xf32>,
    %get3A_2022 = arith.constant 6 : i32
    %get3A_2023 = arith.index_cast %get3A_2022 : i32 to index
    %get3A_2024 = arith.constant 304 : index
    %get3A_2025 = tpu.vector_load %arg4[%get3A_2023, %get3A_2024] {strides = array<i32>} : memref<8x512xf32, #tpu.memory_space<vmem>>, vector<16xf32>,
    %get3A_2026 = arith.constant 7 : i32
    %get3A_2027 = arith.index_cast %get3A_2026 : i32 to index
    %get3A_2028 = arith.constant 304 : index
    %get3A_2029 = tpu.vector_load %arg4[%get3A_2027, %get3A_2028] {strides = array<i32>} : memref<8x512xf32, #tpu.memory_space<vmem>>, vector<16xf32>,
    %max3A_2030 = arith.maximumf %get3A_2001, %get3A_2005 : vector<16xf32>
    %max3A_2031 = arith.maximumf %max3A_2030, %get3A_2009 : vector<16xf32>
    %max3A_2032 = arith.maximumf %max3A_2031, %get3A_2013 : vector<16xf32>
    %max3A_2033 = arith.maximumf %max3A_2032, %get3A_2017 : vector<16xf32>
    %max3A_2034 = arith.maximumf %max3A_2033, %get3A_2021 : vector<16xf32>
    %max3A_2035 = arith.maximumf %max3A_2034, %get3A_2025 : vector<16xf32>
    %max3A_2036 = arith.maximumf %max3A_2035, %get3A_2029 : vector<16xf32>
    %sub3A_2037 = arith.subf %get3A_2001, %max3A_2036 : vector<16xf32>
    %exp3A_2038 = math.exp %sub3A_2037 : vector<16xf32>
    %sub3A_2039 = arith.subf %get3A_2005, %max3A_2036 : vector<16xf32>
    %exp3A_2040 = math.exp %sub3A_2039 : vector<16xf32>
    %sub3A_2041 = arith.subf %get3A_2009, %max3A_2036 : vector<16xf32>
    %exp3A_2042 = math.exp %sub3A_2041 : vector<16xf32>
    %sub3A_2043 = arith.subf %get3A_2013, %max3A_2036 : vector<16xf32>
    %exp3A_2044 = math.exp %sub3A_2043 : vector<16xf32>
    %sub3A_2045 = arith.subf %get3A_2017, %max3A_2036 : vector<16xf32>
    %exp3A_2046 = math.exp %sub3A_2045 : vector<16xf32>
    %sub3A_2047 = arith.subf %get3A_2021, %max3A_2036 : vector<16xf32>
    %exp3A_2048 = math.exp %sub3A_2047 : vector<16xf32>
    %sub3A_2049 = arith.subf %get3A_2025, %max3A_2036 : vector<16xf32>
    %exp3A_2050 = math.exp %sub3A_2049 : vector<16xf32>
    %sub3A_2051 = arith.subf %get3A_2029, %max3A_2036 : vector<16xf32>
    %exp3A_2052 = math.exp %sub3A_2051 : vector<16xf32>
    %add3A_2053 = arith.addf %exp3A_2038, %exp3A_2040 : vector<16xf32>
    %add3A_2054 = arith.addf %add3A_2053, %exp3A_2042 : vector<16xf32>
    %add3A_2055 = arith.addf %add3A_2054, %exp3A_2044 : vector<16xf32>
    %add3A_2056 = arith.addf %add3A_2055, %exp3A_2046 : vector<16xf32>
    %add3A_2057 = arith.addf %add3A_2056, %exp3A_2048 : vector<16xf32>
    %add3A_2058 = arith.addf %add3A_2057, %exp3A_2050 : vector<16xf32>
    %add3A_2059 = arith.addf %add3A_2058, %exp3A_2052 : vector<16xf32>
    %div3A_2060 = arith.constant 1.000000e+00 : f32
    %div3A_2061 = vector.broadcast %div3A_2060 : f32 to vector<16xf32>
    %div3A_2062 = arith.divf %div3A_2061, %add3A_2059 : vector<16xf32>
    %mul3A_2063 = arith.mulf %exp3A_2038, %div3A_2062 : vector<16xf32>
    %swap3A_2064 = arith.constant 0 : i32
    %swap3A_2065 = arith.index_cast %swap3A_2064 : i32 to index
    %swap3A_2066 = arith.constant 304 : index
    %swap3A_2067 = tpu.vector_load %arg5[%swap3A_2065, %swap3A_2066] {strides = array<i32>} : memref<8x512xf32, #tpu.memory_space<vmem>>, vector<16xf32>,
    tpu.vector_store %arg5[%swap3A_2065, %swap3A_2066], %mul3A_2063 {strides = array<i32>} : memref<8x512xf32, #tpu.memory_space<vmem>>, vector<16xf32>,
    %mul3A_2068 = arith.mulf %exp3A_2040, %div3A_2062 : vector<16xf32>
    %swap3A_2069 = arith.constant 1 : i32
    %swap3A_2070 = arith.index_cast %swap3A_2069 : i32 to index
    %swap3A_2071 = arith.constant 304 : index
    %swap3A_2072 = tpu.vector_load %arg5[%swap3A_2070, %swap3A_2071] {strides = array<i32>} : memref<8x512xf32, #tpu.memory_space<vmem>>, vector<16xf32>,
    tpu.vector_store %arg5[%swap3A_2070, %swap3A_2071], %mul3A_2068 {strides = array<i32>} : memref<8x512xf32, #tpu.memory_space<vmem>>, vector<16xf32>,
    %mul3A_2073 = arith.mulf %exp3A_2042, %div3A_2062 : vector<16xf32>
    %swap3A_2074 = arith.constant 2 : i32
    %swap3A_2075 = arith.index_cast %swap3A_2074 : i32 to index
    %swap3A_2076 = arith.constant 304 : index
    %swap3A_2077 = tpu.vector_load %arg5[%swap3A_2075, %swap3A_2076] {strides = array<i32>} : memref<8x512xf32, #tpu.memory_space<vmem>>, vector<16xf32>,
    tpu.vector_store %arg5[%swap3A_2075, %swap3A_2076], %mul3A_2073 {strides = array<i32>} : memref<8x512xf32, #tpu.memory_space<vmem>>, vector<16xf32>,
    %mul3A_2078 = arith.mulf %exp3A_2044, %div3A_2062 : vector<16xf32>
    %swap3A_2079 = arith.constant 3 : i32
    %swap3A_2080 = arith.index_cast %swap3A_2079 : i32 to index
    %swap3A_2081 = arith.constant 304 : index
    %swap3A_2082 = tpu.vector_load %arg5[%swap3A_2080, %swap3A_2081] {strides = array<i32>} : memref<8x512xf32, #tpu.memory_space<vmem>>, vector<16xf32>,
    tpu.vector_store %arg5[%swap3A_2080, %swap3A_2081], %mul3A_2078 {strides = array<i32>} : memref<8x512xf32, #tpu.memory_space<vmem>>, vector<16xf32>,
    %mul3A_2083 = arith.mulf %exp3A_2046, %div3A_2062 : vector<16xf32>
    %swap3A_2084 = arith.constant 4 : i32
    %swap3A_2085 = arith.index_cast %swap3A_2084 : i32 to index
    %swap3A_2086 = arith.constant 304 : index
    %swap3A_2087 = tpu.vector_load %arg5[%swap3A_2085, %swap3A_2086] {strides = array<i32>} : memref<8x512xf32, #tpu.memory_space<vmem>>, vector<16xf32>,
    tpu.vector_store %arg5[%swap3A_2085, %swap3A_2086], %mul3A_2083 {strides = array<i32>} : memref<8x512xf32, #tpu.memory_space<vmem>>, vector<16xf32>,
    %mul3A_2088 = arith.mulf %exp3A_2048, %div3A_2062 : vector<16xf32>
    %swap3A_2089 = arith.constant 5 : i32
    %swap3A_2090 = arith.index_cast %swap3A_2089 : i32 to index
    %swap3A_2091 = arith.constant 304 : index
    %swap3A_2092 = tpu.vector_load %arg5[%swap3A_2090, %swap3A_2091] {strides = array<i32>} : memref<8x512xf32, #tpu.memory_space<vmem>>, vector<16xf32>,
    tpu.vector_store %arg5[%swap3A_2090, %swap3A_2091], %mul3A_2088 {strides = array<i32>} : memref<8x512xf32, #tpu.memory_space<vmem>>, vector<16xf32>,
    %mul3A_2093 = arith.mulf %exp3A_2050, %div3A_2062 : vector<16xf32>
    %swap3A_2094 = arith.constant 6 : i32
    %swap3A_2095 = arith.index_cast %swap3A_2094 : i32 to index
    %swap3A_2096 = arith.constant 304 : index
    %swap3A_2097 = tpu.vector_load %arg5[%swap3A_2095, %swap3A_2096] {strides = array<i32>} : memref<8x512xf32, #tpu.memory_space<vmem>>, vector<16xf32>,
    tpu.vector_store %arg5[%swap3A_2095, %swap3A_2096], %mul3A_2093 {strides = array<i32>} : memref<8x512xf32, #tpu.memory_space<vmem>>, vector<16xf32>,
    %mul3A_2098 = arith.mulf %exp3A_2052, %div3A_2062 : vector<16xf32>
    %swap3A_2099 = arith.constant 7 : i32
    %swap3A_2100 = arith.index_cast %swap3A_2099 : i32 to index
    %swap3A_2101 = arith.constant 304 : index
    %swap3A_2102 = tpu.vector_load %arg5[%swap3A_2100, %swap3A_2101] {strides = array<i32>} : memref<8x512xf32, #tpu.memory_space<vmem>>, vector<16xf32>,
    tpu.vector_store %arg5[%swap3A_2100, %swap3A_2101], %mul3A_2098 {strides = array<i32>} : memref<8x512xf32, #tpu.memory_space<vmem>>, vector<16xf32>,
    %get3A_2103 = arith.constant 0 : i32
    %get3A_2104 = arith.index_cast %get3A_2103 : i32 to index
    %get3A_2105 = arith.constant 320 : index
    %get3A_2106 = tpu.vector_load %arg4[%get3A_2104, %get3A_2105] {strides = array<i32>} : memref<8x512xf32, #tpu.memory_space<vmem>>, vector<16xf32>,
    %get3A_2107 = arith.constant 1 : i32
    %get3A_2108 = arith.index_cast %get3A_2107 : i32 to index
    %get3A_2109 = arith.constant 320 : index
    %get3A_2110 = tpu.vector_load %arg4[%get3A_2108, %get3A_2109] {strides = array<i32>} : memref<8x512xf32, #tpu.memory_space<vmem>>, vector<16xf32>,
    %get3A_2111 = arith.constant 2 : i32
    %get3A_2112 = arith.index_cast %get3A_2111 : i32 to index
    %get3A_2113 = arith.constant 320 : index
    %get3A_2114 = tpu.vector_load %arg4[%get3A_2112, %get3A_2113] {strides = array<i32>} : memref<8x512xf32, #tpu.memory_space<vmem>>, vector<16xf32>,
    %get3A_2115 = arith.constant 3 : i32
    %get3A_2116 = arith.index_cast %get3A_2115 : i32 to index
    %get3A_2117 = arith.constant 320 : index
    %get3A_2118 = tpu.vector_load %arg4[%get3A_2116, %get3A_2117] {strides = array<i32>} : memref<8x512xf32, #tpu.memory_space<vmem>>, vector<16xf32>,
    %get3A_2119 = arith.constant 4 : i32
    %get3A_2120 = arith.index_cast %get3A_2119 : i32 to index
    %get3A_2121 = arith.constant 320 : index
    %get3A_2122 = tpu.vector_load %arg4[%get3A_2120, %get3A_2121] {strides = array<i32>} : memref<8x512xf32, #tpu.memory_space<vmem>>, vector<16xf32>,
    %get3A_2123 = arith.constant 5 : i32
    %get3A_2124 = arith.index_cast %get3A_2123 : i32 to index
    %get3A_2125 = arith.constant 320 : index
    %get3A_2126 = tpu.vector_load %arg4[%get3A_2124, %get3A_2125] {strides = array<i32>} : memref<8x512xf32, #tpu.memory_space<vmem>>, vector<16xf32>,
    %get3A_2127 = arith.constant 6 : i32
    %get3A_2128 = arith.index_cast %get3A_2127 : i32 to index
    %get3A_2129 = arith.constant 320 : index
    %get3A_2130 = tpu.vector_load %arg4[%get3A_2128, %get3A_2129] {strides = array<i32>} : memref<8x512xf32, #tpu.memory_space<vmem>>, vector<16xf32>,
    %get3A_2131 = arith.constant 7 : i32
    %get3A_2132 = arith.index_cast %get3A_2131 : i32 to index
    %get3A_2133 = arith.constant 320 : index
    %get3A_2134 = tpu.vector_load %arg4[%get3A_2132, %get3A_2133] {strides = array<i32>} : memref<8x512xf32, #tpu.memory_space<vmem>>, vector<16xf32>,
    %max3A_2135 = arith.maximumf %get3A_2106, %get3A_2110 : vector<16xf32>
    %max3A_2136 = arith.maximumf %max3A_2135, %get3A_2114 : vector<16xf32>
    %max3A_2137 = arith.maximumf %max3A_2136, %get3A_2118 : vector<16xf32>
    %max3A_2138 = arith.maximumf %max3A_2137, %get3A_2122 : vector<16xf32>
    %max3A_2139 = arith.maximumf %max3A_2138, %get3A_2126 : vector<16xf32>
    %max3A_2140 = arith.maximumf %max3A_2139, %get3A_2130 : vector<16xf32>
    %max3A_2141 = arith.maximumf %max3A_2140, %get3A_2134 : vector<16xf32>
    %sub3A_2142 = arith.subf %get3A_2106, %max3A_2141 : vector<16xf32>
    %exp3A_2143 = math.exp %sub3A_2142 : vector<16xf32>
    %sub3A_2144 = arith.subf %get3A_2110, %max3A_2141 : vector<16xf32>
    %exp3A_2145 = math.exp %sub3A_2144 : vector<16xf32>
    %sub3A_2146 = arith.subf %get3A_2114, %max3A_2141 : vector<16xf32>
    %exp3A_2147 = math.exp %sub3A_2146 : vector<16xf32>
    %sub3A_2148 = arith.subf %get3A_2118, %max3A_2141 : vector<16xf32>
    %exp3A_2149 = math.exp %sub3A_2148 : vector<16xf32>
    %sub3A_2150 = arith.subf %get3A_2122, %max3A_2141 : vector<16xf32>
    %exp3A_2151 = math.exp %sub3A_2150 : vector<16xf32>
    %sub3A_2152 = arith.subf %get3A_2126, %max3A_2141 : vector<16xf32>
    %exp3A_2153 = math.exp %sub3A_2152 : vector<16xf32>
    %sub3A_2154 = arith.subf %get3A_2130, %max3A_2141 : vector<16xf32>
    %exp3A_2155 = math.exp %sub3A_2154 : vector<16xf32>
    %sub3A_2156 = arith.subf %get3A_2134, %max3A_2141 : vector<16xf32>
    %exp3A_2157 = math.exp %sub3A_2156 : vector<16xf32>
    %add3A_2158 = arith.addf %exp3A_2143, %exp3A_2145 : vector<16xf32>
    %add3A_2159 = arith.addf %add3A_2158, %exp3A_2147 : vector<16xf32>
    %add3A_2160 = arith.addf %add3A_2159, %exp3A_2149 : vector<16xf32>
    %add3A_2161 = arith.addf %add3A_2160, %exp3A_2151 : vector<16xf32>
    %add3A_2162 = arith.addf %add3A_2161, %exp3A_2153 : vector<16xf32>
    %add3A_2163 = arith.addf %add3A_2162, %exp3A_2155 : vector<16xf32>
    %add3A_2164 = arith.addf %add3A_2163, %exp3A_2157 : vector<16xf32>
    %div3A_2165 = arith.constant 1.000000e+00 : f32
    %div3A_2166 = vector.broadcast %div3A_2165 : f32 to vector<16xf32>
    %div3A_2167 = arith.divf %div3A_2166, %add3A_2164 : vector<16xf32>
    %mul3A_2168 = arith.mulf %exp3A_2143, %div3A_2167 : vector<16xf32>
    %swap3A_2169 = arith.constant 0 : i32
    %swap3A_2170 = arith.index_cast %swap3A_2169 : i32 to index
    %swap3A_2171 = arith.constant 320 : index
    %swap3A_2172 = tpu.vector_load %arg5[%swap3A_2170, %swap3A_2171] {strides = array<i32>} : memref<8x512xf32, #tpu.memory_space<vmem>>, vector<16xf32>,
    tpu.vector_store %arg5[%swap3A_2170, %swap3A_2171], %mul3A_2168 {strides = array<i32>} : memref<8x512xf32, #tpu.memory_space<vmem>>, vector<16xf32>,
    %mul3A_2173 = arith.mulf %exp3A_2145, %div3A_2167 : vector<16xf32>
    %swap3A_2174 = arith.constant 1 : i32
    %swap3A_2175 = arith.index_cast %swap3A_2174 : i32 to index
    %swap3A_2176 = arith.constant 320 : index
    %swap3A_2177 = tpu.vector_load %arg5[%swap3A_2175, %swap3A_2176] {strides = array<i32>} : memref<8x512xf32, #tpu.memory_space<vmem>>, vector<16xf32>,
    tpu.vector_store %arg5[%swap3A_2175, %swap3A_2176], %mul3A_2173 {strides = array<i32>} : memref<8x512xf32, #tpu.memory_space<vmem>>, vector<16xf32>,
    %mul3A_2178 = arith.mulf %exp3A_2147, %div3A_2167 : vector<16xf32>
    %swap3A_2179 = arith.constant 2 : i32
    %swap3A_2180 = arith.index_cast %swap3A_2179 : i32 to index
    %swap3A_2181 = arith.constant 320 : index
    %swap3A_2182 = tpu.vector_load %arg5[%swap3A_2180, %swap3A_2181] {strides = array<i32>} : memref<8x512xf32, #tpu.memory_space<vmem>>, vector<16xf32>,
    tpu.vector_store %arg5[%swap3A_2180, %swap3A_2181], %mul3A_2178 {strides = array<i32>} : memref<8x512xf32, #tpu.memory_space<vmem>>, vector<16xf32>,
    %mul3A_2183 = arith.mulf %exp3A_2149, %div3A_2167 : vector<16xf32>
    %swap3A_2184 = arith.constant 3 : i32
    %swap3A_2185 = arith.index_cast %swap3A_2184 : i32 to index
    %swap3A_2186 = arith.constant 320 : index
    %swap3A_2187 = tpu.vector_load %arg5[%swap3A_2185, %swap3A_2186] {strides = array<i32>} : memref<8x512xf32, #tpu.memory_space<vmem>>, vector<16xf32>,
    tpu.vector_store %arg5[%swap3A_2185, %swap3A_2186], %mul3A_2183 {strides = array<i32>} : memref<8x512xf32, #tpu.memory_space<vmem>>, vector<16xf32>,
    %mul3A_2188 = arith.mulf %exp3A_2151, %div3A_2167 : vector<16xf32>
    %swap3A_2189 = arith.constant 4 : i32
    %swap3A_2190 = arith.index_cast %swap3A_2189 : i32 to index
    %swap3A_2191 = arith.constant 320 : index
    %swap3A_2192 = tpu.vector_load %arg5[%swap3A_2190, %swap3A_2191] {strides = array<i32>} : memref<8x512xf32, #tpu.memory_space<vmem>>, vector<16xf32>,
    tpu.vector_store %arg5[%swap3A_2190, %swap3A_2191], %mul3A_2188 {strides = array<i32>} : memref<8x512xf32, #tpu.memory_space<vmem>>, vector<16xf32>,
    %mul3A_2193 = arith.mulf %exp3A_2153, %div3A_2167 : vector<16xf32>
    %swap3A_2194 = arith.constant 5 : i32
    %swap3A_2195 = arith.index_cast %swap3A_2194 : i32 to index
    %swap3A_2196 = arith.constant 320 : index
    %swap3A_2197 = tpu.vector_load %arg5[%swap3A_2195, %swap3A_2196] {strides = array<i32>} : memref<8x512xf32, #tpu.memory_space<vmem>>, vector<16xf32>,
    tpu.vector_store %arg5[%swap3A_2195, %swap3A_2196], %mul3A_2193 {strides = array<i32>} : memref<8x512xf32, #tpu.memory_space<vmem>>, vector<16xf32>,
    %mul3A_2198 = arith.mulf %exp3A_2155, %div3A_2167 : vector<16xf32>
    %swap3A_2199 = arith.constant 6 : i32
    %swap3A_2200 = arith.index_cast %swap3A_2199 : i32 to index
    %swap3A_2201 = arith.constant 320 : index
    %swap3A_2202 = tpu.vector_load %arg5[%swap3A_2200, %swap3A_2201] {strides = array<i32>} : memref<8x512xf32, #tpu.memory_space<vmem>>, vector<16xf32>,
    tpu.vector_store %arg5[%swap3A_2200, %swap3A_2201], %mul3A_2198 {strides = array<i32>} : memref<8x512xf32, #tpu.memory_space<vmem>>, vector<16xf32>,
    %mul3A_2203 = arith.mulf %exp3A_2157, %div3A_2167 : vector<16xf32>
    %swap3A_2204 = arith.constant 7 : i32
    %swap3A_2205 = arith.index_cast %swap3A_2204 : i32 to index
    %swap3A_2206 = arith.constant 320 : index
    %swap3A_2207 = tpu.vector_load %arg5[%swap3A_2205, %swap3A_2206] {strides = array<i32>} : memref<8x512xf32, #tpu.memory_space<vmem>>, vector<16xf32>,
    tpu.vector_store %arg5[%swap3A_2205, %swap3A_2206], %mul3A_2203 {strides = array<i32>} : memref<8x512xf32, #tpu.memory_space<vmem>>, vector<16xf32>,
    %get3A_2208 = arith.constant 0 : i32
    %get3A_2209 = arith.index_cast %get3A_2208 : i32 to index
    %get3A_2210 = arith.constant 336 : index
    %get3A_2211 = tpu.vector_load %arg4[%get3A_2209, %get3A_2210] {strides = array<i32>} : memref<8x512xf32, #tpu.memory_space<vmem>>, vector<16xf32>,
    %get3A_2212 = arith.constant 1 : i32
    %get3A_2213 = arith.index_cast %get3A_2212 : i32 to index
    %get3A_2214 = arith.constant 336 : index
    %get3A_2215 = tpu.vector_load %arg4[%get3A_2213, %get3A_2214] {strides = array<i32>} : memref<8x512xf32, #tpu.memory_space<vmem>>, vector<16xf32>,
    %get3A_2216 = arith.constant 2 : i32
    %get3A_2217 = arith.index_cast %get3A_2216 : i32 to index
    %get3A_2218 = arith.constant 336 : index
    %get3A_2219 = tpu.vector_load %arg4[%get3A_2217, %get3A_2218] {strides = array<i32>} : memref<8x512xf32, #tpu.memory_space<vmem>>, vector<16xf32>,
    %get3A_2220 = arith.constant 3 : i32
    %get3A_2221 = arith.index_cast %get3A_2220 : i32 to index
    %get3A_2222 = arith.constant 336 : index
    %get3A_2223 = tpu.vector_load %arg4[%get3A_2221, %get3A_2222] {strides = array<i32>} : memref<8x512xf32, #tpu.memory_space<vmem>>, vector<16xf32>,
    %get3A_2224 = arith.constant 4 : i32
    %get3A_2225 = arith.index_cast %get3A_2224 : i32 to index
    %get3A_2226 = arith.constant 336 : index
    %get3A_2227 = tpu.vector_load %arg4[%get3A_2225, %get3A_2226] {strides = array<i32>} : memref<8x512xf32, #tpu.memory_space<vmem>>, vector<16xf32>,
    %get3A_2228 = arith.constant 5 : i32
    %get3A_2229 = arith.index_cast %get3A_2228 : i32 to index
    %get3A_2230 = arith.constant 336 : index
    %get3A_2231 = tpu.vector_load %arg4[%get3A_2229, %get3A_2230] {strides = array<i32>} : memref<8x512xf32, #tpu.memory_space<vmem>>, vector<16xf32>,
    %get3A_2232 = arith.constant 6 : i32
    %get3A_2233 = arith.index_cast %get3A_2232 : i32 to index
    %get3A_2234 = arith.constant 336 : index
    %get3A_2235 = tpu.vector_load %arg4[%get3A_2233, %get3A_2234] {strides = array<i32>} : memref<8x512xf32, #tpu.memory_space<vmem>>, vector<16xf32>,
    %get3A_2236 = arith.constant 7 : i32
    %get3A_2237 = arith.index_cast %get3A_2236 : i32 to index
    %get3A_2238 = arith.constant 336 : index
    %get3A_2239 = tpu.vector_load %arg4[%get3A_2237, %get3A_2238] {strides = array<i32>} : memref<8x512xf32, #tpu.memory_space<vmem>>, vector<16xf32>,
    %max3A_2240 = arith.maximumf %get3A_2211, %get3A_2215 : vector<16xf32>
    %max3A_2241 = arith.maximumf %max3A_2240, %get3A_2219 : vector<16xf32>
    %max3A_2242 = arith.maximumf %max3A_2241, %get3A_2223 : vector<16xf32>
    %max3A_2243 = arith.maximumf %max3A_2242, %get3A_2227 : vector<16xf32>
    %max3A_2244 = arith.maximumf %max3A_2243, %get3A_2231 : vector<16xf32>
    %max3A_2245 = arith.maximumf %max3A_2244, %get3A_2235 : vector<16xf32>
    %max3A_2246 = arith.maximumf %max3A_2245, %get3A_2239 : vector<16xf32>
    %sub3A_2247 = arith.subf %get3A_2211, %max3A_2246 : vector<16xf32>
    %exp3A_2248 = math.exp %sub3A_2247 : vector<16xf32>
    %sub3A_2249 = arith.subf %get3A_2215, %max3A_2246 : vector<16xf32>
    %exp3A_2250 = math.exp %sub3A_2249 : vector<16xf32>
    %sub3A_2251 = arith.subf %get3A_2219, %max3A_2246 : vector<16xf32>
    %exp3A_2252 = math.exp %sub3A_2251 : vector<16xf32>
    %sub3A_2253 = arith.subf %get3A_2223, %max3A_2246 : vector<16xf32>
    %exp3A_2254 = math.exp %sub3A_2253 : vector<16xf32>
    %sub3A_2255 = arith.subf %get3A_2227, %max3A_2246 : vector<16xf32>
    %exp3A_2256 = math.exp %sub3A_2255 : vector<16xf32>
    %sub3A_2257 = arith.subf %get3A_2231, %max3A_2246 : vector<16xf32>
    %exp3A_2258 = math.exp %sub3A_2257 : vector<16xf32>
    %sub3A_2259 = arith.subf %get3A_2235, %max3A_2246 : vector<16xf32>
    %exp3A_2260 = math.exp %sub3A_2259 : vector<16xf32>
    %sub3A_2261 = arith.subf %get3A_2239, %max3A_2246 : vector<16xf32>
    %exp3A_2262 = math.exp %sub3A_2261 : vector<16xf32>
    %add3A_2263 = arith.addf %exp3A_2248, %exp3A_2250 : vector<16xf32>
    %add3A_2264 = arith.addf %add3A_2263, %exp3A_2252 : vector<16xf32>
    %add3A_2265 = arith.addf %add3A_2264, %exp3A_2254 : vector<16xf32>
    %add3A_2266 = arith.addf %add3A_2265, %exp3A_2256 : vector<16xf32>
    %add3A_2267 = arith.addf %add3A_2266, %exp3A_2258 : vector<16xf32>
    %add3A_2268 = arith.addf %add3A_2267, %exp3A_2260 : vector<16xf32>
    %add3A_2269 = arith.addf %add3A_2268, %exp3A_2262 : vector<16xf32>
    %div3A_2270 = arith.constant 1.000000e+00 : f32
    %div3A_2271 = vector.broadcast %div3A_2270 : f32 to vector<16xf32>
    %div3A_2272 = arith.divf %div3A_2271, %add3A_2269 : vector<16xf32>
    %mul3A_2273 = arith.mulf %exp3A_2248, %div3A_2272 : vector<16xf32>
    %swap3A_2274 = arith.constant 0 : i32
    %swap3A_2275 = arith.index_cast %swap3A_2274 : i32 to index
    %swap3A_2276 = arith.constant 336 : index
    %swap3A_2277 = tpu.vector_load %arg5[%swap3A_2275, %swap3A_2276] {strides = array<i32>} : memref<8x512xf32, #tpu.memory_space<vmem>>, vector<16xf32>,
    tpu.vector_store %arg5[%swap3A_2275, %swap3A_2276], %mul3A_2273 {strides = array<i32>} : memref<8x512xf32, #tpu.memory_space<vmem>>, vector<16xf32>,
    %mul3A_2278 = arith.mulf %exp3A_2250, %div3A_2272 : vector<16xf32>
    %swap3A_2279 = arith.constant 1 : i32
    %swap3A_2280 = arith.index_cast %swap3A_2279 : i32 to index
    %swap3A_2281 = arith.constant 336 : index
    %swap3A_2282 = tpu.vector_load %arg5[%swap3A_2280, %swap3A_2281] {strides = array<i32>} : memref<8x512xf32, #tpu.memory_space<vmem>>, vector<16xf32>,
    tpu.vector_store %arg5[%swap3A_2280, %swap3A_2281], %mul3A_2278 {strides = array<i32>} : memref<8x512xf32, #tpu.memory_space<vmem>>, vector<16xf32>,
    %mul3A_2283 = arith.mulf %exp3A_2252, %div3A_2272 : vector<16xf32>
    %swap3A_2284 = arith.constant 2 : i32
    %swap3A_2285 = arith.index_cast %swap3A_2284 : i32 to index
    %swap3A_2286 = arith.constant 336 : index
    %swap3A_2287 = tpu.vector_load %arg5[%swap3A_2285, %swap3A_2286] {strides = array<i32>} : memref<8x512xf32, #tpu.memory_space<vmem>>, vector<16xf32>,
    tpu.vector_store %arg5[%swap3A_2285, %swap3A_2286], %mul3A_2283 {strides = array<i32>} : memref<8x512xf32, #tpu.memory_space<vmem>>, vector<16xf32>,
    %mul3A_2288 = arith.mulf %exp3A_2254, %div3A_2272 : vector<16xf32>
    %swap3A_2289 = arith.constant 3 : i32
    %swap3A_2290 = arith.index_cast %swap3A_2289 : i32 to index
    %swap3A_2291 = arith.constant 336 : index
    %swap3A_2292 = tpu.vector_load %arg5[%swap3A_2290, %swap3A_2291] {strides = array<i32>} : memref<8x512xf32, #tpu.memory_space<vmem>>, vector<16xf32>,
    tpu.vector_store %arg5[%swap3A_2290, %swap3A_2291], %mul3A_2288 {strides = array<i32>} : memref<8x512xf32, #tpu.memory_space<vmem>>, vector<16xf32>,
    %mul3A_2293 = arith.mulf %exp3A_2256, %div3A_2272 : vector<16xf32>
    %swap3A_2294 = arith.constant 4 : i32
    %swap3A_2295 = arith.index_cast %swap3A_2294 : i32 to index
    %swap3A_2296 = arith.constant 336 : index
    %swap3A_2297 = tpu.vector_load %arg5[%swap3A_2295, %swap3A_2296] {strides = array<i32>} : memref<8x512xf32, #tpu.memory_space<vmem>>, vector<16xf32>,
    tpu.vector_store %arg5[%swap3A_2295, %swap3A_2296], %mul3A_2293 {strides = array<i32>} : memref<8x512xf32, #tpu.memory_space<vmem>>, vector<16xf32>,
    %mul3A_2298 = arith.mulf %exp3A_2258, %div3A_2272 : vector<16xf32>
    %swap3A_2299 = arith.constant 5 : i32
    %swap3A_2300 = arith.index_cast %swap3A_2299 : i32 to index
    %swap3A_2301 = arith.constant 336 : index
    %swap3A_2302 = tpu.vector_load %arg5[%swap3A_2300, %swap3A_2301] {strides = array<i32>} : memref<8x512xf32, #tpu.memory_space<vmem>>, vector<16xf32>,
    tpu.vector_store %arg5[%swap3A_2300, %swap3A_2301], %mul3A_2298 {strides = array<i32>} : memref<8x512xf32, #tpu.memory_space<vmem>>, vector<16xf32>,
    %mul3A_2303 = arith.mulf %exp3A_2260, %div3A_2272 : vector<16xf32>
    %swap3A_2304 = arith.constant 6 : i32
    %swap3A_2305 = arith.index_cast %swap3A_2304 : i32 to index
    %swap3A_2306 = arith.constant 336 : index
    %swap3A_2307 = tpu.vector_load %arg5[%swap3A_2305, %swap3A_2306] {strides = array<i32>} : memref<8x512xf32, #tpu.memory_space<vmem>>, vector<16xf32>,
    tpu.vector_store %arg5[%swap3A_2305, %swap3A_2306], %mul3A_2303 {strides = array<i32>} : memref<8x512xf32, #tpu.memory_space<vmem>>, vector<16xf32>,
    %mul3A_2308 = arith.mulf %exp3A_2262, %div3A_2272 : vector<16xf32>
    %swap3A_2309 = arith.constant 7 : i32
    %swap3A_2310 = arith.index_cast %swap3A_2309 : i32 to index
    %swap3A_2311 = arith.constant 336 : index
    %swap3A_2312 = tpu.vector_load %arg5[%swap3A_2310, %swap3A_2311] {strides = array<i32>} : memref<8x512xf32, #tpu.memory_space<vmem>>, vector<16xf32>,
    tpu.vector_store %arg5[%swap3A_2310, %swap3A_2311], %mul3A_2308 {strides = array<i32>} : memref<8x512xf32, #tpu.memory_space<vmem>>, vector<16xf32>,
    %get3A_2313 = arith.constant 0 : i32
    %get3A_2314 = arith.index_cast %get3A_2313 : i32 to index
    %get3A_2315 = arith.constant 352 : index
    %get3A_2316 = tpu.vector_load %arg4[%get3A_2314, %get3A_2315] {strides = array<i32>} : memref<8x512xf32, #tpu.memory_space<vmem>>, vector<16xf32>,
    %get3A_2317 = arith.constant 1 : i32
    %get3A_2318 = arith.index_cast %get3A_2317 : i32 to index
    %get3A_2319 = arith.constant 352 : index
    %get3A_2320 = tpu.vector_load %arg4[%get3A_2318, %get3A_2319] {strides = array<i32>} : memref<8x512xf32, #tpu.memory_space<vmem>>, vector<16xf32>,
    %get3A_2321 = arith.constant 2 : i32
    %get3A_2322 = arith.index_cast %get3A_2321 : i32 to index
    %get3A_2323 = arith.constant 352 : index
    %get3A_2324 = tpu.vector_load %arg4[%get3A_2322, %get3A_2323] {strides = array<i32>} : memref<8x512xf32, #tpu.memory_space<vmem>>, vector<16xf32>,
    %get3A_2325 = arith.constant 3 : i32
    %get3A_2326 = arith.index_cast %get3A_2325 : i32 to index
    %get3A_2327 = arith.constant 352 : index
    %get3A_2328 = tpu.vector_load %arg4[%get3A_2326, %get3A_2327] {strides = array<i32>} : memref<8x512xf32, #tpu.memory_space<vmem>>, vector<16xf32>,
    %get3A_2329 = arith.constant 4 : i32
    %get3A_2330 = arith.index_cast %get3A_2329 : i32 to index
    %get3A_2331 = arith.constant 352 : index
    %get3A_2332 = tpu.vector_load %arg4[%get3A_2330, %get3A_2331] {strides = array<i32>} : memref<8x512xf32, #tpu.memory_space<vmem>>, vector<16xf32>,
    %get3A_2333 = arith.constant 5 : i32
    %get3A_2334 = arith.index_cast %get3A_2333 : i32 to index
    %get3A_2335 = arith.constant 352 : index
    %get3A_2336 = tpu.vector_load %arg4[%get3A_2334, %get3A_2335] {strides = array<i32>} : memref<8x512xf32, #tpu.memory_space<vmem>>, vector<16xf32>,
    %get3A_2337 = arith.constant 6 : i32
    %get3A_2338 = arith.index_cast %get3A_2337 : i32 to index
    %get3A_2339 = arith.constant 352 : index
    %get3A_2340 = tpu.vector_load %arg4[%get3A_2338, %get3A_2339] {strides = array<i32>} : memref<8x512xf32, #tpu.memory_space<vmem>>, vector<16xf32>,
    %get3A_2341 = arith.constant 7 : i32
    %get3A_2342 = arith.index_cast %get3A_2341 : i32 to index
    %get3A_2343 = arith.constant 352 : index
    %get3A_2344 = tpu.vector_load %arg4[%get3A_2342, %get3A_2343] {strides = array<i32>} : memref<8x512xf32, #tpu.memory_space<vmem>>, vector<16xf32>,
    %max3A_2345 = arith.maximumf %get3A_2316, %get3A_2320 : vector<16xf32>
    %max3A_2346 = arith.maximumf %max3A_2345, %get3A_2324 : vector<16xf32>
    %max3A_2347 = arith.maximumf %max3A_2346, %get3A_2328 : vector<16xf32>
    %max3A_2348 = arith.maximumf %max3A_2347, %get3A_2332 : vector<16xf32>
    %max3A_2349 = arith.maximumf %max3A_2348, %get3A_2336 : vector<16xf32>
    %max3A_2350 = arith.maximumf %max3A_2349, %get3A_2340 : vector<16xf32>
    %max3A_2351 = arith.maximumf %max3A_2350, %get3A_2344 : vector<16xf32>
    %sub3A_2352 = arith.subf %get3A_2316, %max3A_2351 : vector<16xf32>
    %exp3A_2353 = math.exp %sub3A_2352 : vector<16xf32>
    %sub3A_2354 = arith.subf %get3A_2320, %max3A_2351 : vector<16xf32>
    %exp3A_2355 = math.exp %sub3A_2354 : vector<16xf32>
    %sub3A_2356 = arith.subf %get3A_2324, %max3A_2351 : vector<16xf32>
    %exp3A_2357 = math.exp %sub3A_2356 : vector<16xf32>
    %sub3A_2358 = arith.subf %get3A_2328, %max3A_2351 : vector<16xf32>
    %exp3A_2359 = math.exp %sub3A_2358 : vector<16xf32>
    %sub3A_2360 = arith.subf %get3A_2332, %max3A_2351 : vector<16xf32>
    %exp3A_2361 = math.exp %sub3A_2360 : vector<16xf32>
    %sub3A_2362 = arith.subf %get3A_2336, %max3A_2351 : vector<16xf32>
    %exp3A_2363 = math.exp %sub3A_2362 : vector<16xf32>
    %sub3A_2364 = arith.subf %get3A_2340, %max3A_2351 : vector<16xf32>
    %exp3A_2365 = math.exp %sub3A_2364 : vector<16xf32>
    %sub3A_2366 = arith.subf %get3A_2344, %max3A_2351 : vector<16xf32>
    %exp3A_2367 = math.exp %sub3A_2366 : vector<16xf32>
    %add3A_2368 = arith.addf %exp3A_2353, %exp3A_2355 : vector<16xf32>
    %add3A_2369 = arith.addf %add3A_2368, %exp3A_2357 : vector<16xf32>
    %add3A_2370 = arith.addf %add3A_2369, %exp3A_2359 : vector<16xf32>
    %add3A_2371 = arith.addf %add3A_2370, %exp3A_2361 : vector<16xf32>
    %add3A_2372 = arith.addf %add3A_2371, %exp3A_2363 : vector<16xf32>
    %add3A_2373 = arith.addf %add3A_2372, %exp3A_2365 : vector<16xf32>
    %add3A_2374 = arith.addf %add3A_2373, %exp3A_2367 : vector<16xf32>
    %div3A_2375 = arith.constant 1.000000e+00 : f32
    %div3A_2376 = vector.broadcast %div3A_2375 : f32 to vector<16xf32>
    %div3A_2377 = arith.divf %div3A_2376, %add3A_2374 : vector<16xf32>
    %mul3A_2378 = arith.mulf %exp3A_2353, %div3A_2377 : vector<16xf32>
    %swap3A_2379 = arith.constant 0 : i32
    %swap3A_2380 = arith.index_cast %swap3A_2379 : i32 to index
    %swap3A_2381 = arith.constant 352 : index
    %swap3A_2382 = tpu.vector_load %arg5[%swap3A_2380, %swap3A_2381] {strides = array<i32>} : memref<8x512xf32, #tpu.memory_space<vmem>>, vector<16xf32>,
    tpu.vector_store %arg5[%swap3A_2380, %swap3A_2381], %mul3A_2378 {strides = array<i32>} : memref<8x512xf32, #tpu.memory_space<vmem>>, vector<16xf32>,
    %mul3A_2383 = arith.mulf %exp3A_2355, %div3A_2377 : vector<16xf32>
    %swap3A_2384 = arith.constant 1 : i32
    %swap3A_2385 = arith.index_cast %swap3A_2384 : i32 to index
    %swap3A_2386 = arith.constant 352 : index
    %swap3A_2387 = tpu.vector_load %arg5[%swap3A_2385, %swap3A_2386] {strides = array<i32>} : memref<8x512xf32, #tpu.memory_space<vmem>>, vector<16xf32>,
    tpu.vector_store %arg5[%swap3A_2385, %swap3A_2386], %mul3A_2383 {strides = array<i32>} : memref<8x512xf32, #tpu.memory_space<vmem>>, vector<16xf32>,
    %mul3A_2388 = arith.mulf %exp3A_2357, %div3A_2377 : vector<16xf32>
    %swap3A_2389 = arith.constant 2 : i32
    %swap3A_2390 = arith.index_cast %swap3A_2389 : i32 to index
    %swap3A_2391 = arith.constant 352 : index
    %swap3A_2392 = tpu.vector_load %arg5[%swap3A_2390, %swap3A_2391] {strides = array<i32>} : memref<8x512xf32, #tpu.memory_space<vmem>>, vector<16xf32>,
    tpu.vector_store %arg5[%swap3A_2390, %swap3A_2391], %mul3A_2388 {strides = array<i32>} : memref<8x512xf32, #tpu.memory_space<vmem>>, vector<16xf32>,
    %mul3A_2393 = arith.mulf %exp3A_2359, %div3A_2377 : vector<16xf32>
    %swap3A_2394 = arith.constant 3 : i32
    %swap3A_2395 = arith.index_cast %swap3A_2394 : i32 to index
    %swap3A_2396 = arith.constant 352 : index
    %swap3A_2397 = tpu.vector_load %arg5[%swap3A_2395, %swap3A_2396] {strides = array<i32>} : memref<8x512xf32, #tpu.memory_space<vmem>>, vector<16xf32>,
    tpu.vector_store %arg5[%swap3A_2395, %swap3A_2396], %mul3A_2393 {strides = array<i32>} : memref<8x512xf32, #tpu.memory_space<vmem>>, vector<16xf32>,
    %mul3A_2398 = arith.mulf %exp3A_2361, %div3A_2377 : vector<16xf32>
    %swap3A_2399 = arith.constant 4 : i32
    %swap3A_2400 = arith.index_cast %swap3A_2399 : i32 to index
    %swap3A_2401 = arith.constant 352 : index
    %swap3A_2402 = tpu.vector_load %arg5[%swap3A_2400, %swap3A_2401] {strides = array<i32>} : memref<8x512xf32, #tpu.memory_space<vmem>>, vector<16xf32>,
    tpu.vector_store %arg5[%swap3A_2400, %swap3A_2401], %mul3A_2398 {strides = array<i32>} : memref<8x512xf32, #tpu.memory_space<vmem>>, vector<16xf32>,
    %mul3A_2403 = arith.mulf %exp3A_2363, %div3A_2377 : vector<16xf32>
    %swap3A_2404 = arith.constant 5 : i32
    %swap3A_2405 = arith.index_cast %swap3A_2404 : i32 to index
    %swap3A_2406 = arith.constant 352 : index
    %swap3A_2407 = tpu.vector_load %arg5[%swap3A_2405, %swap3A_2406] {strides = array<i32>} : memref<8x512xf32, #tpu.memory_space<vmem>>, vector<16xf32>,
    tpu.vector_store %arg5[%swap3A_2405, %swap3A_2406], %mul3A_2403 {strides = array<i32>} : memref<8x512xf32, #tpu.memory_space<vmem>>, vector<16xf32>,
    %mul3A_2408 = arith.mulf %exp3A_2365, %div3A_2377 : vector<16xf32>
    %swap3A_2409 = arith.constant 6 : i32
    %swap3A_2410 = arith.index_cast %swap3A_2409 : i32 to index
    %swap3A_2411 = arith.constant 352 : index
    %swap3A_2412 = tpu.vector_load %arg5[%swap3A_2410, %swap3A_2411] {strides = array<i32>} : memref<8x512xf32, #tpu.memory_space<vmem>>, vector<16xf32>,
    tpu.vector_store %arg5[%swap3A_2410, %swap3A_2411], %mul3A_2408 {strides = array<i32>} : memref<8x512xf32, #tpu.memory_space<vmem>>, vector<16xf32>,
    %mul3A_2413 = arith.mulf %exp3A_2367, %div3A_2377 : vector<16xf32>
    %swap3A_2414 = arith.constant 7 : i32
    %swap3A_2415 = arith.index_cast %swap3A_2414 : i32 to index
    %swap3A_2416 = arith.constant 352 : index
    %swap3A_2417 = tpu.vector_load %arg5[%swap3A_2415, %swap3A_2416] {strides = array<i32>} : memref<8x512xf32, #tpu.memory_space<vmem>>, vector<16xf32>,
    tpu.vector_store %arg5[%swap3A_2415, %swap3A_2416], %mul3A_2413 {strides = array<i32>} : memref<8x512xf32, #tpu.memory_space<vmem>>, vector<16xf32>,
    %get3A_2418 = arith.constant 0 : i32
    %get3A_2419 = arith.index_cast %get3A_2418 : i32 to index
    %get3A_2420 = arith.constant 368 : index
    %get3A_2421 = tpu.vector_load %arg4[%get3A_2419, %get3A_2420] {strides = array<i32>} : memref<8x512xf32, #tpu.memory_space<vmem>>, vector<16xf32>,
    %get3A_2422 = arith.constant 1 : i32
    %get3A_2423 = arith.index_cast %get3A_2422 : i32 to index
    %get3A_2424 = arith.constant 368 : index
    %get3A_2425 = tpu.vector_load %arg4[%get3A_2423, %get3A_2424] {strides = array<i32>} : memref<8x512xf32, #tpu.memory_space<vmem>>, vector<16xf32>,
    %get3A_2426 = arith.constant 2 : i32
    %get3A_2427 = arith.index_cast %get3A_2426 : i32 to index
    %get3A_2428 = arith.constant 368 : index
    %get3A_2429 = tpu.vector_load %arg4[%get3A_2427, %get3A_2428] {strides = array<i32>} : memref<8x512xf32, #tpu.memory_space<vmem>>, vector<16xf32>,
    %get3A_2430 = arith.constant 3 : i32
    %get3A_2431 = arith.index_cast %get3A_2430 : i32 to index
    %get3A_2432 = arith.constant 368 : index
    %get3A_2433 = tpu.vector_load %arg4[%get3A_2431, %get3A_2432] {strides = array<i32>} : memref<8x512xf32, #tpu.memory_space<vmem>>, vector<16xf32>,
    %get3A_2434 = arith.constant 4 : i32
    %get3A_2435 = arith.index_cast %get3A_2434 : i32 to index
    %get3A_2436 = arith.constant 368 : index
    %get3A_2437 = tpu.vector_load %arg4[%get3A_2435, %get3A_2436] {strides = array<i32>} : memref<8x512xf32, #tpu.memory_space<vmem>>, vector<16xf32>,
    %get3A_2438 = arith.constant 5 : i32
    %get3A_2439 = arith.index_cast %get3A_2438 : i32 to index
    %get3A_2440 = arith.constant 368 : index
    %get3A_2441 = tpu.vector_load %arg4[%get3A_2439, %get3A_2440] {strides = array<i32>} : memref<8x512xf32, #tpu.memory_space<vmem>>, vector<16xf32>,
    %get3A_2442 = arith.constant 6 : i32
    %get3A_2443 = arith.index_cast %get3A_2442 : i32 to index
    %get3A_2444 = arith.constant 368 : index
    %get3A_2445 = tpu.vector_load %arg4[%get3A_2443, %get3A_2444] {strides = array<i32>} : memref<8x512xf32, #tpu.memory_space<vmem>>, vector<16xf32>,
    %get3A_2446 = arith.constant 7 : i32
    %get3A_2447 = arith.index_cast %get3A_2446 : i32 to index
    %get3A_2448 = arith.constant 368 : index
    %get3A_2449 = tpu.vector_load %arg4[%get3A_2447, %get3A_2448] {strides = array<i32>} : memref<8x512xf32, #tpu.memory_space<vmem>>, vector<16xf32>,
    %max3A_2450 = arith.maximumf %get3A_2421, %get3A_2425 : vector<16xf32>
    %max3A_2451 = arith.maximumf %max3A_2450, %get3A_2429 : vector<16xf32>
    %max3A_2452 = arith.maximumf %max3A_2451, %get3A_2433 : vector<16xf32>
    %max3A_2453 = arith.maximumf %max3A_2452, %get3A_2437 : vector<16xf32>
    %max3A_2454 = arith.maximumf %max3A_2453, %get3A_2441 : vector<16xf32>
    %max3A_2455 = arith.maximumf %max3A_2454, %get3A_2445 : vector<16xf32>
    %max3A_2456 = arith.maximumf %max3A_2455, %get3A_2449 : vector<16xf32>
    %sub3A_2457 = arith.subf %get3A_2421, %max3A_2456 : vector<16xf32>
    %exp3A_2458 = math.exp %sub3A_2457 : vector<16xf32>
    %sub3A_2459 = arith.subf %get3A_2425, %max3A_2456 : vector<16xf32>
    %exp3A_2460 = math.exp %sub3A_2459 : vector<16xf32>
    %sub3A_2461 = arith.subf %get3A_2429, %max3A_2456 : vector<16xf32>
    %exp3A_2462 = math.exp %sub3A_2461 : vector<16xf32>
    %sub3A_2463 = arith.subf %get3A_2433, %max3A_2456 : vector<16xf32>
    %exp3A_2464 = math.exp %sub3A_2463 : vector<16xf32>
    %sub3A_2465 = arith.subf %get3A_2437, %max3A_2456 : vector<16xf32>
    %exp3A_2466 = math.exp %sub3A_2465 : vector<16xf32>
    %sub3A_2467 = arith.subf %get3A_2441, %max3A_2456 : vector<16xf32>
    %exp3A_2468 = math.exp %sub3A_2467 : vector<16xf32>
    %sub3A_2469 = arith.subf %get3A_2445, %max3A_2456 : vector<16xf32>
    %exp3A_2470 = math.exp %sub3A_2469 : vector<16xf32>
    %sub3A_2471 = arith.subf %get3A_2449, %max3A_2456 : vector<16xf32>
    %exp3A_2472 = math.exp %sub3A_2471 : vector<16xf32>
    %add3A_2473 = arith.addf %exp3A_2458, %exp3A_2460 : vector<16xf32>
    %add3A_2474 = arith.addf %add3A_2473, %exp3A_2462 : vector<16xf32>
    %add3A_2475 = arith.addf %add3A_2474, %exp3A_2464 : vector<16xf32>
    %add3A_2476 = arith.addf %add3A_2475, %exp3A_2466 : vector<16xf32>
    %add3A_2477 = arith.addf %add3A_2476, %exp3A_2468 : vector<16xf32>
    %add3A_2478 = arith.addf %add3A_2477, %exp3A_2470 : vector<16xf32>
    %add3A_2479 = arith.addf %add3A_2478, %exp3A_2472 : vector<16xf32>
    %div3A_2480 = arith.constant 1.000000e+00 : f32
    %div3A_2481 = vector.broadcast %div3A_2480 : f32 to vector<16xf32>
    %div3A_2482 = arith.divf %div3A_2481, %add3A_2479 : vector<16xf32>
    %mul3A_2483 = arith.mulf %exp3A_2458, %div3A_2482 : vector<16xf32>
    %swap3A_2484 = arith.constant 0 : i32
    %swap3A_2485 = arith.index_cast %swap3A_2484 : i32 to index
    %swap3A_2486 = arith.constant 368 : index
    %swap3A_2487 = tpu.vector_load %arg5[%swap3A_2485, %swap3A_2486] {strides = array<i32>} : memref<8x512xf32, #tpu.memory_space<vmem>>, vector<16xf32>,
    tpu.vector_store %arg5[%swap3A_2485, %swap3A_2486], %mul3A_2483 {strides = array<i32>} : memref<8x512xf32, #tpu.memory_space<vmem>>, vector<16xf32>,
    %mul3A_2488 = arith.mulf %exp3A_2460, %div3A_2482 : vector<16xf32>
    %swap3A_2489 = arith.constant 1 : i32
    %swap3A_2490 = arith.index_cast %swap3A_2489 : i32 to index
    %swap3A_2491 = arith.constant 368 : index
    %swap3A_2492 = tpu.vector_load %arg5[%swap3A_2490, %swap3A_2491] {strides = array<i32>} : memref<8x512xf32, #tpu.memory_space<vmem>>, vector<16xf32>,
    tpu.vector_store %arg5[%swap3A_2490, %swap3A_2491], %mul3A_2488 {strides = array<i32>} : memref<8x512xf32, #tpu.memory_space<vmem>>, vector<16xf32>,
    %mul3A_2493 = arith.mulf %exp3A_2462, %div3A_2482 : vector<16xf32>
    %swap3A_2494 = arith.constant 2 : i32
    %swap3A_2495 = arith.index_cast %swap3A_2494 : i32 to index
    %swap3A_2496 = arith.constant 368 : index
    %swap3A_2497 = tpu.vector_load %arg5[%swap3A_2495, %swap3A_2496] {strides = array<i32>} : memref<8x512xf32, #tpu.memory_space<vmem>>, vector<16xf32>,
    tpu.vector_store %arg5[%swap3A_2495, %swap3A_2496], %mul3A_2493 {strides = array<i32>} : memref<8x512xf32, #tpu.memory_space<vmem>>, vector<16xf32>,
    %mul3A_2498 = arith.mulf %exp3A_2464, %div3A_2482 : vector<16xf32>
    %swap3A_2499 = arith.constant 3 : i32
    %swap3A_2500 = arith.index_cast %swap3A_2499 : i32 to index
    %swap3A_2501 = arith.constant 368 : index
    %swap3A_2502 = tpu.vector_load %arg5[%swap3A_2500, %swap3A_2501] {strides = array<i32>} : memref<8x512xf32, #tpu.memory_space<vmem>>, vector<16xf32>,
    tpu.vector_store %arg5[%swap3A_2500, %swap3A_2501], %mul3A_2498 {strides = array<i32>} : memref<8x512xf32, #tpu.memory_space<vmem>>, vector<16xf32>,
    %mul3A_2503 = arith.mulf %exp3A_2466, %div3A_2482 : vector<16xf32>
    %swap3A_2504 = arith.constant 4 : i32
    %swap3A_2505 = arith.index_cast %swap3A_2504 : i32 to index
    %swap3A_2506 = arith.constant 368 : index
    %swap3A_2507 = tpu.vector_load %arg5[%swap3A_2505, %swap3A_2506] {strides = array<i32>} : memref<8x512xf32, #tpu.memory_space<vmem>>, vector<16xf32>,
    tpu.vector_store %arg5[%swap3A_2505, %swap3A_2506], %mul3A_2503 {strides = array<i32>} : memref<8x512xf32, #tpu.memory_space<vmem>>, vector<16xf32>,
    %mul3A_2508 = arith.mulf %exp3A_2468, %div3A_2482 : vector<16xf32>
    %swap3A_2509 = arith.constant 5 : i32
    %swap3A_2510 = arith.index_cast %swap3A_2509 : i32 to index
    %swap3A_2511 = arith.constant 368 : index
    %swap3A_2512 = tpu.vector_load %arg5[%swap3A_2510, %swap3A_2511] {strides = array<i32>} : memref<8x512xf32, #tpu.memory_space<vmem>>, vector<16xf32>,
    tpu.vector_store %arg5[%swap3A_2510, %swap3A_2511], %mul3A_2508 {strides = array<i32>} : memref<8x512xf32, #tpu.memory_space<vmem>>, vector<16xf32>,
    %mul3A_2513 = arith.mulf %exp3A_2470, %div3A_2482 : vector<16xf32>
    %swap3A_2514 = arith.constant 6 : i32
    %swap3A_2515 = arith.index_cast %swap3A_2514 : i32 to index
    %swap3A_2516 = arith.constant 368 : index
    %swap3A_2517 = tpu.vector_load %arg5[%swap3A_2515, %swap3A_2516] {strides = array<i32>} : memref<8x512xf32, #tpu.memory_space<vmem>>, vector<16xf32>,
    tpu.vector_store %arg5[%swap3A_2515, %swap3A_2516], %mul3A_2513 {strides = array<i32>} : memref<8x512xf32, #tpu.memory_space<vmem>>, vector<16xf32>,
    %mul3A_2518 = arith.mulf %exp3A_2472, %div3A_2482 : vector<16xf32>
    %swap3A_2519 = arith.constant 7 : i32
    %swap3A_2520 = arith.index_cast %swap3A_2519 : i32 to index
    %swap3A_2521 = arith.constant 368 : index
    %swap3A_2522 = tpu.vector_load %arg5[%swap3A_2520, %swap3A_2521] {strides = array<i32>} : memref<8x512xf32, #tpu.memory_space<vmem>>, vector<16xf32>,
    tpu.vector_store %arg5[%swap3A_2520, %swap3A_2521], %mul3A_2518 {strides = array<i32>} : memref<8x512xf32, #tpu.memory_space<vmem>>, vector<16xf32>,
    %get3A_2523 = arith.constant 0 : i32
    %get3A_2524 = arith.index_cast %get3A_2523 : i32 to index
    %get3A_2525 = arith.constant 384 : index
    %get3A_2526 = tpu.vector_load %arg4[%get3A_2524, %get3A_2525] {strides = array<i32>} : memref<8x512xf32, #tpu.memory_space<vmem>>, vector<16xf32>,
    %get3A_2527 = arith.constant 1 : i32
    %get3A_2528 = arith.index_cast %get3A_2527 : i32 to index
    %get3A_2529 = arith.constant 384 : index
    %get3A_2530 = tpu.vector_load %arg4[%get3A_2528, %get3A_2529] {strides = array<i32>} : memref<8x512xf32, #tpu.memory_space<vmem>>, vector<16xf32>,
    %get3A_2531 = arith.constant 2 : i32
    %get3A_2532 = arith.index_cast %get3A_2531 : i32 to index
    %get3A_2533 = arith.constant 384 : index
    %get3A_2534 = tpu.vector_load %arg4[%get3A_2532, %get3A_2533] {strides = array<i32>} : memref<8x512xf32, #tpu.memory_space<vmem>>, vector<16xf32>,
    %get3A_2535 = arith.constant 3 : i32
    %get3A_2536 = arith.index_cast %get3A_2535 : i32 to index
    %get3A_2537 = arith.constant 384 : index
    %get3A_2538 = tpu.vector_load %arg4[%get3A_2536, %get3A_2537] {strides = array<i32>} : memref<8x512xf32, #tpu.memory_space<vmem>>, vector<16xf32>,
    %get3A_2539 = arith.constant 4 : i32
    %get3A_2540 = arith.index_cast %get3A_2539 : i32 to index
    %get3A_2541 = arith.constant 384 : index
    %get3A_2542 = tpu.vector_load %arg4[%get3A_2540, %get3A_2541] {strides = array<i32>} : memref<8x512xf32, #tpu.memory_space<vmem>>, vector<16xf32>,
    %get3A_2543 = arith.constant 5 : i32
    %get3A_2544 = arith.index_cast %get3A_2543 : i32 to index
    %get3A_2545 = arith.constant 384 : index
    %get3A_2546 = tpu.vector_load %arg4[%get3A_2544, %get3A_2545] {strides = array<i32>} : memref<8x512xf32, #tpu.memory_space<vmem>>, vector<16xf32>,
    %get3A_2547 = arith.constant 6 : i32
    %get3A_2548 = arith.index_cast %get3A_2547 : i32 to index
    %get3A_2549 = arith.constant 384 : index
    %get3A_2550 = tpu.vector_load %arg4[%get3A_2548, %get3A_2549] {strides = array<i32>} : memref<8x512xf32, #tpu.memory_space<vmem>>, vector<16xf32>,
    %get3A_2551 = arith.constant 7 : i32
    %get3A_2552 = arith.index_cast %get3A_2551 : i32 to index
    %get3A_2553 = arith.constant 384 : index
    %get3A_2554 = tpu.vector_load %arg4[%get3A_2552, %get3A_2553] {strides = array<i32>} : memref<8x512xf32, #tpu.memory_space<vmem>>, vector<16xf32>,
    %max3A_2555 = arith.maximumf %get3A_2526, %get3A_2530 : vector<16xf32>
    %max3A_2556 = arith.maximumf %max3A_2555, %get3A_2534 : vector<16xf32>
    %max3A_2557 = arith.maximumf %max3A_2556, %get3A_2538 : vector<16xf32>
    %max3A_2558 = arith.maximumf %max3A_2557, %get3A_2542 : vector<16xf32>
    %max3A_2559 = arith.maximumf %max3A_2558, %get3A_2546 : vector<16xf32>
    %max3A_2560 = arith.maximumf %max3A_2559, %get3A_2550 : vector<16xf32>
    %max3A_2561 = arith.maximumf %max3A_2560, %get3A_2554 : vector<16xf32>
    %sub3A_2562 = arith.subf %get3A_2526, %max3A_2561 : vector<16xf32>
    %exp3A_2563 = math.exp %sub3A_2562 : vector<16xf32>
    %sub3A_2564 = arith.subf %get3A_2530, %max3A_2561 : vector<16xf32>
    %exp3A_2565 = math.exp %sub3A_2564 : vector<16xf32>
    %sub3A_2566 = arith.subf %get3A_2534, %max3A_2561 : vector<16xf32>
    %exp3A_2567 = math.exp %sub3A_2566 : vector<16xf32>
    %sub3A_2568 = arith.subf %get3A_2538, %max3A_2561 : vector<16xf32>
    %exp3A_2569 = math.exp %sub3A_2568 : vector<16xf32>
    %sub3A_2570 = arith.subf %get3A_2542, %max3A_2561 : vector<16xf32>
    %exp3A_2571 = math.exp %sub3A_2570 : vector<16xf32>
    %sub3A_2572 = arith.subf %get3A_2546, %max3A_2561 : vector<16xf32>
    %exp3A_2573 = math.exp %sub3A_2572 : vector<16xf32>
    %sub3A_2574 = arith.subf %get3A_2550, %max3A_2561 : vector<16xf32>
    %exp3A_2575 = math.exp %sub3A_2574 : vector<16xf32>
    %sub3A_2576 = arith.subf %get3A_2554, %max3A_2561 : vector<16xf32>
    %exp3A_2577 = math.exp %sub3A_2576 : vector<16xf32>
    %add3A_2578 = arith.addf %exp3A_2563, %exp3A_2565 : vector<16xf32>
    %add3A_2579 = arith.addf %add3A_2578, %exp3A_2567 : vector<16xf32>
    %add3A_2580 = arith.addf %add3A_2579, %exp3A_2569 : vector<16xf32>
    %add3A_2581 = arith.addf %add3A_2580, %exp3A_2571 : vector<16xf32>
    %add3A_2582 = arith.addf %add3A_2581, %exp3A_2573 : vector<16xf32>
    %add3A_2583 = arith.addf %add3A_2582, %exp3A_2575 : vector<16xf32>
    %add3A_2584 = arith.addf %add3A_2583, %exp3A_2577 : vector<16xf32>
    %div3A_2585 = arith.constant 1.000000e+00 : f32
    %div3A_2586 = vector.broadcast %div3A_2585 : f32 to vector<16xf32>
    %div3A_2587 = arith.divf %div3A_2586, %add3A_2584 : vector<16xf32>
    %mul3A_2588 = arith.mulf %exp3A_2563, %div3A_2587 : vector<16xf32>
    %swap3A_2589 = arith.constant 0 : i32
    %swap3A_2590 = arith.index_cast %swap3A_2589 : i32 to index
    %swap3A_2591 = arith.constant 384 : index
    %swap3A_2592 = tpu.vector_load %arg5[%swap3A_2590, %swap3A_2591] {strides = array<i32>} : memref<8x512xf32, #tpu.memory_space<vmem>>, vector<16xf32>,
    tpu.vector_store %arg5[%swap3A_2590, %swap3A_2591], %mul3A_2588 {strides = array<i32>} : memref<8x512xf32, #tpu.memory_space<vmem>>, vector<16xf32>,
    %mul3A_2593 = arith.mulf %exp3A_2565, %div3A_2587 : vector<16xf32>
    %swap3A_2594 = arith.constant 1 : i32
    %swap3A_2595 = arith.index_cast %swap3A_2594 : i32 to index
    %swap3A_2596 = arith.constant 384 : index
    %swap3A_2597 = tpu.vector_load %arg5[%swap3A_2595, %swap3A_2596] {strides = array<i32>} : memref<8x512xf32, #tpu.memory_space<vmem>>, vector<16xf32>,
    tpu.vector_store %arg5[%swap3A_2595, %swap3A_2596], %mul3A_2593 {strides = array<i32>} : memref<8x512xf32, #tpu.memory_space<vmem>>, vector<16xf32>,
    %mul3A_2598 = arith.mulf %exp3A_2567, %div3A_2587 : vector<16xf32>
    %swap3A_2599 = arith.constant 2 : i32
    %swap3A_2600 = arith.index_cast %swap3A_2599 : i32 to index
    %swap3A_2601 = arith.constant 384 : index
    %swap3A_2602 = tpu.vector_load %arg5[%swap3A_2600, %swap3A_2601] {strides = array<i32>} : memref<8x512xf32, #tpu.memory_space<vmem>>, vector<16xf32>,
    tpu.vector_store %arg5[%swap3A_2600, %swap3A_2601], %mul3A_2598 {strides = array<i32>} : memref<8x512xf32, #tpu.memory_space<vmem>>, vector<16xf32>,
    %mul3A_2603 = arith.mulf %exp3A_2569, %div3A_2587 : vector<16xf32>
    %swap3A_2604 = arith.constant 3 : i32
    %swap3A_2605 = arith.index_cast %swap3A_2604 : i32 to index
    %swap3A_2606 = arith.constant 384 : index
    %swap3A_2607 = tpu.vector_load %arg5[%swap3A_2605, %swap3A_2606] {strides = array<i32>} : memref<8x512xf32, #tpu.memory_space<vmem>>, vector<16xf32>,
    tpu.vector_store %arg5[%swap3A_2605, %swap3A_2606], %mul3A_2603 {strides = array<i32>} : memref<8x512xf32, #tpu.memory_space<vmem>>, vector<16xf32>,
    %mul3A_2608 = arith.mulf %exp3A_2571, %div3A_2587 : vector<16xf32>
    %swap3A_2609 = arith.constant 4 : i32
    %swap3A_2610 = arith.index_cast %swap3A_2609 : i32 to index
    %swap3A_2611 = arith.constant 384 : index
    %swap3A_2612 = tpu.vector_load %arg5[%swap3A_2610, %swap3A_2611] {strides = array<i32>} : memref<8x512xf32, #tpu.memory_space<vmem>>, vector<16xf32>,
    tpu.vector_store %arg5[%swap3A_2610, %swap3A_2611], %mul3A_2608 {strides = array<i32>} : memref<8x512xf32, #tpu.memory_space<vmem>>, vector<16xf32>,
    %mul3A_2613 = arith.mulf %exp3A_2573, %div3A_2587 : vector<16xf32>
    %swap3A_2614 = arith.constant 5 : i32
    %swap3A_2615 = arith.index_cast %swap3A_2614 : i32 to index
    %swap3A_2616 = arith.constant 384 : index
    %swap3A_2617 = tpu.vector_load %arg5[%swap3A_2615, %swap3A_2616] {strides = array<i32>} : memref<8x512xf32, #tpu.memory_space<vmem>>, vector<16xf32>,
    tpu.vector_store %arg5[%swap3A_2615, %swap3A_2616], %mul3A_2613 {strides = array<i32>} : memref<8x512xf32, #tpu.memory_space<vmem>>, vector<16xf32>,
    %mul3A_2618 = arith.mulf %exp3A_2575, %div3A_2587 : vector<16xf32>
    %swap3A_2619 = arith.constant 6 : i32
    %swap3A_2620 = arith.index_cast %swap3A_2619 : i32 to index
    %swap3A_2621 = arith.constant 384 : index
    %swap3A_2622 = tpu.vector_load %arg5[%swap3A_2620, %swap3A_2621] {strides = array<i32>} : memref<8x512xf32, #tpu.memory_space<vmem>>, vector<16xf32>,
    tpu.vector_store %arg5[%swap3A_2620, %swap3A_2621], %mul3A_2618 {strides = array<i32>} : memref<8x512xf32, #tpu.memory_space<vmem>>, vector<16xf32>,
    %mul3A_2623 = arith.mulf %exp3A_2577, %div3A_2587 : vector<16xf32>
    %swap3A_2624 = arith.constant 7 : i32
    %swap3A_2625 = arith.index_cast %swap3A_2624 : i32 to index
    %swap3A_2626 = arith.constant 384 : index
    %swap3A_2627 = tpu.vector_load %arg5[%swap3A_2625, %swap3A_2626] {strides = array<i32>} : memref<8x512xf32, #tpu.memory_space<vmem>>, vector<16xf32>,
    tpu.vector_store %arg5[%swap3A_2625, %swap3A_2626], %mul3A_2623 {strides = array<i32>} : memref<8x512xf32, #tpu.memory_space<vmem>>, vector<16xf32>,
    %get3A_2628 = arith.constant 0 : i32
    %get3A_2629 = arith.index_cast %get3A_2628 : i32 to index
    %get3A_2630 = arith.constant 400 : index
    %get3A_2631 = tpu.vector_load %arg4[%get3A_2629, %get3A_2630] {strides = array<i32>} : memref<8x512xf32, #tpu.memory_space<vmem>>, vector<16xf32>,
    %get3A_2632 = arith.constant 1 : i32
    %get3A_2633 = arith.index_cast %get3A_2632 : i32 to index
    %get3A_2634 = arith.constant 400 : index
    %get3A_2635 = tpu.vector_load %arg4[%get3A_2633, %get3A_2634] {strides = array<i32>} : memref<8x512xf32, #tpu.memory_space<vmem>>, vector<16xf32>,
    %get3A_2636 = arith.constant 2 : i32
    %get3A_2637 = arith.index_cast %get3A_2636 : i32 to index
    %get3A_2638 = arith.constant 400 : index
    %get3A_2639 = tpu.vector_load %arg4[%get3A_2637, %get3A_2638] {strides = array<i32>} : memref<8x512xf32, #tpu.memory_space<vmem>>, vector<16xf32>,
    %get3A_2640 = arith.constant 3 : i32
    %get3A_2641 = arith.index_cast %get3A_2640 : i32 to index
    %get3A_2642 = arith.constant 400 : index
    %get3A_2643 = tpu.vector_load %arg4[%get3A_2641, %get3A_2642] {strides = array<i32>} : memref<8x512xf32, #tpu.memory_space<vmem>>, vector<16xf32>,
    %get3A_2644 = arith.constant 4 : i32
    %get3A_2645 = arith.index_cast %get3A_2644 : i32 to index
    %get3A_2646 = arith.constant 400 : index
    %get3A_2647 = tpu.vector_load %arg4[%get3A_2645, %get3A_2646] {strides = array<i32>} : memref<8x512xf32, #tpu.memory_space<vmem>>, vector<16xf32>,
    %get3A_2648 = arith.constant 5 : i32
    %get3A_2649 = arith.index_cast %get3A_2648 : i32 to index
    %get3A_2650 = arith.constant 400 : index
    %get3A_2651 = tpu.vector_load %arg4[%get3A_2649, %get3A_2650] {strides = array<i32>} : memref<8x512xf32, #tpu.memory_space<vmem>>, vector<16xf32>,
    %get3A_2652 = arith.constant 6 : i32
    %get3A_2653 = arith.index_cast %get3A_2652 : i32 to index
    %get3A_2654 = arith.constant 400 : index
    %get3A_2655 = tpu.vector_load %arg4[%get3A_2653, %get3A_2654] {strides = array<i32>} : memref<8x512xf32, #tpu.memory_space<vmem>>, vector<16xf32>,
    %get3A_2656 = arith.constant 7 : i32
    %get3A_2657 = arith.index_cast %get3A_2656 : i32 to index
    %get3A_2658 = arith.constant 400 : index
    %get3A_2659 = tpu.vector_load %arg4[%get3A_2657, %get3A_2658] {strides = array<i32>} : memref<8x512xf32, #tpu.memory_space<vmem>>, vector<16xf32>,
    %max3A_2660 = arith.maximumf %get3A_2631, %get3A_2635 : vector<16xf32>
    %max3A_2661 = arith.maximumf %max3A_2660, %get3A_2639 : vector<16xf32>
    %max3A_2662 = arith.maximumf %max3A_2661, %get3A_2643 : vector<16xf32>
    %max3A_2663 = arith.maximumf %max3A_2662, %get3A_2647 : vector<16xf32>
    %max3A_2664 = arith.maximumf %max3A_2663, %get3A_2651 : vector<16xf32>
    %max3A_2665 = arith.maximumf %max3A_2664, %get3A_2655 : vector<16xf32>
    %max3A_2666 = arith.maximumf %max3A_2665, %get3A_2659 : vector<16xf32>
    %sub3A_2667 = arith.subf %get3A_2631, %max3A_2666 : vector<16xf32>
    %exp3A_2668 = math.exp %sub3A_2667 : vector<16xf32>
    %sub3A_2669 = arith.subf %get3A_2635, %max3A_2666 : vector<16xf32>
    %exp3A_2670 = math.exp %sub3A_2669 : vector<16xf32>
    %sub3A_2671 = arith.subf %get3A_2639, %max3A_2666 : vector<16xf32>
    %exp3A_2672 = math.exp %sub3A_2671 : vector<16xf32>
    %sub3A_2673 = arith.subf %get3A_2643, %max3A_2666 : vector<16xf32>
    %exp3A_2674 = math.exp %sub3A_2673 : vector<16xf32>
    %sub3A_2675 = arith.subf %get3A_2647, %max3A_2666 : vector<16xf32>
    %exp3A_2676 = math.exp %sub3A_2675 : vector<16xf32>
    %sub3A_2677 = arith.subf %get3A_2651, %max3A_2666 : vector<16xf32>
    %exp3A_2678 = math.exp %sub3A_2677 : vector<16xf32>
    %sub3A_2679 = arith.subf %get3A_2655, %max3A_2666 : vector<16xf32>
    %exp3A_2680 = math.exp %sub3A_2679 : vector<16xf32>
    %sub3A_2681 = arith.subf %get3A_2659, %max3A_2666 : vector<16xf32>
    %exp3A_2682 = math.exp %sub3A_2681 : vector<16xf32>
    %add3A_2683 = arith.addf %exp3A_2668, %exp3A_2670 : vector<16xf32>
    %add3A_2684 = arith.addf %add3A_2683, %exp3A_2672 : vector<16xf32>
    %add3A_2685 = arith.addf %add3A_2684, %exp3A_2674 : vector<16xf32>
    %add3A_2686 = arith.addf %add3A_2685, %exp3A_2676 : vector<16xf32>
    %add3A_2687 = arith.addf %add3A_2686, %exp3A_2678 : vector<16xf32>
    %add3A_2688 = arith.addf %add3A_2687, %exp3A_2680 : vector<16xf32>
    %add3A_2689 = arith.addf %add3A_2688, %exp3A_2682 : vector<16xf32>
    %div3A_2690 = arith.constant 1.000000e+00 : f32
    %div3A_2691 = vector.broadcast %div3A_2690 : f32 to vector<16xf32>
    %div3A_2692 = arith.divf %div3A_2691, %add3A_2689 : vector<16xf32>
    %mul3A_2693 = arith.mulf %exp3A_2668, %div3A_2692 : vector<16xf32>
    %swap3A_2694 = arith.constant 0 : i32
    %swap3A_2695 = arith.index_cast %swap3A_2694 : i32 to index
    %swap3A_2696 = arith.constant 400 : index
    %swap3A_2697 = tpu.vector_load %arg5[%swap3A_2695, %swap3A_2696] {strides = array<i32>} : memref<8x512xf32, #tpu.memory_space<vmem>>, vector<16xf32>,
    tpu.vector_store %arg5[%swap3A_2695, %swap3A_2696], %mul3A_2693 {strides = array<i32>} : memref<8x512xf32, #tpu.memory_space<vmem>>, vector<16xf32>,
    %mul3A_2698 = arith.mulf %exp3A_2670, %div3A_2692 : vector<16xf32>
    %swap3A_2699 = arith.constant 1 : i32
    %swap3A_2700 = arith.index_cast %swap3A_2699 : i32 to index
    %swap3A_2701 = arith.constant 400 : index
    %swap3A_2702 = tpu.vector_load %arg5[%swap3A_2700, %swap3A_2701] {strides = array<i32>} : memref<8x512xf32, #tpu.memory_space<vmem>>, vector<16xf32>,
    tpu.vector_store %arg5[%swap3A_2700, %swap3A_2701], %mul3A_2698 {strides = array<i32>} : memref<8x512xf32, #tpu.memory_space<vmem>>, vector<16xf32>,
    %mul3A_2703 = arith.mulf %exp3A_2672, %div3A_2692 : vector<16xf32>
    %swap3A_2704 = arith.constant 2 : i32
    %swap3A_2705 = arith.index_cast %swap3A_2704 : i32 to index
    %swap3A_2706 = arith.constant 400 : index
    %swap3A_2707 = tpu.vector_load %arg5[%swap3A_2705, %swap3A_2706] {strides = array<i32>} : memref<8x512xf32, #tpu.memory_space<vmem>>, vector<16xf32>,
    tpu.vector_store %arg5[%swap3A_2705, %swap3A_2706], %mul3A_2703 {strides = array<i32>} : memref<8x512xf32, #tpu.memory_space<vmem>>, vector<16xf32>,
    %mul3A_2708 = arith.mulf %exp3A_2674, %div3A_2692 : vector<16xf32>
    %swap3A_2709 = arith.constant 3 : i32
    %swap3A_2710 = arith.index_cast %swap3A_2709 : i32 to index
    %swap3A_2711 = arith.constant 400 : index
    %swap3A_2712 = tpu.vector_load %arg5[%swap3A_2710, %swap3A_2711] {strides = array<i32>} : memref<8x512xf32, #tpu.memory_space<vmem>>, vector<16xf32>,
    tpu.vector_store %arg5[%swap3A_2710, %swap3A_2711], %mul3A_2708 {strides = array<i32>} : memref<8x512xf32, #tpu.memory_space<vmem>>, vector<16xf32>,
    %mul3A_2713 = arith.mulf %exp3A_2676, %div3A_2692 : vector<16xf32>
    %swap3A_2714 = arith.constant 4 : i32
    %swap3A_2715 = arith.index_cast %swap3A_2714 : i32 to index
    %swap3A_2716 = arith.constant 400 : index
    %swap3A_2717 = tpu.vector_load %arg5[%swap3A_2715, %swap3A_2716] {strides = array<i32>} : memref<8x512xf32, #tpu.memory_space<vmem>>, vector<16xf32>,
    tpu.vector_store %arg5[%swap3A_2715, %swap3A_2716], %mul3A_2713 {strides = array<i32>} : memref<8x512xf32, #tpu.memory_space<vmem>>, vector<16xf32>,
    %mul3A_2718 = arith.mulf %exp3A_2678, %div3A_2692 : vector<16xf32>
    %swap3A_2719 = arith.constant 5 : i32
    %swap3A_2720 = arith.index_cast %swap3A_2719 : i32 to index
    %swap3A_2721 = arith.constant 400 : index
    %swap3A_2722 = tpu.vector_load %arg5[%swap3A_2720, %swap3A_2721] {strides = array<i32>} : memref<8x512xf32, #tpu.memory_space<vmem>>, vector<16xf32>,
    tpu.vector_store %arg5[%swap3A_2720, %swap3A_2721], %mul3A_2718 {strides = array<i32>} : memref<8x512xf32, #tpu.memory_space<vmem>>, vector<16xf32>,
    %mul3A_2723 = arith.mulf %exp3A_2680, %div3A_2692 : vector<16xf32>
    %swap3A_2724 = arith.constant 6 : i32
    %swap3A_2725 = arith.index_cast %swap3A_2724 : i32 to index
    %swap3A_2726 = arith.constant 400 : index
    %swap3A_2727 = tpu.vector_load %arg5[%swap3A_2725, %swap3A_2726] {strides = array<i32>} : memref<8x512xf32, #tpu.memory_space<vmem>>, vector<16xf32>,
    tpu.vector_store %arg5[%swap3A_2725, %swap3A_2726], %mul3A_2723 {strides = array<i32>} : memref<8x512xf32, #tpu.memory_space<vmem>>, vector<16xf32>,
    %mul3A_2728 = arith.mulf %exp3A_2682, %div3A_2692 : vector<16xf32>
    %swap3A_2729 = arith.constant 7 : i32
    %swap3A_2730 = arith.index_cast %swap3A_2729 : i32 to index
    %swap3A_2731 = arith.constant 400 : index
    %swap3A_2732 = tpu.vector_load %arg5[%swap3A_2730, %swap3A_2731] {strides = array<i32>} : memref<8x512xf32, #tpu.memory_space<vmem>>, vector<16xf32>,
    tpu.vector_store %arg5[%swap3A_2730, %swap3A_2731], %mul3A_2728 {strides = array<i32>} : memref<8x512xf32, #tpu.memory_space<vmem>>, vector<16xf32>,
    %get3A_2733 = arith.constant 0 : i32
    %get3A_2734 = arith.index_cast %get3A_2733 : i32 to index
    %get3A_2735 = arith.constant 416 : index
    %get3A_2736 = tpu.vector_load %arg4[%get3A_2734, %get3A_2735] {strides = array<i32>} : memref<8x512xf32, #tpu.memory_space<vmem>>, vector<16xf32>,
    %get3A_2737 = arith.constant 1 : i32
    %get3A_2738 = arith.index_cast %get3A_2737 : i32 to index
    %get3A_2739 = arith.constant 416 : index
    %get3A_2740 = tpu.vector_load %arg4[%get3A_2738, %get3A_2739] {strides = array<i32>} : memref<8x512xf32, #tpu.memory_space<vmem>>, vector<16xf32>,
    %get3A_2741 = arith.constant 2 : i32
    %get3A_2742 = arith.index_cast %get3A_2741 : i32 to index
    %get3A_2743 = arith.constant 416 : index
    %get3A_2744 = tpu.vector_load %arg4[%get3A_2742, %get3A_2743] {strides = array<i32>} : memref<8x512xf32, #tpu.memory_space<vmem>>, vector<16xf32>,
    %get3A_2745 = arith.constant 3 : i32
    %get3A_2746 = arith.index_cast %get3A_2745 : i32 to index
    %get3A_2747 = arith.constant 416 : index
    %get3A_2748 = tpu.vector_load %arg4[%get3A_2746, %get3A_2747] {strides = array<i32>} : memref<8x512xf32, #tpu.memory_space<vmem>>, vector<16xf32>,
    %get3A_2749 = arith.constant 4 : i32
    %get3A_2750 = arith.index_cast %get3A_2749 : i32 to index
    %get3A_2751 = arith.constant 416 : index
    %get3A_2752 = tpu.vector_load %arg4[%get3A_2750, %get3A_2751] {strides = array<i32>} : memref<8x512xf32, #tpu.memory_space<vmem>>, vector<16xf32>,
    %get3A_2753 = arith.constant 5 : i32
    %get3A_2754 = arith.index_cast %get3A_2753 : i32 to index
    %get3A_2755 = arith.constant 416 : index
    %get3A_2756 = tpu.vector_load %arg4[%get3A_2754, %get3A_2755] {strides = array<i32>} : memref<8x512xf32, #tpu.memory_space<vmem>>, vector<16xf32>,
    %get3A_2757 = arith.constant 6 : i32
    %get3A_2758 = arith.index_cast %get3A_2757 : i32 to index
    %get3A_2759 = arith.constant 416 : index
    %get3A_2760 = tpu.vector_load %arg4[%get3A_2758, %get3A_2759] {strides = array<i32>} : memref<8x512xf32, #tpu.memory_space<vmem>>, vector<16xf32>,
    %get3A_2761 = arith.constant 7 : i32
    %get3A_2762 = arith.index_cast %get3A_2761 : i32 to index
    %get3A_2763 = arith.constant 416 : index
    %get3A_2764 = tpu.vector_load %arg4[%get3A_2762, %get3A_2763] {strides = array<i32>} : memref<8x512xf32, #tpu.memory_space<vmem>>, vector<16xf32>,
    %max3A_2765 = arith.maximumf %get3A_2736, %get3A_2740 : vector<16xf32>
    %max3A_2766 = arith.maximumf %max3A_2765, %get3A_2744 : vector<16xf32>
    %max3A_2767 = arith.maximumf %max3A_2766, %get3A_2748 : vector<16xf32>
    %max3A_2768 = arith.maximumf %max3A_2767, %get3A_2752 : vector<16xf32>
    %max3A_2769 = arith.maximumf %max3A_2768, %get3A_2756 : vector<16xf32>
    %max3A_2770 = arith.maximumf %max3A_2769, %get3A_2760 : vector<16xf32>
    %max3A_2771 = arith.maximumf %max3A_2770, %get3A_2764 : vector<16xf32>
    %sub3A_2772 = arith.subf %get3A_2736, %max3A_2771 : vector<16xf32>
    %exp3A_2773 = math.exp %sub3A_2772 : vector<16xf32>
    %sub3A_2774 = arith.subf %get3A_2740, %max3A_2771 : vector<16xf32>
    %exp3A_2775 = math.exp %sub3A_2774 : vector<16xf32>
    %sub3A_2776 = arith.subf %get3A_2744, %max3A_2771 : vector<16xf32>
    %exp3A_2777 = math.exp %sub3A_2776 : vector<16xf32>
    %sub3A_2778 = arith.subf %get3A_2748, %max3A_2771 : vector<16xf32>
    %exp3A_2779 = math.exp %sub3A_2778 : vector<16xf32>
    %sub3A_2780 = arith.subf %get3A_2752, %max3A_2771 : vector<16xf32>
    %exp3A_2781 = math.exp %sub3A_2780 : vector<16xf32>
    %sub3A_2782 = arith.subf %get3A_2756, %max3A_2771 : vector<16xf32>
    %exp3A_2783 = math.exp %sub3A_2782 : vector<16xf32>
    %sub3A_2784 = arith.subf %get3A_2760, %max3A_2771 : vector<16xf32>
    %exp3A_2785 = math.exp %sub3A_2784 : vector<16xf32>
    %sub3A_2786 = arith.subf %get3A_2764, %max3A_2771 : vector<16xf32>
    %exp3A_2787 = math.exp %sub3A_2786 : vector<16xf32>
    %add3A_2788 = arith.addf %exp3A_2773, %exp3A_2775 : vector<16xf32>
    %add3A_2789 = arith.addf %add3A_2788, %exp3A_2777 : vector<16xf32>
    %add3A_2790 = arith.addf %add3A_2789, %exp3A_2779 : vector<16xf32>
    %add3A_2791 = arith.addf %add3A_2790, %exp3A_2781 : vector<16xf32>
    %add3A_2792 = arith.addf %add3A_2791, %exp3A_2783 : vector<16xf32>
    %add3A_2793 = arith.addf %add3A_2792, %exp3A_2785 : vector<16xf32>
    %add3A_2794 = arith.addf %add3A_2793, %exp3A_2787 : vector<16xf32>
    %div3A_2795 = arith.constant 1.000000e+00 : f32
    %div3A_2796 = vector.broadcast %div3A_2795 : f32 to vector<16xf32>
    %div3A_2797 = arith.divf %div3A_2796, %add3A_2794 : vector<16xf32>
    %mul3A_2798 = arith.mulf %exp3A_2773, %div3A_2797 : vector<16xf32>
    %swap3A_2799 = arith.constant 0 : i32
    %swap3A_2800 = arith.index_cast %swap3A_2799 : i32 to index
    %swap3A_2801 = arith.constant 416 : index
    %swap3A_2802 = tpu.vector_load %arg5[%swap3A_2800, %swap3A_2801] {strides = array<i32>} : memref<8x512xf32, #tpu.memory_space<vmem>>, vector<16xf32>,
    tpu.vector_store %arg5[%swap3A_2800, %swap3A_2801], %mul3A_2798 {strides = array<i32>} : memref<8x512xf32, #tpu.memory_space<vmem>>, vector<16xf32>,
    %mul3A_2803 = arith.mulf %exp3A_2775, %div3A_2797 : vector<16xf32>
    %swap3A_2804 = arith.constant 1 : i32
    %swap3A_2805 = arith.index_cast %swap3A_2804 : i32 to index
    %swap3A_2806 = arith.constant 416 : index
    %swap3A_2807 = tpu.vector_load %arg5[%swap3A_2805, %swap3A_2806] {strides = array<i32>} : memref<8x512xf32, #tpu.memory_space<vmem>>, vector<16xf32>,
    tpu.vector_store %arg5[%swap3A_2805, %swap3A_2806], %mul3A_2803 {strides = array<i32>} : memref<8x512xf32, #tpu.memory_space<vmem>>, vector<16xf32>,
    %mul3A_2808 = arith.mulf %exp3A_2777, %div3A_2797 : vector<16xf32>
    %swap3A_2809 = arith.constant 2 : i32
    %swap3A_2810 = arith.index_cast %swap3A_2809 : i32 to index
    %swap3A_2811 = arith.constant 416 : index
    %swap3A_2812 = tpu.vector_load %arg5[%swap3A_2810, %swap3A_2811] {strides = array<i32>} : memref<8x512xf32, #tpu.memory_space<vmem>>, vector<16xf32>,
    tpu.vector_store %arg5[%swap3A_2810, %swap3A_2811], %mul3A_2808 {strides = array<i32>} : memref<8x512xf32, #tpu.memory_space<vmem>>, vector<16xf32>,
    %mul3A_2813 = arith.mulf %exp3A_2779, %div3A_2797 : vector<16xf32>
    %swap3A_2814 = arith.constant 3 : i32
    %swap3A_2815 = arith.index_cast %swap3A_2814 : i32 to index
    %swap3A_2816 = arith.constant 416 : index
    %swap3A_2817 = tpu.vector_load %arg5[%swap3A_2815, %swap3A_2816] {strides = array<i32>} : memref<8x512xf32, #tpu.memory_space<vmem>>, vector<16xf32>,
    tpu.vector_store %arg5[%swap3A_2815, %swap3A_2816], %mul3A_2813 {strides = array<i32>} : memref<8x512xf32, #tpu.memory_space<vmem>>, vector<16xf32>,
    %mul3A_2818 = arith.mulf %exp3A_2781, %div3A_2797 : vector<16xf32>
    %swap3A_2819 = arith.constant 4 : i32
    %swap3A_2820 = arith.index_cast %swap3A_2819 : i32 to index
    %swap3A_2821 = arith.constant 416 : index
    %swap3A_2822 = tpu.vector_load %arg5[%swap3A_2820, %swap3A_2821] {strides = array<i32>} : memref<8x512xf32, #tpu.memory_space<vmem>>, vector<16xf32>,
    tpu.vector_store %arg5[%swap3A_2820, %swap3A_2821], %mul3A_2818 {strides = array<i32>} : memref<8x512xf32, #tpu.memory_space<vmem>>, vector<16xf32>,
    %mul3A_2823 = arith.mulf %exp3A_2783, %div3A_2797 : vector<16xf32>
    %swap3A_2824 = arith.constant 5 : i32
    %swap3A_2825 = arith.index_cast %swap3A_2824 : i32 to index
    %swap3A_2826 = arith.constant 416 : index
    %swap3A_2827 = tpu.vector_load %arg5[%swap3A_2825, %swap3A_2826] {strides = array<i32>} : memref<8x512xf32, #tpu.memory_space<vmem>>, vector<16xf32>,
    tpu.vector_store %arg5[%swap3A_2825, %swap3A_2826], %mul3A_2823 {strides = array<i32>} : memref<8x512xf32, #tpu.memory_space<vmem>>, vector<16xf32>,
    %mul3A_2828 = arith.mulf %exp3A_2785, %div3A_2797 : vector<16xf32>
    %swap3A_2829 = arith.constant 6 : i32
    %swap3A_2830 = arith.index_cast %swap3A_2829 : i32 to index
    %swap3A_2831 = arith.constant 416 : index
    %swap3A_2832 = tpu.vector_load %arg5[%swap3A_2830, %swap3A_2831] {strides = array<i32>} : memref<8x512xf32, #tpu.memory_space<vmem>>, vector<16xf32>,
    tpu.vector_store %arg5[%swap3A_2830, %swap3A_2831], %mul3A_2828 {strides = array<i32>} : memref<8x512xf32, #tpu.memory_space<vmem>>, vector<16xf32>,
    %mul3A_2833 = arith.mulf %exp3A_2787, %div3A_2797 : vector<16xf32>
    %swap3A_2834 = arith.constant 7 : i32
    %swap3A_2835 = arith.index_cast %swap3A_2834 : i32 to index
    %swap3A_2836 = arith.constant 416 : index
    %swap3A_2837 = tpu.vector_load %arg5[%swap3A_2835, %swap3A_2836] {strides = array<i32>} : memref<8x512xf32, #tpu.memory_space<vmem>>, vector<16xf32>,
    tpu.vector_store %arg5[%swap3A_2835, %swap3A_2836], %mul3A_2833 {strides = array<i32>} : memref<8x512xf32, #tpu.memory_space<vmem>>, vector<16xf32>,
    %get3A_2838 = arith.constant 0 : i32
    %get3A_2839 = arith.index_cast %get3A_2838 : i32 to index
    %get3A_2840 = arith.constant 432 : index
    %get3A_2841 = tpu.vector_load %arg4[%get3A_2839, %get3A_2840] {strides = array<i32>} : memref<8x512xf32, #tpu.memory_space<vmem>>, vector<16xf32>,
    %get3A_2842 = arith.constant 1 : i32
    %get3A_2843 = arith.index_cast %get3A_2842 : i32 to index
    %get3A_2844 = arith.constant 432 : index
    %get3A_2845 = tpu.vector_load %arg4[%get3A_2843, %get3A_2844] {strides = array<i32>} : memref<8x512xf32, #tpu.memory_space<vmem>>, vector<16xf32>,
    %get3A_2846 = arith.constant 2 : i32
    %get3A_2847 = arith.index_cast %get3A_2846 : i32 to index
    %get3A_2848 = arith.constant 432 : index
    %get3A_2849 = tpu.vector_load %arg4[%get3A_2847, %get3A_2848] {strides = array<i32>} : memref<8x512xf32, #tpu.memory_space<vmem>>, vector<16xf32>,
    %get3A_2850 = arith.constant 3 : i32
    %get3A_2851 = arith.index_cast %get3A_2850 : i32 to index
    %get3A_2852 = arith.constant 432 : index
    %get3A_2853 = tpu.vector_load %arg4[%get3A_2851, %get3A_2852] {strides = array<i32>} : memref<8x512xf32, #tpu.memory_space<vmem>>, vector<16xf32>,
    %get3A_2854 = arith.constant 4 : i32
    %get3A_2855 = arith.index_cast %get3A_2854 : i32 to index
    %get3A_2856 = arith.constant 432 : index
    %get3A_2857 = tpu.vector_load %arg4[%get3A_2855, %get3A_2856] {strides = array<i32>} : memref<8x512xf32, #tpu.memory_space<vmem>>, vector<16xf32>,
    %get3A_2858 = arith.constant 5 : i32
    %get3A_2859 = arith.index_cast %get3A_2858 : i32 to index
    %get3A_2860 = arith.constant 432 : index
    %get3A_2861 = tpu.vector_load %arg4[%get3A_2859, %get3A_2860] {strides = array<i32>} : memref<8x512xf32, #tpu.memory_space<vmem>>, vector<16xf32>,
    %get3A_2862 = arith.constant 6 : i32
    %get3A_2863 = arith.index_cast %get3A_2862 : i32 to index
    %get3A_2864 = arith.constant 432 : index
    %get3A_2865 = tpu.vector_load %arg4[%get3A_2863, %get3A_2864] {strides = array<i32>} : memref<8x512xf32, #tpu.memory_space<vmem>>, vector<16xf32>,
    %get3A_2866 = arith.constant 7 : i32
    %get3A_2867 = arith.index_cast %get3A_2866 : i32 to index
    %get3A_2868 = arith.constant 432 : index
    %get3A_2869 = tpu.vector_load %arg4[%get3A_2867, %get3A_2868] {strides = array<i32>} : memref<8x512xf32, #tpu.memory_space<vmem>>, vector<16xf32>,
    %max3A_2870 = arith.maximumf %get3A_2841, %get3A_2845 : vector<16xf32>
    %max3A_2871 = arith.maximumf %max3A_2870, %get3A_2849 : vector<16xf32>
    %max3A_2872 = arith.maximumf %max3A_2871, %get3A_2853 : vector<16xf32>
    %max3A_2873 = arith.maximumf %max3A_2872, %get3A_2857 : vector<16xf32>
    %max3A_2874 = arith.maximumf %max3A_2873, %get3A_2861 : vector<16xf32>
    %max3A_2875 = arith.maximumf %max3A_2874, %get3A_2865 : vector<16xf32>
    %max3A_2876 = arith.maximumf %max3A_2875, %get3A_2869 : vector<16xf32>
    %sub3A_2877 = arith.subf %get3A_2841, %max3A_2876 : vector<16xf32>
    %exp3A_2878 = math.exp %sub3A_2877 : vector<16xf32>
    %sub3A_2879 = arith.subf %get3A_2845, %max3A_2876 : vector<16xf32>
    %exp3A_2880 = math.exp %sub3A_2879 : vector<16xf32>
    %sub3A_2881 = arith.subf %get3A_2849, %max3A_2876 : vector<16xf32>
    %exp3A_2882 = math.exp %sub3A_2881 : vector<16xf32>
    %sub3A_2883 = arith.subf %get3A_2853, %max3A_2876 : vector<16xf32>
    %exp3A_2884 = math.exp %sub3A_2883 : vector<16xf32>
    %sub3A_2885 = arith.subf %get3A_2857, %max3A_2876 : vector<16xf32>
    %exp3A_2886 = math.exp %sub3A_2885 : vector<16xf32>
    %sub3A_2887 = arith.subf %get3A_2861, %max3A_2876 : vector<16xf32>
    %exp3A_2888 = math.exp %sub3A_2887 : vector<16xf32>
    %sub3A_2889 = arith.subf %get3A_2865, %max3A_2876 : vector<16xf32>
    %exp3A_2890 = math.exp %sub3A_2889 : vector<16xf32>
    %sub3A_2891 = arith.subf %get3A_2869, %max3A_2876 : vector<16xf32>
    %exp3A_2892 = math.exp %sub3A_2891 : vector<16xf32>
    %add3A_2893 = arith.addf %exp3A_2878, %exp3A_2880 : vector<16xf32>
    %add3A_2894 = arith.addf %add3A_2893, %exp3A_2882 : vector<16xf32>
    %add3A_2895 = arith.addf %add3A_2894, %exp3A_2884 : vector<16xf32>
    %add3A_2896 = arith.addf %add3A_2895, %exp3A_2886 : vector<16xf32>
    %add3A_2897 = arith.addf %add3A_2896, %exp3A_2888 : vector<16xf32>
    %add3A_2898 = arith.addf %add3A_2897, %exp3A_2890 : vector<16xf32>
    %add3A_2899 = arith.addf %add3A_2898, %exp3A_2892 : vector<16xf32>
    %div3A_2900 = arith.constant 1.000000e+00 : f32
    %div3A_2901 = vector.broadcast %div3A_2900 : f32 to vector<16xf32>
    %div3A_2902 = arith.divf %div3A_2901, %add3A_2899 : vector<16xf32>
    %mul3A_2903 = arith.mulf %exp3A_2878, %div3A_2902 : vector<16xf32>
    %swap3A_2904 = arith.constant 0 : i32
    %swap3A_2905 = arith.index_cast %swap3A_2904 : i32 to index
    %swap3A_2906 = arith.constant 432 : index
    %swap3A_2907 = tpu.vector_load %arg5[%swap3A_2905, %swap3A_2906] {strides = array<i32>} : memref<8x512xf32, #tpu.memory_space<vmem>>, vector<16xf32>,
    tpu.vector_store %arg5[%swap3A_2905, %swap3A_2906], %mul3A_2903 {strides = array<i32>} : memref<8x512xf32, #tpu.memory_space<vmem>>, vector<16xf32>,
    %mul3A_2908 = arith.mulf %exp3A_2880, %div3A_2902 : vector<16xf32>
    %swap3A_2909 = arith.constant 1 : i32
    %swap3A_2910 = arith.index_cast %swap3A_2909 : i32 to index
    %swap3A_2911 = arith.constant 432 : index
    %swap3A_2912 = tpu.vector_load %arg5[%swap3A_2910, %swap3A_2911] {strides = array<i32>} : memref<8x512xf32, #tpu.memory_space<vmem>>, vector<16xf32>,
    tpu.vector_store %arg5[%swap3A_2910, %swap3A_2911], %mul3A_2908 {strides = array<i32>} : memref<8x512xf32, #tpu.memory_space<vmem>>, vector<16xf32>,
    %mul3A_2913 = arith.mulf %exp3A_2882, %div3A_2902 : vector<16xf32>
    %swap3A_2914 = arith.constant 2 : i32
    %swap3A_2915 = arith.index_cast %swap3A_2914 : i32 to index
    %swap3A_2916 = arith.constant 432 : index
    %swap3A_2917 = tpu.vector_load %arg5[%swap3A_2915, %swap3A_2916] {strides = array<i32>} : memref<8x512xf32, #tpu.memory_space<vmem>>, vector<16xf32>,
    tpu.vector_store %arg5[%swap3A_2915, %swap3A_2916], %mul3A_2913 {strides = array<i32>} : memref<8x512xf32, #tpu.memory_space<vmem>>, vector<16xf32>,
    %mul3A_2918 = arith.mulf %exp3A_2884, %div3A_2902 : vector<16xf32>
    %swap3A_2919 = arith.constant 3 : i32
    %swap3A_2920 = arith.index_cast %swap3A_2919 : i32 to index
    %swap3A_2921 = arith.constant 432 : index
    %swap3A_2922 = tpu.vector_load %arg5[%swap3A_2920, %swap3A_2921] {strides = array<i32>} : memref<8x512xf32, #tpu.memory_space<vmem>>, vector<16xf32>,
    tpu.vector_store %arg5[%swap3A_2920, %swap3A_2921], %mul3A_2918 {strides = array<i32>} : memref<8x512xf32, #tpu.memory_space<vmem>>, vector<16xf32>,
    %mul3A_2923 = arith.mulf %exp3A_2886, %div3A_2902 : vector<16xf32>
    %swap3A_2924 = arith.constant 4 : i32
    %swap3A_2925 = arith.index_cast %swap3A_2924 : i32 to index
    %swap3A_2926 = arith.constant 432 : index
    %swap3A_2927 = tpu.vector_load %arg5[%swap3A_2925, %swap3A_2926] {strides = array<i32>} : memref<8x512xf32, #tpu.memory_space<vmem>>, vector<16xf32>,
    tpu.vector_store %arg5[%swap3A_2925, %swap3A_2926], %mul3A_2923 {strides = array<i32>} : memref<8x512xf32, #tpu.memory_space<vmem>>, vector<16xf32>,
    %mul3A_2928 = arith.mulf %exp3A_2888, %div3A_2902 : vector<16xf32>
    %swap3A_2929 = arith.constant 5 : i32
    %swap3A_2930 = arith.index_cast %swap3A_2929 : i32 to index
    %swap3A_2931 = arith.constant 432 : index
    %swap3A_2932 = tpu.vector_load %arg5[%swap3A_2930, %swap3A_2931] {strides = array<i32>} : memref<8x512xf32, #tpu.memory_space<vmem>>, vector<16xf32>,
    tpu.vector_store %arg5[%swap3A_2930, %swap3A_2931], %mul3A_2928 {strides = array<i32>} : memref<8x512xf32, #tpu.memory_space<vmem>>, vector<16xf32>,
    %mul3A_2933 = arith.mulf %exp3A_2890, %div3A_2902 : vector<16xf32>
    %swap3A_2934 = arith.constant 6 : i32
    %swap3A_2935 = arith.index_cast %swap3A_2934 : i32 to index
    %swap3A_2936 = arith.constant 432 : index
    %swap3A_2937 = tpu.vector_load %arg5[%swap3A_2935, %swap3A_2936] {strides = array<i32>} : memref<8x512xf32, #tpu.memory_space<vmem>>, vector<16xf32>,
    tpu.vector_store %arg5[%swap3A_2935, %swap3A_2936], %mul3A_2933 {strides = array<i32>} : memref<8x512xf32, #tpu.memory_space<vmem>>, vector<16xf32>,
    %mul3A_2938 = arith.mulf %exp3A_2892, %div3A_2902 : vector<16xf32>
    %swap3A_2939 = arith.constant 7 : i32
    %swap3A_2940 = arith.index_cast %swap3A_2939 : i32 to index
    %swap3A_2941 = arith.constant 432 : index
    %swap3A_2942 = tpu.vector_load %arg5[%swap3A_2940, %swap3A_2941] {strides = array<i32>} : memref<8x512xf32, #tpu.memory_space<vmem>>, vector<16xf32>,
    tpu.vector_store %arg5[%swap3A_2940, %swap3A_2941], %mul3A_2938 {strides = array<i32>} : memref<8x512xf32, #tpu.memory_space<vmem>>, vector<16xf32>,
    %get3A_2943 = arith.constant 0 : i32
    %get3A_2944 = arith.index_cast %get3A_2943 : i32 to index
    %get3A_2945 = arith.constant 448 : index
    %get3A_2946 = tpu.vector_load %arg4[%get3A_2944, %get3A_2945] {strides = array<i32>} : memref<8x512xf32, #tpu.memory_space<vmem>>, vector<16xf32>,
    %get3A_2947 = arith.constant 1 : i32
    %get3A_2948 = arith.index_cast %get3A_2947 : i32 to index
    %get3A_2949 = arith.constant 448 : index
    %get3A_2950 = tpu.vector_load %arg4[%get3A_2948, %get3A_2949] {strides = array<i32>} : memref<8x512xf32, #tpu.memory_space<vmem>>, vector<16xf32>,
    %get3A_2951 = arith.constant 2 : i32
    %get3A_2952 = arith.index_cast %get3A_2951 : i32 to index
    %get3A_2953 = arith.constant 448 : index
    %get3A_2954 = tpu.vector_load %arg4[%get3A_2952, %get3A_2953] {strides = array<i32>} : memref<8x512xf32, #tpu.memory_space<vmem>>, vector<16xf32>,
    %get3A_2955 = arith.constant 3 : i32
    %get3A_2956 = arith.index_cast %get3A_2955 : i32 to index
    %get3A_2957 = arith.constant 448 : index
    %get3A_2958 = tpu.vector_load %arg4[%get3A_2956, %get3A_2957] {strides = array<i32>} : memref<8x512xf32, #tpu.memory_space<vmem>>, vector<16xf32>,
    %get3A_2959 = arith.constant 4 : i32
    %get3A_2960 = arith.index_cast %get3A_2959 : i32 to index
    %get3A_2961 = arith.constant 448 : index
    %get3A_2962 = tpu.vector_load %arg4[%get3A_2960, %get3A_2961] {strides = array<i32>} : memref<8x512xf32, #tpu.memory_space<vmem>>, vector<16xf32>,
    %get3A_2963 = arith.constant 5 : i32
    %get3A_2964 = arith.index_cast %get3A_2963 : i32 to index
    %get3A_2965 = arith.constant 448 : index
    %get3A_2966 = tpu.vector_load %arg4[%get3A_2964, %get3A_2965] {strides = array<i32>} : memref<8x512xf32, #tpu.memory_space<vmem>>, vector<16xf32>,
    %get3A_2967 = arith.constant 6 : i32
    %get3A_2968 = arith.index_cast %get3A_2967 : i32 to index
    %get3A_2969 = arith.constant 448 : index
    %get3A_2970 = tpu.vector_load %arg4[%get3A_2968, %get3A_2969] {strides = array<i32>} : memref<8x512xf32, #tpu.memory_space<vmem>>, vector<16xf32>,
    %get3A_2971 = arith.constant 7 : i32
    %get3A_2972 = arith.index_cast %get3A_2971 : i32 to index
    %get3A_2973 = arith.constant 448 : index
    %get3A_2974 = tpu.vector_load %arg4[%get3A_2972, %get3A_2973] {strides = array<i32>} : memref<8x512xf32, #tpu.memory_space<vmem>>, vector<16xf32>,
    %max3A_2975 = arith.maximumf %get3A_2946, %get3A_2950 : vector<16xf32>
    %max3A_2976 = arith.maximumf %max3A_2975, %get3A_2954 : vector<16xf32>
    %max3A_2977 = arith.maximumf %max3A_2976, %get3A_2958 : vector<16xf32>
    %max3A_2978 = arith.maximumf %max3A_2977, %get3A_2962 : vector<16xf32>
    %max3A_2979 = arith.maximumf %max3A_2978, %get3A_2966 : vector<16xf32>
    %max3A_2980 = arith.maximumf %max3A_2979, %get3A_2970 : vector<16xf32>
    %max3A_2981 = arith.maximumf %max3A_2980, %get3A_2974 : vector<16xf32>
    %sub3A_2982 = arith.subf %get3A_2946, %max3A_2981 : vector<16xf32>
    %exp3A_2983 = math.exp %sub3A_2982 : vector<16xf32>
    %sub3A_2984 = arith.subf %get3A_2950, %max3A_2981 : vector<16xf32>
    %exp3A_2985 = math.exp %sub3A_2984 : vector<16xf32>
    %sub3A_2986 = arith.subf %get3A_2954, %max3A_2981 : vector<16xf32>
    %exp3A_2987 = math.exp %sub3A_2986 : vector<16xf32>
    %sub3A_2988 = arith.subf %get3A_2958, %max3A_2981 : vector<16xf32>
    %exp3A_2989 = math.exp %sub3A_2988 : vector<16xf32>
    %sub3A_2990 = arith.subf %get3A_2962, %max3A_2981 : vector<16xf32>
    %exp3A_2991 = math.exp %sub3A_2990 : vector<16xf32>
    %sub3A_2992 = arith.subf %get3A_2966, %max3A_2981 : vector<16xf32>
    %exp3A_2993 = math.exp %sub3A_2992 : vector<16xf32>
    %sub3A_2994 = arith.subf %get3A_2970, %max3A_2981 : vector<16xf32>
    %exp3A_2995 = math.exp %sub3A_2994 : vector<16xf32>
    %sub3A_2996 = arith.subf %get3A_2974, %max3A_2981 : vector<16xf32>
    %exp3A_2997 = math.exp %sub3A_2996 : vector<16xf32>
    %add3A_2998 = arith.addf %exp3A_2983, %exp3A_2985 : vector<16xf32>
    %add3A_2999 = arith.addf %add3A_2998, %exp3A_2987 : vector<16xf32>
    %add3A_3000 = arith.addf %add3A_2999, %exp3A_2989 : vector<16xf32>
    %add3A_3001 = arith.addf %add3A_3000, %exp3A_2991 : vector<16xf32>
    %add3A_3002 = arith.addf %add3A_3001, %exp3A_2993 : vector<16xf32>
    %add3A_3003 = arith.addf %add3A_3002, %exp3A_2995 : vector<16xf32>
    %add3A_3004 = arith.addf %add3A_3003, %exp3A_2997 : vector<16xf32>
    %div3A_3005 = arith.constant 1.000000e+00 : f32
    %div3A_3006 = vector.broadcast %div3A_3005 : f32 to vector<16xf32>
    %div3A_3007 = arith.divf %div3A_3006, %add3A_3004 : vector<16xf32>
    %mul3A_3008 = arith.mulf %exp3A_2983, %div3A_3007 : vector<16xf32>
    %swap3A_3009 = arith.constant 0 : i32
    %swap3A_3010 = arith.index_cast %swap3A_3009 : i32 to index
    %swap3A_3011 = arith.constant 448 : index
    %swap3A_3012 = tpu.vector_load %arg5[%swap3A_3010, %swap3A_3011] {strides = array<i32>} : memref<8x512xf32, #tpu.memory_space<vmem>>, vector<16xf32>,
    tpu.vector_store %arg5[%swap3A_3010, %swap3A_3011], %mul3A_3008 {strides = array<i32>} : memref<8x512xf32, #tpu.memory_space<vmem>>, vector<16xf32>,
    %mul3A_3013 = arith.mulf %exp3A_2985, %div3A_3007 : vector<16xf32>
    %swap3A_3014 = arith.constant 1 : i32
    %swap3A_3015 = arith.index_cast %swap3A_3014 : i32 to index
    %swap3A_3016 = arith.constant 448 : index
    %swap3A_3017 = tpu.vector_load %arg5[%swap3A_3015, %swap3A_3016] {strides = array<i32>} : memref<8x512xf32, #tpu.memory_space<vmem>>, vector<16xf32>,
    tpu.vector_store %arg5[%swap3A_3015, %swap3A_3016], %mul3A_3013 {strides = array<i32>} : memref<8x512xf32, #tpu.memory_space<vmem>>, vector<16xf32>,
    %mul3A_3018 = arith.mulf %exp3A_2987, %div3A_3007 : vector<16xf32>
    %swap3A_3019 = arith.constant 2 : i32
    %swap3A_3020 = arith.index_cast %swap3A_3019 : i32 to index
    %swap3A_3021 = arith.constant 448 : index
    %swap3A_3022 = tpu.vector_load %arg5[%swap3A_3020, %swap3A_3021] {strides = array<i32>} : memref<8x512xf32, #tpu.memory_space<vmem>>, vector<16xf32>,
    tpu.vector_store %arg5[%swap3A_3020, %swap3A_3021], %mul3A_3018 {strides = array<i32>} : memref<8x512xf32, #tpu.memory_space<vmem>>, vector<16xf32>,
    %mul3A_3023 = arith.mulf %exp3A_2989, %div3A_3007 : vector<16xf32>
    %swap3A_3024 = arith.constant 3 : i32
    %swap3A_3025 = arith.index_cast %swap3A_3024 : i32 to index
    %swap3A_3026 = arith.constant 448 : index
    %swap3A_3027 = tpu.vector_load %arg5[%swap3A_3025, %swap3A_3026] {strides = array<i32>} : memref<8x512xf32, #tpu.memory_space<vmem>>, vector<16xf32>,
    tpu.vector_store %arg5[%swap3A_3025, %swap3A_3026], %mul3A_3023 {strides = array<i32>} : memref<8x512xf32, #tpu.memory_space<vmem>>, vector<16xf32>,
    %mul3A_3028 = arith.mulf %exp3A_2991, %div3A_3007 : vector<16xf32>
    %swap3A_3029 = arith.constant 4 : i32
    %swap3A_3030 = arith.index_cast %swap3A_3029 : i32 to index
    %swap3A_3031 = arith.constant 448 : index
    %swap3A_3032 = tpu.vector_load %arg5[%swap3A_3030, %swap3A_3031] {strides = array<i32>} : memref<8x512xf32, #tpu.memory_space<vmem>>, vector<16xf32>,
    tpu.vector_store %arg5[%swap3A_3030, %swap3A_3031], %mul3A_3028 {strides = array<i32>} : memref<8x512xf32, #tpu.memory_space<vmem>>, vector<16xf32>,
    %mul3A_3033 = arith.mulf %exp3A_2993, %div3A_3007 : vector<16xf32>
    %swap3A_3034 = arith.constant 5 : i32
    %swap3A_3035 = arith.index_cast %swap3A_3034 : i32 to index
    %swap3A_3036 = arith.constant 448 : index
    %swap3A_3037 = tpu.vector_load %arg5[%swap3A_3035, %swap3A_3036] {strides = array<i32>} : memref<8x512xf32, #tpu.memory_space<vmem>>, vector<16xf32>,
    tpu.vector_store %arg5[%swap3A_3035, %swap3A_3036], %mul3A_3033 {strides = array<i32>} : memref<8x512xf32, #tpu.memory_space<vmem>>, vector<16xf32>,
    %mul3A_3038 = arith.mulf %exp3A_2995, %div3A_3007 : vector<16xf32>
    %swap3A_3039 = arith.constant 6 : i32
    %swap3A_3040 = arith.index_cast %swap3A_3039 : i32 to index
    %swap3A_3041 = arith.constant 448 : index
    %swap3A_3042 = tpu.vector_load %arg5[%swap3A_3040, %swap3A_3041] {strides = array<i32>} : memref<8x512xf32, #tpu.memory_space<vmem>>, vector<16xf32>,
    tpu.vector_store %arg5[%swap3A_3040, %swap3A_3041], %mul3A_3038 {strides = array<i32>} : memref<8x512xf32, #tpu.memory_space<vmem>>, vector<16xf32>,
    %mul3A_3043 = arith.mulf %exp3A_2997, %div3A_3007 : vector<16xf32>
    %swap3A_3044 = arith.constant 7 : i32
    %swap3A_3045 = arith.index_cast %swap3A_3044 : i32 to index
    %swap3A_3046 = arith.constant 448 : index
    %swap3A_3047 = tpu.vector_load %arg5[%swap3A_3045, %swap3A_3046] {strides = array<i32>} : memref<8x512xf32, #tpu.memory_space<vmem>>, vector<16xf32>,
    tpu.vector_store %arg5[%swap3A_3045, %swap3A_3046], %mul3A_3043 {strides = array<i32>} : memref<8x512xf32, #tpu.memory_space<vmem>>, vector<16xf32>,
    %get3A_3048 = arith.constant 0 : i32
    %get3A_3049 = arith.index_cast %get3A_3048 : i32 to index
    %get3A_3050 = arith.constant 464 : index
    %get3A_3051 = tpu.vector_load %arg4[%get3A_3049, %get3A_3050] {strides = array<i32>} : memref<8x512xf32, #tpu.memory_space<vmem>>, vector<16xf32>,
    %get3A_3052 = arith.constant 1 : i32
    %get3A_3053 = arith.index_cast %get3A_3052 : i32 to index
    %get3A_3054 = arith.constant 464 : index
    %get3A_3055 = tpu.vector_load %arg4[%get3A_3053, %get3A_3054] {strides = array<i32>} : memref<8x512xf32, #tpu.memory_space<vmem>>, vector<16xf32>,
    %get3A_3056 = arith.constant 2 : i32
    %get3A_3057 = arith.index_cast %get3A_3056 : i32 to index
    %get3A_3058 = arith.constant 464 : index
    %get3A_3059 = tpu.vector_load %arg4[%get3A_3057, %get3A_3058] {strides = array<i32>} : memref<8x512xf32, #tpu.memory_space<vmem>>, vector<16xf32>,
    %get3A_3060 = arith.constant 3 : i32
    %get3A_3061 = arith.index_cast %get3A_3060 : i32 to index
    %get3A_3062 = arith.constant 464 : index
    %get3A_3063 = tpu.vector_load %arg4[%get3A_3061, %get3A_3062] {strides = array<i32>} : memref<8x512xf32, #tpu.memory_space<vmem>>, vector<16xf32>,
    %get3A_3064 = arith.constant 4 : i32
    %get3A_3065 = arith.index_cast %get3A_3064 : i32 to index
    %get3A_3066 = arith.constant 464 : index
    %get3A_3067 = tpu.vector_load %arg4[%get3A_3065, %get3A_3066] {strides = array<i32>} : memref<8x512xf32, #tpu.memory_space<vmem>>, vector<16xf32>,
    %get3A_3068 = arith.constant 5 : i32
    %get3A_3069 = arith.index_cast %get3A_3068 : i32 to index
    %get3A_3070 = arith.constant 464 : index
    %get3A_3071 = tpu.vector_load %arg4[%get3A_3069, %get3A_3070] {strides = array<i32>} : memref<8x512xf32, #tpu.memory_space<vmem>>, vector<16xf32>,
    %get3A_3072 = arith.constant 6 : i32
    %get3A_3073 = arith.index_cast %get3A_3072 : i32 to index
    %get3A_3074 = arith.constant 464 : index
    %get3A_3075 = tpu.vector_load %arg4[%get3A_3073, %get3A_3074] {strides = array<i32>} : memref<8x512xf32, #tpu.memory_space<vmem>>, vector<16xf32>,
    %get3A_3076 = arith.constant 7 : i32
    %get3A_3077 = arith.index_cast %get3A_3076 : i32 to index
    %get3A_3078 = arith.constant 464 : index
    %get3A_3079 = tpu.vector_load %arg4[%get3A_3077, %get3A_3078] {strides = array<i32>} : memref<8x512xf32, #tpu.memory_space<vmem>>, vector<16xf32>,
    %max3A_3080 = arith.maximumf %get3A_3051, %get3A_3055 : vector<16xf32>
    %max3A_3081 = arith.maximumf %max3A_3080, %get3A_3059 : vector<16xf32>
    %max3A_3082 = arith.maximumf %max3A_3081, %get3A_3063 : vector<16xf32>
    %max3A_3083 = arith.maximumf %max3A_3082, %get3A_3067 : vector<16xf32>
    %max3A_3084 = arith.maximumf %max3A_3083, %get3A_3071 : vector<16xf32>
    %max3A_3085 = arith.maximumf %max3A_3084, %get3A_3075 : vector<16xf32>
    %max3A_3086 = arith.maximumf %max3A_3085, %get3A_3079 : vector<16xf32>
    %sub3A_3087 = arith.subf %get3A_3051, %max3A_3086 : vector<16xf32>
    %exp3A_3088 = math.exp %sub3A_3087 : vector<16xf32>
    %sub3A_3089 = arith.subf %get3A_3055, %max3A_3086 : vector<16xf32>
    %exp3A_3090 = math.exp %sub3A_3089 : vector<16xf32>
    %sub3A_3091 = arith.subf %get3A_3059, %max3A_3086 : vector<16xf32>
    %exp3A_3092 = math.exp %sub3A_3091 : vector<16xf32>
    %sub3A_3093 = arith.subf %get3A_3063, %max3A_3086 : vector<16xf32>
    %exp3A_3094 = math.exp %sub3A_3093 : vector<16xf32>
    %sub3A_3095 = arith.subf %get3A_3067, %max3A_3086 : vector<16xf32>
    %exp3A_3096 = math.exp %sub3A_3095 : vector<16xf32>
    %sub3A_3097 = arith.subf %get3A_3071, %max3A_3086 : vector<16xf32>
    %exp3A_3098 = math.exp %sub3A_3097 : vector<16xf32>
    %sub3A_3099 = arith.subf %get3A_3075, %max3A_3086 : vector<16xf32>
    %exp3A_3100 = math.exp %sub3A_3099 : vector<16xf32>
    %sub3A_3101 = arith.subf %get3A_3079, %max3A_3086 : vector<16xf32>
    %exp3A_3102 = math.exp %sub3A_3101 : vector<16xf32>
    %add3A_3103 = arith.addf %exp3A_3088, %exp3A_3090 : vector<16xf32>
    %add3A_3104 = arith.addf %add3A_3103, %exp3A_3092 : vector<16xf32>
    %add3A_3105 = arith.addf %add3A_3104, %exp3A_3094 : vector<16xf32>
    %add3A_3106 = arith.addf %add3A_3105, %exp3A_3096 : vector<16xf32>
    %add3A_3107 = arith.addf %add3A_3106, %exp3A_3098 : vector<16xf32>
    %add3A_3108 = arith.addf %add3A_3107, %exp3A_3100 : vector<16xf32>
    %add3A_3109 = arith.addf %add3A_3108, %exp3A_3102 : vector<16xf32>
    %div3A_3110 = arith.constant 1.000000e+00 : f32
    %div3A_3111 = vector.broadcast %div3A_3110 : f32 to vector<16xf32>
    %div3A_3112 = arith.divf %div3A_3111, %add3A_3109 : vector<16xf32>
    %mul3A_3113 = arith.mulf %exp3A_3088, %div3A_3112 : vector<16xf32>
    %swap3A_3114 = arith.constant 0 : i32
    %swap3A_3115 = arith.index_cast %swap3A_3114 : i32 to index
    %swap3A_3116 = arith.constant 464 : index
    %swap3A_3117 = tpu.vector_load %arg5[%swap3A_3115, %swap3A_3116] {strides = array<i32>} : memref<8x512xf32, #tpu.memory_space<vmem>>, vector<16xf32>,
    tpu.vector_store %arg5[%swap3A_3115, %swap3A_3116], %mul3A_3113 {strides = array<i32>} : memref<8x512xf32, #tpu.memory_space<vmem>>, vector<16xf32>,
    %mul3A_3118 = arith.mulf %exp3A_3090, %div3A_3112 : vector<16xf32>
    %swap3A_3119 = arith.constant 1 : i32
    %swap3A_3120 = arith.index_cast %swap3A_3119 : i32 to index
    %swap3A_3121 = arith.constant 464 : index
    %swap3A_3122 = tpu.vector_load %arg5[%swap3A_3120, %swap3A_3121] {strides = array<i32>} : memref<8x512xf32, #tpu.memory_space<vmem>>, vector<16xf32>,
    tpu.vector_store %arg5[%swap3A_3120, %swap3A_3121], %mul3A_3118 {strides = array<i32>} : memref<8x512xf32, #tpu.memory_space<vmem>>, vector<16xf32>,
    %mul3A_3123 = arith.mulf %exp3A_3092, %div3A_3112 : vector<16xf32>
    %swap3A_3124 = arith.constant 2 : i32
    %swap3A_3125 = arith.index_cast %swap3A_3124 : i32 to index
    %swap3A_3126 = arith.constant 464 : index
    %swap3A_3127 = tpu.vector_load %arg5[%swap3A_3125, %swap3A_3126] {strides = array<i32>} : memref<8x512xf32, #tpu.memory_space<vmem>>, vector<16xf32>,
    tpu.vector_store %arg5[%swap3A_3125, %swap3A_3126], %mul3A_3123 {strides = array<i32>} : memref<8x512xf32, #tpu.memory_space<vmem>>, vector<16xf32>,
    %mul3A_3128 = arith.mulf %exp3A_3094, %div3A_3112 : vector<16xf32>
    %swap3A_3129 = arith.constant 3 : i32
    %swap3A_3130 = arith.index_cast %swap3A_3129 : i32 to index
    %swap3A_3131 = arith.constant 464 : index
    %swap3A_3132 = tpu.vector_load %arg5[%swap3A_3130, %swap3A_3131] {strides = array<i32>} : memref<8x512xf32, #tpu.memory_space<vmem>>, vector<16xf32>,
    tpu.vector_store %arg5[%swap3A_3130, %swap3A_3131], %mul3A_3128 {strides = array<i32>} : memref<8x512xf32, #tpu.memory_space<vmem>>, vector<16xf32>,
    %mul3A_3133 = arith.mulf %exp3A_3096, %div3A_3112 : vector<16xf32>
    %swap3A_3134 = arith.constant 4 : i32
    %swap3A_3135 = arith.index_cast %swap3A_3134 : i32 to index
    %swap3A_3136 = arith.constant 464 : index
    %swap3A_3137 = tpu.vector_load %arg5[%swap3A_3135, %swap3A_3136] {strides = array<i32>} : memref<8x512xf32, #tpu.memory_space<vmem>>, vector<16xf32>,
    tpu.vector_store %arg5[%swap3A_3135, %swap3A_3136], %mul3A_3133 {strides = array<i32>} : memref<8x512xf32, #tpu.memory_space<vmem>>, vector<16xf32>,
    %mul3A_3138 = arith.mulf %exp3A_3098, %div3A_3112 : vector<16xf32>
    %swap3A_3139 = arith.constant 5 : i32
    %swap3A_3140 = arith.index_cast %swap3A_3139 : i32 to index
    %swap3A_3141 = arith.constant 464 : index
    %swap3A_3142 = tpu.vector_load %arg5[%swap3A_3140, %swap3A_3141] {strides = array<i32>} : memref<8x512xf32, #tpu.memory_space<vmem>>, vector<16xf32>,
    tpu.vector_store %arg5[%swap3A_3140, %swap3A_3141], %mul3A_3138 {strides = array<i32>} : memref<8x512xf32, #tpu.memory_space<vmem>>, vector<16xf32>,
    %mul3A_3143 = arith.mulf %exp3A_3100, %div3A_3112 : vector<16xf32>
    %swap3A_3144 = arith.constant 6 : i32
    %swap3A_3145 = arith.index_cast %swap3A_3144 : i32 to index
    %swap3A_3146 = arith.constant 464 : index
    %swap3A_3147 = tpu.vector_load %arg5[%swap3A_3145, %swap3A_3146] {strides = array<i32>} : memref<8x512xf32, #tpu.memory_space<vmem>>, vector<16xf32>,
    tpu.vector_store %arg5[%swap3A_3145, %swap3A_3146], %mul3A_3143 {strides = array<i32>} : memref<8x512xf32, #tpu.memory_space<vmem>>, vector<16xf32>,
    %mul3A_3148 = arith.mulf %exp3A_3102, %div3A_3112 : vector<16xf32>
    %swap3A_3149 = arith.constant 7 : i32
    %swap3A_3150 = arith.index_cast %swap3A_3149 : i32 to index
    %swap3A_3151 = arith.constant 464 : index
    %swap3A_3152 = tpu.vector_load %arg5[%swap3A_3150, %swap3A_3151] {strides = array<i32>} : memref<8x512xf32, #tpu.memory_space<vmem>>, vector<16xf32>,
    tpu.vector_store %arg5[%swap3A_3150, %swap3A_3151], %mul3A_3148 {strides = array<i32>} : memref<8x512xf32, #tpu.memory_space<vmem>>, vector<16xf32>,
    %get3A_3153 = arith.constant 0 : i32
    %get3A_3154 = arith.index_cast %get3A_3153 : i32 to index
    %get3A_3155 = arith.constant 480 : index
    %get3A_3156 = tpu.vector_load %arg4[%get3A_3154, %get3A_3155] {strides = array<i32>} : memref<8x512xf32, #tpu.memory_space<vmem>>, vector<16xf32>,
    %get3A_3157 = arith.constant 1 : i32
    %get3A_3158 = arith.index_cast %get3A_3157 : i32 to index
    %get3A_3159 = arith.constant 480 : index
    %get3A_3160 = tpu.vector_load %arg4[%get3A_3158, %get3A_3159] {strides = array<i32>} : memref<8x512xf32, #tpu.memory_space<vmem>>, vector<16xf32>,
    %get3A_3161 = arith.constant 2 : i32
    %get3A_3162 = arith.index_cast %get3A_3161 : i32 to index
    %get3A_3163 = arith.constant 480 : index
    %get3A_3164 = tpu.vector_load %arg4[%get3A_3162, %get3A_3163] {strides = array<i32>} : memref<8x512xf32, #tpu.memory_space<vmem>>, vector<16xf32>,
    %get3A_3165 = arith.constant 3 : i32
    %get3A_3166 = arith.index_cast %get3A_3165 : i32 to index
    %get3A_3167 = arith.constant 480 : index
    %get3A_3168 = tpu.vector_load %arg4[%get3A_3166, %get3A_3167] {strides = array<i32>} : memref<8x512xf32, #tpu.memory_space<vmem>>, vector<16xf32>,
    %get3A_3169 = arith.constant 4 : i32
    %get3A_3170 = arith.index_cast %get3A_3169 : i32 to index
    %get3A_3171 = arith.constant 480 : index
    %get3A_3172 = tpu.vector_load %arg4[%get3A_3170, %get3A_3171] {strides = array<i32>} : memref<8x512xf32, #tpu.memory_space<vmem>>, vector<16xf32>,
    %get3A_3173 = arith.constant 5 : i32
    %get3A_3174 = arith.index_cast %get3A_3173 : i32 to index
    %get3A_3175 = arith.constant 480 : index
    %get3A_3176 = tpu.vector_load %arg4[%get3A_3174, %get3A_3175] {strides = array<i32>} : memref<8x512xf32, #tpu.memory_space<vmem>>, vector<16xf32>,
    %get3A_3177 = arith.constant 6 : i32
    %get3A_3178 = arith.index_cast %get3A_3177 : i32 to index
    %get3A_3179 = arith.constant 480 : index
    %get3A_3180 = tpu.vector_load %arg4[%get3A_3178, %get3A_3179] {strides = array<i32>} : memref<8x512xf32, #tpu.memory_space<vmem>>, vector<16xf32>,
    %get3A_3181 = arith.constant 7 : i32
    %get3A_3182 = arith.index_cast %get3A_3181 : i32 to index
    %get3A_3183 = arith.constant 480 : index
    %get3A_3184 = tpu.vector_load %arg4[%get3A_3182, %get3A_3183] {strides = array<i32>} : memref<8x512xf32, #tpu.memory_space<vmem>>, vector<16xf32>,
    %max3A_3185 = arith.maximumf %get3A_3156, %get3A_3160 : vector<16xf32>
    %max3A_3186 = arith.maximumf %max3A_3185, %get3A_3164 : vector<16xf32>
    %max3A_3187 = arith.maximumf %max3A_3186, %get3A_3168 : vector<16xf32>
    %max3A_3188 = arith.maximumf %max3A_3187, %get3A_3172 : vector<16xf32>
    %max3A_3189 = arith.maximumf %max3A_3188, %get3A_3176 : vector<16xf32>
    %max3A_3190 = arith.maximumf %max3A_3189, %get3A_3180 : vector<16xf32>
    %max3A_3191 = arith.maximumf %max3A_3190, %get3A_3184 : vector<16xf32>
    %sub3A_3192 = arith.subf %get3A_3156, %max3A_3191 : vector<16xf32>
    %exp3A_3193 = math.exp %sub3A_3192 : vector<16xf32>
    %sub3A_3194 = arith.subf %get3A_3160, %max3A_3191 : vector<16xf32>
    %exp3A_3195 = math.exp %sub3A_3194 : vector<16xf32>
    %sub3A_3196 = arith.subf %get3A_3164, %max3A_3191 : vector<16xf32>
    %exp3A_3197 = math.exp %sub3A_3196 : vector<16xf32>
    %sub3A_3198 = arith.subf %get3A_3168, %max3A_3191 : vector<16xf32>
    %exp3A_3199 = math.exp %sub3A_3198 : vector<16xf32>
    %sub3A_3200 = arith.subf %get3A_3172, %max3A_3191 : vector<16xf32>
    %exp3A_3201 = math.exp %sub3A_3200 : vector<16xf32>
    %sub3A_3202 = arith.subf %get3A_3176, %max3A_3191 : vector<16xf32>
    %exp3A_3203 = math.exp %sub3A_3202 : vector<16xf32>
    %sub3A_3204 = arith.subf %get3A_3180, %max3A_3191 : vector<16xf32>
    %exp3A_3205 = math.exp %sub3A_3204 : vector<16xf32>
    %sub3A_3206 = arith.subf %get3A_3184, %max3A_3191 : vector<16xf32>
    %exp3A_3207 = math.exp %sub3A_3206 : vector<16xf32>
    %add3A_3208 = arith.addf %exp3A_3193, %exp3A_3195 : vector<16xf32>
    %add3A_3209 = arith.addf %add3A_3208, %exp3A_3197 : vector<16xf32>
    %add3A_3210 = arith.addf %add3A_3209, %exp3A_3199 : vector<16xf32>
    %add3A_3211 = arith.addf %add3A_3210, %exp3A_3201 : vector<16xf32>
    %add3A_3212 = arith.addf %add3A_3211, %exp3A_3203 : vector<16xf32>
    %add3A_3213 = arith.addf %add3A_3212, %exp3A_3205 : vector<16xf32>
    %add3A_3214 = arith.addf %add3A_3213, %exp3A_3207 : vector<16xf32>
    %div3A_3215 = arith.constant 1.000000e+00 : f32
    %div3A_3216 = vector.broadcast %div3A_3215 : f32 to vector<16xf32>
    %div3A_3217 = arith.divf %div3A_3216, %add3A_3214 : vector<16xf32>
    %mul3A_3218 = arith.mulf %exp3A_3193, %div3A_3217 : vector<16xf32>
    %swap3A_3219 = arith.constant 0 : i32
    %swap3A_3220 = arith.index_cast %swap3A_3219 : i32 to index
    %swap3A_3221 = arith.constant 480 : index
    %swap3A_3222 = tpu.vector_load %arg5[%swap3A_3220, %swap3A_3221] {strides = array<i32>} : memref<8x512xf32, #tpu.memory_space<vmem>>, vector<16xf32>,
    tpu.vector_store %arg5[%swap3A_3220, %swap3A_3221], %mul3A_3218 {strides = array<i32>} : memref<8x512xf32, #tpu.memory_space<vmem>>, vector<16xf32>,
    %mul3A_3223 = arith.mulf %exp3A_3195, %div3A_3217 : vector<16xf32>
    %swap3A_3224 = arith.constant 1 : i32
    %swap3A_3225 = arith.index_cast %swap3A_3224 : i32 to index
    %swap3A_3226 = arith.constant 480 : index
    %swap3A_3227 = tpu.vector_load %arg5[%swap3A_3225, %swap3A_3226] {strides = array<i32>} : memref<8x512xf32, #tpu.memory_space<vmem>>, vector<16xf32>,
    tpu.vector_store %arg5[%swap3A_3225, %swap3A_3226], %mul3A_3223 {strides = array<i32>} : memref<8x512xf32, #tpu.memory_space<vmem>>, vector<16xf32>,
    %mul3A_3228 = arith.mulf %exp3A_3197, %div3A_3217 : vector<16xf32>
    %swap3A_3229 = arith.constant 2 : i32
    %swap3A_3230 = arith.index_cast %swap3A_3229 : i32 to index
    %swap3A_3231 = arith.constant 480 : index
    %swap3A_3232 = tpu.vector_load %arg5[%swap3A_3230, %swap3A_3231] {strides = array<i32>} : memref<8x512xf32, #tpu.memory_space<vmem>>, vector<16xf32>,
    tpu.vector_store %arg5[%swap3A_3230, %swap3A_3231], %mul3A_3228 {strides = array<i32>} : memref<8x512xf32, #tpu.memory_space<vmem>>, vector<16xf32>,
    %mul3A_3233 = arith.mulf %exp3A_3199, %div3A_3217 : vector<16xf32>
    %swap3A_3234 = arith.constant 3 : i32
    %swap3A_3235 = arith.index_cast %swap3A_3234 : i32 to index
    %swap3A_3236 = arith.constant 480 : index
    %swap3A_3237 = tpu.vector_load %arg5[%swap3A_3235, %swap3A_3236] {strides = array<i32>} : memref<8x512xf32, #tpu.memory_space<vmem>>, vector<16xf32>,
    tpu.vector_store %arg5[%swap3A_3235, %swap3A_3236], %mul3A_3233 {strides = array<i32>} : memref<8x512xf32, #tpu.memory_space<vmem>>, vector<16xf32>,
    %mul3A_3238 = arith.mulf %exp3A_3201, %div3A_3217 : vector<16xf32>
    %swap3A_3239 = arith.constant 4 : i32
    %swap3A_3240 = arith.index_cast %swap3A_3239 : i32 to index
    %swap3A_3241 = arith.constant 480 : index
    %swap3A_3242 = tpu.vector_load %arg5[%swap3A_3240, %swap3A_3241] {strides = array<i32>} : memref<8x512xf32, #tpu.memory_space<vmem>>, vector<16xf32>,
    tpu.vector_store %arg5[%swap3A_3240, %swap3A_3241], %mul3A_3238 {strides = array<i32>} : memref<8x512xf32, #tpu.memory_space<vmem>>, vector<16xf32>,
    %mul3A_3243 = arith.mulf %exp3A_3203, %div3A_3217 : vector<16xf32>
    %swap3A_3244 = arith.constant 5 : i32
    %swap3A_3245 = arith.index_cast %swap3A_3244 : i32 to index
    %swap3A_3246 = arith.constant 480 : index
    %swap3A_3247 = tpu.vector_load %arg5[%swap3A_3245, %swap3A_3246] {strides = array<i32>} : memref<8x512xf32, #tpu.memory_space<vmem>>, vector<16xf32>,
    tpu.vector_store %arg5[%swap3A_3245, %swap3A_3246], %mul3A_3243 {strides = array<i32>} : memref<8x512xf32, #tpu.memory_space<vmem>>, vector<16xf32>,
    %mul3A_3248 = arith.mulf %exp3A_3205, %div3A_3217 : vector<16xf32>
    %swap3A_3249 = arith.constant 6 : i32
    %swap3A_3250 = arith.index_cast %swap3A_3249 : i32 to index
    %swap3A_3251 = arith.constant 480 : index
    %swap3A_3252 = tpu.vector_load %arg5[%swap3A_3250, %swap3A_3251] {strides = array<i32>} : memref<8x512xf32, #tpu.memory_space<vmem>>, vector<16xf32>,
    tpu.vector_store %arg5[%swap3A_3250, %swap3A_3251], %mul3A_3248 {strides = array<i32>} : memref<8x512xf32, #tpu.memory_space<vmem>>, vector<16xf32>,
    %mul3A_3253 = arith.mulf %exp3A_3207, %div3A_3217 : vector<16xf32>
    %swap3A_3254 = arith.constant 7 : i32
    %swap3A_3255 = arith.index_cast %swap3A_3254 : i32 to index
    %swap3A_3256 = arith.constant 480 : index
    %swap3A_3257 = tpu.vector_load %arg5[%swap3A_3255, %swap3A_3256] {strides = array<i32>} : memref<8x512xf32, #tpu.memory_space<vmem>>, vector<16xf32>,
    tpu.vector_store %arg5[%swap3A_3255, %swap3A_3256], %mul3A_3253 {strides = array<i32>} : memref<8x512xf32, #tpu.memory_space<vmem>>, vector<16xf32>,
    %get3A_3258 = arith.constant 0 : i32
    %get3A_3259 = arith.index_cast %get3A_3258 : i32 to index
    %get3A_3260 = arith.constant 496 : index
    %get3A_3261 = tpu.vector_load %arg4[%get3A_3259, %get3A_3260] {strides = array<i32>} : memref<8x512xf32, #tpu.memory_space<vmem>>, vector<16xf32>,
    %get3A_3262 = arith.constant 1 : i32
    %get3A_3263 = arith.index_cast %get3A_3262 : i32 to index
    %get3A_3264 = arith.constant 496 : index
    %get3A_3265 = tpu.vector_load %arg4[%get3A_3263, %get3A_3264] {strides = array<i32>} : memref<8x512xf32, #tpu.memory_space<vmem>>, vector<16xf32>,
    %get3A_3266 = arith.constant 2 : i32
    %get3A_3267 = arith.index_cast %get3A_3266 : i32 to index
    %get3A_3268 = arith.constant 496 : index
    %get3A_3269 = tpu.vector_load %arg4[%get3A_3267, %get3A_3268] {strides = array<i32>} : memref<8x512xf32, #tpu.memory_space<vmem>>, vector<16xf32>,
    %get3A_3270 = arith.constant 3 : i32
    %get3A_3271 = arith.index_cast %get3A_3270 : i32 to index
    %get3A_3272 = arith.constant 496 : index
    %get3A_3273 = tpu.vector_load %arg4[%get3A_3271, %get3A_3272] {strides = array<i32>} : memref<8x512xf32, #tpu.memory_space<vmem>>, vector<16xf32>,
    %get3A_3274 = arith.constant 4 : i32
    %get3A_3275 = arith.index_cast %get3A_3274 : i32 to index
    %get3A_3276 = arith.constant 496 : index
    %get3A_3277 = tpu.vector_load %arg4[%get3A_3275, %get3A_3276] {strides = array<i32>} : memref<8x512xf32, #tpu.memory_space<vmem>>, vector<16xf32>,
    %get3A_3278 = arith.constant 5 : i32
    %get3A_3279 = arith.index_cast %get3A_3278 : i32 to index
    %get3A_3280 = arith.constant 496 : index
    %get3A_3281 = tpu.vector_load %arg4[%get3A_3279, %get3A_3280] {strides = array<i32>} : memref<8x512xf32, #tpu.memory_space<vmem>>, vector<16xf32>,
    %get3A_3282 = arith.constant 6 : i32
    %get3A_3283 = arith.index_cast %get3A_3282 : i32 to index
    %get3A_3284 = arith.constant 496 : index
    %get3A_3285 = tpu.vector_load %arg4[%get3A_3283, %get3A_3284] {strides = array<i32>} : memref<8x512xf32, #tpu.memory_space<vmem>>, vector<16xf32>,
    %get3A_3286 = arith.constant 7 : i32
    %get3A_3287 = arith.index_cast %get3A_3286 : i32 to index
    %get3A_3288 = arith.constant 496 : index
    %get3A_3289 = tpu.vector_load %arg4[%get3A_3287, %get3A_3288] {strides = array<i32>} : memref<8x512xf32, #tpu.memory_space<vmem>>, vector<16xf32>,
    %max3A_3290 = arith.maximumf %get3A_3261, %get3A_3265 : vector<16xf32>
    %max3A_3291 = arith.maximumf %max3A_3290, %get3A_3269 : vector<16xf32>
    %max3A_3292 = arith.maximumf %max3A_3291, %get3A_3273 : vector<16xf32>
    %max3A_3293 = arith.maximumf %max3A_3292, %get3A_3277 : vector<16xf32>
    %max3A_3294 = arith.maximumf %max3A_3293, %get3A_3281 : vector<16xf32>
    %max3A_3295 = arith.maximumf %max3A_3294, %get3A_3285 : vector<16xf32>
    %max3A_3296 = arith.maximumf %max3A_3295, %get3A_3289 : vector<16xf32>
    %sub3A_3297 = arith.subf %get3A_3261, %max3A_3296 : vector<16xf32>
    %exp3A_3298 = math.exp %sub3A_3297 : vector<16xf32>
    %sub3A_3299 = arith.subf %get3A_3265, %max3A_3296 : vector<16xf32>
    %exp3A_3300 = math.exp %sub3A_3299 : vector<16xf32>
    %sub3A_3301 = arith.subf %get3A_3269, %max3A_3296 : vector<16xf32>
    %exp3A_3302 = math.exp %sub3A_3301 : vector<16xf32>
    %sub3A_3303 = arith.subf %get3A_3273, %max3A_3296 : vector<16xf32>
    %exp3A_3304 = math.exp %sub3A_3303 : vector<16xf32>
    %sub3A_3305 = arith.subf %get3A_3277, %max3A_3296 : vector<16xf32>
    %exp3A_3306 = math.exp %sub3A_3305 : vector<16xf32>
    %sub3A_3307 = arith.subf %get3A_3281, %max3A_3296 : vector<16xf32>
    %exp3A_3308 = math.exp %sub3A_3307 : vector<16xf32>
    %sub3A_3309 = arith.subf %get3A_3285, %max3A_3296 : vector<16xf32>
    %exp3A_3310 = math.exp %sub3A_3309 : vector<16xf32>
    %sub3A_3311 = arith.subf %get3A_3289, %max3A_3296 : vector<16xf32>
    %exp3A_3312 = math.exp %sub3A_3311 : vector<16xf32>
    %add3A_3313 = arith.addf %exp3A_3298, %exp3A_3300 : vector<16xf32>
    %add3A_3314 = arith.addf %add3A_3313, %exp3A_3302 : vector<16xf32>
    %add3A_3315 = arith.addf %add3A_3314, %exp3A_3304 : vector<16xf32>
    %add3A_3316 = arith.addf %add3A_3315, %exp3A_3306 : vector<16xf32>
    %add3A_3317 = arith.addf %add3A_3316, %exp3A_3308 : vector<16xf32>
    %add3A_3318 = arith.addf %add3A_3317, %exp3A_3310 : vector<16xf32>
    %add3A_3319 = arith.addf %add3A_3318, %exp3A_3312 : vector<16xf32>
    %div3A_3320 = arith.constant 1.000000e+00 : f32
    %div3A_3321 = vector.broadcast %div3A_3320 : f32 to vector<16xf32>
    %div3A_3322 = arith.divf %div3A_3321, %add3A_3319 : vector<16xf32>
    %mul3A_3323 = arith.mulf %exp3A_3298, %div3A_3322 : vector<16xf32>
    %swap3A_3324 = arith.constant 0 : i32
    %swap3A_3325 = arith.index_cast %swap3A_3324 : i32 to index
    %swap3A_3326 = arith.constant 496 : index
    %swap3A_3327 = tpu.vector_load %arg5[%swap3A_3325, %swap3A_3326] {strides = array<i32>} : memref<8x512xf32, #tpu.memory_space<vmem>>, vector<16xf32>,
    tpu.vector_store %arg5[%swap3A_3325, %swap3A_3326], %mul3A_3323 {strides = array<i32>} : memref<8x512xf32, #tpu.memory_space<vmem>>, vector<16xf32>,
    %mul3A_3328 = arith.mulf %exp3A_3300, %div3A_3322 : vector<16xf32>
    %swap3A_3329 = arith.constant 1 : i32
    %swap3A_3330 = arith.index_cast %swap3A_3329 : i32 to index
    %swap3A_3331 = arith.constant 496 : index
    %swap3A_3332 = tpu.vector_load %arg5[%swap3A_3330, %swap3A_3331] {strides = array<i32>} : memref<8x512xf32, #tpu.memory_space<vmem>>, vector<16xf32>,
    tpu.vector_store %arg5[%swap3A_3330, %swap3A_3331], %mul3A_3328 {strides = array<i32>} : memref<8x512xf32, #tpu.memory_space<vmem>>, vector<16xf32>,
    %mul3A_3333 = arith.mulf %exp3A_3302, %div3A_3322 : vector<16xf32>
    %swap3A_3334 = arith.constant 2 : i32
    %swap3A_3335 = arith.index_cast %swap3A_3334 : i32 to index
    %swap3A_3336 = arith.constant 496 : index
    %swap3A_3337 = tpu.vector_load %arg5[%swap3A_3335, %swap3A_3336] {strides = array<i32>} : memref<8x512xf32, #tpu.memory_space<vmem>>, vector<16xf32>,
    tpu.vector_store %arg5[%swap3A_3335, %swap3A_3336], %mul3A_3333 {strides = array<i32>} : memref<8x512xf32, #tpu.memory_space<vmem>>, vector<16xf32>,
    %mul3A_3338 = arith.mulf %exp3A_3304, %div3A_3322 : vector<16xf32>
    %swap3A_3339 = arith.constant 3 : i32
    %swap3A_3340 = arith.index_cast %swap3A_3339 : i32 to index
    %swap3A_3341 = arith.constant 496 : index
    %swap3A_3342 = tpu.vector_load %arg5[%swap3A_3340, %swap3A_3341] {strides = array<i32>} : memref<8x512xf32, #tpu.memory_space<vmem>>, vector<16xf32>,
    tpu.vector_store %arg5[%swap3A_3340, %swap3A_3341], %mul3A_3338 {strides = array<i32>} : memref<8x512xf32, #tpu.memory_space<vmem>>, vector<16xf32>,
    %mul3A_3343 = arith.mulf %exp3A_3306, %div3A_3322 : vector<16xf32>
    %swap3A_3344 = arith.constant 4 : i32
    %swap3A_3345 = arith.index_cast %swap3A_3344 : i32 to index
    %swap3A_3346 = arith.constant 496 : index
    %swap3A_3347 = tpu.vector_load %arg5[%swap3A_3345, %swap3A_3346] {strides = array<i32>} : memref<8x512xf32, #tpu.memory_space<vmem>>, vector<16xf32>,
    tpu.vector_store %arg5[%swap3A_3345, %swap3A_3346], %mul3A_3343 {strides = array<i32>} : memref<8x512xf32, #tpu.memory_space<vmem>>, vector<16xf32>,
    %mul3A_3348 = arith.mulf %exp3A_3308, %div3A_3322 : vector<16xf32>
    %swap3A_3349 = arith.constant 5 : i32
    %swap3A_3350 = arith.index_cast %swap3A_3349 : i32 to index
    %swap3A_3351 = arith.constant 496 : index
    %swap3A_3352 = tpu.vector_load %arg5[%swap3A_3350, %swap3A_3351] {strides = array<i32>} : memref<8x512xf32, #tpu.memory_space<vmem>>, vector<16xf32>,
    tpu.vector_store %arg5[%swap3A_3350, %swap3A_3351], %mul3A_3348 {strides = array<i32>} : memref<8x512xf32, #tpu.memory_space<vmem>>, vector<16xf32>,
    %mul3A_3353 = arith.mulf %exp3A_3310, %div3A_3322 : vector<16xf32>
    %swap3A_3354 = arith.constant 6 : i32
    %swap3A_3355 = arith.index_cast %swap3A_3354 : i32 to index
    %swap3A_3356 = arith.constant 496 : index
    %swap3A_3357 = tpu.vector_load %arg5[%swap3A_3355, %swap3A_3356] {strides = array<i32>} : memref<8x512xf32, #tpu.memory_space<vmem>>, vector<16xf32>,
    tpu.vector_store %arg5[%swap3A_3355, %swap3A_3356], %mul3A_3353 {strides = array<i32>} : memref<8x512xf32, #tpu.memory_space<vmem>>, vector<16xf32>,
    %mul3A_3358 = arith.mulf %exp3A_3312, %div3A_3322 : vector<16xf32>
    %swap3A_3359 = arith.constant 7 : i32
    %swap3A_3360 = arith.index_cast %swap3A_3359 : i32 to index
    %swap3A_3361 = arith.constant 496 : index
    %swap3A_3362 = tpu.vector_load %arg5[%swap3A_3360, %swap3A_3361] {strides = array<i32>} : memref<8x512xf32, #tpu.memory_space<vmem>>, vector<16xf32>,
    tpu.vector_store %arg5[%swap3A_3360, %swap3A_3361], %mul3A_3358 {strides = array<i32>} : memref<8x512xf32, #tpu.memory_space<vmem>>, vector<16xf32>,
    %dma_start3A_3363 = arith.constant 0 : i32
    %dma_start3A_3364 = tpu.memref_slice %arg3[%dma_start3A_3363, %mul3A_2] : memref<8x16384xf32, #tpu.memory_space<hbm>> -> memref<8x512xf32, #tpu.memory_space<hbm>>
    %dma_start3A_3365 = arith.constant 0 : i32
    %dma_start3A_3366 = tpu.memref_slice %arg3[%dma_start3A_3365, %mul3A_2] : memref<8x16384xf32, #tpu.memory_space<hbm>> -> memref<8x512xf32, #tpu.memory_space<hbm>>
    tpu.enqueue_dma source(%arg5 : memref<8x512xf32, #tpu.memory_space<vmem>>) target(%dma_start3A_3366 : memref<8x512xf32, #tpu.memory_space<hbm>>) target_semaphore(%arg7 : memref<!tpu.dma_semaphore, #tpu.memory_space<semaphore_mem>>)
    %dma_wait3A_3367 = arith.constant 0 : i32
    %dma_wait3A_3368 = tpu.memref_slice %arg3[%dma_wait3A_3367, %mul3A_2] : memref<8x16384xf32, #tpu.memory_space<hbm>> -> memref<8x512xf32, #tpu.memory_space<hbm>>
    %dma_wait3A_3369 = arith.constant 0 : i32
    %dma_wait3A_3370 = tpu.memref_slice %arg3[%dma_wait3A_3369, %mul3A_2] : memref<8x16384xf32, #tpu.memory_space<hbm>> -> memref<8x512xf32, #tpu.memory_space<hbm>>
    tpu.wait_dma2 semaphore(%arg7 : memref<!tpu.dma_semaphore, #tpu.memory_space<semaphore_mem>>) src(%arg5 : memref<8x512xf32, #tpu.memory_space<vmem>>) dst(%dma_wait3A_3370 : memref<8x512xf32, #tpu.memory_space<hbm>>)
    return
  }
}

module attributes {stable_mosaic.version = 14 : i64} {
  func.func @_tc_body(%arg0: i32, %arg1: memref<256x4096xf32, #tpu.memory_space<vmem>>, %arg2: memref<256x4096xf32, #tpu.memory_space<vmem>>, %arg3: memref<256x4096xf32, #tpu.memory_space<vmem>>, %arg4: memref<256x4096xf32, #tpu.memory_space<vmem>>) attributes {dimension_semantics = [#tpu.dimension_semantics<arbitrary>], iteration_bounds = array<i64: 4>, scalar_prefetch = 0 : i64, scratch_operands = 0 : i64, tpu.core_type = #tpu.core_type<tc>, window_params = [{transform_indices = @transform_0, window_bounds = array<i64: 256, 4096>}, {transform_indices = @transform_1, window_bounds = array<i64: 256, 4096>}, {transform_indices = @transform_2, window_bounds = array<i64: 256, 4096>}, {transform_indices = @transform_3, window_bounds = array<i64: 256, 4096>}]} {
    %get3A = arith.constant 0 : index
    %get3A_0 = arith.constant 0 : index
    %get3A_1 = vector.load %arg1[%get3A, %get3A_0] : memref<256x4096xf32, #tpu.memory_space<vmem>>, vector<256x4096xf32>
    %swap3A = arith.constant 0 : index
    %swap3A_2 = arith.constant 0 : index
    %swap3A_3 = vector.load %arg3[%swap3A, %swap3A_2] : memref<256x4096xf32, #tpu.memory_space<vmem>>, vector<256x4096xf32>
    tpu.vector_store %arg3[%swap3A, %swap3A_2], %get3A_1 {strides = array<i32>} : memref<256x4096xf32, #tpu.memory_space<vmem>>, vector<256x4096xf32>,
    %get3A_4 = arith.constant 0 : index
    %get3A_5 = arith.constant 0 : index
    %get3A_6 = vector.load %arg2[%get3A_4, %get3A_5] : memref<256x4096xf32, #tpu.memory_space<vmem>>, vector<256x4096xf32>
    %logistic3A = arith.negf %get3A_6 : vector<256x4096xf32>
    %logistic3A_7 = math.exp %logistic3A : vector<256x4096xf32>
    %logistic3A_8 = arith.constant 1.000000e+00 : f32
    %logistic3A_9 = vector.broadcast %logistic3A_8 : f32 to vector<256x4096xf32>
    %logistic3A_10 = arith.addf %logistic3A_9, %logistic3A_7 : vector<256x4096xf32>
    %logistic3A_11 = arith.divf %logistic3A_9, %logistic3A_10 : vector<256x4096xf32>
    %swap3A_12 = arith.constant 0 : index
    %swap3A_13 = arith.constant 0 : index
    %swap3A_14 = vector.load %arg4[%swap3A_12, %swap3A_13] : memref<256x4096xf32, #tpu.memory_space<vmem>>, vector<256x4096xf32>
    tpu.vector_store %arg4[%swap3A_12, %swap3A_13], %logistic3A_11 {strides = array<i32>} : memref<256x4096xf32, #tpu.memory_space<vmem>>, vector<256x4096xf32>,
    return
  }
  func.func @transform_0(%arg0: i32) -> (i32, i32) {
    %c0_i32 = arith.constant 0 : i32
    %c0_i32_0 = arith.constant 0 : i32
    return %c0_i32, %arg0 : i32, i32
  }
  func.func @transform_1(%arg0: i32) -> (i32, i32) {
    %c1_i32 = arith.constant 1 : i32
    %c0_i32 = arith.constant 0 : i32
    return %c1_i32, %arg0 : i32, i32
  }
  func.func @transform_2(%arg0: i32) -> (i32, i32) {
    %c0_i32 = arith.constant 0 : i32
    %c0_i32_0 = arith.constant 0 : i32
    return %c0_i32, %arg0 : i32, i32
  }
  func.func @transform_3(%arg0: i32) -> (i32, i32) {
    %c0_i32 = arith.constant 0 : i32
    %c0_i32_0 = arith.constant 0 : i32
    return %c0_i32, %arg0 : i32, i32
  }
}

</mosaic_0001>

<sc_bundles>
// kernel: kernel.4.cloned.1.call-start
scs
__scs_entry_jumppad:
0x0: {  	(pc) =	sbr.rel $0x88, $3  }
0x1: {  	(tag) =	ssettag $0x0;
	lr =	simm.s32 $0x1  }
0x2: {  	[smem:$0x3FA0] =	sst lr;
	_ =	strace $0xD0000000  }
0x3: {  	_ = 	snop  }
0x4: {  	_ = 	snop  }
0x5: {  	_ = 	snop  }
0x6: {  	_ = 	snop  }
0x7: {  	_ = 	snop  }
__scs_overlays_trampoline_lowered:
0x8: {  	[smem:$0x3FAF] =	sst s0  }
0x9: {  	[smem:$0x3FB0] =	sst s1  }
0xa: {  	[smem:$0x3FB1] =	sst s2  }
0xb: {  	[smem:$0x3FB2] =	sst s3  }
0xc: {  	[smem:$0x3FB3] =	sst s4  }
0xd: {  	[smem:$0x3FB4] =	sst s5  }
0xe: {  	[smem:$0x3FB5] =	sst s6  }
0xf: {  	[smem:$0x3FB6] =	sst s7  }
0x10: {  	[smem:$0x3FB7] =	sst s8  }
0x11: {  	[smem:$0x3FB8] =	sst s9;
	s0 =	simm.s32 @!p0 $0x0  }
0x12: {  	s1 =	sld [smem:$0x3F9E];
	s0 =	simm.s32 @p0 $0x1  }
0x13: {  	[smem:$0x3FB9] =	sst s0;
	s0 =	simm.s32 @!p1 $0x0  }
0x14: {  	s2 =	sld [smem:$0x3F9D];
	s0 =	simm.s32 @p1 $0x1  }
0x15: {  	[smem:$0x3FBA] =	sst s0;
	s0 =	simm.s32 @!p2 $0x0  }
0x16: {  	s3 =	sld [smem:$0x3FDB];
	s0 =	simm.s32 @p2 $0x1  }
0x17: {  	s4 =	simm.s32 $0x1BF5;
	[smem:$0x3FBC] =	sst s0  }
0x18: {  	s0 =	sld [smem:$0x3F9F];
	_ =	swait.ge [sflag:s4], $0x0  }
0x19: {  	s7 =	sld [smem:$0x3FA0]  }
0x1a: {  	s8 =	sadd.s32 $0xFFFFE003, lr  }
0x1b: {  	s9 =	sadd.s32 $0xFFFFFEF7, lr;
	s5 =	simm.s32 $0xFFFFFFFF;
	p2 =	slt.u32 s8, $0xFFFFF086  }
0x1c: {  	p1 =	slt.u32 s9, $0xF7A;
	s5 =	simm.s32 @!p2 $0x0  }
0x1d: {  	s5 =	simm.s32 @p1 $0x1;
	p0 =	seq.s32 s7, s2  }
0x1e: {  	s7 =	smul.u32 @!p0 $0xF7A, s2;
	p2 =	seq.s32 @!p0 s5, $0x0  }
0x1f: {  	s9 =	smul.u32 $0xF7A, s1;
	s8 =	simm.s32 @!p0 $0x1BF5;
	p2 =	por !p2, p0  }
0x20: {  	[sflag:s8] =	ssyncset.s32 @!p0 $0xFFFFF086;
	s6 =	sadd.s32 @!p0 s3, s7;
	s7 =	simm.s32 @!p0 $0x108  }
0x21: {  	s3 =	sadd.s32 s3, s9;
	s6 =	sadd.s32 @!p0 $0x88, s6;
	s7 =	simm.s32 @p2 $0x1082  }
0x22: {  	[simem:s7], [sflag:s8] =	dma.local @!p0 [hbm:s6], $0xF7A  }
0x23: {  	s9 =	sor.u32 $0xD0000000, s2;
	s6 =	simm.s32 $0x108;
	_ =	swait.ge @!p0 [sflag:s8], $0x0  }
0x24: {  	s3 =	sadd.s32 $0x88, s3;
	s6 =	simm.s32 @!p1 $0x1082;
	[sflag:s4] =	ssyncset.s32 $0xFFFFF086  }
0x25: {  	[simem:s6], [sflag:s4] =	dma.local [hbm:s3], $0xF7A  }
0x26: {  	[smem:$0x3FA0] =	sst s1;
	(tag) =	ssettag s2;
	_ =	strace s9  }
0x27: {  	s1 =	sld [smem:$0x3FB0]  }
0x28: {  	s2 =	sld [smem:$0x3FB1]  }
0x29: {  	s4 =	sld [smem:$0x3FB3]  }
0x2a: {  	p0 =	seq.s32 s5, $0x0;
	s5 =	sld [smem:$0x3FB4]  }
0x2b: {  	s6 =	sld [smem:$0x3FB5]  }
0x2c: {  	s7 =	sld [smem:$0x3FB6]  }
0x2d: {  	s3 =	simm.s32 $0x108;
	s8 =	sld [smem:$0x3FB7]  }
0x2e: {  	s3 =	simm.s32 @!p0 $0x1082;
	s9 =	sld [smem:$0x3FB8]  }
0x2f: {  	lr =	sadd.s32 s0, s3;
	s0 =	sld [smem:$0x3FAF]  }
0x30: {  	s3 =	sld [smem:$0x3FB2]  }
0x31: {  	[smem:$0x3FBB] =	sst s10  }
0x32: {  	s10 =	sld [smem:$0x3FB9];
	_ =	sdelay $0x3  }
0x33: {  	p0 =	seq.s32 s10, $0x1;
	s10 =	sld [smem:$0x3FBB];
	_ =	sdelay $0x3  }
0x34: {  	[smem:$0x3FBB] =	sst s10  }
0x35: {  	s10 =	sld [smem:$0x3FBA];
	_ =	sdelay $0x3  }
0x36: {  	p1 =	seq.s32 s10, $0x1;
	s10 =	sld [smem:$0x3FBB];
	_ =	sdelay $0x3  }
0x37: {  	[smem:$0x3FBB] =	sst s10  }
0x38: {  	s10 =	sld [smem:$0x3FBC]  }
0x39: {  	_ = 	snop;
	(pc) =	sbr.ind lr, $3  }
0x3a: {  	_ = 	snop  }
0x3b: {  	_ = 	snop  }
0x3c: {  	p2 =	seq.s32 s10, $0x1;
	s10 =	sld [smem:$0x3FBB]  }
0x3d: {  	_ =	shalt  }
0x3e: {  	_ =	shalt  }
0x3f: {  	_ =	shalt  }
0x40: {  	_ =	shalt  }
0x41: {  	_ =	shalt  }
0x42: {  	_ =	shalt  }
0x43: {  	_ =	shalt  }
0x44: {  	_ =	shalt  }
0x45: {  	_ =	shalt  }
0x46: {  	_ =	shalt  }
0x47: {  	_ =	shalt  }
0x48: {  	_ =	shalt  }
0x49: {  	_ =	shalt  }
0x4a: {  	_ =	shalt  }
0x4b: {  	_ =	shalt  }
0x4c: {  	_ =	shalt  }
0x4d: {  	_ =	shalt  }
0x4e: {  	_ =	shalt  }
0x4f: {  	_ =	shalt  }
0x50: {  	_ =	shalt  }
0x51: {  	_ =	shalt  }
0x52: {  	_ =	shalt  }
0x53: {  	_ =	shalt  }
0x54: {  	_ =	shalt  }
0x55: {  	_ =	shalt  }
0x56: {  	_ =	shalt  }
0x57: {  	_ =	shalt  }
0x58: {  	_ =	shalt  }
0x59: {  	_ =	shalt  }
0x5a: {  	_ =	shalt  }
0x5b: {  	_ =	shalt  }
0x5c: {  	_ =	shalt  }
0x5d: {  	_ =	shalt  }
0x5e: {  	_ =	shalt  }
0x5f: {  	_ =	shalt  }
0x60: {  	_ =	shalt  }
0x61: {  	_ =	shalt  }
0x62: {  	_ =	shalt  }
0x63: {  	_ =	shalt  }
0x64: {  	_ =	shalt  }
0x65: {  	_ =	shalt  }
0x66: {  	_ =	shalt  }
0x67: {  	_ =	shalt  }
0x68: {  	_ =	shalt  }
0x69: {  	_ =	shalt  }
0x6a: {  	_ =	shalt  }
0x6b: {  	_ =	shalt  }
0x6c: {  	_ =	shalt  }
0x6d: {  	_ =	shalt  }
0x6e: {  	_ =	shalt  }
0x6f: {  	_ =	shalt  }
0x70: {  	_ =	shalt  }
0x71: {  	_ =	shalt  }
0x72: {  	_ =	shalt  }
0x73: {  	_ =	shalt  }
0x74: {  	_ =	shalt  }
0x75: {  	_ =	shalt  }
0x76: {  	_ =	shalt  }
0x77: {  	_ =	shalt  }
0x78: {  	_ =	shalt  }
0x79: {  	_ =	shalt  }
0x7a: {  	_ =	shalt  }
0x7b: {  	_ =	shalt  }
0x7c: {  	_ =	shalt  }
0x7d: {  	_ =	shalt  }
0x7e: {  	_ =	shalt  }
0x7f: {  	_ =	shalt  }
0x80: {  	_ =	shalt  }
0x81: {  	_ =	shalt  }
0x82: {  	_ =	shalt  }
0x83: {  	_ =	shalt  }
0x84: {  	_ =	shalt  }
0x85: {  	_ =	shalt  }
0x86: {  	_ =	shalt  }
0x87: {  	_ =	shalt  }
.Lfunc_end0:
.L_simem_size_0:
called_computation_lowered:
.L_overlay_start_0:
0x88: {  	s2 =	sld [smem:$0x3FD9]  }
0x89: {  	s3 =	sld [smem:$0x3FFE];
	_ =	sdelay $0x1  }
0x8a: {  	s1 =	srdreg.scid  }
0x8b: {  	s0 =	sand.u32 $0x1, s1  }
0x8c: {  	s15 =	sshll.u32 s0, $0xA;
	s2 =	sadd.s32 s3, s2  }
0x8d: {  	s2 =	sadd.s32 s2, s15  }
0x8e: {  	[smem:$0x3FC7] =	sst s2  }
0x8f: {  	_ = 	snop  }
0x90: {  	s2 =	sld [smem:$0x3FD0];
	_ =	sdelay $0x2  }
0x91: {  	s4 =	simm.s32 $0xA;
	s5 =	simm.s32 $0x10;
	s16 =	sld [smem:$0x3FC9]  }
0x92: {  	[smem:s5], [sflag:s4] =	dma.local [hbm:s2], $0x1  }
0x93: {  	_ =	swait.eq [sflag:s4], $0x1  }
0x94: {  	[sflag:s4] =	ssyncset.done $0x0  }
0x95: {  	[sflag:s4] =	ssyncadd.s32 $0xFFFFFFFF  }
0x96: {  	s17 =	sld [smem:$0x12];
	(tm) =	ssettm $0x1  }
0x97: {  	s18 =	sld [smem:$0x3FFB];
	_ =	sdelay $0x3  }
0x98: {  	_ =	strace s18  }
0x99: {  	s4 =	sld [smem:$0x3FFC];
	_ =	sdelay $0x3  }
0x9a: {  	_ =	strace s4  }
0x9b: {  	s4 =	sld [smem:$0x3FFD];
	_ =	sdelay $0x3  }
0x9c: {  	_ =	strace s4  }
0x9d: {  	_ =	strace $0x8FFFFFFF  }
0x9e: {  	s19 =	sld [smem:$0x3FDB];
	_ =	sdelay $0x1  }
0x9f: {  	s20 =	simm.s32 $_scs_section_size  }
0xa0: {  	s6 =	simm.s32 $_size__tile_overlayer_lowered;
	s7 =	simm.s32 $_tile_overlayer_lowered  }
0xa1: {  	s23 =	simm.s32 $0x1BFF;
	s22 =	sshll.u32 s7, $0x1;
	s4 =	sadd.s32 s20, s19  }
0xa2: {  	s8 =	simm.s32 $0x0;
	s21 =	sshll.u32 s6, $0x1;
	s6 =	sadd.s32 s22, s4  }
0xa3: {  	[timem:s8], [sflag:s23] =	dma.local [hbm:s6], s21  }
0xa4: {  	_ =	swait.ge [sflag:s23], s21  }
0xa5: {  	s5 =	ssub.s32 $0x0, s21;
	[sflag:s23] =	ssyncset.done $0x0  }
0xa6: {  	[sflag:s23] =	ssyncadd.s32 s5;
	_ =	sdelay $0x1  }
0xa7: {  	s24 =	simm.s32 $0x1B8B  }
0xa8: {  	_ =	swait.ge [sflag:s24], $0x1  }
0xa9: {  	[sflag:s24] =	ssyncset.done $0x0  }
0xaa: {  	s25 =	simm.s32 $0x1B8E;
	[sflag:s24] =	ssyncadd.s32 $0xFFFFFFFF  }
0xab: {  	s26 =	simm.s32 $execute0_lowered;
	[smem:$0x3FD2] =	sst s25  }
0xac: {  	s5 =	sshll.u32 s26, $0x1;
	_ =	strace $0x80000046;
	[dreg:$0x1] =	wrdreg $0xFFFFFFFF  }
0xad: {  	s28 =	simm.s32 $_size_execute0_lowered;
	s4 =	sadd.s32 s4, s5;
	[dreg:$0x0] =	wrdreg $0x0  }
0xae: {  	s5 =	sshll.u32 s28, $0x1;
	[dreg:$0x2] =	wrdreg s4  }
0xaf: {  	[dreg:$0x3] =	wrdreg s5  }
0xb0: {  	[dreg:$0x4] =	wrdreg $0xC0  }
0xb1: {  	_ =	task [dreg:s8], $0x5FFFF  }
0xb2: {  	[dreg:$0x1] =	wrdreg $0xFFFFFFFF  }
0xb3: {  	[dreg:$0x0] =	wrdreg $0x60  }
0xb4: {  	[dreg:$0x2] =	wrdreg s16  }
0xb5: {  	[dreg:$0x3] =	wrdreg s17  }
0xb6: {  	[dreg:$0x4] =	wrdreg $0x9  }
0xb7: {  	_ =	task.clear_ibuf [dreg:s8], $0x5FFFF;
	_ =	strace $0x90000046  }
0xb8: {  	s29 =	simm.s32 $0x9;
	_ =	strace $0x80000048  }
0xb9: {  	_ =	swait.ge [sflag:s29], $0x1  }
0xba: {  	[sflag:s29] =	ssyncadd.s32 $0xFFFFFFFF  }
0xbb: {  	_ =	strace $0x90000048  }
0xbc: {  	_ =	sfence  }
0xbd: {  	s30 =	sld [smem:$0x0];
	_ =	sdelay $0x2  }
0xbe: {  	s31 =	sshll.u32 s1, $0xD;
	s1 =	sshrl.u32 s1, $0x2  }
0xbf: {  	s3 =	sand.u32 $0x4000, s31;
	s1 =	sadd.s32 s1, s30  }
0xc0: {  	s0 =	sor.u32 s3, s0;
	s1 =	sshll.u32 s1, $0x11  }
0xc1: {  	s0 =	sor.u32 s1, s0  }
0xc2: {  	s0 =	sadd.s32 $0x8F2B, s0  }
0xc3: {  	[sflag:s0] =	ssyncadd.remote.s32 $0x1  }
0xc4: {  	_ =	sfence.sel $0xFFFF  }
0xc5: {  	[dreg:$0x0] =	wrdreg $0xFFFFFFFF;
	(pc) =	sbr.abs _section_cstart, $3  }
0xc6: {  	[dreg:$0x1] =	wrdreg $0xFFFFFFFF  }
0xc7: {  	_ =	task.clear_ibuf [dreg:s8], $0x2FFFF;
	_ =	strace $0x9FFFFFFF  }
0xc8: {  	(tm) =	ssettm $0x7FFFFFFF  }
0xc9: {  	_ =	shalt  }
tec
execute0_lowered:
.L_overlay_start_1:
0x0: {  	(tag) =	ssettag $0x1  }
0x1: {  	s3 =	rddreg [dreg:$0x0]  }
0x2: {  	s4 =	rddreg [dreg:$0x1]  }
0x3: {  	s0 =	rddreg [dreg:$0x2];
	s5 =	srdreg.scid  }
0x4: {  	s2 =	simm.s32 $0x0;
	s1 =	stileid.u32;
	s5 =	sand.u32 $0x1, s5  }
0x5: {  	s7 =	sshll.u32 s1, $0xA;
	[smem:$0x7FF] =	sst s2;
	s6 =	ssub.s32 $0x2, s5  }
0x6: {  	s5 =	sshll.u32 s5, $0x9;
	_ =	strace $0x80000047;
	s8 =	sshrl.u32 s6, $0x1  }
0x7: {  	s5 =	sor.u32 s5, s7;
	s7 =	simm.s32 $0x1000;
	s6 =	ssub.s32 s6, s8  }
0x8: {  	s3 =	sadd.s32 s5, s3;
	s4 =	sadd.s32 s4, s5;
	s8 =	simm.s32 $0x2  }
0x9: {  	s3 =	sadd.s32 $0x100000, s3;
	s5 =	smax.u32 s6, $0x1;
	s6 =	simm.s32 $0x1  }
.LBB2_1:
0xa: {  	[tilespmem:s2], [sflag:$0x1] =	stream.linear.gather [hbm4b:s3+s2], $0x1000, $0x38;
	[tilespmem:$0x2000] =	vst v63  }
0xb: {  	_ =	swait.ge [sflag:s6], $0x1000  }
0xc: {  	[sflag:s6] =	ssyncset.done $0x0  }
0xd: {  	[sflag:s6] =	ssyncadd.s32 $0xFFFFF000  }
0xe: {  	v0 =	vld [tilespmem:$0x0]  }
0xf: {  	v1 =	vld [tilespmem:$0x80]  }
0x10: {  	v2 =	vld [tilespmem:$0x100]  }
0x11: {  	v3 =	vld [tilespmem:$0x180]  }
0x12: {  	v4 =	vld [tilespmem:$0x200]  }
0x13: {  	v5 =	vld [tilespmem:$0x280]  }
0x14: {  	v6 =	vld [tilespmem:$0x300];
	v7 =	vmax.f32 v0, v1  }
0x15: {  	v8 =	vld [tilespmem:$0x380];
	v7 =	vmax.f32 v7, v2  }
0x16: {  	v7 =	vmax.f32 v7, v3  }
0x17: {  	v7 =	vmax.f32 v7, v4  }
0x18: {  	v7 =	vmax.f32 v7, v5  }
0x19: {  	v7 =	vmax.f32 v7, v6  }
0x1a: {  	v7 =	vmax.f32 v7, v8  }
0x1b: {  	v0 =	vsub.f32 v0, v7  }
0x1c: {  	v1 =	vsub.f32 v1, v7  }
0x1d: {  	v0 =	vmul.f32 $1.442695020e+00, v0  }
0x1e: {  	v2 =	vsub.f32 v2, v7;
	v1 =	vmul.f32 $1.442695020e+00, v1  }
0x1f: {  	(erf) = vpow2.f32 v0  }
0x20: {  	v47 =	vsub.f32 v3, v7;
	v46 =	vmul.f32 $1.442695020e+00, v2;
	(erf) = vpow2.f32 v1;
	_ =	sdelay $0x1  }
0x21: {  	v49 =	vsub.f32 v4, v7;
	v48 =	vmul.f32 $1.442695020e+00, v47;
	(erf) = vpow2.f32 v46;
	_ =	sdelay $0x1  }
0x22: {  	v51 =	vsub.f32 v5, v7;
	v50 =	vmul.f32 $1.442695020e+00, v49;
	(erf) = vpow2.f32 v48;
	_ =	sdelay $0x1  }
0x23: {  	v53 =	vsub.f32 v6, v7;
	v52 =	vmul.f32 $1.442695020e+00, v51;
	(erf) = vpow2.f32 v50;
	_ =	sdelay $0x1  }
0x24: {  	v57 =	vld [tilespmem:$0x10];
	v56 =	vsub.f32 v8, v7;
	v55 =	vmul.f32 $1.442695020e+00, v53;
	(erf) = vpow2.f32 v52;
	v54 =	vpop (erf)  }
0x25: {  	v59 =	vld [tilespmem:$0x90];
	v58 =	vpop (erf)  }
0x26: {  	v62 =	vld [tilespmem:$0x110];
	v60 =	vmul.f32 $1.442695020e+00, v56;
	(erf) = vpow2.f32 v55;
	v61 =	vadd.f32 v58, v54  }
0x27: {  	v26 =	vld [tilespmem:$0x190];
	v63 =	vpop (erf)  }
0x28: {  	v28 =	vld [tilespmem:$0x210];
	(erf) = vpow2.f32 v60;
	v27 =	vadd.f32 v61, v63  }
0x29: {  	v10 =	vld [tilespmem:$0x290];
	v9 =	vpop (erf)  }
0x2a: {  	v11 =	vld [tilespmem:$0x310];
	v12 =	vmax.f32 v57, v59;
	v0 =	vadd.f32 v27, v9  }
0x2b: {  	v14 =	vld [tilespmem:$0x390];
	v12 =	vmax.f32 v12, v62;
	v13 =	vpop (erf)  }
0x2c: {  	v12 =	vmax.f32 v12, v26;
	v0 =	vadd.f32 v0, v13  }
0x2d: {  	v12 =	vmax.f32 v12, v28;
	v15 =	vpop (erf)  }
0x2e: {  	v12 =	vmax.f32 v12, v10;
	v0 =	vadd.f32 v0, v15  }
0x2f: {  	v12 =	vmax.f32 v12, v11;
	v16 =	vpop (erf)  }
0x30: {  	v12 =	vmax.f32 v12, v14;
	v0 =	vadd.f32 v0, v16  }
0x31: {  	v3 =	vsub.f32 v57, v12;
	v17 =	vpop (erf)  }
0x32: {  	v5 =	vsub.f32 v59, v12;
	v0 =	vadd.f32 v0, v17  }
0x33: {  	v3 =	vmul.f32 $1.442695020e+00, v3  }
0x34: {  	v30 =	vsub.f32 v62, v12;
	v29 =	vmul.f32 $1.442695020e+00, v5;
	(erf) = vrcp.f32 v0  }
0x35: {  	(erf) = vpow2.f32 v3  }
0x36: {  	v32 =	vsub.f32 v26, v12;
	v31 =	vmul.f32 $1.442695020e+00, v30;
	(erf) = vpow2.f32 v29;
	_ =	sdelay $0x1  }
0x37: {  	v33 =	vmul.f32 $1.442695020e+00, v32;
	v1 =	vsub.f32 v28, v12;
	(erf) = vpow2.f32 v31;
	_ =	sdelay $0x1  }
0x38: {  	v35 =	vsub.f32 v10, v12;
	v34 =	vmul.f32 $1.442695020e+00, v1;
	(erf) = vpow2.f32 v33;
	_ =	sdelay $0x1  }
0x39: {  	v37 =	vsub.f32 v11, v12;
	v36 =	vmul.f32 $1.442695020e+00, v35;
	(erf) = vpow2.f32 v34  }
0x3a: {  	v38 =	vpop (erf)  }
0x3b: {  	v41 =	vsub.f32 v14, v12;
	v40 =	vmul.f32 $1.442695020e+00, v37;
	(erf) = vpow2.f32 v36;
	v39 =	vpop (erf)  }
0x3c: {  	v46 =	vld [tilespmem:$0x20];
	v42 =	vpop (erf)  }
0x3d: {  	v43 =	vmul.f32 $1.442695020e+00, v41;
	v48 =	vld [tilespmem:$0xA0];
	(erf) = vpow2.f32 v40;
	v44 =	vadd.f32 v42, v39  }
0x3e: {  	v50 =	vld [tilespmem:$0x120];
	v45 =	vpop (erf)  }
0x3f: {  	v51 =	vld [tilespmem:$0x1A0];
	(erf) = vpow2.f32 v43;
	v47 =	vadd.f32 v44, v45  }
0x40: {  	v19 =	vld [tilespmem:$0x220];
	v49 =	vpop (erf)  }
0x41: {  	v20 =	vld [tilespmem:$0x2A0];
	v0 =	vadd.f32 v47, v49  }
0x42: {  	v22 =	vld [tilespmem:$0x320];
	v23 =	vmax.f32 v46, v48;
	v18 =	vpop (erf)  }
0x43: {  	v24 =	vld [tilespmem:$0x3A0];
	v23 =	vmax.f32 v23, v50;
	v0 =	vadd.f32 v0, v18  }
0x44: {  	v23 =	vmax.f32 v23, v51;
	v21 =	vpop (erf)  }
0x45: {  	v23 =	vmax.f32 v23, v19;
	v0 =	vadd.f32 v0, v21  }
0x46: {  	v23 =	vmax.f32 v23, v20;
	v25 =	vpop (erf)  }
0x47: {  	v23 =	vmax.f32 v23, v22;
	v0 =	vadd.f32 v0, v25  }
0x48: {  	v23 =	vmax.f32 v23, v24;
	v26 =	vpop (erf)  }
0x49: {  	v52 =	vsub.f32 v46, v23;
	v0 =	vadd.f32 v0, v26  }
0x4a: {  	v1 =	vsub.f32 v48, v23  }
0x4b: {  	(erf) = vrcp.f32 v0;
	v0 =	vmul.f32 $1.442695020e+00, v52  }
0x4c: {  	v12 =	vsub.f32 v50, v23;
	v1 =	vmul.f32 $1.442695020e+00, v1  }
0x4d: {  	(erf) = vpow2.f32 v0  }
0x4e: {  	v14 =	vsub.f32 v51, v23;
	v56 =	vmul.f32 $1.442695020e+00, v12;
	(erf) = vpow2.f32 v1  }
0x4f: {  	v4 =	vmul.f32 v38, v58  }
0x50: {  	v57 =	vsub.f32 v19, v23;
	v58 =	vmul.f32 $1.442695020e+00, v14;
	(erf) = vpow2.f32 v56  }
0x51: {  	v59 =	vsub.f32 v20, v23  }
0x52: {  	v60 =	vmul.f32 $1.442695020e+00, v57;
	(erf) = vpow2.f32 v58  }
0x53: {  	v62 =	vmul.f32 $1.442695020e+00, v59;
	v2 =	vmul.f32 v38, v54  }
0x54: {  	v61 =	vsub.f32 v22, v23;
	v9 =	vmul.f32 v38, v9;
	(erf) = vpow2.f32 v60  }
0x55: {  	v7 =	vmul.f32 v38, v63;
	v53 =	vmul.f32 v38, v13;
	v10 =	vpop (erf)  }
0x56: {  	v33 =	vld [tilespmem:$0x30];
	v63 =	vsub.f32 v24, v23;
	[tilespmem:$0x1180] =	vst v9;
	v9 =	vmul.f32 $1.442695020e+00, v61;
	(erf) = vpow2.f32 v62;
	v14 =	vpop (erf)  }
0x57: {  	v34 =	vld [tilespmem:$0xB0];
	v55 =	vmul.f32 v38, v16;
	v23 =	vmul.f32 v10, v18;
	v24 =	vpop (erf)  }
0x58: {  	v36 =	vld [tilespmem:$0x130];
	v16 =	vmul.f32 $1.442695020e+00, v63;
	(erf) = vpow2.f32 v9;
	v35 =	vadd.f32 v24, v14  }
0x59: {  	v37 =	vld [tilespmem:$0x1B0];
	v54 =	vmul.f32 v38, v15;
	v22 =	vmul.f32 v10, v49;
	v27 =	vpop (erf)  }
0x5a: {  	v3 =	vmul.f32 v38, v17;
	v38 =	vld [tilespmem:$0x230];
	[tilespmem:$0x1000] =	vst v2;
	(erf) = vpow2.f32 v16;
	v2 =	vadd.f32 v35, v27  }
0x5b: {  	v17 =	vmul.f32 v10, v39;
	v39 =	vld [tilespmem:$0x2B0];
	[tilespmem:$0x1210] =	vst v23;
	v23 =	vpop (erf)  }
0x5c: {  	v40 =	vld [tilespmem:$0x330];
	v41 =	vmax.f32 v33, v34;
	v2 =	vadd.f32 v2, v23  }
0x5d: {  	v8 =	vmax.f32 v41, v36;
	v19 =	vmul.f32 v10, v42;
	v20 =	vmul.f32 v10, v45;
	v42 =	vld [tilespmem:$0x3B0];
	[tilespmem:$0x1190] =	vst v22;
	v22 =	vpop (erf)  }
0x5e: {  	v8 =	vmax.f32 v8, v37;
	v2 =	vadd.f32 v2, v22  }
0x5f: {  	v8 =	vmax.f32 v8, v38;
	v30 =	vmul.f32 v10, v21;
	v21 =	vpop (erf)  }
0x60: {  	v8 =	vmax.f32 v8, v39;
	v2 =	vadd.f32 v2, v21  }
0x61: {  	[tilespmem:$0x1110] =	vst v20;
	v8 =	vmax.f32 v8, v40;
	v20 =	vpop (erf)  }
0x62: {  	v8 =	vmax.f32 v8, v42;
	v2 =	vadd.f32 v2, v20  }
0x63: {  	v18 =	vpop (erf);
	v0 =	vsub.f32 v33, v8  }
0x64: {  	v1 =	vsub.f32 v34, v8;
	v2 =	vadd.f32 v2, v18  }
0x65: {  	v0 =	vmul.f32 $1.442695020e+00, v0  }
0x66: {  	v43 =	vsub.f32 v36, v8;
	v1 =	vmul.f32 $1.442695020e+00, v1;
	(erf) = vrcp.f32 v2  }
0x67: {  	(erf) = vpow2.f32 v0  }
0x68: {  	v45 =	vsub.f32 v37, v8;
	v44 =	vmul.f32 $1.442695020e+00, v43;
	(erf) = vpow2.f32 v1;
	_ =	sdelay $0x1  }
0x69: {  	v47 =	vsub.f32 v38, v8;
	v46 =	vmul.f32 $1.442695020e+00, v45;
	(erf) = vpow2.f32 v44;
	_ =	sdelay $0x1  }
0x6a: {  	v49 =	vsub.f32 v39, v8;
	v48 =	vmul.f32 $1.442695020e+00, v47;
	(erf) = vpow2.f32 v46;
	_ =	sdelay $0x1  }
0x6b: {  	v51 =	vsub.f32 v40, v8;
	v50 =	vmul.f32 $1.442695020e+00, v49;
	(erf) = vpow2.f32 v48  }
0x6c: {  	[tilespmem:$0x1200] =	vst v53;
	v31 =	vmul.f32 v10, v25;
	v13 =	vpop (erf)  }
0x6d: {  	[tilespmem:$0x1280] =	vst v54;
	v54 =	vld [tilespmem:$0x40];
	v53 =	vsub.f32 v42, v8;
	v52 =	vmul.f32 $1.442695020e+00, v51;
	v25 =	vpop (erf);
	(erf) = vpow2.f32 v50  }
0x6e: {  	[tilespmem:$0x1300] =	vst v55;
	v56 =	vld [tilespmem:$0xC0];
	v55 =	vpop (erf)  }
0x6f: {  	v59 =	vld [tilespmem:$0x140];
	v57 =	vmul.f32 $1.442695020e+00, v53;
	(erf) = vpow2.f32 v52;
	v58 =	vadd.f32 v55, v25  }
0x70: {  	v61 =	vld [tilespmem:$0x1C0];
	v60 =	vpop (erf)  }
0x71: {  	v63 =	vld [tilespmem:$0x240];
	(erf) = vpow2.f32 v57;
	v62 =	vadd.f32 v58, v60  }
0x72: {  	v15 =	vld [tilespmem:$0x2C0];
	v12 =	vpop (erf)  }
0x73: {  	v16 =	vld [tilespmem:$0x340];
	[tilespmem:$0x1010] =	vst v17;
	v17 =	vmax.f32 v54, v56;
	v0 =	vadd.f32 v62, v12  }
0x74: {  	v32 =	vmul.f32 v10, v26;
	v26 =	vld [tilespmem:$0x3C0];
	[tilespmem:$0x1090] =	vst v19;
	v8 =	vmax.f32 v17, v59;
	v19 =	vpop (erf)  }
0x75: {  	v8 =	vmax.f32 v8, v61;
	v0 =	vadd.f32 v0, v19  }
0x76: {  	v8 =	vmax.f32 v8, v63;
	v28 =	vpop (erf)  }
0x77: {  	v8 =	vmax.f32 v8, v15;
	v0 =	vadd.f32 v0, v28  }
0x78: {  	v8 =	vmax.f32 v8, v16;
	v29 =	vpop (erf)  }
0x79: {  	v8 =	vmax.f32 v8, v26;
	v0 =	vadd.f32 v0, v29  }
0x7a: {  	[tilespmem:$0x1290] =	vst v30;
	v2 =	vsub.f32 v54, v8;
	v30 =	vpop (erf)  }
0x7b: {  	[tilespmem:$0x1380] =	vst v3;
	v3 =	vsub.f32 v56, v8;
	v0 =	vadd.f32 v0, v30  }
0x7c: {  	[tilespmem:$0x1310] =	vst v31;
	v2 =	vmul.f32 $1.442695020e+00, v2  }
0x7d: {  	[tilespmem:$0x1390] =	vst v32;
	v32 =	vsub.f32 v59, v8;
	v31 =	vmul.f32 $1.442695020e+00, v3;
	(erf) = vrcp.f32 v0  }
0x7e: {  	(erf) = vpow2.f32 v2  }
0x7f: {  	v34 =	vsub.f32 v61, v8;
	v33 =	vmul.f32 $1.442695020e+00, v32;
	(erf) = vpow2.f32 v31;
	_ =	sdelay $0x1  }
0x80: {  	v35 =	vmul.f32 $1.442695020e+00, v34;
	v1 =	vsub.f32 v63, v8;
	(erf) = vpow2.f32 v33;
	_ =	sdelay $0x1  }
0x81: {  	v37 =	vsub.f32 v15, v8;
	v36 =	vmul.f32 $1.442695020e+00, v1;
	(erf) = vpow2.f32 v35;
	_ =	sdelay $0x1  }
0x82: {  	v39 =	vsub.f32 v16, v8;
	v38 =	vmul.f32 $1.442695020e+00, v37;
	(erf) = vpow2.f32 v36  }
0x83: {  	[tilespmem:$0x1F9D0] =	vst v19;
	v19 =	vpop (erf)  }
0x84: {  	v43 =	vld [tilespmem:$0x50];
	v42 =	vsub.f32 v26, v8;
	v41 =	vmul.f32 $1.442695020e+00, v39;
	v40 =	vpop (erf);
	(erf) = vpow2.f32 v38  }
0x85: {  	v45 =	vld [tilespmem:$0xD0];
	v44 =	vpop (erf)  }
0x86: {  	v46 =	vmul.f32 $1.442695020e+00, v42;
	v48 =	vld [tilespmem:$0x150];
	(erf) = vpow2.f32 v41;
	v47 =	vadd.f32 v44, v40  }
0x87: {  	v50 =	vld [tilespmem:$0x1D0];
	v49 =	vpop (erf)  }
0x88: {  	v52 =	vld [tilespmem:$0x250];
	(erf) = vpow2.f32 v46;
	v51 =	vadd.f32 v47, v49  }
0x89: {  	v54 =	vld [tilespmem:$0x2D0];
	v53 =	vpop (erf)  }
0x8a: {  	v56 =	vmax.f32 v43, v45;
	[tilespmem:$0x1F9A0] =	vst v55;
	v55 =	vld [tilespmem:$0x350];
	v0 =	vadd.f32 v51, v53  }
0x8b: {  	v8 =	vmax.f32 v56, v48;
	v58 =	vld [tilespmem:$0x3D0];
	v57 =	vpop (erf)  }
0x8c: {  	v8 =	vmax.f32 v8, v50;
	v0 =	vadd.f32 v0, v57  }
0x8d: {  	v8 =	vmax.f32 v8, v52;
	v59 =	vpop (erf)  }
0x8e: {  	v8 =	vmax.f32 v8, v54;
	v0 =	vadd.f32 v0, v59  }
0x8f: {  	[tilespmem:$0x1F9B0] =	vst v60;
	v8 =	vmax.f32 v8, v55;
	v60 =	vpop (erf)  }
0x90: {  	v8 =	vmax.f32 v8, v58;
	v0 =	vadd.f32 v0, v60  }
0x91: {  	v2 =	vsub.f32 v43, v8;
	v61 =	vpop (erf)  }
0x92: {  	v3 =	vsub.f32 v45, v8;
	v0 =	vadd.f32 v0, v61  }
0x93: {  	v2 =	vmul.f32 $1.442695020e+00, v2  }
0x94: {  	v63 =	vsub.f32 v48, v8;
	v62 =	vmul.f32 $1.442695020e+00, v3;
	(erf) = vrcp.f32 v0  }
0x95: {  	(erf) = vpow2.f32 v2  }
0x96: {  	[tilespmem:$0x1080] =	vst v4;
	v5 =	vsub.f32 v50, v8;
	v4 =	vmul.f32 $1.442695020e+00, v63;
	(erf) = vpow2.f32 v62;
	_ =	sdelay $0x1  }
0x97: {  	v1 =	vsub.f32 v52, v8;
	v10 =	vmul.f32 $1.442695020e+00, v5;
	(erf) = vpow2.f32 v4;
	_ =	sdelay $0x1  }
0x98: {  	[tilespmem:$0x1F9C0] =	vst v12;
	v12 =	vsub.f32 v54, v8;
	v11 =	vmul.f32 $1.442695020e+00, v1;
	(erf) = vpow2.f32 v10;
	_ =	sdelay $0x1  }
0x99: {  	v16 =	vsub.f32 v55, v8;
	v15 =	vmul.f32 $1.442695020e+00, v12;
	(erf) = vpow2.f32 v11  }
0x9a: {  	[tilespmem:$0x1F9E0] =	vst v28;
	v28 =	vpop (erf)  }
0x9b: {  	v32 =	vld [tilespmem:$0xE0];
	[tilespmem:$0x1F9F0] =	vst v29;
	v26 =	vmul.f32 $1.442695020e+00, v16;
	v29 =	vsub.f32 v58, v8;
	v17 =	vpop (erf);
	(erf) = vpow2.f32 v15  }
0x9c: {  	[tilespmem:$0x1FA00] =	vst v30;
	v30 =	vld [tilespmem:$0x60];
	v31 =	vpop (erf)  }
0x9d: {  	v33 =	vmul.f32 $1.442695020e+00, v29;
	v35 =	vld [tilespmem:$0x160];
	(erf) = vpow2.f32 v26;
	v34 =	vadd.f32 v31, v17  }
0x9e: {  	v37 =	vld [tilespmem:$0x1E0];
	v36 =	vpop (erf)  }
0x9f: {  	v39 =	vld [tilespmem:$0x260];
	(erf) = vpow2.f32 v33;
	v38 =	vadd.f32 v34, v36  }
0xa0: {  	[tilespmem:$0x1FA10] =	vst v40;
	v41 =	vld [tilespmem:$0x2E0];
	v40 =	vpop (erf)  }
0xa1: {  	v42 =	vld [tilespmem:$0x360];
	v43 =	vmax.f32 v30, v32;
	v0 =	vadd.f32 v38, v40  }
0xa2: {  	v45 =	vld [tilespmem:$0x3E0];
	v8 =	vmax.f32 v43, v35;
	[tilespmem:$0x1FA20] =	vst v44;
	v44 =	vpop (erf)  }
0xa3: {  	v8 =	vmax.f32 v8, v37;
	v0 =	vadd.f32 v0, v44  }
0xa4: {  	v8 =	vmax.f32 v8, v39;
	v46 =	vpop (erf)  }
0xa5: {  	v8 =	vmax.f32 v8, v41;
	v0 =	vadd.f32 v0, v46  }
0xa6: {  	v8 =	vmax.f32 v8, v42;
	v47 =	vpop (erf)  }
0xa7: {  	v8 =	vmax.f32 v8, v45;
	v0 =	vadd.f32 v0, v47  }
0xa8: {  	v2 =	vsub.f32 v30, v8;
	v48 =	vpop (erf)  }
0xa9: {  	v3 =	vsub.f32 v32, v8;
	v0 =	vadd.f32 v0, v48  }
0xaa: {  	v2 =	vmul.f32 $1.442695020e+00, v2  }
0xab: {  	[tilespmem:$0x1FA30] =	vst v49;
	v50 =	vsub.f32 v35, v8;
	v49 =	vmul.f32 $1.442695020e+00, v3;
	(erf) = vrcp.f32 v0  }
0xac: {  	(erf) = vpow2.f32 v2  }
0xad: {  	v52 =	vsub.f32 v37, v8;
	v51 =	vmul.f32 $1.442695020e+00, v50;
	(erf) = vpow2.f32 v49;
	_ =	sdelay $0x1  }
0xae: {  	[tilespmem:$0x1FA40] =	vst v53;
	v1 =	vsub.f32 v39, v8;
	v53 =	vmul.f32 $1.442695020e+00, v52;
	(erf) = vpow2.f32 v51;
	_ =	sdelay $0x1  }
0xaf: {  	v55 =	vsub.f32 v41, v8;
	v54 =	vmul.f32 $1.442695020e+00, v1;
	(erf) = vpow2.f32 v53  }
0xb0: {  	[tilespmem:$0x1FA50] =	vst v57  }
0xb1: {  	v57 =	vsub.f32 v42, v8;
	[tilespmem:$0x1FA60] =	vst v59;
	v56 =	vmul.f32 $1.442695020e+00, v55;
	(erf) = vpow2.f32 v54  }
0xb2: {  	[tilespmem:$0x1FAC0] =	vst v40;
	v40 =	vpop (erf)  }
0xb3: {  	v63 =	vld [tilespmem:$0xF0];
	[tilespmem:$0x1FA70] =	vst v60;
	v59 =	vmul.f32 $1.442695020e+00, v57;
	v60 =	vsub.f32 v45, v8;
	v58 =	vpop (erf);
	(erf) = vpow2.f32 v56  }
0xb4: {  	[tilespmem:$0x1FA80] =	vst v61;
	v61 =	vld [tilespmem:$0x70];
	v62 =	vpop (erf)  }
0xb5: {  	v11 =	vmul.f32 $1.442695020e+00, v60;
	v15 =	vld [tilespmem:$0x170];
	(erf) = vpow2.f32 v59;
	v12 =	vadd.f32 v62, v58  }
0xb6: {  	[tilespmem:$0x1FA90] =	vst v17;
	v17 =	vld [tilespmem:$0x1F0];
	v16 =	vpop (erf)  }
0xb7: {  	v29 =	vld [tilespmem:$0x270];
	(erf) = vpow2.f32 v11;
	v26 =	vadd.f32 v12, v16  }
0xb8: {  	[tilespmem:$0x1FAA0] =	vst v31;
	v31 =	vld [tilespmem:$0x2F0];
	v30 =	vpop (erf)  }
0xb9: {  	v32 =	vld [tilespmem:$0x370];
	v33 =	vmax.f32 v61, v63;
	v0 =	vadd.f32 v26, v30  }
0xba: {  	v35 =	vld [tilespmem:$0x3F0];
	v8 =	vmax.f32 v33, v15;
	v34 =	vpop (erf)  }
0xbb: {  	v8 =	vmax.f32 v8, v17;
	v0 =	vadd.f32 v0, v34  }
0xbc: {  	[tilespmem:$0x1FAB0] =	vst v36;
	v8 =	vmax.f32 v8, v29;
	v36 =	vpop (erf)  }
0xbd: {  	v8 =	vmax.f32 v8, v31;
	v0 =	vadd.f32 v0, v36  }
0xbe: {  	v8 =	vmax.f32 v8, v32;
	v37 =	vpop (erf)  }
0xbf: {  	v8 =	vmax.f32 v8, v35;
	v0 =	vadd.f32 v0, v37  }
0xc0: {  	v2 =	vsub.f32 v61, v8;
	v38 =	vpop (erf)  }
0xc1: {  	v3 =	vsub.f32 v63, v8;
	v0 =	vadd.f32 v0, v38  }
0xc2: {  	v2 =	vmul.f32 $1.442695020e+00, v2  }
0xc3: {  	v41 =	vsub.f32 v15, v8;
	v39 =	vmul.f32 $1.442695020e+00, v3;
	(erf) = vrcp.f32 v0  }
0xc4: {  	(erf) = vpow2.f32 v2  }
0xc5: {  	v43 =	vsub.f32 v17, v8;
	v42 =	vmul.f32 $1.442695020e+00, v41;
	(erf) = vpow2.f32 v39;
	_ =	sdelay $0x1  }
0xc6: {  	[tilespmem:$0x1FAD0] =	vst v44;
	v1 =	vsub.f32 v29, v8;
	v44 =	vmul.f32 $1.442695020e+00, v43;
	(erf) = vpow2.f32 v42;
	_ =	sdelay $0x1  }
0xc7: {  	[tilespmem:$0x1FAE0] =	vst v46;
	v46 =	vsub.f32 v31, v8;
	v45 =	vmul.f32 $1.442695020e+00, v1;
	(erf) = vpow2.f32 v44;
	_ =	sdelay $0x1  }
0xc8: {  	[tilespmem:$0x1FAF0] =	vst v47;
	v52 =	vsub.f32 v32, v8;
	v47 =	vmul.f32 $1.442695020e+00, v46;
	(erf) = vpow2.f32 v45  }
0xc9: {  	[tilespmem:$0x1FB00] =	vst v48;
	v48 =	vpop (erf)  }
0xca: {  	v55 =	vsub.f32 v35, v8;
	v54 =	vmul.f32 $1.442695020e+00, v52;
	v56 =	vld [tilespmem:$0x400];
	v53 =	vpop (erf);
	(erf) = vpow2.f32 v47  }
0xcb: {  	[tilespmem:$0x1FB10] =	vst v58;
	v58 =	vld [tilespmem:$0x480];
	v57 =	vpop (erf)  }
0xcc: {  	v61 =	vld [tilespmem:$0x500];
	v59 =	vmul.f32 $1.442695020e+00, v55;
	(erf) = vpow2.f32 v54;
	v60 =	vadd.f32 v57, v53  }
0xcd: {  	v63 =	vld [tilespmem:$0x580];
	[tilespmem:$0x1FB20] =	vst v62;
	v62 =	vpop (erf)  }
0xce: {  	v12 =	vld [tilespmem:$0x600];
	(erf) = vpow2.f32 v59;
	v11 =	vadd.f32 v60, v62  }
0xcf: {  	[tilespmem:$0x1FB30] =	vst v16;
	v16 =	vld [tilespmem:$0x680];
	v15 =	vpop (erf)  }
0xd0: {  	v17 =	vld [tilespmem:$0x700];
	v26 =	vmax.f32 v56, v58;
	v0 =	vadd.f32 v11, v15  }
0xd1: {  	[tilespmem:$0x1FB40] =	vst v30;
	v30 =	vld [tilespmem:$0x780];
	v8 =	vmax.f32 v26, v61;
	v29 =	vpop (erf)  }
0xd2: {  	v8 =	vmax.f32 v8, v63;
	v0 =	vadd.f32 v0, v29  }
0xd3: {  	v8 =	vmax.f32 v8, v12;
	v31 =	vpop (erf)  }
0xd4: {  	v8 =	vmax.f32 v8, v16;
	v0 =	vadd.f32 v0, v31  }
0xd5: {  	v8 =	vmax.f32 v8, v17;
	v32 =	vpop (erf)  }
0xd6: {  	v8 =	vmax.f32 v8, v30;
	v0 =	vadd.f32 v0, v32  }
0xd7: {  	v2 =	vsub.f32 v56, v8;
	v33 =	vpop (erf)  }
0xd8: {  	v3 =	vsub.f32 v58, v8;
	v0 =	vadd.f32 v0, v33  }
0xd9: {  	[tilespmem:$0x1100] =	vst v7;
	v2 =	vmul.f32 $1.442695020e+00, v2  }
0xda: {  	[tilespmem:$0x1FB50] =	vst v34;
	v35 =	vsub.f32 v61, v8;
	v34 =	vmul.f32 $1.442695020e+00, v3;
	(erf) = vrcp.f32 v0  }
0xdb: {  	[tilespmem:$0x1FB70] =	vst v37;
	v37 =	vsub.f32 v63, v8;
	(erf) = vpow2.f32 v2  }
0xdc: {  	[tilespmem:$0x1FB60] =	vst v36;
	v1 =	vsub.f32 v12, v8;
	v36 =	vmul.f32 $1.442695020e+00, v35;
	(erf) = vpow2.f32 v34  }
0xdd: {  	[tilespmem:$0x1FB80] =	vst v38;
	v38 =	vmul.f32 $1.442695020e+00, v37  }
0xde: {  	v39 =	vmul.f32 $1.442695020e+00, v1;
	[tilespmem:$0x1FB90] =	vst v53;
	(erf) = vpow2.f32 v36  }
0xdf: {  	[tilespmem:$0x1FBA0] =	vst v57;
	(erf) = vpow2.f32 v38  }
0xe0: {  	v41 =	vsub.f32 v16, v8;
	[tilespmem:$0x1FBB0] =	vst v62;
	(erf) = vpow2.f32 v39  }
0xe1: {  	[tilespmem:$0x1FBC0] =	vst v15  }
0xe2: {  	v43 =	vsub.f32 v17, v8;
	v42 =	vmul.f32 $1.442695020e+00, v41;
	[tilespmem:$0x1FBD0] =	vst v29  }
0xe3: {  	[tilespmem:$0x1FBE0] =	vst v31;
	v55 =	vpop (erf)  }
0xe4: {  	v50 =	vld [tilespmem:$0x490];
	v46 =	vsub.f32 v30, v8;
	v45 =	vmul.f32 $1.442695020e+00, v43;
	[tilespmem:$0x1FBF0] =	vst v32;
	v44 =	vpop (erf);
	(erf) = vpow2.f32 v42  }
0xe5: {  	v47 =	vld [tilespmem:$0x410];
	[tilespmem:$0x1FC00] =	vst v33;
	v49 =	vpop (erf)  }
0xe6: {  	v51 =	vmul.f32 $1.442695020e+00, v46;
	v53 =	vld [tilespmem:$0x510];
	[tilespmem:$0x1FC10] =	vst v44;
	(erf) = vpow2.f32 v45;
	v52 =	vadd.f32 v49, v44  }
0xe7: {  	v56 =	vld [tilespmem:$0x590];
	[tilespmem:$0x1FC20] =	vst v49;
	v54 =	vpop (erf)  }
0xe8: {  	v58 =	vld [tilespmem:$0x610];
	(erf) = vpow2.f32 v51;
	[tilespmem:$0x1FC30] =	vst v54;
	v59 =	vpop (erf);
	v57 =	vadd.f32 v52, v54  }
0xe9: {  	v60 =	vld [tilespmem:$0x690];
	[tilespmem:$0x1FC40] =	vst v59;
	v63 =	vpop (erf)  }
0xea: {  	v61 =	vld [tilespmem:$0x710];
	v62 =	vmax.f32 v47, v50;
	[tilespmem:$0x1FC50] =	vst v63;
	v0 =	vadd.f32 v57, v59  }
0xeb: {  	v8 =	vmax.f32 v62, v53;
	v12 =	vld [tilespmem:$0x790]  }
0xec: {  	v8 =	vmax.f32 v8, v56;
	v0 =	vadd.f32 v0, v63  }
0xed: {  	v8 =	vmax.f32 v8, v58;
	v15 =	vpop (erf)  }
0xee: {  	v8 =	vmax.f32 v8, v60;
	v0 =	vadd.f32 v0, v15  }
0xef: {  	v8 =	vmax.f32 v8, v61;
	v16 =	vpop (erf)  }
0xf0: {  	v8 =	vmax.f32 v8, v12;
	v0 =	vadd.f32 v0, v16  }
0xf1: {  	v17 =	vpop (erf);
	v2 =	vsub.f32 v47, v8  }
0xf2: {  	v3 =	vsub.f32 v50, v8;
	v0 =	vadd.f32 v0, v17  }
0xf3: {  	v2 =	vmul.f32 $1.442695020e+00, v2  }
0xf4: {  	v29 =	vsub.f32 v53, v8;
	v26 =	vmul.f32 $1.442695020e+00, v3;
	(erf) = vrcp.f32 v0  }
0xf5: {  	(erf) = vpow2.f32 v2  }
0xf6: {  	v31 =	vsub.f32 v56, v8;
	v30 =	vmul.f32 $1.442695020e+00, v29;
	(erf) = vpow2.f32 v26;
	_ =	sdelay $0x1  }
0xf7: {  	v1 =	vsub.f32 v58, v8;
	v32 =	vmul.f32 $1.442695020e+00, v31;
	(erf) = vpow2.f32 v30;
	_ =	sdelay $0x1  }
0xf8: {  	v34 =	vsub.f32 v60, v8;
	v33 =	vmul.f32 $1.442695020e+00, v1;
	(erf) = vpow2.f32 v32;
	_ =	sdelay $0x1  }
0xf9: {  	v36 =	vsub.f32 v61, v8;
	v35 =	vmul.f32 $1.442695020e+00, v34;
	(erf) = vpow2.f32 v33  }
0xfa: {  	v63 =	vpop (erf)  }
0xfb: {  	v38 =	vld [tilespmem:$0x420];
	v37 =	vsub.f32 v12, v8;
	v1 =	vmul.f32 $1.442695020e+00, v36;
	(erf) = vpow2.f32 v35;
	v62 =	vpop (erf)  }
0xfc: {  	v41 =	vld [tilespmem:$0x4A0];
	v39 =	vpop (erf)  }
0xfd: {  	v50 =	vld [tilespmem:$0x520];
	v0 =	vmul.f32 $1.442695020e+00, v37;
	(erf) = vpow2.f32 v1;
	v49 =	vadd.f32 v39, v62  }
0xfe: {  	v51 =	vld [tilespmem:$0x5A0];
	v46 =	vpop (erf)  }
0xff: {  	v53 =	vld [tilespmem:$0x620];
	(erf) = vpow2.f32 v0;
	v52 =	vadd.f32 v49, v46  }
0x100: {  	v56 =	vld [tilespmem:$0x6A0];
	v54 =	vpop (erf)  }
0x101: {  	v57 =	vld [tilespmem:$0x720];
	v58 =	vmax.f32 v38, v41;
	v0 =	vadd.f32 v52, v54  }
0x102: {  	v59 =	vld [tilespmem:$0x7A0];
	v8 =	vmax.f32 v58, v50;
	v44 =	vpop (erf)  }
0x103: {  	v8 =	vmax.f32 v8, v51;
	v0 =	vadd.f32 v0, v44  }
0x104: {  	v8 =	vmax.f32 v8, v53;
	v61 =	vpop (erf)  }
0x105: {  	v8 =	vmax.f32 v8, v56;
	v0 =	vadd.f32 v0, v61  }
0x106: {  	v8 =	vmax.f32 v8, v57;
	v45 =	vpop (erf)  }
0x107: {  	v8 =	vmax.f32 v8, v59;
	v0 =	vadd.f32 v0, v45  }
0x108: {  	v2 =	vsub.f32 v38, v8;
	v60 =	vpop (erf)  }
0x109: {  	v3 =	vsub.f32 v41, v8;
	v0 =	vadd.f32 v0, v60  }
0x10a: {  	v2 =	vmul.f32 $1.442695020e+00, v2  }
0x10b: {  	[tilespmem:$0x1FC60] =	vst v15;
	v15 =	vsub.f32 v50, v8;
	v12 =	vmul.f32 $1.442695020e+00, v3;
	(erf) = vrcp.f32 v0  }
0x10c: {  	[tilespmem:$0x1FC70] =	vst v16;
	(erf) = vpow2.f32 v2  }
0x10d: {  	[tilespmem:$0x1FC80] =	vst v17;
	v17 =	vsub.f32 v51, v8;
	v16 =	vmul.f32 $1.442695020e+00, v15;
	(erf) = vpow2.f32 v12;
	_ =	sdelay $0x1  }
0x10e: {  	v26 =	vmul.f32 $1.442695020e+00, v17;
	v1 =	vsub.f32 v53, v8;
	(erf) = vpow2.f32 v16;
	_ =	sdelay $0x1  }
0x10f: {  	v30 =	vsub.f32 v56, v8;
	v29 =	vmul.f32 $1.442695020e+00, v1;
	(erf) = vpow2.f32 v26;
	_ =	sdelay $0x1  }
0x110: {  	v32 =	vsub.f32 v57, v8;
	v31 =	vmul.f32 $1.442695020e+00, v30;
	(erf) = vpow2.f32 v29  }
0x111: {  	v17 =	vpop (erf)  }
0x112: {  	v34 =	vld [tilespmem:$0x430];
	v33 =	vsub.f32 v59, v8;
	v1 =	vmul.f32 $1.442695020e+00, v32;
	(erf) = vpow2.f32 v31;
	v38 =	vpop (erf)  }
0x113: {  	v35 =	vld [tilespmem:$0x4B0];
	[tilespmem:$0x1FCB0] =	vst v60;
	v60 =	vpop (erf)  }
0x114: {  	v47 =	vld [tilespmem:$0x530];
	v0 =	vmul.f32 $1.442695020e+00, v33;
	(erf) = vpow2.f32 v1;
	v43 =	vadd.f32 v60, v38  }
0x115: {  	v49 =	vld [tilespmem:$0x5B0];
	v59 =	vpop (erf)  }
0x116: {  	v51 =	vld [tilespmem:$0x630];
	(erf) = vpow2.f32 v0;
	v50 =	vadd.f32 v43, v59  }
0x117: {  	v52 =	vld [tilespmem:$0x6B0];
	v41 =	vpop (erf)  }
0x118: {  	v53 =	vld [tilespmem:$0x730];
	v3 =	vmax.f32 v34, v35;
	v0 =	vadd.f32 v50, v41  }
0x119: {  	v9 =	vmax.f32 v3, v47;
	v12 =	vld [tilespmem:$0x7B0];
	v58 =	vpop (erf)  }
0x11a: {  	v9 =	vmax.f32 v9, v49;
	v0 =	vadd.f32 v0, v58  }
0x11b: {  	v9 =	vmax.f32 v9, v51;
	v37 =	vpop (erf)  }
0x11c: {  	v9 =	vmax.f32 v9, v52;
	v0 =	vadd.f32 v0, v37  }
0x11d: {  	v9 =	vmax.f32 v9, v53;
	v56 =	vpop (erf)  }
0x11e: {  	v9 =	vmax.f32 v9, v12;
	v0 =	vadd.f32 v0, v56  }
0x11f: {  	v2 =	vsub.f32 v34, v9;
	v57 =	vpop (erf)  }
0x120: {  	v4 =	vsub.f32 v35, v9;
	v0 =	vadd.f32 v0, v57  }
0x121: {  	v2 =	vmul.f32 $1.442695020e+00, v2  }
0x122: {  	v29 =	vsub.f32 v47, v9;
	v26 =	vmul.f32 $1.442695020e+00, v4;
	(erf) = vrcp.f32 v0  }
0x123: {  	(erf) = vpow2.f32 v2  }
0x124: {  	v31 =	vsub.f32 v49, v9;
	v30 =	vmul.f32 $1.442695020e+00, v29;
	(erf) = vpow2.f32 v26;
	_ =	sdelay $0x1  }
0x125: {  	v32 =	vmul.f32 $1.442695020e+00, v31;
	v1 =	vsub.f32 v51, v9;
	(erf) = vpow2.f32 v30;
	_ =	sdelay $0x1  }
0x126: {  	v34 =	vsub.f32 v52, v9;
	v33 =	vmul.f32 $1.442695020e+00, v1;
	(erf) = vpow2.f32 v32;
	_ =	sdelay $0x1  }
0x127: {  	v36 =	vsub.f32 v53, v9;
	v35 =	vmul.f32 $1.442695020e+00, v34;
	(erf) = vpow2.f32 v33  }
0x128: {  	v16 =	vpop (erf)  }
0x129: {  	v42 =	vld [tilespmem:$0x440];
	[tilespmem:$0x1FC90] =	vst v39;
	v39 =	vsub.f32 v12, v9;
	v1 =	vmul.f32 $1.442695020e+00, v36;
	(erf) = vpow2.f32 v35;
	v53 =	vpop (erf)  }
0x12a: {  	[tilespmem:$0x1FCA0] =	vst v54;
	v43 =	vld [tilespmem:$0x4C0];
	v54 =	vpop (erf)  }
0x12b: {  	v12 =	vld [tilespmem:$0x540];
	v0 =	vmul.f32 $1.442695020e+00, v39;
	(erf) = vpow2.f32 v1;
	v11 =	vadd.f32 v54, v53  }
0x12c: {  	v15 =	vld [tilespmem:$0x5C0];
	v52 =	vpop (erf)  }
0x12d: {  	v32 =	vld [tilespmem:$0x640];
	(erf) = vpow2.f32 v0;
	v26 =	vadd.f32 v11, v52  }
0x12e: {  	v33 =	vld [tilespmem:$0x6C0];
	v29 =	vpop (erf)  }
0x12f: {  	v34 =	vld [tilespmem:$0x740];
	v35 =	vmax.f32 v42, v43;
	v0 =	vadd.f32 v26, v29  }
0x130: {  	v36 =	vld [tilespmem:$0x7C0];
	v10 =	vmax.f32 v35, v12;
	v49 =	vpop (erf)  }
0x131: {  	v10 =	vmax.f32 v10, v15;
	v0 =	vadd.f32 v0, v49  }
0x132: {  	v10 =	vmax.f32 v10, v32;
	v47 =	vpop (erf)  }
0x133: {  	v10 =	vmax.f32 v10, v33;
	v0 =	vadd.f32 v0, v47  }
0x134: {  	v10 =	vmax.f32 v10, v34;
	v50 =	vpop (erf)  }
0x135: {  	v10 =	vmax.f32 v10, v36;
	v0 =	vadd.f32 v0, v50  }
0x136: {  	v4 =	vsub.f32 v42, v10;
	v51 =	vpop (erf)  }
0x137: {  	v5 =	vsub.f32 v43, v10;
	v0 =	vadd.f32 v0, v51  }
0x138: {  	v4 =	vmul.f32 $1.442695020e+00, v4  }
0x139: {  	v42 =	vsub.f32 v12, v10;
	v39 =	vmul.f32 $1.442695020e+00, v5;
	(erf) = vrcp.f32 v0  }
0x13a: {  	(erf) = vpow2.f32 v4  }
0x13b: {  	v2 =	vsub.f32 v15, v10;
	v43 =	vmul.f32 $1.442695020e+00, v42;
	(erf) = vpow2.f32 v39;
	_ =	sdelay $0x1  }
0x13c: {  	v1 =	vsub.f32 v32, v10;
	v5 =	vmul.f32 $1.442695020e+00, v2;
	(erf) = vpow2.f32 v43;
	_ =	sdelay $0x1  }
0x13d: {  	v7 =	vsub.f32 v33, v10;
	v6 =	vmul.f32 $1.442695020e+00, v1;
	(erf) = vpow2.f32 v5;
	_ =	sdelay $0x1  }
0x13e: {  	v9 =	vsub.f32 v34, v10;
	v8 =	vmul.f32 $1.442695020e+00, v7;
	(erf) = vpow2.f32 v6  }
0x13f: {  	v15 =	vpop (erf)  }
0x140: {  	v12 =	vsub.f32 v36, v10;
	v26 =	vld [tilespmem:$0x4D0];
	v4 =	vmul.f32 $1.442695020e+00, v9;
	(erf) = vpow2.f32 v8;
	v39 =	vpop (erf)  }
0x141: {  	v5 =	vld [tilespmem:$0x450];
	v43 =	vpop (erf)  }
0x142: {  	v7 =	vld [tilespmem:$0x550];
	v0 =	vmul.f32 $1.442695020e+00, v12;
	(erf) = vpow2.f32 v4;
	v34 =	vadd.f32 v43, v39  }
0x143: {  	v8 =	vld [tilespmem:$0x5D0];
	v36 =	vpop (erf)  }
0x144: {  	v4 =	vld [tilespmem:$0x650];
	(erf) = vpow2.f32 v0;
	v35 =	vadd.f32 v34, v36  }
0x145: {  	v9 =	vld [tilespmem:$0x6D0];
	v42 =	vpop (erf)  }
0x146: {  	v10 =	vld [tilespmem:$0x750];
	v12 =	vmax.f32 v5, v26;
	v0 =	vadd.f32 v35, v42  }
0x147: {  	v11 =	vmax.f32 v12, v7;
	v12 =	vld [tilespmem:$0x7D0];
	v33 =	vpop (erf)  }
0x148: {  	v11 =	vmax.f32 v11, v8;
	v0 =	vadd.f32 v0, v33  }
0x149: {  	v11 =	vmax.f32 v11, v4;
	v34 =	vpop (erf)  }
0x14a: {  	v11 =	vmax.f32 v11, v9;
	v0 =	vadd.f32 v0, v34  }
0x14b: {  	v11 =	vmax.f32 v11, v10;
	v32 =	vpop (erf)  }
0x14c: {  	v11 =	vmax.f32 v11, v12;
	v0 =	vadd.f32 v0, v32  }
0x14d: {  	v14 =	vmul.f32 v13, v14;
	v5 =	vsub.f32 v5, v11;
	v35 =	vpop (erf)  }
0x14e: {  	v18 =	vmul.f32 v13, v18;
	v6 =	vsub.f32 v26, v11;
	v0 =	vadd.f32 v0, v35  }
0x14f: {  	v1 =	vsub.f32 v12, v11;
	v12 =	vmul.f32 v13, v22;
	v5 =	vmul.f32 $1.442695020e+00, v5  }
0x150: {  	v30 =	vsub.f32 v7, v11;
	v26 =	vmul.f32 $1.442695020e+00, v6;
	(erf) = vrcp.f32 v0  }
0x151: {  	v2 =	vsub.f32 v8, v11;
	v22 =	vmul.f32 v13, v21;
	(erf) = vpow2.f32 v5  }
0x152: {  	v31 =	vmul.f32 $1.442695020e+00, v30;
	(erf) = vpow2.f32 v26  }
0x153: {  	v3 =	vld [tilespmem:$0x760];
	v8 =	vmul.f32 $1.442695020e+00, v2;
	v30 =	vmul.f32 v13, v24  }
0x154: {  	v4 =	vsub.f32 v4, v11;
	v7 =	vld [tilespmem:$0x1F9E0];
	v2 =	vmul.f32 v13, v23;
	(erf) = vpow2.f32 v31  }
0x155: {  	v9 =	vsub.f32 v9, v11;
	[tilespmem:$0x1220] =	vst v12;
	v12 =	vmul.f32 v13, v20;
	v0 =	vmul.f32 v13, v27;
	v13 =	vld [tilespmem:$0x1F9B0]  }
0x156: {  	[tilespmem:$0x1020] =	vst v14;
	v6 =	vmul.f32 $1.442695020e+00, v1;
	v1 =	vld [tilespmem:$0x560];
	(erf) = vpow2.f32 v8  }
0x157: {  	v4 =	vmul.f32 $1.442695020e+00, v4;
	[tilespmem:$0x12A0] =	vst v22;
	v22 =	vld [tilespmem:$0x1F9A0];
	v26 =	vsub.f32 v10, v11;
	v31 =	vmul.f32 $1.442695020e+00, v9  }
0x158: {  	[tilespmem:$0x11A0] =	vst v2;
	v2 =	vld [tilespmem:$0x5E0]  }
0x159: {  	[tilespmem:$0x13A0] =	vst v18;
	v5 =	vmul.f32 $1.442695020e+00, v26;
	v8 =	vld [tilespmem:$0x460];
	(erf) = vpow2.f32 v4;
	v14 =	vpop (erf)  }
0x15a: {  	[tilespmem:$0x10A0] =	vst v30;
	v18 =	vmul.f32 v19, v13;
	v13 =	vld [tilespmem:$0x1F9F0];
	(erf) = vpow2.f32 v31;
	v30 =	vpop (erf)  }
0x15b: {  	(erf) = vpow2.f32 v5;
	v5 =	vld [tilespmem:$0x4E0];
	v31 =	vpop (erf)  }
0x15c: {  	v10 =	vld [tilespmem:$0x6E0];
	v23 =	vadd.f32 v31, v30  }
0x15d: {  	v9 =	vld [tilespmem:$0x660];
	v27 =	vpop (erf)  }
0x15e: {  	v20 =	vadd.f32 v23, v27;
	v23 =	vmul.f32 v19, v22;
	v22 =	vld [tilespmem:$0x1F9D0]  }
0x15f: {  	v21 =	vmul.f32 v19, v25;
	[tilespmem:$0x1130] =	vst v18;
	v18 =	vmul.f32 v19, v13;
	v13 =	vld [tilespmem:$0x1FA00];
	v26 =	vpop (erf)  }
0x160: {  	[tilespmem:$0x1320] =	vst v12;
	(erf) = vpow2.f32 v6;
	v12 =	vmax.f32 v8, v5;
	v6 =	vadd.f32 v20, v26;
	v20 =	vld [tilespmem:$0x1F9C0]  }
0x161: {  	[tilespmem:$0x1030] =	vst v21;
	v11 =	vmax.f32 v12, v1;
	v12 =	vld [tilespmem:$0x7E0]  }
0x162: {  	v7 =	vmul.f32 v19, v7;
	[tilespmem:$0x1330] =	vst v18;
	v11 =	vmax.f32 v11, v2  }
0x163: {  	v18 =	vld [tilespmem:$0x1FA10];
	v25 =	vpop (erf);
	[tilespmem:$0x10B0] =	vst v23;
	v11 =	vmax.f32 v11, v9;
	v23 =	vmul.f32 v19, v22  }
0x164: {  	[tilespmem:$0x12B0] =	vst v7;
	v7 =	vmul.f32 v19, v13;
	v13 =	vld [tilespmem:$0x1FA60];
	v6 =	vadd.f32 v6, v25;
	v11 =	vmax.f32 v11, v10  }
0x165: {  	[tilespmem:$0x1120] =	vst v0;
	v24 =	vpop (erf);
	v11 =	vmax.f32 v11, v3;
	v21 =	vmul.f32 v19, v20;
	v19 =	vld [tilespmem:$0x1FA20]  }
0x166: {  	v6 =	vadd.f32 v6, v24;
	[tilespmem:$0x1230] =	vst v23;
	v0 =	vmax.f32 v11, v12;
	v20 =	vld [tilespmem:$0x1FA30]  }
0x167: {  	v8 =	vsub.f32 v8, v0;
	v5 =	vsub.f32 v5, v0;
	[tilespmem:$0x11B0] =	vst v21;
	v23 =	vpop (erf);
	v21 =	vld [tilespmem:$0x1FA40]  }
0x168: {  	v4 =	vmul.f32 v28, v18;
	v11 =	vld [tilespmem:$0x1FA50];
	v1 =	vsub.f32 v1, v0;
	v6 =	vadd.f32 v6, v23  }
0x169: {  	v18 =	vld [tilespmem:$0x1FA70];
	v2 =	vsub.f32 v2, v0;
	v22 =	vpop (erf);
	v8 =	vmul.f32 $1.442695020e+00, v8;
	v5 =	vmul.f32 $1.442695020e+00, v5  }
0x16a: {  	[tilespmem:$0x13B0] =	vst v7;
	v1 =	vmul.f32 $1.442695020e+00, v1;
	v7 =	vmul.f32 v28, v19;
	v6 =	vadd.f32 v6, v22;
	v19 =	vld [tilespmem:$0x1FA80]  }
0x16b: {  	[tilespmem:$0x1040] =	vst v4;
	v3 =	vsub.f32 v3, v0;
	v2 =	vmul.f32 $1.442695020e+00, v2;
	v4 =	vmul.f32 v28, v20;
	v20 =	vld [tilespmem:$0x1FA90]  }
0x16c: {  	(erf) = vrcp.f32 v6;
	v6 =	vmul.f32 v28, v21;
	v21 =	vsub.f32 v9, v0;
	v9 =	vld [tilespmem:$0x1FAC0]  }
0x16d: {  	[tilespmem:$0x1140] =	vst v4;
	v4 =	vmul.f32 v28, v11;
	(erf) = vpow2.f32 v8;
	v8 =	vld [tilespmem:$0x1FAB0]  }
0x16e: {  	v3 =	vmul.f32 $1.442695020e+00, v3;
	[tilespmem:$0x11C0] =	vst v6;
	v6 =	vmul.f32 v28, v13;
	v13 =	vld [tilespmem:$0x1FAD0]  }
0x16f: {  	[tilespmem:$0x1240] =	vst v4;
	v4 =	vmul.f32 v28, v18;
	(erf) = vpow2.f32 v5;
	v18 =	vld [tilespmem:$0x1FAE0]  }
0x170: {  	v11 =	vsub.f32 v10, v0;
	(erf) = vpow2.f32 v1;
	[tilespmem:$0x12C0] =	vst v6;
	v6 =	vmul.f32 v28, v19;
	v28 =	vld [tilespmem:$0x1FAA0]  }
0x171: {  	v0 =	vsub.f32 v12, v0;
	v1 =	vmul.f32 v40, v20;
	[tilespmem:$0x1340] =	vst v4;
	v4 =	vmul.f32 $1.442695020e+00, v21;
	v21 =	vld [tilespmem:$0x1FB00]  }
0x172: {  	v20 =	vld [tilespmem:$0x1FAF0];
	(erf) = vpow2.f32 v2;
	v2 =	vmul.f32 v40, v9  }
0x173: {  	v0 =	vmul.f32 $1.442695020e+00, v0;
	[tilespmem:$0x1050] =	vst v1;
	v1 =	vmul.f32 v40, v8  }
0x174: {  	v19 =	vmul.f32 $1.442695020e+00, v11;
	v11 =	vld [tilespmem:$0x1FB40];
	[tilespmem:$0x11D0] =	vst v2;
	v2 =	vmul.f32 v40, v18  }
0x175: {  	(erf) = vpow2.f32 v4;
	[tilespmem:$0x1150] =	vst v1;
	v1 =	vmul.f32 v40, v13  }
0x176: {  	v5 =	vmul.f32 v40, v28;
	v28 =	vpop (erf);
	[tilespmem:$0x12D0] =	vst v2;
	v2 =	vmul.f32 v40, v21  }
0x177: {  	(erf) = vpow2.f32 v19;
	[tilespmem:$0x1250] =	vst v1;
	v1 =	vmul.f32 v40, v20;
	v40 =	vpop (erf)  }
0x178: {  	(erf) = vpow2.f32 v3;
	[tilespmem:$0x10D0] =	vst v5;
	v5 =	vld [tilespmem:$0x1FB10];
	v21 =	vpop (erf)  }
0x179: {  	v20 =	vpop (erf);
	(erf) = vpow2.f32 v0;
	v0 =	vmul.f32 v48, v11;
	v11 =	vld [tilespmem:$0x1FB60]  }
0x17a: {  	v9 =	vld [tilespmem:$0x1FB30];
	_ =	sdelay $0x2  }
0x17b: {  	[tilespmem:$0x1350] =	vst v1;
	v1 =	vmul.f32 v48, v5  }
0x17c: {  	[tilespmem:$0x11E0] =	vst v0;
	v0 =	vmul.f32 v48, v11;
	v11 =	vld [tilespmem:$0x1FB80]  }
0x17d: {  	[tilespmem:$0x1060] =	vst v1;
	v1 =	vmul.f32 v48, v9;
	v9 =	vld [tilespmem:$0x1FB50];
	_ =	sdelay $0x2  }
0x17e: {  	[tilespmem:$0x13C0] =	vst v6;
	v6 =	vld [tilespmem:$0x1FB20]  }
0x17f: {  	v10 =	vld [tilespmem:$0x470];
	[tilespmem:$0x12E0] =	vst v0;
	v0 =	vmul.f32 v48, v11  }
0x180: {  	[tilespmem:$0x1160] =	vst v1;
	v1 =	vmul.f32 v48, v9;
	v9 =	vld [tilespmem:$0x1FB70]  }
0x181: {  	[tilespmem:$0x13E0] =	vst v0;
	v0 =	vld [tilespmem:$0x1FBA0]  }
0x182: {  	[tilespmem:$0x10C0] =	vst v7;
	v12 =	vld [tilespmem:$0x4F0];
	v7 =	vadd.f32 v21, v40  }
0x183: {  	[tilespmem:$0x13D0] =	vst v2;
	v2 =	vmul.f32 v48, v6;
	v6 =	vld [tilespmem:$0x5F0]  }
0x184: {  	v13 =	vadd.f32 v7, v20;
	v5 =	vld [tilespmem:$0x570]  }
0x185: {  	[tilespmem:$0x10E0] =	vst v2;
	v19 =	vpop (erf);
	v7 =	vld [tilespmem:$0x670]  }
0x186: {  	v13 =	vadd.f32 v13, v19;
	[tilespmem:$0x1260] =	vst v1;
	v1 =	vmul.f32 v48, v9;
	v48 =	vld [tilespmem:$0x1FB90];
	v2 =	vmul.f32 v55, v0  }
0x187: {  	v18 =	vpop (erf);
	v0 =	vld [tilespmem:$0x1FBB0]  }
0x188: {  	v4 =	vadd.f32 v13, v18;
	v13 =	vmax.f32 v10, v12;
	[tilespmem:$0x10F0] =	vst v2;
	v2 =	vld [tilespmem:$0x1FBC0]  }
0x189: {  	v8 =	vmax.f32 v13, v5  }
0x18a: {  	v8 =	vmax.f32 v8, v6  }
0x18b: {  	[tilespmem:$0x1360] =	vst v1;
	v1 =	vmul.f32 v55, v48;
	v48 =	vpop (erf)  }
0x18c: {  	v4 =	vadd.f32 v4, v48  }
0x18d: {  	[tilespmem:$0x1070] =	vst v1;
	v1 =	vmul.f32 v55, v0;
	v0 =	vmax.f32 v8, v7;
	v8 =	vpop (erf);
	v2 =	vmul.f32 v55, v2  }
0x18e: {  	v3 =	vadd.f32 v4, v8;
	v4 =	vld [tilespmem:$0x1FBD0]  }
0x18f: {  	[tilespmem:$0x11F0] =	vst v2;
	v2 =	vld [tilespmem:$0x1FBE0];
	_ =	sdelay $0x2  }
0x190: {  	v9 =	vld [tilespmem:$0x6F0]  }
0x191: {  	v11 =	vld [tilespmem:$0x770];
	[tilespmem:$0x1170] =	vst v1;
	v1 =	vmul.f32 v55, v4  }
0x192: {  	v13 =	vld [tilespmem:$0x7F0];
	v2 =	vmul.f32 v55, v2  }
0x193: {  	[tilespmem:$0x1270] =	vst v1;
	v1 =	vld [tilespmem:$0x1FBF0]  }
0x194: {  	[tilespmem:$0x12F0] =	vst v2;
	v2 =	vld [tilespmem:$0x1FC00]  }
0x195: {  	v0 =	vmax.f32 v0, v9  }
0x196: {  	v0 =	vmax.f32 v0, v11  }
0x197: {  	v0 =	vmax.f32 v0, v13;
	v4 =	vpop (erf)  }
0x198: {  	v10 =	vsub.f32 v10, v0;
	v3 =	vadd.f32 v3, v4  }
0x199: {  	v1 =	vmul.f32 v55, v1;
	v2 =	vmul.f32 v55, v2;
	v55 =	vld [tilespmem:$0x1FC20]  }
0x19a: {  	v10 =	vmul.f32 $1.442695020e+00, v10;
	(erf) = vrcp.f32 v3;
	v3 =	vsub.f32 v12, v0;
	v12 =	vld [tilespmem:$0x1FC10];
	_ =	sdelay $0x1  }
0x19b: {  	(erf) = vpow2.f32 v10;
	v10 =	vld [tilespmem:$0x1FC30];
	_ =	sdelay $0x1  }
0x19c: {  	[tilespmem:$0x13F0] =	vst v2;
	v2 =	vmul.f32 v63, v55;
	v55 =	vld [tilespmem:$0x1FC50]  }
0x19d: {  	[tilespmem:$0x1370] =	vst v1;
	v1 =	vmul.f32 v63, v12;
	_ =	sdelay $0x1  }
0x19e: {  	v12 =	vld [tilespmem:$0x1FC40];
	[tilespmem:$0x1400] =	vst v1;
	v1 =	vmul.f32 v63, v10;
	_ =	sdelay $0x1  }
0x19f: {  	[tilespmem:$0x1500] =	vst v1;
	v1 =	vmul.f32 v63, v55;
	v55 =	vld [tilespmem:$0x1FC70];
	_ =	sdelay $0x2  }
0x1a0: {  	[tilespmem:$0x1480] =	vst v2;
	v2 =	vmul.f32 v63, v12;
	v12 =	vld [tilespmem:$0x1FC60]  }
0x1a1: {  	v5 =	vsub.f32 v5, v0;
	v3 =	vmul.f32 $1.442695020e+00, v3  }
0x1a2: {  	v10 =	vsub.f32 v6, v0;
	v6 =	vmul.f32 v63, v55;
	v55 =	vld [tilespmem:$0x1FC80]  }
0x1a3: {  	(erf) = vpow2.f32 v3;
	v3 =	vmul.f32 $1.442695020e+00, v5  }
0x1a4: {  	v10 =	vmul.f32 $1.442695020e+00, v10  }
0x1a5: {  	(erf) = vpow2.f32 v3;
	[tilespmem:$0x1580] =	vst v2;
	v2 =	vmul.f32 v63, v12;
	v12 =	vsub.f32 v7, v0  }
0x1a6: {  	v62 =	vmul.f32 v17, v62;
	(erf) = vpow2.f32 v10;
	v10 =	vsub.f32 v9, v0  }
0x1a7: {  	[tilespmem:$0x1680] =	vst v2;
	v2 =	vmul.f32 v63, v55;
	v63 =	vmul.f32 $1.442695020e+00, v12;
	v12 =	vld [tilespmem:$0x1FC90]  }
0x1a8: {  	[tilespmem:$0x1410] =	vst v62;
	v62 =	vmul.f32 $1.442695020e+00, v10  }
0x1a9: {  	v9 =	vld [tilespmem:$0x1FCA0];
	v10 =	vmul.f32 v17, v44;
	(erf) = vpow2.f32 v63  }
0x1aa: {  	v55 =	vmul.f32 v17, v46;
	v46 =	vpop (erf);
	v63 =	vsub.f32 v11, v0;
	v0 =	vsub.f32 v13, v0  }
0x1ab: {  	v3 =	vld [tilespmem:$0x800];
	[tilespmem:$0x1610] =	vst v10;
	v44 =	vpop (erf);
	v13 =	vmul.f32 v17, v45;
	(erf) = vpow2.f32 v62  }
0x1ac: {  	[tilespmem:$0x1780] =	vst v2;
	v45 =	vpop (erf);
	v62 =	vld [tilespmem:$0x1FCB0];
	v11 =	vmul.f32 $1.442695020e+00, v63;
	v2 =	vmul.f32 v17, v12  }
0x1ad: {  	v7 =	vld [tilespmem:$0x880];
	[tilespmem:$0x1510] =	vst v55;
	v55 =	vmul.f32 $1.442695020e+00, v0;
	v12 =	vmul.f32 v17, v61;
	v61 =	vadd.f32 v45, v44  }
0x1ae: {  	(erf) = vpow2.f32 v11;
	v0 =	vpop (erf);
	[tilespmem:$0x1490] =	vst v2;
	v2 =	vmul.f32 v17, v9;
	v9 =	vld [tilespmem:$0x900]  }
0x1af: {  	v10 =	vld [tilespmem:$0x980];
	[tilespmem:$0x1710] =	vst v13;
	v13 =	vadd.f32 v61, v0  }
0x1b0: {  	v5 =	vld [tilespmem:$0xA00];
	[tilespmem:$0x1690] =	vst v12;
	v12 =	vmul.f32 v16, v38;
	(erf) = vpow2.f32 v55;
	v38 =	vpop (erf)  }
0x1b1: {  	[tilespmem:$0x1600] =	vst v1;
	v11 =	vld [tilespmem:$0xA80];
	v63 =	vmul.f32 v17, v62;
	v17 =	vmul.f32 v16, v60;
	v1 =	vadd.f32 v13, v38  }
0x1b2: {  	v55 =	vmul.f32 v16, v59;
	v59 =	vmax.f32 v3, v7;
	v60 =	vmul.f32 v16, v41;
	[tilespmem:$0x1420] =	vst v12;
	v12 =	vld [tilespmem:$0xB00];
	v41 =	vpop (erf)  }
0x1b3: {  	[tilespmem:$0x14A0] =	vst v17;
	v17 =	vld [tilespmem:$0xB80];
	v13 =	vmax.f32 v59, v9;
	v1 =	vadd.f32 v1, v41  }
0x1b4: {  	v61 =	vmul.f32 v16, v58;
	v13 =	vmax.f32 v13, v10  }
0x1b5: {  	v62 =	vmul.f32 v16, v37;
	[tilespmem:$0x1520] =	vst v55;
	v37 =	vpop (erf);
	v13 =	vmax.f32 v13, v5  }
0x1b6: {  	[tilespmem:$0x1620] =	vst v61;
	v58 =	vadd.f32 v1, v37;
	v13 =	vmax.f32 v13, v11  }
0x1b7: {  	v61 =	vmul.f32 v15, v54;
	v55 =	vmul.f32 v14, v42;
	[tilespmem:$0x1790] =	vst v63;
	v1 =	vpop (erf);
	v13 =	vmax.f32 v13, v12  }
0x1b8: {  	v63 =	vmul.f32 v16, v56;
	[tilespmem:$0x16A0] =	vst v62;
	v62 =	vadd.f32 v58, v1;
	v13 =	vmax.f32 v13, v17  }
0x1b9: {  	[tilespmem:$0x15A0] =	vst v60;
	v60 =	vmul.f32 v15, v53;
	v56 =	vmul.f32 v15, v29;
	v29 =	vpop (erf);
	v3 =	vsub.f32 v3, v13  }
0x1ba: {  	[tilespmem:$0x14B0] =	vst v61;
	v59 =	vmul.f32 v16, v57;
	v7 =	vsub.f32 v7, v13;
	v58 =	vadd.f32 v62, v29  }
0x1bb: {  	[tilespmem:$0x1720] =	vst v63;
	v63 =	vmul.f32 v15, v52;
	v3 =	vmul.f32 $1.442695020e+00, v3  }
0x1bc: {  	[tilespmem:$0x1430] =	vst v60;
	v61 =	vsub.f32 v9, v13;
	v60 =	vmul.f32 $1.442695020e+00, v7;
	(erf) = vrcp.f32 v58  }
0x1bd: {  	v57 =	vmul.f32 v15, v49;
	(erf) = vpow2.f32 v3  }
0x1be: {  	[tilespmem:$0x1530] =	vst v63;
	v10 =	vsub.f32 v10, v13;
	v63 =	vmul.f32 $1.442695020e+00, v61;
	(erf) = vpow2.f32 v60  }
0x1bf: {  	v16 =	vmul.f32 v15, v51;
	v62 =	vmul.f32 v15, v50  }
0x1c0: {  	v50 =	vsub.f32 v5, v13;
	v49 =	vmul.f32 $1.442695020e+00, v10;
	(erf) = vpow2.f32 v63  }
0x1c1: {  	v51 =	vmul.f32 v14, v43;
	[tilespmem:$0x17A0] =	vst v59;
	v59 =	vmul.f32 v15, v47  }
0x1c2: {  	[tilespmem:$0x15B0] =	vst v56;
	v54 =	vsub.f32 v11, v13;
	v53 =	vmul.f32 $1.442695020e+00, v50;
	(erf) = vpow2.f32 v49  }
0x1c3: {  	v52 =	vmul.f32 v14, v36;
	v56 =	vmul.f32 v14, v33;
	[tilespmem:$0x1630] =	vst v57  }
0x1c4: {  	[tilespmem:$0x16B0] =	vst v59;
	v57 =	vmul.f32 $1.442695020e+00, v54;
	v58 =	vsub.f32 v12, v13;
	(erf) = vpow2.f32 v53  }
0x1c5: {  	v47 =	vmul.f32 v14, v39;
	v59 =	vmul.f32 v14, v34;
	[tilespmem:$0x1730] =	vst v62;
	v62 =	vsub.f32 v17, v13;
	v9 =	vpop (erf)  }
0x1c6: {  	v61 =	vmul.f32 $1.442695020e+00, v58;
	v7 =	vpop (erf);
	(erf) = vpow2.f32 v57  }
0x1c7: {  	v60 =	vmul.f32 v14, v32;
	v13 =	vmul.f32 $1.442695020e+00, v62;
	v11 =	vpop (erf)  }
0x1c8: {  	v63 =	vmul.f32 v14, v35;
	(erf) = vpow2.f32 v61;
	v14 =	vadd.f32 v11, v7  }
0x1c9: {  	[tilespmem:$0x1700] =	vst v6;
	v12 =	vmul.f32 v28, v30;
	v6 =	vpop (erf)  }
0x1ca: {  	(erf) = vpow2.f32 v13;
	v17 =	vadd.f32 v14, v6  }
0x1cb: {  	v5 =	vpop (erf)  }
0x1cc: {  	[tilespmem:$0x1590] =	vst v2;
	v2 =	vadd.f32 v17, v5  }
0x1cd: {  	v34 =	vld [tilespmem:$0x890];
	[tilespmem:$0x1450] =	vst v12;
	v12 =	vpop (erf)  }
0x1ce: {  	v32 =	vld [tilespmem:$0x810];
	v2 =	vadd.f32 v2, v12  }
0x1cf: {  	v36 =	vld [tilespmem:$0x910];
	v14 =	vpop (erf)  }
0x1d0: {  	v42 =	vld [tilespmem:$0x990];
	v2 =	vadd.f32 v2, v14  }
0x1d1: {  	[tilespmem:$0x1440] =	vst v47;
	v47 =	vld [tilespmem:$0xA10];
	v35 =	vmul.f32 v46, v40;
	v40 =	vpop (erf)  }
0x1d2: {  	[tilespmem:$0x14C0] =	vst v51;
	v51 =	vld [tilespmem:$0xA90];
	v2 =	vadd.f32 v2, v40  }
0x1d3: {  	v15 =	vmul.f32 v28, v31;
	v53 =	vld [tilespmem:$0xB10];
	v54 =	vmax.f32 v32, v34;
	v50 =	vpop (erf)  }
0x1d4: {  	[tilespmem:$0x1640] =	vst v56;
	v56 =	vld [tilespmem:$0xB90];
	v31 =	vmul.f32 v28, v23;
	v23 =	vmax.f32 v54, v36;
	v2 =	vadd.f32 v2, v50  }
0x1d5: {  	v57 =	vmax.f32 v23, v42  }
0x1d6: {  	(erf) = vrcp.f32 v2;
	v2 =	vmax.f32 v57, v47  }
0x1d7: {  	v2 =	vmax.f32 v2, v51  }
0x1d8: {  	v26 =	vmul.f32 v28, v26;
	v2 =	vmax.f32 v2, v53  }
0x1d9: {  	v8 =	vmul.f32 v46, v8;
	v33 =	vmul.f32 v28, v22;
	v2 =	vmax.f32 v2, v56  }
0x1da: {  	[tilespmem:$0x17B0] =	vst v16;
	v16 =	vmul.f32 v28, v27;
	v27 =	vmul.f32 v28, v25;
	v62 =	vsub.f32 v32, v2  }
0x1db: {  	[tilespmem:$0x15D0] =	vst v26;
	v43 =	vmul.f32 v46, v20;
	v39 =	vmul.f32 v46, v21;
	v23 =	vsub.f32 v34, v2  }
0x1dc: {  	[tilespmem:$0x1650] =	vst v27;
	v30 =	vmul.f32 v28, v24;
	v26 =	vsub.f32 v36, v2;
	v25 =	vmul.f32 $1.442695020e+00, v62  }
0x1dd: {  	[tilespmem:$0x17C0] =	vst v63;
	v63 =	vmul.f32 v9, v41;
	v28 =	vmul.f32 $1.442695020e+00, v23  }
0x1de: {  	[tilespmem:$0x16D0] =	vst v30;
	v30 =	vmul.f32 $1.442695020e+00, v26;
	(erf) = vpow2.f32 v25  }
0x1df: {  	[tilespmem:$0x14E0] =	vst v39;
	v27 =	vmul.f32 v9, v29;
	v39 =	vsub.f32 v42, v2;
	(erf) = vpow2.f32 v28  }
0x1e0: {  	[tilespmem:$0x15C0] =	vst v55;
	v13 =	vmul.f32 v9, v37;
	v29 =	vpop (erf);
	(erf) = vpow2.f32 v30  }
0x1e1: {  	[tilespmem:$0x1540] =	vst v52;
	v41 =	vsub.f32 v47, v2;
	v37 =	vmul.f32 v29, v40;
	v40 =	vmul.f32 $1.442695020e+00, v39  }
0x1e2: {  	v55 =	vmul.f32 v46, v48;
	[tilespmem:$0x1560] =	vst v43;
	v52 =	vmul.f32 v46, v18  }
0x1e3: {  	[tilespmem:$0x16C0] =	vst v59;
	v43 =	vsub.f32 v51, v2;
	v42 =	vmul.f32 $1.442695020e+00, v41;
	(erf) = vpow2.f32 v40  }
0x1e4: {  	[tilespmem:$0x1740] =	vst v60;
	v59 =	vmul.f32 v9, v44;
	v60 =	vmul.f32 v9, v45  }
0x1e5: {  	v45 =	vsub.f32 v53, v2;
	v44 =	vmul.f32 $1.442695020e+00, v43;
	(erf) = vpow2.f32 v42  }
0x1e6: {  	v58 =	vmul.f32 v46, v4;
	v49 =	vmul.f32 v46, v19  }
0x1e7: {  	v48 =	vld [tilespmem:$0x820];
	v47 =	vsub.f32 v56, v2;
	v46 =	vmul.f32 $1.442695020e+00, v45;
	v25 =	vpop (erf);
	(erf) = vpow2.f32 v44  }
0x1e8: {  	[tilespmem:$0x15E0] =	vst v49;
	v49 =	vld [tilespmem:$0x8A0];
	v61 =	vmul.f32 v9, v38;
	v38 =	vmul.f32 v29, v50;
	v23 =	vpop (erf)  }
0x1e9: {  	[tilespmem:$0x1660] =	vst v52;
	v52 =	vld [tilespmem:$0x920];
	v50 =	vmul.f32 $1.442695020e+00, v47;
	(erf) = vpow2.f32 v46;
	v51 =	vadd.f32 v23, v25  }
0x1ea: {  	[tilespmem:$0x1760] =	vst v8;
	v53 =	vld [tilespmem:$0x9A0];
	v32 =	vmul.f32 v29, v11;
	v11 =	vpop (erf)  }
0x1eb: {  	[tilespmem:$0x16E0] =	vst v55;
	v55 =	vld [tilespmem:$0xA20];
	v0 =	vmul.f32 v9, v0;
	(erf) = vpow2.f32 v50;
	v54 =	vadd.f32 v51, v11  }
0x1ec: {  	[tilespmem:$0x17E0] =	vst v58;
	v56 =	vld [tilespmem:$0xAA0];
	v22 =	vpop (erf)  }
0x1ed: {  	v58 =	vmax.f32 v48, v49;
	[tilespmem:$0x1570] =	vst v0;
	v57 =	vld [tilespmem:$0xB20];
	v0 =	vadd.f32 v54, v22  }
0x1ee: {  	[tilespmem:$0x1470] =	vst v59;
	v59 =	vld [tilespmem:$0xBA0];
	v8 =	vmax.f32 v58, v52;
	v24 =	vpop (erf)  }
0x1ef: {  	v8 =	vmax.f32 v8, v53;
	v0 =	vadd.f32 v0, v24  }
0x1f0: {  	[tilespmem:$0x17F0] =	vst v27;
	v8 =	vmax.f32 v8, v55;
	v27 =	vpop (erf)  }
0x1f1: {  	v8 =	vmax.f32 v8, v56;
	v0 =	vadd.f32 v0, v27  }
0x1f2: {  	[tilespmem:$0x14F0] =	vst v60;
	v8 =	vmax.f32 v8, v57;
	v60 =	vpop (erf)  }
0x1f3: {  	v8 =	vmax.f32 v8, v59;
	v0 =	vadd.f32 v0, v60  }
0x1f4: {  	v2 =	vsub.f32 v48, v8;
	v26 =	vpop (erf)  }
0x1f5: {  	v3 =	vsub.f32 v49, v8;
	v0 =	vadd.f32 v0, v26  }
0x1f6: {  	v2 =	vmul.f32 $1.442695020e+00, v2  }
0x1f7: {  	[tilespmem:$0x15F0] =	vst v61;
	v62 =	vsub.f32 v52, v8;
	v61 =	vmul.f32 $1.442695020e+00, v3;
	(erf) = vrcp.f32 v0  }
0x1f8: {  	[tilespmem:$0x17D0] =	vst v33;
	v1 =	vmul.f32 v9, v1;
	(erf) = vpow2.f32 v2  }
0x1f9: {  	[tilespmem:$0x1670] =	vst v63;
	v4 =	vsub.f32 v53, v8;
	v63 =	vmul.f32 $1.442695020e+00, v62;
	(erf) = vpow2.f32 v61  }
0x1fa: {  	[tilespmem:$0x1550] =	vst v16;
	v34 =	vmul.f32 v29, v5  }
0x1fb: {  	[tilespmem:$0x1770] =	vst v1;
	v1 =	vsub.f32 v55, v8;
	v5 =	vmul.f32 $1.442695020e+00, v4;
	(erf) = vpow2.f32 v63  }
0x1fc: {  	[tilespmem:$0x1460] =	vst v35;
	v35 =	vmul.f32 v29, v12  }
0x1fd: {  	[tilespmem:$0x14D0] =	vst v15;
	v12 =	vsub.f32 v56, v8;
	v10 =	vmul.f32 $1.442695020e+00, v1;
	(erf) = vpow2.f32 v5  }
0x1fe: {  	[tilespmem:$0x1750] =	vst v31;
	v31 =	vmul.f32 v29, v7;
	v36 =	vmul.f32 v29, v14  }
0x1ff: {  	[tilespmem:$0x16F0] =	vst v13;
	v14 =	vsub.f32 v57, v8;
	v13 =	vmul.f32 $1.442695020e+00, v12;
	(erf) = vpow2.f32 v10  }
0x200: {  	v33 =	vmul.f32 v29, v6;
	[tilespmem:$0x1800] =	vst v31;
	v21 =	vpop (erf)  }
0x201: {  	v20 =	vld [tilespmem:$0x8B0];
	[tilespmem:$0x1880] =	vst v32;
	v17 =	vsub.f32 v59, v8;
	v16 =	vmul.f32 $1.442695020e+00, v14;
	v15 =	vpop (erf);
	(erf) = vpow2.f32 v13  }
0x202: {  	v18 =	vld [tilespmem:$0x830];
	[tilespmem:$0x1900] =	vst v33;
	v19 =	vpop (erf)  }
0x203: {  	v30 =	vld [tilespmem:$0x930];
	[tilespmem:$0x1980] =	vst v34;
	v28 =	vmul.f32 $1.442695020e+00, v17;
	(erf) = vpow2.f32 v16;
	v29 =	vadd.f32 v19, v15  }
0x204: {  	[tilespmem:$0x1A00] =	vst v35;
	v32 =	vld [tilespmem:$0x9B0];
	v31 =	vpop (erf)  }
0x205: {  	[tilespmem:$0x1A80] =	vst v36;
	v34 =	vld [tilespmem:$0xA30];
	(erf) = vpow2.f32 v28;
	v33 =	vadd.f32 v29, v31  }
0x206: {  	[tilespmem:$0x1B00] =	vst v37;
	v36 =	vld [tilespmem:$0xAB0];
	v35 =	vpop (erf)  }
0x207: {  	[tilespmem:$0x1B80] =	vst v38;
	v37 =	vld [tilespmem:$0xB30];
	v38 =	vmax.f32 v18, v20;
	v0 =	vadd.f32 v33, v35  }
0x208: {  	v40 =	vld [tilespmem:$0xBB0];
	v8 =	vmax.f32 v38, v30;
	v39 =	vpop (erf)  }
0x209: {  	v8 =	vmax.f32 v8, v32;
	v0 =	vadd.f32 v0, v39  }
0x20a: {  	v8 =	vmax.f32 v8, v34;
	v41 =	vpop (erf)  }
0x20b: {  	v8 =	vmax.f32 v8, v36;
	v0 =	vadd.f32 v0, v41  }
0x20c: {  	v8 =	vmax.f32 v8, v37;
	v42 =	vpop (erf)  }
0x20d: {  	v8 =	vmax.f32 v8, v40;
	v0 =	vadd.f32 v0, v42  }
0x20e: {  	v2 =	vsub.f32 v18, v8;
	v43 =	vpop (erf)  }
0x20f: {  	v3 =	vsub.f32 v20, v8;
	v0 =	vadd.f32 v0, v43  }
0x210: {  	v2 =	vmul.f32 $1.442695020e+00, v2  }
0x211: {  	v45 =	vsub.f32 v30, v8;
	v44 =	vmul.f32 $1.442695020e+00, v3;
	(erf) = vrcp.f32 v0  }
0x212: {  	(erf) = vpow2.f32 v2  }
0x213: {  	v47 =	vsub.f32 v32, v8;
	v46 =	vmul.f32 $1.442695020e+00, v45;
	(erf) = vpow2.f32 v44;
	_ =	sdelay $0x1  }
0x214: {  	v1 =	vsub.f32 v34, v8;
	v48 =	vmul.f32 $1.442695020e+00, v47;
	(erf) = vpow2.f32 v46;
	_ =	sdelay $0x1  }
0x215: {  	v50 =	vsub.f32 v36, v8;
	v49 =	vmul.f32 $1.442695020e+00, v1;
	(erf) = vpow2.f32 v48;
	_ =	sdelay $0x1  }
0x216: {  	v52 =	vsub.f32 v37, v8;
	v51 =	vmul.f32 $1.442695020e+00, v50;
	(erf) = vpow2.f32 v49  }
0x217: {  	[tilespmem:$0x1FCE0] =	vst v19;
	v19 =	vpop (erf)  }
0x218: {  	v58 =	vld [tilespmem:$0x8C0];
	v55 =	vsub.f32 v40, v8;
	v54 =	vmul.f32 $1.442695020e+00, v52;
	v53 =	vpop (erf);
	(erf) = vpow2.f32 v51  }
0x219: {  	v56 =	vld [tilespmem:$0x840];
	v57 =	vpop (erf)  }
0x21a: {  	v59 =	vmul.f32 $1.442695020e+00, v55;
	[tilespmem:$0x1FCC0] =	vst v60;
	v61 =	vld [tilespmem:$0x940];
	(erf) = vpow2.f32 v54;
	v60 =	vadd.f32 v57, v53  }
0x21b: {  	v63 =	vld [tilespmem:$0x9C0];
	v62 =	vpop (erf)  }
0x21c: {  	v12 =	vld [tilespmem:$0xA40];
	(erf) = vpow2.f32 v59;
	v10 =	vadd.f32 v60, v62  }
0x21d: {  	v14 =	vld [tilespmem:$0xAC0];
	v13 =	vpop (erf)  }
0x21e: {  	[tilespmem:$0x1FCD0] =	vst v15;
	v16 =	vmax.f32 v56, v58;
	v15 =	vld [tilespmem:$0xB40];
	v0 =	vadd.f32 v10, v13  }
0x21f: {  	v18 =	vld [tilespmem:$0xBC0];
	v8 =	vmax.f32 v16, v61;
	v17 =	vpop (erf)  }
0x220: {  	v8 =	vmax.f32 v8, v63;
	v0 =	vadd.f32 v0, v17  }
0x221: {  	v8 =	vmax.f32 v8, v12;
	v20 =	vpop (erf)  }
0x222: {  	v8 =	vmax.f32 v8, v14;
	v0 =	vadd.f32 v0, v20  }
0x223: {  	v8 =	vmax.f32 v8, v15;
	v28 =	vpop (erf)  }
0x224: {  	v8 =	vmax.f32 v8, v18;
	v0 =	vadd.f32 v0, v28  }
0x225: {  	[tilespmem:$0x1FCF0] =	vst v31;
	v2 =	vsub.f32 v56, v8;
	v29 =	vpop (erf)  }
0x226: {  	[tilespmem:$0x1FD00] =	vst v35;
	v3 =	vsub.f32 v58, v8;
	v0 =	vadd.f32 v0, v29  }
0x227: {  	[tilespmem:$0x1FD10] =	vst v39;
	v2 =	vmul.f32 $1.442695020e+00, v2  }
0x228: {  	v31 =	vsub.f32 v61, v8;
	[tilespmem:$0x1FD20] =	vst v41;
	v30 =	vmul.f32 $1.442695020e+00, v3;
	(erf) = vrcp.f32 v0  }
0x229: {  	[tilespmem:$0x1FD30] =	vst v42;
	(erf) = vpow2.f32 v2  }
0x22a: {  	v32 =	vmul.f32 $1.442695020e+00, v31;
	[tilespmem:$0x1FD40] =	vst v43;
	(erf) = vpow2.f32 v30  }
0x22b: {  	v33 =	vsub.f32 v63, v8;
	[tilespmem:$0x1FD50] =	vst v53  }
0x22c: {  	[tilespmem:$0x1FD60] =	vst v57;
	(erf) = vpow2.f32 v32  }
0x22d: {  	v1 =	vsub.f32 v12, v8;
	v34 =	vmul.f32 $1.442695020e+00, v33;
	[tilespmem:$0x1FD70] =	vst v62  }
0x22e: {  	[tilespmem:$0x1FD80] =	vst v13  }
0x22f: {  	v36 =	vsub.f32 v14, v8;
	v35 =	vmul.f32 $1.442695020e+00, v1;
	[tilespmem:$0x1FD90] =	vst v17;
	(erf) = vpow2.f32 v34  }
0x230: {  	v38 =	vsub.f32 v15, v8;
	[tilespmem:$0x1FDA0] =	vst v20  }
0x231: {  	v37 =	vmul.f32 $1.442695020e+00, v36;
	[tilespmem:$0x1FDB0] =	vst v28;
	(erf) = vpow2.f32 v35;
	v28 =	vpop (erf)  }
0x232: {  	v40 =	vmul.f32 $1.442695020e+00, v38;
	[tilespmem:$0x1FDC0] =	vst v29;
	v39 =	vpop (erf)  }
0x233: {  	v41 =	vsub.f32 v18, v8;
	v42 =	vld [tilespmem:$0x850];
	(erf) = vpow2.f32 v37;
	[tilespmem:$0x1FDD0] =	vst v39;
	v43 =	vpop (erf)  }
0x234: {  	v44 =	vld [tilespmem:$0x8D0];
	(erf) = vpow2.f32 v40;
	[tilespmem:$0x1FDE0] =	vst v43  }
0x235: {  	v47 =	vld [tilespmem:$0x950];
	v45 =	vmul.f32 $1.442695020e+00, v41;
	v46 =	vadd.f32 v43, v39;
	v48 =	vpop (erf)  }
0x236: {  	v49 =	vld [tilespmem:$0x9D0]  }
0x237: {  	(erf) = vpow2.f32 v45;
	v50 =	vadd.f32 v46, v48;
	v51 =	vld [tilespmem:$0xA50]  }
0x238: {  	v52 =	vpop (erf);
	v53 =	vld [tilespmem:$0xAD0]  }
0x239: {  	v55 =	vmax.f32 v42, v44;
	v54 =	vld [tilespmem:$0xB50];
	v0 =	vadd.f32 v50, v52  }
0x23a: {  	v8 =	vmax.f32 v55, v47;
	v57 =	vld [tilespmem:$0xBD0];
	v56 =	vpop (erf)  }
0x23b: {  	v0 =	vadd.f32 v0, v56;
	v8 =	vmax.f32 v8, v49  }
0x23c: {  	v58 =	vpop (erf);
	v8 =	vmax.f32 v8, v51  }
0x23d: {  	v0 =	vadd.f32 v0, v58;
	v8 =	vmax.f32 v8, v53  }
0x23e: {  	v59 =	vpop (erf);
	v8 =	vmax.f32 v8, v54  }
0x23f: {  	v0 =	vadd.f32 v0, v59;
	v8 =	vmax.f32 v8, v57  }
0x240: {  	v60 =	vpop (erf);
	v2 =	vsub.f32 v42, v8  }
0x241: {  	v0 =	vadd.f32 v0, v60;
	v3 =	vsub.f32 v44, v8  }
0x242: {  	v2 =	vmul.f32 $1.442695020e+00, v2  }
0x243: {  	v62 =	vsub.f32 v47, v8;
	(erf) = vrcp.f32 v0;
	v61 =	vmul.f32 $1.442695020e+00, v3  }
0x244: {  	(erf) = vpow2.f32 v2  }
0x245: {  	v4 =	vsub.f32 v49, v8;
	v63 =	vmul.f32 $1.442695020e+00, v62;
	(erf) = vpow2.f32 v61;
	_ =	sdelay $0x1  }
0x246: {  	v1 =	vsub.f32 v51, v8;
	v5 =	vmul.f32 $1.442695020e+00, v4;
	(erf) = vpow2.f32 v63;
	_ =	sdelay $0x1  }
0x247: {  	v12 =	vsub.f32 v53, v8;
	v10 =	vmul.f32 $1.442695020e+00, v1;
	(erf) = vpow2.f32 v5;
	_ =	sdelay $0x1  }
0x248: {  	v14 =	vsub.f32 v54, v8;
	v13 =	vmul.f32 $1.442695020e+00, v12;
	(erf) = vpow2.f32 v10  }
0x249: {  	v38 =	vpop (erf)  }
0x24a: {  	v18 =	vld [tilespmem:$0x860];
	v17 =	vsub.f32 v57, v8;
	v16 =	vmul.f32 $1.442695020e+00, v14;
	v15 =	vpop (erf);
	(erf) = vpow2.f32 v13  }
0x24b: {  	v29 =	vld [tilespmem:$0x8E0];
	v20 =	vpop (erf)  }
0x24c: {  	v32 =	vld [tilespmem:$0x960];
	v30 =	vmul.f32 $1.442695020e+00, v17;
	(erf) = vpow2.f32 v16;
	v31 =	vadd.f32 v20, v15  }
0x24d: {  	v34 =	vld [tilespmem:$0x9E0];
	v33 =	vpop (erf)  }
0x24e: {  	v36 =	vld [tilespmem:$0xA60];
	(erf) = vpow2.f32 v30;
	v35 =	vadd.f32 v31, v33  }
0x24f: {  	v39 =	vld [tilespmem:$0xAE0];
	v37 =	vpop (erf)  }
0x250: {  	v40 =	vld [tilespmem:$0xB60];
	v41 =	vmax.f32 v18, v29;
	v0 =	vadd.f32 v35, v37  }
0x251: {  	v43 =	vld [tilespmem:$0xBE0];
	v8 =	vmax.f32 v41, v32;
	v42 =	vpop (erf)  }
0x252: {  	v8 =	vmax.f32 v8, v34;
	v0 =	vadd.f32 v0, v42  }
0x253: {  	v8 =	vmax.f32 v8, v36;
	v46 =	vpop (erf)  }
0x254: {  	v8 =	vmax.f32 v8, v39;
	v0 =	vadd.f32 v0, v46  }
0x255: {  	v8 =	vmax.f32 v8, v40;
	v47 =	vpop (erf)  }
0x256: {  	v8 =	vmax.f32 v8, v43;
	v0 =	vadd.f32 v0, v47  }
0x257: {  	[tilespmem:$0x1FDF0] =	vst v48;
	v2 =	vsub.f32 v18, v8;
	v48 =	vpop (erf)  }
0x258: {  	v3 =	vsub.f32 v29, v8;
	v0 =	vadd.f32 v0, v48  }
0x259: {  	v2 =	vmul.f32 $1.442695020e+00, v2  }
0x25a: {  	v50 =	vsub.f32 v32, v8;
	v49 =	vmul.f32 $1.442695020e+00, v3;
	(erf) = vrcp.f32 v0  }
0x25b: {  	(erf) = vpow2.f32 v2  }
0x25c: {  	[tilespmem:$0x1FE00] =	vst v52;
	v52 =	vsub.f32 v34, v8;
	v51 =	vmul.f32 $1.442695020e+00, v50;
	(erf) = vpow2.f32 v49;
	_ =	sdelay $0x1  }
0x25d: {  	v1 =	vsub.f32 v36, v8;
	v53 =	vmul.f32 $1.442695020e+00, v52;
	(erf) = vpow2.f32 v51;
	_ =	sdelay $0x1  }
0x25e: {  	[tilespmem:$0x1FE10] =	vst v56;
	v55 =	vsub.f32 v39, v8;
	v54 =	vmul.f32 $1.442695020e+00, v1;
	(erf) = vpow2.f32 v53  }
0x25f: {  	[tilespmem:$0x1FE20] =	vst v58  }
0x260: {  	[tilespmem:$0x1FE30] =	vst v59;
	v57 =	vsub.f32 v40, v8;
	v56 =	vmul.f32 $1.442695020e+00, v55;
	(erf) = vpow2.f32 v54  }
0x261: {  	[tilespmem:$0x1FEA0] =	vst v46;
	v46 =	vpop (erf)  }
0x262: {  	[tilespmem:$0x1FE40] =	vst v60;
	v61 =	vld [tilespmem:$0x870];
	v60 =	vsub.f32 v43, v8;
	v59 =	vmul.f32 $1.442695020e+00, v57;
	v58 =	vpop (erf);
	(erf) = vpow2.f32 v56  }
0x263: {  	v63 =	vld [tilespmem:$0x8F0];
	v62 =	vpop (erf)  }
0x264: {  	v14 =	vld [tilespmem:$0x970];
	v12 =	vmul.f32 $1.442695020e+00, v60;
	(erf) = vpow2.f32 v59;
	v13 =	vadd.f32 v62, v58  }
0x265: {  	[tilespmem:$0x1FE50] =	vst v15;
	v16 =	vld [tilespmem:$0x9F0];
	v15 =	vpop (erf)  }
0x266: {  	v18 =	vld [tilespmem:$0xA70];
	(erf) = vpow2.f32 v12;
	v17 =	vadd.f32 v13, v15  }
0x267: {  	v29 =	vld [tilespmem:$0xAF0];
	[tilespmem:$0x1FE60] =	vst v20;
	v20 =	vpop (erf)  }
0x268: {  	v30 =	vld [tilespmem:$0xB70];
	v31 =	vmax.f32 v61, v63;
	v0 =	vadd.f32 v17, v20  }
0x269: {  	[tilespmem:$0x1FE70] =	vst v33;
	v33 =	vld [tilespmem:$0xBF0];
	v8 =	vmax.f32 v31, v14;
	v32 =	vpop (erf)  }
0x26a: {  	v8 =	vmax.f32 v8, v16;
	v0 =	vadd.f32 v0, v32  }
0x26b: {  	v8 =	vmax.f32 v8, v18;
	v34 =	vpop (erf)  }
0x26c: {  	v8 =	vmax.f32 v8, v29;
	v0 =	vadd.f32 v0, v34  }
0x26d: {  	v8 =	vmax.f32 v8, v30;
	v35 =	vpop (erf)  }
0x26e: {  	v8 =	vmax.f32 v8, v33;
	v0 =	vadd.f32 v0, v35  }
0x26f: {  	v2 =	vsub.f32 v61, v8;
	v36 =	vpop (erf)  }
0x270: {  	v3 =	vsub.f32 v63, v8;
	v0 =	vadd.f32 v0, v36  }
0x271: {  	v2 =	vmul.f32 $1.442695020e+00, v2  }
0x272: {  	[tilespmem:$0x1FE80] =	vst v37;
	v39 =	vsub.f32 v14, v8;
	v37 =	vmul.f32 $1.442695020e+00, v3;
	(erf) = vrcp.f32 v0  }
0x273: {  	(erf) = vpow2.f32 v2  }
0x274: {  	v41 =	vsub.f32 v16, v8;
	v40 =	vmul.f32 $1.442695020e+00, v39;
	(erf) = vpow2.f32 v37;
	_ =	sdelay $0x1  }
0x275: {  	[tilespmem:$0x1FE90] =	vst v42;
	v1 =	vsub.f32 v18, v8;
	v42 =	vmul.f32 $1.442695020e+00, v41;
	(erf) = vpow2.f32 v40;
	_ =	sdelay $0x1  }
0x276: {  	v44 =	vsub.f32 v29, v8;
	v43 =	vmul.f32 $1.442695020e+00, v1;
	(erf) = vpow2.f32 v42;
	_ =	sdelay $0x1  }
0x277: {  	[tilespmem:$0x1FEB0] =	vst v47;
	v47 =	vsub.f32 v30, v8;
	v45 =	vmul.f32 $1.442695020e+00, v44;
	(erf) = vpow2.f32 v43  }
0x278: {  	v55 =	vpop (erf)  }
0x279: {  	v50 =	vsub.f32 v33, v8;
	[tilespmem:$0x1FEC0] =	vst v48;
	v49 =	vmul.f32 $1.442695020e+00, v47;
	v51 =	vld [tilespmem:$0xC00];
	v48 =	vpop (erf);
	(erf) = vpow2.f32 v45  }
0x27a: {  	v53 =	vld [tilespmem:$0xC80];
	v52 =	vpop (erf)  }
0x27b: {  	v57 =	vld [tilespmem:$0xD00];
	v54 =	vmul.f32 $1.442695020e+00, v50;
	(erf) = vpow2.f32 v49;
	v56 =	vadd.f32 v52, v48  }
0x27c: {  	[tilespmem:$0x1FED0] =	vst v58;
	v59 =	vld [tilespmem:$0xD80];
	v58 =	vpop (erf)  }
0x27d: {  	v61 =	vld [tilespmem:$0xE00];
	(erf) = vpow2.f32 v54;
	v60 =	vadd.f32 v56, v58  }
0x27e: {  	v63 =	vld [tilespmem:$0xE80];
	[tilespmem:$0x1FEE0] =	vst v62;
	v62 =	vpop (erf)  }
0x27f: {  	v12 =	vld [tilespmem:$0xF00];
	v13 =	vmax.f32 v51, v53;
	v0 =	vadd.f32 v60, v62  }
0x280: {  	[tilespmem:$0x1FEF0] =	vst v15;
	v15 =	vld [tilespmem:$0xF80];
	v8 =	vmax.f32 v13, v57;
	v14 =	vpop (erf)  }
0x281: {  	v8 =	vmax.f32 v8, v59;
	v0 =	vadd.f32 v0, v14  }
0x282: {  	v8 =	vmax.f32 v8, v61;
	v16 =	vpop (erf)  }
0x283: {  	v8 =	vmax.f32 v8, v63;
	v0 =	vadd.f32 v0, v16  }
0x284: {  	v8 =	vmax.f32 v8, v12;
	v17 =	vpop (erf)  }
0x285: {  	v8 =	vmax.f32 v8, v15;
	v0 =	vadd.f32 v0, v17  }
0x286: {  	v2 =	vsub.f32 v51, v8;
	v18 =	vpop (erf)  }
0x287: {  	v3 =	vsub.f32 v53, v8;
	v0 =	vadd.f32 v0, v18  }
0x288: {  	v2 =	vmul.f32 $1.442695020e+00, v2  }
0x289: {  	[tilespmem:$0x1FF00] =	vst v20;
	v29 =	vsub.f32 v57, v8;
	v20 =	vmul.f32 $1.442695020e+00, v3;
	(erf) = vrcp.f32 v0  }
0x28a: {  	(erf) = vpow2.f32 v2  }
0x28b: {  	v31 =	vsub.f32 v59, v8;
	v30 =	vmul.f32 $1.442695020e+00, v29;
	(erf) = vpow2.f32 v20;
	_ =	sdelay $0x1  }
0x28c: {  	[tilespmem:$0x1FF10] =	vst v32;
	v1 =	vsub.f32 v61, v8;
	v32 =	vmul.f32 $1.442695020e+00, v31;
	(erf) = vpow2.f32 v30;
	_ =	sdelay $0x1  }
0x28d: {  	[tilespmem:$0x1FF20] =	vst v34;
	v34 =	vsub.f32 v63, v8;
	v33 =	vmul.f32 $1.442695020e+00, v1;
	(erf) = vpow2.f32 v32  }
0x28e: {  	[tilespmem:$0x1FF30] =	vst v35  }
0x28f: {  	[tilespmem:$0x1FF40] =	vst v36;
	v35 =	vmul.f32 $1.442695020e+00, v34;
	v36 =	vsub.f32 v12, v8;
	(erf) = vpow2.f32 v33  }
0x290: {  	v20 =	vpop (erf)  }
0x291: {  	v41 =	vld [tilespmem:$0xC90];
	v1 =	vmul.f32 $1.442695020e+00, v36;
	v37 =	vsub.f32 v15, v8;
	(erf) = vpow2.f32 v35;
	v39 =	vpop (erf)  }
0x292: {  	v40 =	vld [tilespmem:$0xC10];
	v49 =	vpop (erf)  }
0x293: {  	v43 =	vld [tilespmem:$0xD10];
	v0 =	vmul.f32 $1.442695020e+00, v37;
	(erf) = vpow2.f32 v1;
	v42 =	vadd.f32 v49, v39  }
0x294: {  	[tilespmem:$0x1FF60] =	vst v52;
	v52 =	vld [tilespmem:$0xD90];
	v51 =	vpop (erf)  }
0x295: {  	v54 =	vld [tilespmem:$0xE10];
	(erf) = vpow2.f32 v0;
	v53 =	vadd.f32 v42, v51  }
0x296: {  	v56 =	vld [tilespmem:$0xE90];
	v45 =	vpop (erf)  }
0x297: {  	v57 =	vld [tilespmem:$0xF10];
	[tilespmem:$0x1FF70] =	vst v58;
	v58 =	vmax.f32 v40, v41;
	v0 =	vadd.f32 v53, v45  }
0x298: {  	v59 =	vld [tilespmem:$0xF90];
	v9 =	vmax.f32 v58, v43;
	v50 =	vpop (erf)  }
0x299: {  	v9 =	vmax.f32 v9, v52;
	v0 =	vadd.f32 v0, v50  }
0x29a: {  	v9 =	vmax.f32 v9, v54;
	v47 =	vpop (erf)  }
0x29b: {  	v9 =	vmax.f32 v9, v56;
	v0 =	vadd.f32 v0, v47  }
0x29c: {  	v9 =	vmax.f32 v9, v57;
	v12 =	vpop (erf)  }
0x29d: {  	v9 =	vmax.f32 v9, v59;
	v0 =	vadd.f32 v0, v12  }
0x29e: {  	v2 =	vsub.f32 v40, v9;
	v63 =	vpop (erf)  }
0x29f: {  	v3 =	vsub.f32 v41, v9;
	v0 =	vadd.f32 v0, v63  }
0x2a0: {  	v2 =	vmul.f32 $1.442695020e+00, v2  }
0x2a1: {  	[tilespmem:$0x1FF90] =	vst v14;
	v14 =	vsub.f32 v43, v9;
	v13 =	vmul.f32 $1.442695020e+00, v3;
	(erf) = vrcp.f32 v0  }
0x2a2: {  	(erf) = vpow2.f32 v2  }
0x2a3: {  	[tilespmem:$0x1FFA0] =	vst v16;
	v16 =	vsub.f32 v52, v9;
	v15 =	vmul.f32 $1.442695020e+00, v14;
	(erf) = vpow2.f32 v13  }
0x2a4: {  	v1 =	vsub.f32 v54, v9  }
0x2a5: {  	[tilespmem:$0x1FFB0] =	vst v17;
	v17 =	vmul.f32 $1.442695020e+00, v16;
	(erf) = vpow2.f32 v15  }
0x2a6: {  	[tilespmem:$0x1FFC0] =	vst v18;
	v18 =	vmul.f32 $1.442695020e+00, v1  }
0x2a7: {  	v29 =	vsub.f32 v56, v9;
	(erf) = vpow2.f32 v17;
	_ =	sdelay $0x1  }
0x2a8: {  	v31 =	vsub.f32 v57, v9;
	v30 =	vmul.f32 $1.442695020e+00, v29;
	(erf) = vpow2.f32 v18  }
0x2a9: {  	v18 =	vpop (erf)  }
0x2aa: {  	v34 =	vld [tilespmem:$0xCA0];
	v32 =	vsub.f32 v59, v9;
	v1 =	vmul.f32 $1.442695020e+00, v31;
	(erf) = vpow2.f32 v30;
	v41 =	vpop (erf)  }
0x2ab: {  	[tilespmem:$0x1FF80] =	vst v62;
	v33 =	vld [tilespmem:$0xC20];
	v62 =	vpop (erf)  }
0x2ac: {  	v36 =	vld [tilespmem:$0xD20];
	v0 =	vmul.f32 $1.442695020e+00, v32;
	(erf) = vpow2.f32 v1;
	v35 =	vadd.f32 v62, v41  }
0x2ad: {  	v37 =	vld [tilespmem:$0xDA0];
	v61 =	vpop (erf)  }
0x2ae: {  	[tilespmem:$0x1FF50] =	vst v48;
	v48 =	vld [tilespmem:$0xE20];
	(erf) = vpow2.f32 v0;
	v44 =	vadd.f32 v35, v61  }
0x2af: {  	[tilespmem:$0x1FFE0] =	vst v51;
	v51 =	vld [tilespmem:$0xEA0];
	v60 =	vpop (erf)  }
0x2b0: {  	v52 =	vld [tilespmem:$0xF20];
	v53 =	vmax.f32 v33, v34;
	v0 =	vadd.f32 v44, v60  }
0x2b1: {  	v54 =	vld [tilespmem:$0xFA0];
	v10 =	vmax.f32 v53, v36;
	v40 =	vpop (erf)  }
0x2b2: {  	v10 =	vmax.f32 v10, v37;
	v0 =	vadd.f32 v0, v40  }
0x2b3: {  	v10 =	vmax.f32 v10, v48;
	v59 =	vpop (erf)  }
0x2b4: {  	v10 =	vmax.f32 v10, v51;
	v0 =	vadd.f32 v0, v59  }
0x2b5: {  	v10 =	vmax.f32 v10, v52;
	v57 =	vpop (erf)  }
0x2b6: {  	v10 =	vmax.f32 v10, v54;
	v0 =	vadd.f32 v0, v57  }
0x2b7: {  	v2 =	vsub.f32 v33, v10;
	v58 =	vpop (erf)  }
0x2b8: {  	v5 =	vsub.f32 v34, v10;
	v0 =	vadd.f32 v0, v58  }
0x2b9: {  	v2 =	vmul.f32 $1.442695020e+00, v2  }
0x2ba: {  	v16 =	vmul.f32 $1.442695020e+00, v5;
	v17 =	vsub.f32 v36, v10;
	(erf) = vrcp.f32 v0  }
0x2bb: {  	(erf) = vpow2.f32 v2  }
0x2bc: {  	v29 =	vmul.f32 $1.442695020e+00, v17;
	v30 =	vsub.f32 v37, v10;
	(erf) = vpow2.f32 v16;
	_ =	sdelay $0x1  }
0x2bd: {  	v31 =	vmul.f32 $1.442695020e+00, v30;
	v1 =	vsub.f32 v48, v10;
	(erf) = vpow2.f32 v29;
	_ =	sdelay $0x1  }
0x2be: {  	v33 =	vsub.f32 v51, v10;
	v32 =	vmul.f32 $1.442695020e+00, v1;
	(erf) = vpow2.f32 v31;
	_ =	sdelay $0x1  }
0x2bf: {  	v34 =	vmul.f32 $1.442695020e+00, v33;
	v35 =	vsub.f32 v52, v10;
	(erf) = vpow2.f32 v32  }
0x2c0: {  	v17 =	vpop (erf)  }
0x2c1: {  	[tilespmem:$0x1FFD0] =	vst v39;
	v39 =	vld [tilespmem:$0xCB0];
	v36 =	vsub.f32 v54, v10;
	v1 =	vmul.f32 $1.442695020e+00, v35;
	(erf) = vpow2.f32 v34;
	v54 =	vpop (erf)  }
0x2c2: {  	v37 =	vld [tilespmem:$0xC30];
	v56 =	vpop (erf)  }
0x2c3: {  	v0 =	vmul.f32 $1.442695020e+00, v36;
	v29 =	vld [tilespmem:$0xD30];
	(erf) = vpow2.f32 v1;
	v16 =	vadd.f32 v56, v54  }
0x2c4: {  	v30 =	vld [tilespmem:$0xDB0];
	v53 =	vpop (erf)  }
0x2c5: {  	v32 =	vld [tilespmem:$0xE30];
	(erf) = vpow2.f32 v0;
	v31 =	vadd.f32 v16, v53  }
0x2c6: {  	v33 =	vld [tilespmem:$0xEB0];
	v52 =	vpop (erf)  }
0x2c7: {  	v35 =	vmax.f32 v37, v39;
	v34 =	vld [tilespmem:$0xF30];
	v0 =	vadd.f32 v31, v52  }
0x2c8: {  	[tilespmem:$0x1FFF0] =	vst v12;
	v36 =	vld [tilespmem:$0xFB0];
	v12 =	vmax.f32 v35, v29;
	v51 =	vpop (erf)  }
0x2c9: {  	v12 =	vmax.f32 v12, v30;
	v0 =	vadd.f32 v0, v51  }
0x2ca: {  	v12 =	vmax.f32 v12, v32;
	v48 =	vpop (erf)  }
0x2cb: {  	v12 =	vmax.f32 v12, v33;
	v0 =	vadd.f32 v0, v48  }
0x2cc: {  	v12 =	vmax.f32 v12, v34;
	v44 =	vpop (erf)  }
0x2cd: {  	v12 =	vmax.f32 v12, v36;
	v0 =	vadd.f32 v0, v44  }
0x2ce: {  	v5 =	vsub.f32 v37, v12;
	v43 =	vpop (erf)  }
0x2cf: {  	v6 =	vsub.f32 v39, v12;
	v0 =	vadd.f32 v0, v43  }
0x2d0: {  	v5 =	vmul.f32 $1.442695020e+00, v5  }
0x2d1: {  	v39 =	vsub.f32 v29, v12;
	v37 =	vmul.f32 $1.442695020e+00, v6;
	(erf) = vrcp.f32 v0  }
0x2d2: {  	(erf) = vpow2.f32 v5  }
0x2d3: {  	v42 =	vmul.f32 $1.442695020e+00, v39;
	(erf) = vpow2.f32 v37  }
0x2d4: {  	v2 =	vsub.f32 v30, v12  }
0x2d5: {  	(erf) = vpow2.f32 v42  }
0x2d6: {  	v1 =	vsub.f32 v32, v12;
	v6 =	vmul.f32 $1.442695020e+00, v2;
	_ =	sdelay $0x1  }
0x2d7: {  	v8 =	vsub.f32 v33, v12;
	v7 =	vmul.f32 $1.442695020e+00, v1;
	(erf) = vpow2.f32 v6;
	_ =	sdelay $0x1  }
0x2d8: {  	v14 =	vsub.f32 v34, v12;
	v9 =	vmul.f32 $1.442695020e+00, v8;
	(erf) = vpow2.f32 v7;
	v16 =	vpop (erf)  }
0x2d9: {  	v39 =	vpop (erf)  }
0x2da: {  	v15 =	vsub.f32 v36, v12;
	v29 =	vld [tilespmem:$0xCC0];
	v5 =	vmul.f32 $1.442695020e+00, v14;
	(erf) = vpow2.f32 v9;
	v42 =	vpop (erf)  }
0x2db: {  	v6 =	vld [tilespmem:$0xC40];
	v34 =	vadd.f32 v42, v39  }
0x2dc: {  	v8 =	vld [tilespmem:$0xD40];
	v0 =	vmul.f32 $1.442695020e+00, v15;
	(erf) = vpow2.f32 v5;
	v37 =	vpop (erf)  }
0x2dd: {  	v9 =	vld [tilespmem:$0xDC0];
	v35 =	vadd.f32 v34, v37  }
0x2de: {  	v5 =	vld [tilespmem:$0xE40];
	(erf) = vpow2.f32 v0  }
0x2df: {  	v10 =	vld [tilespmem:$0xEC0];
	v36 =	vpop (erf)  }
0x2e0: {  	v12 =	vld [tilespmem:$0xF40];
	v4 =	vmax.f32 v6, v29;
	v0 =	vadd.f32 v35, v36  }
0x2e1: {  	v14 =	vld [tilespmem:$0xFC0];
	v13 =	vmax.f32 v4, v8;
	v35 =	vpop (erf)  }
0x2e2: {  	v13 =	vmax.f32 v13, v9;
	v0 =	vadd.f32 v0, v35  }
0x2e3: {  	v13 =	vmax.f32 v13, v5;
	v32 =	vpop (erf)  }
0x2e4: {  	v13 =	vmax.f32 v13, v10;
	v0 =	vadd.f32 v0, v32  }
0x2e5: {  	v13 =	vmax.f32 v13, v12;
	v34 =	vpop (erf)  }
0x2e6: {  	v13 =	vmax.f32 v13, v14;
	v0 =	vadd.f32 v0, v34  }
0x2e7: {  	v6 =	vsub.f32 v6, v13;
	v33 =	vpop (erf)  }
0x2e8: {  	v7 =	vsub.f32 v29, v13;
	v0 =	vadd.f32 v0, v33  }
0x2e9: {  	v6 =	vmul.f32 $1.442695020e+00, v6  }
0x2ea: {  	v30 =	vsub.f32 v8, v13;
	v29 =	vmul.f32 $1.442695020e+00, v7;
	(erf) = vrcp.f32 v0  }
0x2eb: {  	(erf) = vpow2.f32 v6  }
0x2ec: {  	v3 =	vsub.f32 v9, v13;
	v31 =	vmul.f32 $1.442695020e+00, v30;
	(erf) = vpow2.f32 v29;
	_ =	sdelay $0x1  }
0x2ed: {  	v5 =	vsub.f32 v5, v13;
	v8 =	vmul.f32 $1.442695020e+00, v3;
	(erf) = vpow2.f32 v31  }
0x2ee: {  	v1 =	vld [tilespmem:$0xD50];
	v10 =	vsub.f32 v10, v13  }
0x2ef: {  	v2 =	vld [tilespmem:$0xE50];
	v12 =	vsub.f32 v12, v13;
	v9 =	vmul.f32 $1.442695020e+00, v5;
	(erf) = vpow2.f32 v8  }
0x2f0: {  	v5 =	vmul.f32 $1.442695020e+00, v10;
	v8 =	vld [tilespmem:$0xC50]  }
0x2f1: {  	v6 =	vmul.f32 $1.442695020e+00, v12;
	(erf) = vpow2.f32 v9;
	v9 =	vld [tilespmem:$0xCD0]  }
0x2f2: {  	v4 =	vld [tilespmem:$0xF50];
	v13 =	vsub.f32 v14, v13;
	v14 =	vmul.f32 v21, v25;
	v15 =	vpop (erf);
	(erf) = vpow2.f32 v5  }
0x2f3: {  	v25 =	vmul.f32 v21, v11;
	v30 =	vpop (erf);
	(erf) = vpow2.f32 v6;
	v6 =	vld [tilespmem:$0x1FCE0]  }
0x2f4: {  	v11 =	vld [tilespmem:$0xED0];
	[tilespmem:$0x1810] =	vst v14;
	v14 =	vmul.f32 v21, v24;
	v31 =	vpop (erf)  }
0x2f5: {  	v23 =	vmul.f32 v21, v23;
	v3 =	vld [tilespmem:$0xDD0];
	[tilespmem:$0x1910] =	vst v25;
	v12 =	vadd.f32 v31, v30  }
0x2f6: {  	v25 =	vld [tilespmem:$0x1FCC0];
	[tilespmem:$0x1A10] =	vst v14;
	v5 =	vmul.f32 $1.442695020e+00, v13;
	v13 =	vmul.f32 v21, v22;
	v14 =	vmax.f32 v8, v9;
	v29 =	vpop (erf)  }
0x2f7: {  	[tilespmem:$0x1890] =	vst v23;
	v10 =	vmax.f32 v14, v1;
	v14 =	vld [tilespmem:$0x1FCF0];
	v22 =	vadd.f32 v12, v29  }
0x2f8: {  	v23 =	vmul.f32 v21, v27;
	[tilespmem:$0x1990] =	vst v13;
	v27 =	vpop (erf);
	v12 =	vld [tilespmem:$0xFD0];
	v13 =	vmul.f32 v19, v6  }
0x2f9: {  	v7 =	vadd.f32 v22, v27;
	v22 =	vld [tilespmem:$0x1FCD0]  }
0x2fa: {  	[tilespmem:$0x18A0] =	vst v13;
	v13 =	vld [tilespmem:$0x1FD10]  }
0x2fb: {  	v10 =	vmax.f32 v10, v3  }
0x2fc: {  	v0 =	vmul.f32 v21, v25;
	v10 =	vmax.f32 v10, v2  }
0x2fd: {  	[tilespmem:$0x1A90] =	vst v23;
	v21 =	vmul.f32 v21, v26;
	v10 =	vmax.f32 v10, v11  }
0x2fe: {  	[tilespmem:$0x1B10] =	vst v0;
	(erf) = vpow2.f32 v5;
	v10 =	vmax.f32 v10, v4;
	v23 =	vmul.f32 v19, v22;
	v22 =	vld [tilespmem:$0x1FD00]  }
0x2ff: {  	[tilespmem:$0x1B90] =	vst v21;
	v21 =	vmul.f32 v19, v14;
	v0 =	vmax.f32 v10, v12;
	v10 =	vld [tilespmem:$0x1FD20];
	v14 =	vmul.f32 v19, v13  }
0x300: {  	v13 =	vld [tilespmem:$0x1FD30]  }
0x301: {  	v26 =	vpop (erf);
	[tilespmem:$0x1A20] =	vst v14;
	v14 =	vld [tilespmem:$0x1FD40]  }
0x302: {  	v7 =	vadd.f32 v7, v26  }
0x303: {  	v25 =	vpop (erf);
	[tilespmem:$0x1820] =	vst v23;
	v23 =	vmul.f32 v19, v22  }
0x304: {  	v7 =	vadd.f32 v7, v25;
	v6 =	vmul.f32 v19, v10  }
0x305: {  	[tilespmem:$0x1920] =	vst v21;
	v24 =	vpop (erf);
	v21 =	vsub.f32 v9, v0;
	v9 =	vld [tilespmem:$0x1FD70]  }
0x306: {  	v7 =	vadd.f32 v7, v24;
	[tilespmem:$0x1AA0] =	vst v6;
	v5 =	vmul.f32 v19, v13;
	v6 =	vmul.f32 v19, v14;
	v19 =	vld [tilespmem:$0x1FD50]  }
0x307: {  	v8 =	vsub.f32 v8, v0;
	v22 =	vld [tilespmem:$0x1FD60];
	[tilespmem:$0x19A0] =	vst v23;
	v23 =	vpop (erf)  }
0x308: {  	v1 =	vsub.f32 v1, v0;
	v10 =	vld [tilespmem:$0x1FD80];
	v7 =	vadd.f32 v7, v23  }
0x309: {  	v8 =	vmul.f32 $1.442695020e+00, v8;
	v14 =	vld [tilespmem:$0x1FDA0]  }
0x30a: {  	v1 =	vmul.f32 $1.442695020e+00, v1;
	v13 =	vld [tilespmem:$0x1FD90];
	(erf) = vrcp.f32 v7  }
0x30b: {  	[tilespmem:$0x1B20] =	vst v5;
	v7 =	vmul.f32 $1.442695020e+00, v21;
	v21 =	vld [tilespmem:$0x1FDC0];
	v5 =	vmul.f32 v28, v19  }
0x30c: {  	[tilespmem:$0x1BA0] =	vst v6;
	v6 =	vmul.f32 v28, v22;
	(erf) = vpow2.f32 v8;
	v19 =	vld [tilespmem:$0x1FDB0]  }
0x30d: {  	(erf) = vpow2.f32 v7;
	[tilespmem:$0x1830] =	vst v5;
	v5 =	vmul.f32 v28, v9  }
0x30e: {  	v3 =	vsub.f32 v3, v0;
	v22 =	vld [tilespmem:$0x1FDD0];
	[tilespmem:$0x18B0] =	vst v6;
	(erf) = vpow2.f32 v1;
	v1 =	vmul.f32 v28, v14  }
0x30f: {  	v7 =	vld [tilespmem:$0x1FDE0];
	[tilespmem:$0x1930] =	vst v5;
	v5 =	vmul.f32 v28, v13  }
0x310: {  	v2 =	vsub.f32 v2, v0;
	v3 =	vmul.f32 $1.442695020e+00, v3;
	v6 =	vmul.f32 v28, v10;
	v9 =	vld [tilespmem:$0x1FDF0];
	[tilespmem:$0x1AB0] =	vst v1  }
0x311: {  	v1 =	vmul.f32 v28, v21;
	[tilespmem:$0x1A30] =	vst v5;
	v5 =	vmul.f32 v28, v19;
	v28 =	vsub.f32 v11, v0;
	v11 =	vld [tilespmem:$0x1FE00]  }
0x312: {  	v14 =	vld [tilespmem:$0x1FE30]  }
0x313: {  	v2 =	vmul.f32 $1.442695020e+00, v2;
	v8 =	vsub.f32 v4, v0;
	(erf) = vpow2.f32 v3;
	v13 =	vld [tilespmem:$0x1FE20]  }
0x314: {  	v3 =	vmul.f32 v38, v22;
	[tilespmem:$0x1BB0] =	vst v1;
	v1 =	vmul.f32 v38, v7;
	v0 =	vsub.f32 v12, v0;
	v12 =	vld [tilespmem:$0x1FE10]  }
0x315: {  	(erf) = vpow2.f32 v2;
	v2 =	vmul.f32 $1.442695020e+00, v8;
	v8 =	vld [tilespmem:$0x1FE40];
	v19 =	vpop (erf)  }
0x316: {  	v10 =	vmul.f32 $1.442695020e+00, v28;
	[tilespmem:$0x18C0] =	vst v1;
	v28 =	vpop (erf);
	v1 =	vmul.f32 v38, v11  }
0x317: {  	[tilespmem:$0x1840] =	vst v3;
	v3 =	vmul.f32 v38, v9;
	v22 =	vpop (erf)  }
0x318: {  	(erf) = vpow2.f32 v10;
	v21 =	vadd.f32 v22, v28;
	[tilespmem:$0x19C0] =	vst v1;
	v1 =	vmul.f32 v38, v13  }
0x319: {  	[tilespmem:$0x1940] =	vst v3;
	v3 =	vmul.f32 v38, v12;
	(erf) = vpow2.f32 v2  }
0x31a: {  	v2 =	vmul.f32 v38, v14;
	[tilespmem:$0x1AC0] =	vst v1;
	v1 =	vmul.f32 v38, v8;
	v38 =	vpop (erf)  }
0x31b: {  	v7 =	vld [tilespmem:$0x1FE60];
	v10 =	vadd.f32 v21, v38  }
0x31c: {  	v9 =	vld [tilespmem:$0x1FE50];
	v21 =	vpop (erf)  }
0x31d: {  	[tilespmem:$0x1B40] =	vst v2;
	v2 =	vadd.f32 v10, v21;
	v10 =	vld [tilespmem:$0x1FE90];
	_ =	sdelay $0x1  }
0x31e: {  	v0 =	vmul.f32 $1.442695020e+00, v0  }
0x31f: {  	[tilespmem:$0x1BC0] =	vst v1;
	v1 =	vmul.f32 v46, v7  }
0x320: {  	(erf) = vpow2.f32 v0;
	v0 =	vmul.f32 v46, v9;
	v9 =	vld [tilespmem:$0x1FE80]  }
0x321: {  	[tilespmem:$0x18D0] =	vst v1;
	v1 =	vmul.f32 v46, v10  }
0x322: {  	v13 =	vld [tilespmem:$0x1FEA0]  }
0x323: {  	[tilespmem:$0x1A50] =	vst v1;
	v1 =	vld [tilespmem:$0x1FEB0]  }
0x324: {  	v4 =	vld [tilespmem:$0xC60];
	[tilespmem:$0x1B30] =	vst v5  }
0x325: {  	[tilespmem:$0x1A40] =	vst v3;
	v3 =	vld [tilespmem:$0x1FEC0];
	v5 =	vmul.f32 v46, v9  }
0x326: {  	[tilespmem:$0x19B0] =	vst v6;
	v6 =	vld [tilespmem:$0xD60]  }
0x327: {  	v11 =	vld [tilespmem:$0xCE0];
	[tilespmem:$0x19D0] =	vst v5;
	v5 =	vmul.f32 v46, v13  }
0x328: {  	v8 =	vld [tilespmem:$0x1FE70];
	v1 =	vmul.f32 v46, v1  }
0x329: {  	v12 =	vld [tilespmem:$0xDE0];
	[tilespmem:$0x1AD0] =	vst v5  }
0x32a: {  	v5 =	vmul.f32 v46, v3;
	[tilespmem:$0x1B50] =	vst v1;
	v1 =	vld [tilespmem:$0x1FED0]  }
0x32b: {  	v7 =	vld [tilespmem:$0xE60]  }
0x32c: {  	v14 =	vpop (erf);
	[tilespmem:$0x1BD0] =	vst v5;
	v5 =	vld [tilespmem:$0x1FEE0]  }
0x32d: {  	[tilespmem:$0x1850] =	vst v0;
	v0 =	vmul.f32 v46, v8;
	v9 =	vld [tilespmem:$0xEE0];
	v2 =	vadd.f32 v2, v14  }
0x32e: {  	v8 =	vmax.f32 v4, v11;
	v13 =	vpop (erf);
	v10 =	vld [tilespmem:$0xF60]  }
0x32f: {  	[tilespmem:$0x1950] =	vst v0;
	v0 =	vmax.f32 v8, v6;
	v8 =	vld [tilespmem:$0xFE0];
	v2 =	vadd.f32 v2, v13;
	v1 =	vmul.f32 v55, v1  }
0x330: {  	v0 =	vmax.f32 v0, v12;
	v46 =	vpop (erf)  }
0x331: {  	v0 =	vmax.f32 v0, v7;
	v3 =	vadd.f32 v2, v46;
	v2 =	vmul.f32 v55, v5;
	[tilespmem:$0x1860] =	vst v1;
	v1 =	vld [tilespmem:$0x1FEF0]  }
0x332: {  	v0 =	vmax.f32 v0, v9;
	v5 =	vpop (erf)  }
0x333: {  	v0 =	vmax.f32 v0, v10;
	v3 =	vadd.f32 v3, v5;
	[tilespmem:$0x18E0] =	vst v2;
	v2 =	vld [tilespmem:$0x1FF00]  }
0x334: {  	v0 =	vmax.f32 v0, v8  }
0x335: {  	(erf) = vrcp.f32 v3;
	v3 =	vsub.f32 v11, v0;
	v11 =	vld [tilespmem:$0x1FF20]  }
0x336: {  	v1 =	vmul.f32 v55, v1;
	_ =	sdelay $0x1  }
0x337: {  	v2 =	vmul.f32 v55, v2;
	[tilespmem:$0x1960] =	vst v1;
	v1 =	vld [tilespmem:$0x1FF10];
	_ =	sdelay $0x1  }
0x338: {  	[tilespmem:$0x19E0] =	vst v2;
	v2 =	vmul.f32 v55, v11;
	v11 =	vld [tilespmem:$0x1FF30];
	_ =	sdelay $0x2  }
0x339: {  	v1 =	vmul.f32 v55, v1;
	_ =	sdelay $0x1  }
0x33a: {  	[tilespmem:$0x1A60] =	vst v1;
	v1 =	vmul.f32 v55, v11;
	v11 =	vld [tilespmem:$0x1FF40];
	_ =	sdelay $0x2  }
0x33b: {  	v4 =	vsub.f32 v4, v0;
	_ =	sdelay $0x1  }
0x33c: {  	v4 =	vmul.f32 $1.442695020e+00, v4;
	[tilespmem:$0x1AE0] =	vst v2;
	v2 =	vmul.f32 v55, v11;
	v11 =	vld [tilespmem:$0x1FF50];
	_ =	sdelay $0x1  }
0x33d: {  	(erf) = vpow2.f32 v4;
	v4 =	vsub.f32 v6, v0;
	v6 =	vld [tilespmem:$0x1FF60];
	_ =	sdelay $0x1  }
0x33e: {  	v3 =	vmul.f32 $1.442695020e+00, v3;
	v55 =	vsub.f32 v12, v0;
	v12 =	vld [tilespmem:$0x1FF80]  }
0x33f: {  	[tilespmem:$0x1B60] =	vst v1;
	v1 =	vmul.f32 v20, v11;
	v11 =	vld [tilespmem:$0x1FF70]  }
0x340: {  	(erf) = vpow2.f32 v3  }
0x341: {  	[tilespmem:$0x1BE0] =	vst v2;
	v2 =	vmul.f32 v20, v6;
	v3 =	vmul.f32 $1.442695020e+00, v55;
	v55 =	vsub.f32 v7, v0;
	v7 =	vld [tilespmem:$0x1FF90];
	_ =	sdelay $0x1  }
0x342: {  	[tilespmem:$0x18F0] =	vst v2;
	v2 =	vmul.f32 v20, v12  }
0x343: {  	v12 =	vmul.f32 $1.442695020e+00, v55;
	v55 =	vsub.f32 v9, v0;
	v9 =	vld [tilespmem:$0x1FFC0];
	[tilespmem:$0x1870] =	vst v1;
	v1 =	vmul.f32 v20, v11  }
0x344: {  	v4 =	vmul.f32 $1.442695020e+00, v4;
	v11 =	vld [tilespmem:$0x1FFA0]  }
0x345: {  	v41 =	vmul.f32 v17, v41;
	[tilespmem:$0x1970] =	vst v1;
	v1 =	vmul.f32 v20, v7;
	v7 =	vld [tilespmem:$0x1FFB0]  }
0x346: {  	v54 =	vmul.f32 v16, v54;
	(erf) = vpow2.f32 v4  }
0x347: {  	[tilespmem:$0x1C10] =	vst v41;
	(erf) = vpow2.f32 v3  }
0x348: {  	[tilespmem:$0x1C20] =	vst v54;
	(erf) = vpow2.f32 v12  }
0x349: {  	[tilespmem:$0x19F0] =	vst v2;
	v12 =	vsub.f32 v10, v0;
	v10 =	vmul.f32 v18, v45;
	v6 =	vmul.f32 v20, v9  }
0x34a: {  	[tilespmem:$0x1A70] =	vst v1;
	v2 =	vmul.f32 v20, v11;
	v1 =	vmul.f32 v20, v7;
	v20 =	vld [tilespmem:$0x1FFD0]  }
0x34b: {  	[tilespmem:$0x1BF0] =	vst v6;
	v6 =	vmul.f32 $1.442695020e+00, v12;
	v12 =	vmul.f32 v18, v50  }
0x34c: {  	v4 =	vpop (erf);
	[tilespmem:$0x1D80] =	vst v10;
	v9 =	vld [tilespmem:$0x1FFE0];
	v11 =	vmul.f32 $1.442695020e+00, v55  }
0x34d: {  	[tilespmem:$0x1E00] =	vst v12;
	v12 =	vld [tilespmem:$0x1FFF0];
	v55 =	vmul.f32 v18, v49;
	v49 =	vpop (erf)  }
0x34e: {  	v0 =	vsub.f32 v8, v0;
	v45 =	vpop (erf);
	[tilespmem:$0x1AF0] =	vst v2;
	(erf) = vpow2.f32 v11;
	v7 =	vld [tilespmem:$0xCF0]  }
0x34f: {  	v11 =	vadd.f32 v45, v49;
	(erf) = vpow2.f32 v6;
	v6 =	vld [tilespmem:$0xC70];
	[tilespmem:$0x1B70] =	vst v1;
	v1 =	vmul.f32 v18, v20  }
0x350: {  	v0 =	vmul.f32 $1.442695020e+00, v0;
	[tilespmem:$0x1C80] =	vst v55;
	v50 =	vpop (erf);
	v2 =	vld [tilespmem:$0xD70];
	v20 =	vmul.f32 v18, v47  }
0x351: {  	v56 =	vmul.f32 v16, v56;
	v8 =	vld [tilespmem:$0xDF0];
	v55 =	vadd.f32 v11, v50;
	[tilespmem:$0x1C00] =	vst v1;
	v1 =	vmul.f32 v18, v9  }
0x352: {  	v54 =	vmul.f32 v15, v33;
	v10 =	vld [tilespmem:$0xE70];
	(erf) = vpow2.f32 v0;
	v47 =	vpop (erf);
	[tilespmem:$0x1E80] =	vst v20  }
0x353: {  	v11 =	vld [tilespmem:$0xEF0];
	v20 =	vadd.f32 v55, v47;
	[tilespmem:$0x1D00] =	vst v1;
	v1 =	vmul.f32 v18, v12;
	v18 =	vmul.f32 v18, v63  }
0x354: {  	[tilespmem:$0x1CA0] =	vst v56;
	v56 =	vmul.f32 v19, v30;
	v0 =	vpop (erf);
	v55 =	vmul.f32 v17, v62;
	v62 =	vmax.f32 v6, v7;
	v12 =	vld [tilespmem:$0xF70]  }
0x355: {  	v30 =	vmul.f32 v19, v25;
	v9 =	vadd.f32 v20, v0;
	v20 =	vld [tilespmem:$0xFF0];
	[tilespmem:$0x1F80] =	vst v18;
	v18 =	vmax.f32 v62, v2  }
0x356: {  	[tilespmem:$0x1FB0] =	vst v54;
	v33 =	vmul.f32 v19, v23;
	v63 =	vmul.f32 v17, v61;
	v18 =	vmax.f32 v18, v8  }
0x357: {  	v41 =	vpop (erf);
	[tilespmem:$0x1C90] =	vst v55;
	v55 =	vmul.f32 v17, v60;
	v60 =	vmul.f32 v17, v40;
	v18 =	vmax.f32 v18, v10  }
0x358: {  	[tilespmem:$0x1C40] =	vst v56;
	v61 =	vmul.f32 v17, v59;
	v9 =	vadd.f32 v9, v41;
	v18 =	vmax.f32 v18, v11  }
0x359: {  	[tilespmem:$0x1EC0] =	vst v30;
	v59 =	vmul.f32 v16, v51;
	v40 =	vpop (erf);
	v62 =	vmul.f32 v17, v57;
	v18 =	vmax.f32 v18, v12  }
0x35a: {  	[tilespmem:$0x1D10] =	vst v63;
	v63 =	vmul.f32 v17, v58;
	v9 =	vadd.f32 v9, v40;
	v17 =	vmax.f32 v18, v20  }
0x35b: {  	v51 =	vmul.f32 v15, v32;
	[tilespmem:$0x1D90] =	vst v55;
	v57 =	vmul.f32 v16, v53;
	v55 =	vpop (erf);
	v6 =	vsub.f32 v6, v17  }
0x35c: {  	[tilespmem:$0x1FC0] =	vst v33;
	v58 =	vmul.f32 v16, v52;
	v9 =	vadd.f32 v9, v55;
	v7 =	vsub.f32 v7, v17  }
0x35d: {  	[tilespmem:$0x1E10] =	vst v60;
	v60 =	vmul.f32 v16, v48;
	v6 =	vmul.f32 $1.442695020e+00, v6  }
0x35e: {  	[tilespmem:$0x1F00] =	vst v1;
	(erf) = vrcp.f32 v9;
	v2 =	vsub.f32 v2, v17;
	v7 =	vmul.f32 $1.442695020e+00, v7  }
0x35f: {  	[tilespmem:$0x1F10] =	vst v62;
	v62 =	vmul.f32 v16, v44;
	(erf) = vpow2.f32 v6  }
0x360: {  	[tilespmem:$0x1E90] =	vst v61;
	v61 =	vsub.f32 v8, v17;
	v2 =	vmul.f32 $1.442695020e+00, v2;
	(erf) = vpow2.f32 v7  }
0x361: {  	[tilespmem:$0x1F90] =	vst v63;
	v63 =	vmul.f32 v16, v43;
	v9 =	vmul.f32 v15, v39;
	v16 =	vsub.f32 v10, v17  }
0x362: {  	[tilespmem:$0x1E20] =	vst v59;
	v39 =	vsub.f32 v11, v17;
	v6 =	vmul.f32 $1.442695020e+00, v61;
	(erf) = vpow2.f32 v2  }
0x363: {  	[tilespmem:$0x1EB0] =	vst v51;
	v2 =	vmul.f32 $1.442695020e+00, v16  }
0x364: {  	[tilespmem:$0x1D20] =	vst v57;
	(erf) = vpow2.f32 v6;
	v6 =	vmul.f32 $1.442695020e+00, v39  }
0x365: {  	v53 =	vmul.f32 v15, v34;
	[tilespmem:$0x1DA0] =	vst v58  }
0x366: {  	v59 =	vmul.f32 v19, v31;
	[tilespmem:$0x1EA0] =	vst v60;
	v48 =	vsub.f32 v12, v17;
	(erf) = vpow2.f32 v2  }
0x367: {  	v31 =	vmul.f32 v19, v24;
	v34 =	vmul.f32 v4, v28;
	[tilespmem:$0x1F30] =	vst v53;
	v7 =	vpop (erf)  }
0x368: {  	[tilespmem:$0x1CC0] =	vst v59;
	v52 =	vsub.f32 v20, v17;
	v2 =	vmul.f32 $1.442695020e+00, v48;
	(erf) = vpow2.f32 v6;
	v6 =	vpop (erf)  }
0x369: {  	[tilespmem:$0x1F40] =	vst v31;
	v57 =	vpop (erf)  }
0x36a: {  	[tilespmem:$0x1C50] =	vst v34;
	v1 =	vmul.f32 $1.442695020e+00, v52;
	(erf) = vpow2.f32 v2;
	v58 =	vadd.f32 v57, v6  }
0x36b: {  	v43 =	vmul.f32 v15, v36;
	[tilespmem:$0x1F20] =	vst v62;
	v60 =	vpop (erf)  }
0x36c: {  	v44 =	vmul.f32 v15, v35;
	[tilespmem:$0x1FA0] =	vst v63;
	(erf) = vpow2.f32 v1;
	v62 =	vadd.f32 v58, v60  }
0x36d: {  	v36 =	vmul.f32 v4, v22;
	[tilespmem:$0x1DB0] =	vst v43;
	v63 =	vpop (erf)  }
0x36e: {  	[tilespmem:$0x1E30] =	vst v44;
	v43 =	vmul.f32 v4, v13;
	v1 =	vadd.f32 v62, v63  }
0x36f: {  	[tilespmem:$0x1CD0] =	vst v36;
	v44 =	vmul.f32 v4, v46;
	v61 =	vmul.f32 v19, v29;
	v29 =	vpop (erf)  }
0x370: {  	v46 =	vmul.f32 v4, v5;
	[tilespmem:$0x1ED0] =	vst v43;
	v1 =	vadd.f32 v1, v29  }
0x371: {  	v18 =	vmul.f32 v15, v42;
	[tilespmem:$0x1F50] =	vst v44;
	v32 =	vpop (erf)  }
0x372: {  	v42 =	vmul.f32 v15, v37;
	[tilespmem:$0x1FD0] =	vst v46;
	v1 =	vadd.f32 v1, v32  }
0x373: {  	v37 =	vmul.f32 v4, v38;
	[tilespmem:$0x1CB0] =	vst v18;
	v35 =	vpop (erf)  }
0x374: {  	v38 =	vmul.f32 v4, v21;
	[tilespmem:$0x1D30] =	vst v42;
	v1 =	vadd.f32 v1, v35  }
0x375: {  	[tilespmem:$0x1D50] =	vst v37;
	v39 =	vpop (erf)  }
0x376: {  	v20 =	vmul.f32 v19, v27;
	[tilespmem:$0x1DD0] =	vst v38;
	v1 =	vadd.f32 v1, v39  }
0x377: {  	v27 =	vmul.f32 v19, v26;
	[tilespmem:$0x1C30] =	vst v9  }
0x378: {  	v42 =	vmul.f32 v4, v14;
	[tilespmem:$0x1DC0] =	vst v20;
	(erf) = vrcp.f32 v1  }
0x379: {  	[tilespmem:$0x1E40] =	vst v27  }
0x37a: {  	[tilespmem:$0x1E50] =	vst v42;
	v48 =	vmul.f32 v7, v49  }
0x37b: {  	[tilespmem:$0x1D40] =	vst v61;
	v49 =	vmul.f32 v7, v45  }
0x37c: {  	v50 =	vmul.f32 v7, v50;
	[tilespmem:$0x1C60] =	vst v48  }
0x37d: {  	v51 =	vmul.f32 v7, v47;
	[tilespmem:$0x1CE0] =	vst v49  }
0x37e: {  	v0 =	vmul.f32 v7, v0;
	[tilespmem:$0x1D60] =	vst v50  }
0x37f: {  	v52 =	vmul.f32 v7, v41;
	[tilespmem:$0x1DE0] =	vst v51  }
0x380: {  	v53 =	vmul.f32 v7, v40;
	[tilespmem:$0x1E60] =	vst v0  }
0x381: {  	v54 =	vmul.f32 v7, v55;
	[tilespmem:$0x1EE0] =	vst v52;
	v55 =	vpop (erf)  }
0x382: {  	[tilespmem:$0x1F60] =	vst v53;
	v56 =	vmul.f32 v55, v6  }
0x383: {  	[tilespmem:$0x1FE0] =	vst v54;
	v57 =	vmul.f32 v55, v57  }
0x384: {  	v58 =	vmul.f32 v55, v60;
	[tilespmem:$0x1C70] =	vst v56  }
0x385: {  	v59 =	vmul.f32 v55, v63;
	[tilespmem:$0x1CF0] =	vst v57  }
0x386: {  	v60 =	vmul.f32 v55, v29;
	[tilespmem:$0x1D70] =	vst v58  }
0x387: {  	v61 =	vmul.f32 v55, v32;
	[tilespmem:$0x1DF0] =	vst v59  }
0x388: {  	v62 =	vmul.f32 v55, v35;
	[tilespmem:$0x1E70] =	vst v60  }
0x389: {  	v63 =	vmul.f32 v55, v39;
	[tilespmem:$0x1EF0] =	vst v61  }
0x38a: {  	p0 =	sne.s32 s5, $0x1;
	[tilespmem:$0x1F70] =	vst v62  }
.Ltmp0:
0x38b: {  	[tilespmem:$0x1FF0] =	vst v63;
	(pc) =	sbr.rel @p0 .LBB2_1-.Ltmp0, $4  }
0x38c: {  	[hbm4b:s4+s2] =	stream.linear.scatter [tilespmem:s7], [sflag:$0x2], $0x1000, $0x38;
	[tilespmem:$0x2000] =	vst v63  }
0x38d: {  	_ =	swait.ge [sflag:s8], $0x1000  }
0x38e: {  	[sflag:s8] =	ssyncset.done $0x0  }
0x38f: {  	s5 =	sadd.s32 $0xFFFFFFFF, s5;
	[sflag:s8] =	ssyncadd.s32 $0xFFFFF000  }
0x390: {  	_ =	sfence.sel $0x180000  }
0x391: {  	[bflag:$0x0] =	sbarrier.arrive $0xFFFF  }
0x392: {  	p0 =	sne.s32 s1, $0x0;
	_ =	strace $0x90000047  }
0x393: {  	s0 =	sadd.s32 @!p0 $0x100000, s0;
	[bflag:$0x2] =	sbarrier.arrive $0xFFFF  }
0x394: {  	[sflag:s0] =	ssyncadd.tile.s32 @!p0 $0x1;
	_ =	shalt  }
.Lfunc_end2:
_tile_overlayer_lowered:
.L_overlay_start_2:
0x395: {  	(tag) =	ssettag $0x2  }
0x396: {  	s0 =	rddreg [dreg:$0x0];
	s2 =	stileid.u32  }
0x397: {  	s1 =	rddreg [dreg:$0x1];
	p0 =	sne.s32 s2, $0x0  }
0x398: {  	s3 =	rddreg [dreg:$0x2];
	[bflag:$0x3] =	sbarrier.arrive $0xFFFF;
	s2 =	simm.s32 @!p0 $0x1C03  }
0x399: {  	[timem:s3], [sflag:s2] =	dma.local @!p0 [hbm:s0], s1  }
0x39a: {  	s0 =	simm.s32 @!p0 $0x3  }
0x39b: {  	_ =	swait.ge @!p0 [sflag:s0], s1  }
0x39c: {  	s1 =	ssub.s32 @!p0 $0x0, s1;
	[sflag:s0] =	ssyncset.done @!p0 $0x0  }
0x39d: {  	[sflag:s0] =	ssyncadd.s32 @!p0 s1  }
0x39e: {  	[bflag:$0x3] =	sbarrier.arrive $0xFFFF  }
0x39f: {  	_ =	shalt  }

</sc_bundles>
